<compile_context>
chip_gen: v7x
topology: tpu7x:2x2x1
jax: 0.10.2.dev20260603
libtpu: 0.0.44.dev20260713+nightly
codegen_flags: <defaults>
</compile_context>

<pallas_src>
import functools

import jax
import jax.numpy as jnp
from jax import lax
from jax.experimental import pallas as pl
from jax.experimental.pallas import tpu as pltpu
from jax.experimental.pallas import tpu_sc as plsc

_N = 4096
_F = 256
_H = 1024
_NODES = 7
_T = 512
_T0 = 512
_NT0 = _N // _T0
_M1 = _N + _T
_NT1 = _M1 // _T
_M2 = _N + 4 * _T
_NT2 = _M2 // _T
_NPAD = _N + _M2

_HIGH = jax.lax.Precision.HIGHEST



def _mlp_tile(x, node, w1_ref, b1_ref, w2_ref, b2_ref, w3_ref, b3_ref):
    b1 = b1_ref[pl.ds(node, 1), :]
    b2 = b2_ref[pl.ds(node, 1), :]
    w3 = w3_ref[pl.ds(node, 1)][0]
    b3 = b3_ref[pl.ds(node, 1), :]
    h = jnp.tanh(jnp.dot(x, w1_ref[0], preferred_element_type=jnp.float32)
                 + b1)
    h = jnp.tanh(jnp.dot(h, w2_ref[0], preferred_element_type=jnp.float32)
                 + b2)
    logits = jnp.dot(h, w3, preferred_element_type=jnp.float32) + b3
    return (logits[:, 0:1] >= logits[:, 1:2]).astype(jnp.float32)


def _tri_ranks_multi(ms, U, Ls):
    nb = len(ms)
    r = ms[0].shape[0]
    M = jnp.concatenate(ms, axis=0)
    C = jnp.dot(M, U, precision=_HIGH, preferred_element_type=jnp.float32)
    R2 = jnp.concatenate(
        [C[b * r:(b + 1) * r, -1:] for b in range(nb)], axis=1)
    RO = jnp.dot(Ls, R2, precision=_HIGH,
                 preferred_element_type=jnp.float32)
    ranks = [C[b * r:(b + 1) * r, :] + RO[:, b:b + 1] - 1.0
             for b in range(nb)]
    cnts = [RO[r - 1:r, b:b + 1] + R2[r - 1:r, b:b + 1]
            for b in range(nb)]
    return ranks, cnts


def _tris(rows, cols):
    ri = lax.broadcasted_iota(jnp.int32, (cols, cols), 0)
    ci = lax.broadcasted_iota(jnp.int32, (cols, cols), 1)
    U = (ri <= ci).astype(jnp.float32)
    ri2 = lax.broadcasted_iota(jnp.int32, (rows, rows), 0)
    ci2 = lax.broadcasted_iota(jnp.int32, (rows, rows), 1)
    Ls = (ri2 > ci2).astype(jnp.float32)
    return U, Ls


def _roundup_t(v):
    return jnp.floor((v + float(_T - 1)) / float(_T)) * float(_T)


def _wspecs(idx_fn):
    return [
        pl.BlockSpec((1, _F, _H), lambda j, nm: (idx_fn(j, nm), 0, 0)),
        pl.BlockSpec((_NODES, _H), lambda j, nm: (0, 0)),
        pl.BlockSpec((1, _H, _H), lambda j, nm: (idx_fn(j, nm), 0, 0)),
        pl.BlockSpec((_NODES, _H), lambda j, nm: (0, 0)),
        pl.BlockSpec((_NODES, _H, 2), lambda j, nm: (0, 0, 0)),
        pl.BlockSpec((_NODES, 2), lambda j, nm: (0, 0)),
    ]



def _l0_kernel(nm_ref, x_ref, w1_ref, b1_ref, w2_ref, b2_ref, w3_ref,
               b3_ref, dst_ref, meta_ref, nm1_ref, dscr):
    del nm_ref
    j = pl.program_id(0)
    cmp = _mlp_tile(x_ref[...], 0, w1_ref, b1_ref, w2_ref, b2_ref, w3_ref,
                    b3_ref)
    dscr[pl.ds(j, 1)] = cmp[None]

    @pl.when(j == _NT0 - 1)
    def _finish():
        d = dscr[:, :, 0]
        U, Ls = _tris(_NT0, _T0)
        (rank_l, rank_r), (cnt0, cnt1) = _tri_ranks_multi(
            [d, 1.0 - d], U, Ls)
        s2 = _roundup_t(cnt0)
        dst = d * rank_l + (1.0 - d) * (s2 + rank_r)
        dst_ref[...] = dst.astype(jnp.int32)
        meta_ref[...] = jnp.concatenate(
            [s2, cnt0, cnt1, jnp.zeros((1, 5), jnp.float32)], axis=1)
        jt = (lax.broadcasted_iota(jnp.int32, (1, _NT1), 1)
              .astype(jnp.float32) * float(_T))
        nm1_ref[...] = 1 + (jt >= s2).astype(jnp.int32)


def _run_l0(xarr, *weights):
    nm0 = jnp.zeros((1,), jnp.int32)
    return pl.pallas_call(
        _l0_kernel,
        grid_spec=pltpu.PrefetchScalarGridSpec(
            num_scalar_prefetch=1,
            grid=(_NT0,),
            in_specs=[pl.BlockSpec((_T0, _F), lambda j, nm: (j, 0))]
            + _wspecs(lambda j, nm: 0),
            out_specs=[
                pl.BlockSpec((_NT0, _T0), lambda j, nm: (0, 0)),
                pl.BlockSpec((1, 8), lambda j, nm: (0, 0)),
                pl.BlockSpec((1, _NT1), lambda j, nm: (0, 0)),
            ],
            scratch_shapes=[pltpu.VMEM((_NT0, _T0, 1), jnp.float32)],
        ),
        out_shape=[
            jax.ShapeDtypeStruct((_NT0, _T0), jnp.int32),
            jax.ShapeDtypeStruct((1, 8), jnp.float32),
            jax.ShapeDtypeStruct((1, _NT1), jnp.int32),
        ],
        compiler_params=pltpu.CompilerParams(
            dimension_semantics=("arbitrary",)),
    )(nm0, xarr, *weights)



def _l1_kernel(nm_ref, x_ref, w1_ref, b1_ref, w2_ref, b2_ref, w3_ref,
               b3_ref, meta1_ref, dst_ref, meta2_ref, nm2_ref, dscr):
    j = pl.program_id(0)
    node = nm_ref[j]
    s2s = meta1_ref[0, 0]
    ends = jnp.where(node == 1, meta1_ref[0, 1], s2s + meta1_ref[0, 2])

    @pl.when(jnp.float32(j * _T) < ends)
    def _compute():
        cmp = _mlp_tile(x_ref[...], node, w1_ref, b1_ref, w2_ref, b2_ref,
                        w3_ref, b3_ref)
        dscr[pl.ds(j, 1)] = cmp[None]

    @pl.when(j == _NT1 - 1)
    def _finish():
        d = dscr[:, :, 0]
        s2 = meta1_ref[0, 0]
        c1 = meta1_ref[0, 1]
        c2 = meta1_ref[0, 2]
        U, Ls = _tris(_NT1, _T)
        pos = (lax.broadcasted_iota(jnp.int32, (_NT1, _T), 0) * _T
               + lax.broadcasted_iota(jnp.int32, (_NT1, _T), 1)
               ).astype(jnp.float32)
        pright = pos >= s2
        real = (pos < c1) | (pright & (pos < s2 + c2))
        ms = []
        for b in range(4):
            want_right = (b // 2) == 1
            want_d = (b % 2) == 0
            ms.append((real & (pright == want_right)
                       & ((d > 0.5) == want_d)).astype(jnp.float32))
        ms.append(1.0 - real.astype(jnp.float32))
        ranks, cnts = _tri_ranks_multi(ms, U, Ls)
        dst = jnp.zeros_like(d)
        t = jnp.zeros((1, 1), jnp.float32)
        ts, es = [], []
        for b in range(4):
            ts.append(t)
            es.append(t + cnts[b])
            dst = dst + ms[b] * (t + ranks[b])
            t = _roundup_t(t + cnts[b])
        dst = dst + ms[4] * (t + ranks[4])
        dst_ref[...] = dst.astype(jnp.int32)
        meta2_ref[...] = jnp.concatenate(ts + es, axis=1)
        jt = (lax.broadcasted_iota(jnp.int32, (1, _NT2), 1)
              .astype(jnp.float32) * float(_T))
        nm2_ref[...] = 3 + sum(
            (jt >= ts[g]).astype(jnp.int32) for g in (1, 2, 3))


def _run_l1(nm1, rows1, W1, b1r, W2, b2r, W3, b3r, meta1):
    return pl.pallas_call(
        _l1_kernel,
        grid_spec=pltpu.PrefetchScalarGridSpec(
            num_scalar_prefetch=1,
            grid=(_NT1,),
            in_specs=[pl.BlockSpec((_T, _F), lambda j, nm: (j, 0))]
            + _wspecs(lambda j, nm: nm[j])
            + [pl.BlockSpec(memory_space=pltpu.SMEM)],
            out_specs=[
                pl.BlockSpec((_NT1, _T), lambda j, nm: (0, 0)),
                pl.BlockSpec((1, 8), lambda j, nm: (0, 0)),
                pl.BlockSpec((1, _NT2), lambda j, nm: (0, 0)),
            ],
            scratch_shapes=[pltpu.VMEM((_NT1, _T, 1), jnp.float32)],
        ),
        out_shape=[
            jax.ShapeDtypeStruct((_NT1, _T), jnp.int32),
            jax.ShapeDtypeStruct((1, 8), jnp.float32),
            jax.ShapeDtypeStruct((1, _NT2), jnp.int32),
        ],
        compiler_params=pltpu.CompilerParams(
            dimension_semantics=("arbitrary",)),
    )(nm1, rows1, W1, b1r, W2, b2r, W3, b3r, meta1)



def _l2_kernel(nm_ref, x_ref, ids_ref, w1_ref, b1_ref, w2_ref, b2_ref,
               w3_ref, b3_ref, meta_ref, lb_ref, vals_ref, tgt_ref):
    j = pl.program_id(0)
    node = nm_ref[j]
    e_g = meta_ref[0, 4 + (node - 3)]
    posi = (j * _T) + lax.broadcasted_iota(jnp.int32, (_T, 1), 0)
    real = posi.astype(jnp.float32) < e_g
    tgt_ref[...] = jnp.where(real, ids_ref[:, 0:1], _N + posi)[None]

    @pl.when(jnp.float32(j * _T) < e_g)
    def _compute():
        dd = _mlp_tile(x_ref[...], node, w1_ref, b1_ref, w2_ref, b2_ref,
                       w3_ref, b3_ref)
        leaf = 2.0 * node.astype(jnp.float32) + 2.0 - dd - 7.0
        out = jnp.zeros_like(dd)
        for k in range(8):
            out = jnp.where(leaf == float(k), lb_ref[k], out)
        vals_ref[...] = jnp.broadcast_to(out, (_T, 128))[None]


def _run_l2(nm2, rows2, ids2, W1, b1r, W2, b2r, W3, b3r, meta2, leaf_best):
    return pl.pallas_call(
        _l2_kernel,
        grid_spec=pltpu.PrefetchScalarGridSpec(
            num_scalar_prefetch=1,
            grid=(_NT2,),
            in_specs=[pl.BlockSpec((_T, _F), lambda j, nm: (j, 0)),
                      pl.BlockSpec((_T, 128), lambda j, nm: (j, 0))]
            + _wspecs(lambda j, nm: nm[j])
            + [pl.BlockSpec(memory_space=pltpu.SMEM),
               pl.BlockSpec(memory_space=pltpu.SMEM)],
            out_specs=[
                pl.BlockSpec((1, _T, 128), lambda j, nm: (j, 0, 0)),
                pl.BlockSpec((1, _T, 1), lambda j, nm: (j, 0, 0)),
            ],
        ),
        out_shape=[
            jax.ShapeDtypeStruct((_NT2, _T, 128), jnp.float32),
            jax.ShapeDtypeStruct((_NT2, _T, 1), jnp.int32),
        ],
        compiler_params=pltpu.CompilerParams(
            dimension_semantics=("arbitrary",)),
    )(nm2, rows2, ids2, W1, b1r, W2, b2r, W3, b3r, meta2, leaf_best)



_NC = 2
_NS = 16
_NWORK = _NC * _NS
_CH = 128


def _sc_mesh():
    return plsc.VectorSubcoreMesh(core_axis_name="c", subcore_axis_name="s",
                                  num_cores=_NC, num_subcores=_NS)


def _parts_of(span):
    parts, off = [], 0
    while off < span:
        b = min(128, span - off)
        assert b % 8 == 0
        parts.append((off, b))
        off += b
    return parts


def _sc_permute(src, ids, dst, m_out):
    m_in = src.shape[0]
    span = m_in // _NWORK
    parts = _parts_of(span)
    gen_ids = ids is None

    @functools.partial(
        pl.kernel,
        out_type=(jax.ShapeDtypeStruct((m_out, _F), jnp.float32),
                  jax.ShapeDtypeStruct((m_out, 128), jnp.int32)),
        mesh=_sc_mesh(),
        scratch_types=(
            [pltpu.VMEM((b,), jnp.int32) for _, b in parts]
            + [pltpu.VMEM((span, _F), jnp.float32),
               pltpu.VMEM((span, 128), jnp.int32),
               pltpu.SemaphoreType.DMA]
        ),
    )
    def k(*args):
        if gen_ids:
            src_hbm, idx_hbm = args[0], args[1]
            ids_hbm = None
            rest = args[2:]
        else:
            src_hbm, ids_hbm, idx_hbm = args[0], args[1], args[2]
            rest = args[3:]
        out_hbm, ido_hbm = rest[0], rest[1]
        scr = rest[2:]
        idx_vs = scr[:len(parts)]
        rows_v, ids_v, sem = scr[len(parts)], scr[len(parts) + 1], scr[-1]
        wid = lax.axis_index("s") * _NC + lax.axis_index("c")
        base = wid * span
        pltpu.sync_copy(src_hbm.at[pl.ds(base, span)], rows_v)
        if gen_ids:
            for r in range(span):
                ids_v[r, pl.ds(0, 16)] = (jnp.zeros((16,), jnp.int32)
                                          + (base + r))
        else:
            pltpu.sync_copy(ids_hbm.at[pl.ds(base, span)], ids_v)
        for (off, b), iv in zip(parts, idx_vs):
            pltpu.sync_copy(idx_hbm.at[pl.ds(base + off, b)], iv)
        cs = []
        for (off, b), iv in zip(parts, idx_vs):
            cs.append(pltpu.async_copy(rows_v.at[pl.ds(off, b)],
                                       out_hbm.at[iv], sem))
            cs.append(pltpu.async_copy(ids_v.at[pl.ds(off, b)],
                                       ido_hbm.at[iv], sem))
        for c in cs:
            c.wait()

    if gen_ids:
        return k(src, dst)
    return k(src, ids, dst)


def _sc_scatter_out(vals, tgt):
    m = vals.shape[0]
    span = m // _NWORK
    parts = _parts_of(span)

    @functools.partial(
        pl.kernel,
        out_type=jax.ShapeDtypeStruct((_NPAD, 128), jnp.float32),
        mesh=_sc_mesh(),
        scratch_types=(
            [pltpu.VMEM((b,), jnp.int32) for _, b in parts]
            + [pltpu.VMEM((span, 128), jnp.float32),
               pltpu.SemaphoreType.DMA]
        ),
    )
    def k(vals_hbm, idx_hbm, out_hbm, *scr):
        idx_vs = scr[:len(parts)]
        vals_v, sem = scr[len(parts)], scr[-1]
        wid = lax.axis_index("s") * _NC + lax.axis_index("c")
        base = wid * span
        pltpu.sync_copy(vals_hbm.at[pl.ds(base, span)], vals_v)
        for (off, b), iv in zip(parts, idx_vs):
            pltpu.sync_copy(idx_hbm.at[pl.ds(base + off, b)], iv)
        cs = [pltpu.async_copy(vals_v.at[pl.ds(off, b)], out_hbm.at[iv],
                               sem)
              for (off, b), iv in zip(parts, idx_vs)]
        for c in cs:
            c.wait()

    return k(vals, tgt)



def kernel(x, W1, b1, W2, b2, W3, b3, leaf_best):
    assert x.shape == (_N, _F) and W1.shape == (_NODES, _F, _H)
    weights = (W1, b1, W2, b2, W3, b3)

    dst1, meta1, nm1 = _run_l0(x, *weights)
    rows1, ids1 = _sc_permute(x, None, dst1.reshape(_N), _M1)

    dst2, meta2, nm2 = _run_l1(nm1.reshape(_NT1), rows1, *weights, meta1)
    rows2, ids2 = _sc_permute(rows1, ids1, dst2.reshape(_M1), _M2)

    vals, tgt = _run_l2(nm2.reshape(_NT2), rows2, ids2, *weights, meta2,
                        leaf_best)
    out_pad = _sc_scatter_out(vals.reshape(_M2, 128), tgt.reshape(_M2))
    return out_pad[:_N, 0]

# --- scband reference (transcript-rebuilt; emitter-appended) ---
"""Pipeline reference for scband-node-91250875171218 (READ-ONLY COPY).

The authoritative reference and input builder live on the scoring server;
editing this copy changes nothing except your own understanding.
"""

import jax, jax.numpy as jnp
import numpy as np

N = 4096
F = 256
H = 1024
NODES = 7   # internal nodes of a depth-3 perfect binary tree
LEAVES = 8


def setup_inputs(seed: int = 0) -> dict:
    key = jax.random.key(seed)
    ks = jax.random.split(key, 8)
    x = jax.random.normal(ks[0], (N, F), dtype=jnp.float32)
    # Per-node splitter MLP params: Linear(F,H) -> Tanh -> Linear(H,H) -> Tanh -> Linear(H,2) -> Softmax
    W1 = jax.random.normal(ks[1], (NODES, F, H), dtype=jnp.float32) * (1.0 / np.sqrt(F))
    b1 = jnp.zeros((NODES, H), dtype=jnp.float32)
    W2 = jax.random.normal(ks[2], (NODES, H, H), dtype=jnp.float32) * (1.0 / np.sqrt(H))
    b2 = jnp.zeros((NODES, H), dtype=jnp.float32)
    W3 = jax.random.normal(ks[3], (NODES, H, 2), dtype=jnp.float32) * (1.0 / np.sqrt(H))
    b3 = jnp.zeros((NODES, 2), dtype=jnp.float32)
    # Leaf constant predictors (would be set by populate_best; simulate class modes)
    leaf_best = (jnp.arange(LEAVES) % 4).astype(jnp.float32)
    return {"x": x, "W1": W1, "b1": b1, "W2": W2, "b2": b2, "W3": W3, "b3": b3, "leaf_best": leaf_best}


def reference(x, W1, b1, W2, b2, W3, b3, leaf_best):
    # Faithful translation of Node.forward: each internal node applies its splitter
    # MLP, routes rows left if softmax prob[:,0] >= 0.5 else right, recursively.
    # Per-row math is identical to the torch masked-subset version because each
    # subtree's prediction for a row is independent of other rows; we compute on
    # the full batch and combine with where (same outputs).
    def node_fwd(i):
        if i >= NODES:  # leaf
            return leaf_best[i - NODES] * jnp.ones((x.shape[0],), dtype=jnp.float32)
        h = jnp.tanh(x @ W1[i] + b1[i])
        h = jnp.tanh(h @ W2[i] + b2[i])
        s = jax.nn.softmax(h @ W3[i] + b3[i], axis=-1)
        left_mask = s[:, 0] >= 0.5
        left_pred = node_fwd(2 * i + 1)
        right_pred = node_fwd(2 * i + 2)
        return jnp.where(left_mask, left_pred, right_pred)

    return node_fwd(0)

if __name__ == "__main__":
    import jax
    _d = setup_inputs()
    print(jax.jit(kernel)(*tuple(_d.values())))

</pallas_src>

<mosaic_0001>
#map = affine_map<(d0, d1) -> (0, 0)>
#map1 = affine_map<(d0, d1) -> (0)>
module attributes {stable_mosaic.version = 14 : i64} {
  func.func @k(%arg0: i32, %arg1: i32, %arg2: memref<4608x256xf32, #tpu.memory_space<hbm>>, %arg3: memref<4608x128xi32, #tpu.memory_space<hbm>>, %arg4: memref<4608xi32, #tpu.memory_space<hbm>>, %arg5: memref<6144x256xf32, #tpu.memory_space<hbm>>, %arg6: memref<6144x128xi32, #tpu.memory_space<hbm>>, %arg7: memref<128xi32, #tpu.memory_space<vmem>>, %arg8: memref<16xi32, #tpu.memory_space<vmem>>, %arg9: memref<144x256xf32, #tpu.memory_space<vmem>>, %arg10: memref<144x128xi32, #tpu.memory_space<vmem>>, %arg11: memref<!tpu.dma_semaphore, #tpu.memory_space<semaphore_mem>>) attributes {dimension_semantics = [#tpu.dimension_semantics<core_parallel>, #tpu.dimension_semantics<subcore_parallel>], iteration_bounds = array<i64: 2, 16>, scalar_prefetch = 0 : i64, scratch_operands = 5 : i64, tpu.core_type = #tpu.core_type<sc_vector_subcore>, window_params = [{transform_indices = #map}, {transform_indices = #map}, {transform_indices = #map1}, {transform_indices = #map}, {transform_indices = #map}]} {
    %mul3A = arith.constant 2 : i32
    %mul3A_0 = arith.muli %arg1, %mul3A : i32
    %add3A = arith.addi %mul3A_0, %arg0 : i32
    %mul3A_1 = arith.constant 144 : i32
    %mul3A_2 = arith.muli %add3A, %mul3A_1 : i32
    "tpu.region"() ({
      %run_scoped3A = tpu.sem_alloc : memref<!tpu.dma_semaphore, #tpu.memory_space<semaphore_mem>>
      %dma_start3A_53 = arith.constant 0 : i32
      %dma_start3A_54 = tpu.memref_slice %arg2[%mul3A_2, %dma_start3A_53] : memref<4608x256xf32, #tpu.memory_space<hbm>> -> memref<144x256xf32, #tpu.memory_space<hbm>>
      %dma_start3A_55 = arith.constant 0 : i32
      %dma_start3A_56 = tpu.memref_slice %arg2[%mul3A_2, %dma_start3A_55] : memref<4608x256xf32, #tpu.memory_space<hbm>> -> memref<144x256xf32, #tpu.memory_space<hbm>>
      tpu.enqueue_dma source(%dma_start3A_56 : memref<144x256xf32, #tpu.memory_space<hbm>>) target(%arg9 : memref<144x256xf32, #tpu.memory_space<vmem>>) target_semaphore(%run_scoped3A : memref<!tpu.dma_semaphore, #tpu.memory_space<semaphore_mem>>)
      %dma_wait3A_57 = arith.constant 0 : i32
      %dma_wait3A_58 = tpu.memref_slice %arg2[%mul3A_2, %dma_wait3A_57] : memref<4608x256xf32, #tpu.memory_space<hbm>> -> memref<144x256xf32, #tpu.memory_space<hbm>>
      %dma_wait3A_59 = arith.constant 0 : i32
      %dma_wait3A_60 = tpu.memref_slice %arg2[%mul3A_2, %dma_wait3A_59] : memref<4608x256xf32, #tpu.memory_space<hbm>> -> memref<144x256xf32, #tpu.memory_space<hbm>>
      tpu.wait_dma2 semaphore(%run_scoped3A : memref<!tpu.dma_semaphore, #tpu.memory_space<semaphore_mem>>) src(%dma_wait3A_60 : memref<144x256xf32, #tpu.memory_space<hbm>>) dst(%arg9 : memref<144x256xf32, #tpu.memory_space<vmem>>)
      tpu.yield
    }) : () -> ()
    "tpu.region"() ({
      %run_scoped3A = tpu.sem_alloc : memref<!tpu.dma_semaphore, #tpu.memory_space<semaphore_mem>>
      %dma_start3A_53 = arith.constant 0 : i32
      %dma_start3A_54 = tpu.memref_slice %arg3[%mul3A_2, %dma_start3A_53] : memref<4608x128xi32, #tpu.memory_space<hbm>> -> memref<144x128xi32, #tpu.memory_space<hbm>>
      %dma_start3A_55 = arith.constant 0 : i32
      %dma_start3A_56 = tpu.memref_slice %arg3[%mul3A_2, %dma_start3A_55] : memref<4608x128xi32, #tpu.memory_space<hbm>> -> memref<144x128xi32, #tpu.memory_space<hbm>>
      tpu.enqueue_dma source(%dma_start3A_56 : memref<144x128xi32, #tpu.memory_space<hbm>>) target(%arg10 : memref<144x128xi32, #tpu.memory_space<vmem>>) target_semaphore(%run_scoped3A : memref<!tpu.dma_semaphore, #tpu.memory_space<semaphore_mem>>)
      %dma_wait3A_57 = arith.constant 0 : i32
      %dma_wait3A_58 = tpu.memref_slice %arg3[%mul3A_2, %dma_wait3A_57] : memref<4608x128xi32, #tpu.memory_space<hbm>> -> memref<144x128xi32, #tpu.memory_space<hbm>>
      %dma_wait3A_59 = arith.constant 0 : i32
      %dma_wait3A_60 = tpu.memref_slice %arg3[%mul3A_2, %dma_wait3A_59] : memref<4608x128xi32, #tpu.memory_space<hbm>> -> memref<144x128xi32, #tpu.memory_space<hbm>>
      tpu.wait_dma2 semaphore(%run_scoped3A : memref<!tpu.dma_semaphore, #tpu.memory_space<semaphore_mem>>) src(%dma_wait3A_60 : memref<144x128xi32, #tpu.memory_space<hbm>>) dst(%arg10 : memref<144x128xi32, #tpu.memory_space<vmem>>)
      tpu.yield
    }) : () -> ()
    %add3A_3 = arith.constant 0 : i32
    %add3A_4 = arith.addi %mul3A_2, %add3A_3 : i32
    "tpu.region"() ({
      %run_scoped3A = tpu.sem_alloc : memref<!tpu.dma_semaphore, #tpu.memory_space<semaphore_mem>>
      %dma_start3A_53 = tpu.memref_slice %arg4[%add3A_4] : memref<4608xi32, #tpu.memory_space<hbm>> -> memref<128xi32, #tpu.memory_space<hbm>>
      %dma_start3A_54 = tpu.memref_slice %arg4[%add3A_4] : memref<4608xi32, #tpu.memory_space<hbm>> -> memref<128xi32, #tpu.memory_space<hbm>>
      tpu.enqueue_dma source(%dma_start3A_54 : memref<128xi32, #tpu.memory_space<hbm>>) target(%arg7 : memref<128xi32, #tpu.memory_space<vmem>>) target_semaphore(%run_scoped3A : memref<!tpu.dma_semaphore, #tpu.memory_space<semaphore_mem>>)
      %dma_wait3A_55 = tpu.memref_slice %arg4[%add3A_4] : memref<4608xi32, #tpu.memory_space<hbm>> -> memref<128xi32, #tpu.memory_space<hbm>>
      %dma_wait3A_56 = tpu.memref_slice %arg4[%add3A_4] : memref<4608xi32, #tpu.memory_space<hbm>> -> memref<128xi32, #tpu.memory_space<hbm>>
      tpu.wait_dma2 semaphore(%run_scoped3A : memref<!tpu.dma_semaphore, #tpu.memory_space<semaphore_mem>>) src(%dma_wait3A_56 : memref<128xi32, #tpu.memory_space<hbm>>) dst(%arg7 : memref<128xi32, #tpu.memory_space<vmem>>)
      tpu.yield
    }) : () -> ()
    %add3A_5 = arith.constant 128 : i32
    %add3A_6 = arith.addi %mul3A_2, %add3A_5 : i32
    "tpu.region"() ({
      %run_scoped3A = tpu.sem_alloc : memref<!tpu.dma_semaphore, #tpu.memory_space<semaphore_mem>>
      %dma_start3A_53 = tpu.memref_slice %arg4[%add3A_6] : memref<4608xi32, #tpu.memory_space<hbm>> -> memref<16xi32, #tpu.memory_space<hbm>>
      %dma_start3A_54 = tpu.memref_slice %arg4[%add3A_6] : memref<4608xi32, #tpu.memory_space<hbm>> -> memref<16xi32, #tpu.memory_space<hbm>>
      tpu.enqueue_dma source(%dma_start3A_54 : memref<16xi32, #tpu.memory_space<hbm>>) target(%arg8 : memref<16xi32, #tpu.memory_space<vmem>>) target_semaphore(%run_scoped3A : memref<!tpu.dma_semaphore, #tpu.memory_space<semaphore_mem>>)
      %dma_wait3A_55 = tpu.memref_slice %arg4[%add3A_6] : memref<4608xi32, #tpu.memory_space<hbm>> -> memref<16xi32, #tpu.memory_space<hbm>>
      %dma_wait3A_56 = tpu.memref_slice %arg4[%add3A_6] : memref<4608xi32, #tpu.memory_space<hbm>> -> memref<16xi32, #tpu.memory_space<hbm>>
      tpu.wait_dma2 semaphore(%run_scoped3A : memref<!tpu.dma_semaphore, #tpu.memory_space<semaphore_mem>>) src(%dma_wait3A_56 : memref<16xi32, #tpu.memory_space<hbm>>) dst(%arg8 : memref<16xi32, #tpu.memory_space<vmem>>)
      tpu.yield
    }) : () -> ()
    %dma_start3A = arith.constant 0 : i32
    %dma_start3A_7 = arith.constant 0 : i32
    %dma_start3A_8 = tpu.memref_slice %arg9[%dma_start3A, %dma_start3A_7] : memref<144x256xf32, #tpu.memory_space<vmem>> -> memref<128x256xf32, #tpu.memory_space<vmem>>
    %dma_start3A_9 = arith.constant 0 : i32
    %dma_start3A_10 = arith.constant 0 : i32
    %dma_start3A_11 = tpu.memref_slice %arg5[%dma_start3A_9, %dma_start3A_10] : memref<6144x256xf32, #tpu.memory_space<hbm>> -> memref<6144x256xf32, #tpu.memory_space<hbm>>
    tpu.enqueue_indirect_dma source(%dma_start3A_8 : memref<128x256xf32, #tpu.memory_space<vmem>>) target(%dma_start3A_11 : memref<6144x256xf32, #tpu.memory_space<hbm>>) offsets(%arg7 : memref<128xi32, #tpu.memory_space<vmem>>) semaphore(%arg11 : memref<!tpu.dma_semaphore, #tpu.memory_space<semaphore_mem>>)
    %dma_start3A_12 = arith.constant 0 : i32
    %dma_start3A_13 = arith.constant 0 : i32
    %dma_start3A_14 = tpu.memref_slice %arg10[%dma_start3A_12, %dma_start3A_13] : memref<144x128xi32, #tpu.memory_space<vmem>> -> memref<128x128xi32, #tpu.memory_space<vmem>>
    %dma_start3A_15 = arith.constant 0 : i32
    %dma_start3A_16 = arith.constant 0 : i32
    %dma_start3A_17 = tpu.memref_slice %arg6[%dma_start3A_15, %dma_start3A_16] : memref<6144x128xi32, #tpu.memory_space<hbm>> -> memref<6144x128xi32, #tpu.memory_space<hbm>>
    tpu.enqueue_indirect_dma source(%dma_start3A_14 : memref<128x128xi32, #tpu.memory_space<vmem>>) target(%dma_start3A_17 : memref<6144x128xi32, #tpu.memory_space<hbm>>) offsets(%arg7 : memref<128xi32, #tpu.memory_space<vmem>>) semaphore(%arg11 : memref<!tpu.dma_semaphore, #tpu.memory_space<semaphore_mem>>)
    %dma_start3A_18 = arith.constant 128 : i32
    %dma_start3A_19 = arith.constant 0 : i32
    %dma_start3A_20 = tpu.memref_slice %arg9[%dma_start3A_18, %dma_start3A_19] : memref<144x256xf32, #tpu.memory_space<vmem>> -> memref<16x256xf32, #tpu.memory_space<vmem>>
    %dma_start3A_21 = arith.constant 0 : i32
    %dma_start3A_22 = arith.constant 0 : i32
    %dma_start3A_23 = tpu.memref_slice %arg5[%dma_start3A_21, %dma_start3A_22] : memref<6144x256xf32, #tpu.memory_space<hbm>> -> memref<6144x256xf32, #tpu.memory_space<hbm>>
    tpu.enqueue_indirect_dma source(%dma_start3A_20 : memref<16x256xf32, #tpu.memory_space<vmem>>) target(%dma_start3A_23 : memref<6144x256xf32, #tpu.memory_space<hbm>>) offsets(%arg8 : memref<16xi32, #tpu.memory_space<vmem>>) semaphore(%arg11 : memref<!tpu.dma_semaphore, #tpu.memory_space<semaphore_mem>>)
    %dma_start3A_24 = arith.constant 128 : i32
    %dma_start3A_25 = arith.constant 0 : i32
    %dma_start3A_26 = tpu.memref_slice %arg10[%dma_start3A_24, %dma_start3A_25] : memref<144x128xi32, #tpu.memory_space<vmem>> -> memref<16x128xi32, #tpu.memory_space<vmem>>
    %dma_start3A_27 = arith.constant 0 : i32
    %dma_start3A_28 = arith.constant 0 : i32
    %dma_start3A_29 = tpu.memref_slice %arg6[%dma_start3A_27, %dma_start3A_28] : memref<6144x128xi32, #tpu.memory_space<hbm>> -> memref<6144x128xi32, #tpu.memory_space<hbm>>
    tpu.enqueue_indirect_dma source(%dma_start3A_26 : memref<16x128xi32, #tpu.memory_space<vmem>>) target(%dma_start3A_29 : memref<6144x128xi32, #tpu.memory_space<hbm>>) offsets(%arg8 : memref<16xi32, #tpu.memory_space<vmem>>) semaphore(%arg11 : memref<!tpu.dma_semaphore, #tpu.memory_space<semaphore_mem>>)
    %dma_wait3A = arith.constant 0 : i32
    %dma_wait3A_30 = arith.constant 0 : i32
    %dma_wait3A_31 = tpu.memref_slice %arg9[%dma_wait3A, %dma_wait3A_30] : memref<144x256xf32, #tpu.memory_space<vmem>> -> memref<128x256xf32, #tpu.memory_space<vmem>>
    %dma_wait3A_32 = arith.constant 0 : i32
    %dma_wait3A_33 = arith.constant 0 : i32
    %dma_wait3A_34 = tpu.memref_slice %arg5[%dma_wait3A_32, %dma_wait3A_33] : memref<6144x256xf32, #tpu.memory_space<hbm>> -> memref<6144x256xf32, #tpu.memory_space<hbm>>
    tpu.wait_indirect_dma semaphore(%arg11 : memref<!tpu.dma_semaphore, #tpu.memory_space<semaphore_mem>>) src(%dma_wait3A_31 : memref<128x256xf32, #tpu.memory_space<vmem>>) dst(%dma_wait3A_34 : memref<6144x256xf32, #tpu.memory_space<hbm>>)
    %dma_wait3A_35 = arith.constant 0 : i32
    %dma_wait3A_36 = arith.constant 0 : i32
    %dma_wait3A_37 = tpu.memref_slice %arg10[%dma_wait3A_35, %dma_wait3A_36] : memref<144x128xi32, #tpu.memory_space<vmem>> -> memref<128x128xi32, #tpu.memory_space<vmem>>
    %dma_wait3A_38 = arith.constant 0 : i32
    %dma_wait3A_39 = arith.constant 0 : i32
    %dma_wait3A_40 = tpu.memref_slice %arg6[%dma_wait3A_38, %dma_wait3A_39] : memref<6144x128xi32, #tpu.memory_space<hbm>> -> memref<6144x128xi32, #tpu.memory_space<hbm>>
    tpu.wait_indirect_dma semaphore(%arg11 : memref<!tpu.dma_semaphore, #tpu.memory_space<semaphore_mem>>) src(%dma_wait3A_37 : memref<128x128xi32, #tpu.memory_space<vmem>>) dst(%dma_wait3A_40 : memref<6144x128xi32, #tpu.memory_space<hbm>>)
    %dma_wait3A_41 = arith.constant 128 : i32
    %dma_wait3A_42 = arith.constant 0 : i32
    %dma_wait3A_43 = tpu.memref_slice %arg9[%dma_wait3A_41, %dma_wait3A_42] : memref<144x256xf32, #tpu.memory_space<vmem>> -> memref<16x256xf32, #tpu.memory_space<vmem>>
    %dma_wait3A_44 = arith.constant 0 : i32
    %dma_wait3A_45 = arith.constant 0 : i32
    %dma_wait3A_46 = tpu.memref_slice %arg5[%dma_wait3A_44, %dma_wait3A_45] : memref<6144x256xf32, #tpu.memory_space<hbm>> -> memref<6144x256xf32, #tpu.memory_space<hbm>>
    tpu.wait_indirect_dma semaphore(%arg11 : memref<!tpu.dma_semaphore, #tpu.memory_space<semaphore_mem>>) src(%dma_wait3A_43 : memref<16x256xf32, #tpu.memory_space<vmem>>) dst(%dma_wait3A_46 : memref<6144x256xf32, #tpu.memory_space<hbm>>)
    %dma_wait3A_47 = arith.constant 128 : i32
    %dma_wait3A_48 = arith.constant 0 : i32
    %dma_wait3A_49 = tpu.memref_slice %arg10[%dma_wait3A_47, %dma_wait3A_48] : memref<144x128xi32, #tpu.memory_space<vmem>> -> memref<16x128xi32, #tpu.memory_space<vmem>>
    %dma_wait3A_50 = arith.constant 0 : i32
    %dma_wait3A_51 = arith.constant 0 : i32
    %dma_wait3A_52 = tpu.memref_slice %arg6[%dma_wait3A_50, %dma_wait3A_51] : memref<6144x128xi32, #tpu.memory_space<hbm>> -> memref<6144x128xi32, #tpu.memory_space<hbm>>
    tpu.wait_indirect_dma semaphore(%arg11 : memref<!tpu.dma_semaphore, #tpu.memory_space<semaphore_mem>>) src(%dma_wait3A_49 : memref<16x128xi32, #tpu.memory_space<vmem>>) dst(%dma_wait3A_52 : memref<6144x128xi32, #tpu.memory_space<hbm>>)
    return
  }
}

#map = affine_map<(d0, d1) -> (0, 0)>
#map1 = affine_map<(d0, d1) -> (0)>
module attributes {stable_mosaic.version = 14 : i64} {
  func.func @k(%arg0: i32, %arg1: i32, %arg2: memref<6144x128xf32, #tpu.memory_space<hbm>>, %arg3: memref<6144xi32, #tpu.memory_space<hbm>>, %arg4: memref<10240x128xf32, #tpu.memory_space<hbm>>, %arg5: memref<128xi32, #tpu.memory_space<vmem>>, %arg6: memref<64xi32, #tpu.memory_space<vmem>>, %arg7: memref<192x128xf32, #tpu.memory_space<vmem>>, %arg8: memref<!tpu.dma_semaphore, #tpu.memory_space<semaphore_mem>>) attributes {dimension_semantics = [#tpu.dimension_semantics<core_parallel>, #tpu.dimension_semantics<subcore_parallel>], iteration_bounds = array<i64: 2, 16>, scalar_prefetch = 0 : i64, scratch_operands = 4 : i64, tpu.core_type = #tpu.core_type<sc_vector_subcore>, window_params = [{transform_indices = #map}, {transform_indices = #map1}, {transform_indices = #map}]} {
    %mul3A = arith.constant 2 : i32
    %mul3A_0 = arith.muli %arg1, %mul3A : i32
    %add3A = arith.addi %mul3A_0, %arg0 : i32
    %mul3A_1 = arith.constant 192 : i32
    %mul3A_2 = arith.muli %add3A, %mul3A_1 : i32
    "tpu.region"() ({
      %run_scoped3A = tpu.sem_alloc : memref<!tpu.dma_semaphore, #tpu.memory_space<semaphore_mem>>
      %dma_start3A_29 = arith.constant 0 : i32
      %dma_start3A_30 = tpu.memref_slice %arg2[%mul3A_2, %dma_start3A_29] : memref<6144x128xf32, #tpu.memory_space<hbm>> -> memref<192x128xf32, #tpu.memory_space<hbm>>
      %dma_start3A_31 = arith.constant 0 : i32
      %dma_start3A_32 = tpu.memref_slice %arg2[%mul3A_2, %dma_start3A_31] : memref<6144x128xf32, #tpu.memory_space<hbm>> -> memref<192x128xf32, #tpu.memory_space<hbm>>
      tpu.enqueue_dma source(%dma_start3A_32 : memref<192x128xf32, #tpu.memory_space<hbm>>) target(%arg7 : memref<192x128xf32, #tpu.memory_space<vmem>>) target_semaphore(%run_scoped3A : memref<!tpu.dma_semaphore, #tpu.memory_space<semaphore_mem>>)
      %dma_wait3A_33 = arith.constant 0 : i32
      %dma_wait3A_34 = tpu.memref_slice %arg2[%mul3A_2, %dma_wait3A_33] : memref<6144x128xf32, #tpu.memory_space<hbm>> -> memref<192x128xf32, #tpu.memory_space<hbm>>
      %dma_wait3A_35 = arith.constant 0 : i32
      %dma_wait3A_36 = tpu.memref_slice %arg2[%mul3A_2, %dma_wait3A_35] : memref<6144x128xf32, #tpu.memory_space<hbm>> -> memref<192x128xf32, #tpu.memory_space<hbm>>
      tpu.wait_dma2 semaphore(%run_scoped3A : memref<!tpu.dma_semaphore, #tpu.memory_space<semaphore_mem>>) src(%dma_wait3A_36 : memref<192x128xf32, #tpu.memory_space<hbm>>) dst(%arg7 : memref<192x128xf32, #tpu.memory_space<vmem>>)
      tpu.yield
    }) : () -> ()
    %add3A_3 = arith.constant 0 : i32
    %add3A_4 = arith.addi %mul3A_2, %add3A_3 : i32
    "tpu.region"() ({
      %run_scoped3A = tpu.sem_alloc : memref<!tpu.dma_semaphore, #tpu.memory_space<semaphore_mem>>
      %dma_start3A_29 = tpu.memref_slice %arg3[%add3A_4] : memref<6144xi32, #tpu.memory_space<hbm>> -> memref<128xi32, #tpu.memory_space<hbm>>
      %dma_start3A_30 = tpu.memref_slice %arg3[%add3A_4] : memref<6144xi32, #tpu.memory_space<hbm>> -> memref<128xi32, #tpu.memory_space<hbm>>
      tpu.enqueue_dma source(%dma_start3A_30 : memref<128xi32, #tpu.memory_space<hbm>>) target(%arg5 : memref<128xi32, #tpu.memory_space<vmem>>) target_semaphore(%run_scoped3A : memref<!tpu.dma_semaphore, #tpu.memory_space<semaphore_mem>>)
      %dma_wait3A_31 = tpu.memref_slice %arg3[%add3A_4] : memref<6144xi32, #tpu.memory_space<hbm>> -> memref<128xi32, #tpu.memory_space<hbm>>
      %dma_wait3A_32 = tpu.memref_slice %arg3[%add3A_4] : memref<6144xi32, #tpu.memory_space<hbm>> -> memref<128xi32, #tpu.memory_space<hbm>>
      tpu.wait_dma2 semaphore(%run_scoped3A : memref<!tpu.dma_semaphore, #tpu.memory_space<semaphore_mem>>) src(%dma_wait3A_32 : memref<128xi32, #tpu.memory_space<hbm>>) dst(%arg5 : memref<128xi32, #tpu.memory_space<vmem>>)
      tpu.yield
    }) : () -> ()
    %add3A_5 = arith.constant 128 : i32
    %add3A_6 = arith.addi %mul3A_2, %add3A_5 : i32
    "tpu.region"() ({
      %run_scoped3A = tpu.sem_alloc : memref<!tpu.dma_semaphore, #tpu.memory_space<semaphore_mem>>
      %dma_start3A_29 = tpu.memref_slice %arg3[%add3A_6] : memref<6144xi32, #tpu.memory_space<hbm>> -> memref<64xi32, #tpu.memory_space<hbm>>
      %dma_start3A_30 = tpu.memref_slice %arg3[%add3A_6] : memref<6144xi32, #tpu.memory_space<hbm>> -> memref<64xi32, #tpu.memory_space<hbm>>
      tpu.enqueue_dma source(%dma_start3A_30 : memref<64xi32, #tpu.memory_space<hbm>>) target(%arg6 : memref<64xi32, #tpu.memory_space<vmem>>) target_semaphore(%run_scoped3A : memref<!tpu.dma_semaphore, #tpu.memory_space<semaphore_mem>>)
      %dma_wait3A_31 = tpu.memref_slice %arg3[%add3A_6] : memref<6144xi32, #tpu.memory_space<hbm>> -> memref<64xi32, #tpu.memory_space<hbm>>
      %dma_wait3A_32 = tpu.memref_slice %arg3[%add3A_6] : memref<6144xi32, #tpu.memory_space<hbm>> -> memref<64xi32, #tpu.memory_space<hbm>>
      tpu.wait_dma2 semaphore(%run_scoped3A : memref<!tpu.dma_semaphore, #tpu.memory_space<semaphore_mem>>) src(%dma_wait3A_32 : memref<64xi32, #tpu.memory_space<hbm>>) dst(%arg6 : memref<64xi32, #tpu.memory_space<vmem>>)
      tpu.yield
    }) : () -> ()
    %dma_start3A = arith.constant 0 : i32
    %dma_start3A_7 = arith.constant 0 : i32
    %dma_start3A_8 = tpu.memref_slice %arg7[%dma_start3A, %dma_start3A_7] : memref<192x128xf32, #tpu.memory_space<vmem>> -> memref<128x128xf32, #tpu.memory_space<vmem>>
    %dma_start3A_9 = arith.constant 0 : i32
    %dma_start3A_10 = arith.constant 0 : i32
    %dma_start3A_11 = tpu.memref_slice %arg4[%dma_start3A_9, %dma_start3A_10] : memref<10240x128xf32, #tpu.memory_space<hbm>> -> memref<10240x128xf32, #tpu.memory_space<hbm>>
    tpu.enqueue_indirect_dma source(%dma_start3A_8 : memref<128x128xf32, #tpu.memory_space<vmem>>) target(%dma_start3A_11 : memref<10240x128xf32, #tpu.memory_space<hbm>>) offsets(%arg5 : memref<128xi32, #tpu.memory_space<vmem>>) semaphore(%arg8 : memref<!tpu.dma_semaphore, #tpu.memory_space<semaphore_mem>>)
    %dma_start3A_12 = arith.constant 128 : i32
    %dma_start3A_13 = arith.constant 0 : i32
    %dma_start3A_14 = tpu.memref_slice %arg7[%dma_start3A_12, %dma_start3A_13] : memref<192x128xf32, #tpu.memory_space<vmem>> -> memref<64x128xf32, #tpu.memory_space<vmem>>
    %dma_start3A_15 = arith.constant 0 : i32
    %dma_start3A_16 = arith.constant 0 : i32
    %dma_start3A_17 = tpu.memref_slice %arg4[%dma_start3A_15, %dma_start3A_16] : memref<10240x128xf32, #tpu.memory_space<hbm>> -> memref<10240x128xf32, #tpu.memory_space<hbm>>
    tpu.enqueue_indirect_dma source(%dma_start3A_14 : memref<64x128xf32, #tpu.memory_space<vmem>>) target(%dma_start3A_17 : memref<10240x128xf32, #tpu.memory_space<hbm>>) offsets(%arg6 : memref<64xi32, #tpu.memory_space<vmem>>) semaphore(%arg8 : memref<!tpu.dma_semaphore, #tpu.memory_space<semaphore_mem>>)
    %dma_wait3A = arith.constant 0 : i32
    %dma_wait3A_18 = arith.constant 0 : i32
    %dma_wait3A_19 = tpu.memref_slice %arg7[%dma_wait3A, %dma_wait3A_18] : memref<192x128xf32, #tpu.memory_space<vmem>> -> memref<128x128xf32, #tpu.memory_space<vmem>>
    %dma_wait3A_20 = arith.constant 0 : i32
    %dma_wait3A_21 = arith.constant 0 : i32
    %dma_wait3A_22 = tpu.memref_slice %arg4[%dma_wait3A_20, %dma_wait3A_21] : memref<10240x128xf32, #tpu.memory_space<hbm>> -> memref<10240x128xf32, #tpu.memory_space<hbm>>
    tpu.wait_indirect_dma semaphore(%arg8 : memref<!tpu.dma_semaphore, #tpu.memory_space<semaphore_mem>>) src(%dma_wait3A_19 : memref<128x128xf32, #tpu.memory_space<vmem>>) dst(%dma_wait3A_22 : memref<10240x128xf32, #tpu.memory_space<hbm>>)
    %dma_wait3A_23 = arith.constant 128 : i32
    %dma_wait3A_24 = arith.constant 0 : i32
    %dma_wait3A_25 = tpu.memref_slice %arg7[%dma_wait3A_23, %dma_wait3A_24] : memref<192x128xf32, #tpu.memory_space<vmem>> -> memref<64x128xf32, #tpu.memory_space<vmem>>
    %dma_wait3A_26 = arith.constant 0 : i32
    %dma_wait3A_27 = arith.constant 0 : i32
    %dma_wait3A_28 = tpu.memref_slice %arg4[%dma_wait3A_26, %dma_wait3A_27] : memref<10240x128xf32, #tpu.memory_space<hbm>> -> memref<10240x128xf32, #tpu.memory_space<hbm>>
    tpu.wait_indirect_dma semaphore(%arg8 : memref<!tpu.dma_semaphore, #tpu.memory_space<semaphore_mem>>) src(%dma_wait3A_25 : memref<64x128xf32, #tpu.memory_space<vmem>>) dst(%dma_wait3A_28 : memref<10240x128xf32, #tpu.memory_space<hbm>>)
    return
  }
}

#map = affine_map<(d0, d1) -> (0, 0)>
#map1 = affine_map<(d0, d1) -> (0)>
module attributes {stable_mosaic.version = 14 : i64} {
  func.func @k(%arg0: i32, %arg1: i32, %arg2: memref<4096x256xf32, #tpu.memory_space<hbm>>, %arg3: memref<4096xi32, #tpu.memory_space<hbm>>, %arg4: memref<4608x256xf32, #tpu.memory_space<hbm>>, %arg5: memref<4608x128xi32, #tpu.memory_space<hbm>>, %arg6: memref<128xi32, #tpu.memory_space<vmem>>, %arg7: memref<128x256xf32, #tpu.memory_space<vmem>>, %arg8: memref<128x128xi32, #tpu.memory_space<vmem>>, %arg9: memref<!tpu.dma_semaphore, #tpu.memory_space<semaphore_mem>>) attributes {dimension_semantics = [#tpu.dimension_semantics<core_parallel>, #tpu.dimension_semantics<subcore_parallel>], iteration_bounds = array<i64: 2, 16>, scalar_prefetch = 0 : i64, scratch_operands = 4 : i64, tpu.core_type = #tpu.core_type<sc_vector_subcore>, window_params = [{transform_indices = #map}, {transform_indices = #map1}, {transform_indices = #map}, {transform_indices = #map}]} {
    %mul3A = arith.constant 2 : i32
    %mul3A_0 = arith.muli %arg1, %mul3A : i32
    %add3A = arith.addi %mul3A_0, %arg0 : i32
    %mul3A_1 = arith.constant 128 : i32
    %mul3A_2 = arith.muli %add3A, %mul3A_1 : i32
    "tpu.region"() ({
      %run_scoped3A = tpu.sem_alloc : memref<!tpu.dma_semaphore, #tpu.memory_space<semaphore_mem>>
      %dma_start3A_1561 = arith.constant 0 : i32
      %dma_start3A_1562 = tpu.memref_slice %arg2[%mul3A_2, %dma_start3A_1561] : memref<4096x256xf32, #tpu.memory_space<hbm>> -> memref<128x256xf32, #tpu.memory_space<hbm>>
      %dma_start3A_1563 = arith.constant 0 : i32
      %dma_start3A_1564 = tpu.memref_slice %arg2[%mul3A_2, %dma_start3A_1563] : memref<4096x256xf32, #tpu.memory_space<hbm>> -> memref<128x256xf32, #tpu.memory_space<hbm>>
      tpu.enqueue_dma source(%dma_start3A_1564 : memref<128x256xf32, #tpu.memory_space<hbm>>) target(%arg7 : memref<128x256xf32, #tpu.memory_space<vmem>>) target_semaphore(%run_scoped3A : memref<!tpu.dma_semaphore, #tpu.memory_space<semaphore_mem>>)
      %dma_wait3A_1565 = arith.constant 0 : i32
      %dma_wait3A_1566 = tpu.memref_slice %arg2[%mul3A_2, %dma_wait3A_1565] : memref<4096x256xf32, #tpu.memory_space<hbm>> -> memref<128x256xf32, #tpu.memory_space<hbm>>
      %dma_wait3A_1567 = arith.constant 0 : i32
      %dma_wait3A_1568 = tpu.memref_slice %arg2[%mul3A_2, %dma_wait3A_1567] : memref<4096x256xf32, #tpu.memory_space<hbm>> -> memref<128x256xf32, #tpu.memory_space<hbm>>
      tpu.wait_dma2 semaphore(%run_scoped3A : memref<!tpu.dma_semaphore, #tpu.memory_space<semaphore_mem>>) src(%dma_wait3A_1568 : memref<128x256xf32, #tpu.memory_space<hbm>>) dst(%arg7 : memref<128x256xf32, #tpu.memory_space<vmem>>)
      tpu.yield
    }) : () -> ()
    %broadcast_in_dim3A = arith.constant 0 : i32
    %broadcast_in_dim3A_3 = vector.broadcast %broadcast_in_dim3A : i32 to vector<16xi32>
    %add3A_4 = arith.constant 0 : i32
    %add3A_5 = arith.addi %mul3A_2, %add3A_4 : i32
    %add3A_6 = vector.broadcast %add3A_5 : i32 to vector<16xi32>
    %add3A_7 = arith.addi %broadcast_in_dim3A_3, %add3A_6 : vector<16xi32>
    %swap3A = arith.constant 0 : i32
    %swap3A_8 = arith.index_cast %swap3A : i32 to index
    %swap3A_9 = arith.constant 0 : index
    %swap3A_10 = tpu.vector_load %arg8[%swap3A_8, %swap3A_9] {strides = array<i32>} : memref<128x128xi32, #tpu.memory_space<vmem>>, vector<1x16xi32>,
    %swap3A_11 = vector.shape_cast %swap3A_10 : vector<1x16xi32> to vector<16xi32>
    %swap3A_12 = vector.shape_cast %add3A_7 : vector<16xi32> to vector<1x16xi32>
    tpu.vector_store %arg8[%swap3A_8, %swap3A_9], %swap3A_12 {strides = array<i32>} : memref<128x128xi32, #tpu.memory_space<vmem>>, vector<1x16xi32>,
    %broadcast_in_dim3A_13 = arith.constant 0 : i32
    %broadcast_in_dim3A_14 = vector.broadcast %broadcast_in_dim3A_13 : i32 to vector<16xi32>
    %add3A_15 = arith.constant 1 : i32
    %add3A_16 = arith.addi %mul3A_2, %add3A_15 : i32
    %add3A_17 = vector.broadcast %add3A_16 : i32 to vector<16xi32>
    %add3A_18 = arith.addi %broadcast_in_dim3A_14, %add3A_17 : vector<16xi32>
    %swap3A_19 = arith.constant 1 : i32
    %swap3A_20 = arith.index_cast %swap3A_19 : i32 to index
    %swap3A_21 = arith.constant 0 : index
    %swap3A_22 = tpu.vector_load %arg8[%swap3A_20, %swap3A_21] {strides = array<i32>} : memref<128x128xi32, #tpu.memory_space<vmem>>, vector<1x16xi32>,
    %swap3A_23 = vector.shape_cast %swap3A_22 : vector<1x16xi32> to vector<16xi32>
    %swap3A_24 = vector.shape_cast %add3A_18 : vector<16xi32> to vector<1x16xi32>
    tpu.vector_store %arg8[%swap3A_20, %swap3A_21], %swap3A_24 {strides = array<i32>} : memref<128x128xi32, #tpu.memory_space<vmem>>, vector<1x16xi32>,
    %broadcast_in_dim3A_25 = arith.constant 0 : i32
    %broadcast_in_dim3A_26 = vector.broadcast %broadcast_in_dim3A_25 : i32 to vector<16xi32>
    %add3A_27 = arith.constant 2 : i32
    %add3A_28 = arith.addi %mul3A_2, %add3A_27 : i32
    %add3A_29 = vector.broadcast %add3A_28 : i32 to vector<16xi32>
    %add3A_30 = arith.addi %broadcast_in_dim3A_26, %add3A_29 : vector<16xi32>
    %swap3A_31 = arith.constant 2 : i32
    %swap3A_32 = arith.index_cast %swap3A_31 : i32 to index
    %swap3A_33 = arith.constant 0 : index
    %swap3A_34 = tpu.vector_load %arg8[%swap3A_32, %swap3A_33] {strides = array<i32>} : memref<128x128xi32, #tpu.memory_space<vmem>>, vector<1x16xi32>,
    %swap3A_35 = vector.shape_cast %swap3A_34 : vector<1x16xi32> to vector<16xi32>
    %swap3A_36 = vector.shape_cast %add3A_30 : vector<16xi32> to vector<1x16xi32>
    tpu.vector_store %arg8[%swap3A_32, %swap3A_33], %swap3A_36 {strides = array<i32>} : memref<128x128xi32, #tpu.memory_space<vmem>>, vector<1x16xi32>,
    %broadcast_in_dim3A_37 = arith.constant 0 : i32
    %broadcast_in_dim3A_38 = vector.broadcast %broadcast_in_dim3A_37 : i32 to vector<16xi32>
    %add3A_39 = arith.constant 3 : i32
    %add3A_40 = arith.addi %mul3A_2, %add3A_39 : i32
    %add3A_41 = vector.broadcast %add3A_40 : i32 to vector<16xi32>
    %add3A_42 = arith.addi %broadcast_in_dim3A_38, %add3A_41 : vector<16xi32>
    %swap3A_43 = arith.constant 3 : i32
    %swap3A_44 = arith.index_cast %swap3A_43 : i32 to index
    %swap3A_45 = arith.constant 0 : index
    %swap3A_46 = tpu.vector_load %arg8[%swap3A_44, %swap3A_45] {strides = array<i32>} : memref<128x128xi32, #tpu.memory_space<vmem>>, vector<1x16xi32>,
    %swap3A_47 = vector.shape_cast %swap3A_46 : vector<1x16xi32> to vector<16xi32>
    %swap3A_48 = vector.shape_cast %add3A_42 : vector<16xi32> to vector<1x16xi32>
    tpu.vector_store %arg8[%swap3A_44, %swap3A_45], %swap3A_48 {strides = array<i32>} : memref<128x128xi32, #tpu.memory_space<vmem>>, vector<1x16xi32>,
    %broadcast_in_dim3A_49 = arith.constant 0 : i32
    %broadcast_in_dim3A_50 = vector.broadcast %broadcast_in_dim3A_49 : i32 to vector<16xi32>
    %add3A_51 = arith.constant 4 : i32
    %add3A_52 = arith.addi %mul3A_2, %add3A_51 : i32
    %add3A_53 = vector.broadcast %add3A_52 : i32 to vector<16xi32>
    %add3A_54 = arith.addi %broadcast_in_dim3A_50, %add3A_53 : vector<16xi32>
    %swap3A_55 = arith.constant 4 : i32
    %swap3A_56 = arith.index_cast %swap3A_55 : i32 to index
    %swap3A_57 = arith.constant 0 : index
    %swap3A_58 = tpu.vector_load %arg8[%swap3A_56, %swap3A_57] {strides = array<i32>} : memref<128x128xi32, #tpu.memory_space<vmem>>, vector<1x16xi32>,
    %swap3A_59 = vector.shape_cast %swap3A_58 : vector<1x16xi32> to vector<16xi32>
    %swap3A_60 = vector.shape_cast %add3A_54 : vector<16xi32> to vector<1x16xi32>
    tpu.vector_store %arg8[%swap3A_56, %swap3A_57], %swap3A_60 {strides = array<i32>} : memref<128x128xi32, #tpu.memory_space<vmem>>, vector<1x16xi32>,
    %broadcast_in_dim3A_61 = arith.constant 0 : i32
    %broadcast_in_dim3A_62 = vector.broadcast %broadcast_in_dim3A_61 : i32 to vector<16xi32>
    %add3A_63 = arith.constant 5 : i32
    %add3A_64 = arith.addi %mul3A_2, %add3A_63 : i32
    %add3A_65 = vector.broadcast %add3A_64 : i32 to vector<16xi32>
    %add3A_66 = arith.addi %broadcast_in_dim3A_62, %add3A_65 : vector<16xi32>
    %swap3A_67 = arith.constant 5 : i32
    %swap3A_68 = arith.index_cast %swap3A_67 : i32 to index
    %swap3A_69 = arith.constant 0 : index
    %swap3A_70 = tpu.vector_load %arg8[%swap3A_68, %swap3A_69] {strides = array<i32>} : memref<128x128xi32, #tpu.memory_space<vmem>>, vector<1x16xi32>,
    %swap3A_71 = vector.shape_cast %swap3A_70 : vector<1x16xi32> to vector<16xi32>
    %swap3A_72 = vector.shape_cast %add3A_66 : vector<16xi32> to vector<1x16xi32>
    tpu.vector_store %arg8[%swap3A_68, %swap3A_69], %swap3A_72 {strides = array<i32>} : memref<128x128xi32, #tpu.memory_space<vmem>>, vector<1x16xi32>,
    %broadcast_in_dim3A_73 = arith.constant 0 : i32
    %broadcast_in_dim3A_74 = vector.broadcast %broadcast_in_dim3A_73 : i32 to vector<16xi32>
    %add3A_75 = arith.constant 6 : i32
    %add3A_76 = arith.addi %mul3A_2, %add3A_75 : i32
    %add3A_77 = vector.broadcast %add3A_76 : i32 to vector<16xi32>
    %add3A_78 = arith.addi %broadcast_in_dim3A_74, %add3A_77 : vector<16xi32>
    %swap3A_79 = arith.constant 6 : i32
    %swap3A_80 = arith.index_cast %swap3A_79 : i32 to index
    %swap3A_81 = arith.constant 0 : index
    %swap3A_82 = tpu.vector_load %arg8[%swap3A_80, %swap3A_81] {strides = array<i32>} : memref<128x128xi32, #tpu.memory_space<vmem>>, vector<1x16xi32>,
    %swap3A_83 = vector.shape_cast %swap3A_82 : vector<1x16xi32> to vector<16xi32>
    %swap3A_84 = vector.shape_cast %add3A_78 : vector<16xi32> to vector<1x16xi32>
    tpu.vector_store %arg8[%swap3A_80, %swap3A_81], %swap3A_84 {strides = array<i32>} : memref<128x128xi32, #tpu.memory_space<vmem>>, vector<1x16xi32>,
    %broadcast_in_dim3A_85 = arith.constant 0 : i32
    %broadcast_in_dim3A_86 = vector.broadcast %broadcast_in_dim3A_85 : i32 to vector<16xi32>
    %add3A_87 = arith.constant 7 : i32
    %add3A_88 = arith.addi %mul3A_2, %add3A_87 : i32
    %add3A_89 = vector.broadcast %add3A_88 : i32 to vector<16xi32>
    %add3A_90 = arith.addi %broadcast_in_dim3A_86, %add3A_89 : vector<16xi32>
    %swap3A_91 = arith.constant 7 : i32
    %swap3A_92 = arith.index_cast %swap3A_91 : i32 to index
    %swap3A_93 = arith.constant 0 : index
    %swap3A_94 = tpu.vector_load %arg8[%swap3A_92, %swap3A_93] {strides = array<i32>} : memref<128x128xi32, #tpu.memory_space<vmem>>, vector<1x16xi32>,
    %swap3A_95 = vector.shape_cast %swap3A_94 : vector<1x16xi32> to vector<16xi32>
    %swap3A_96 = vector.shape_cast %add3A_90 : vector<16xi32> to vector<1x16xi32>
    tpu.vector_store %arg8[%swap3A_92, %swap3A_93], %swap3A_96 {strides = array<i32>} : memref<128x128xi32, #tpu.memory_space<vmem>>, vector<1x16xi32>,
    %broadcast_in_dim3A_97 = arith.constant 0 : i32
    %broadcast_in_dim3A_98 = vector.broadcast %broadcast_in_dim3A_97 : i32 to vector<16xi32>
    %add3A_99 = arith.constant 8 : i32
    %add3A_100 = arith.addi %mul3A_2, %add3A_99 : i32
    %add3A_101 = vector.broadcast %add3A_100 : i32 to vector<16xi32>
    %add3A_102 = arith.addi %broadcast_in_dim3A_98, %add3A_101 : vector<16xi32>
    %swap3A_103 = arith.constant 8 : i32
    %swap3A_104 = arith.index_cast %swap3A_103 : i32 to index
    %swap3A_105 = arith.constant 0 : index
    %swap3A_106 = tpu.vector_load %arg8[%swap3A_104, %swap3A_105] {strides = array<i32>} : memref<128x128xi32, #tpu.memory_space<vmem>>, vector<1x16xi32>,
    %swap3A_107 = vector.shape_cast %swap3A_106 : vector<1x16xi32> to vector<16xi32>
    %swap3A_108 = vector.shape_cast %add3A_102 : vector<16xi32> to vector<1x16xi32>
    tpu.vector_store %arg8[%swap3A_104, %swap3A_105], %swap3A_108 {strides = array<i32>} : memref<128x128xi32, #tpu.memory_space<vmem>>, vector<1x16xi32>,
    %broadcast_in_dim3A_109 = arith.constant 0 : i32
    %broadcast_in_dim3A_110 = vector.broadcast %broadcast_in_dim3A_109 : i32 to vector<16xi32>
    %add3A_111 = arith.constant 9 : i32
    %add3A_112 = arith.addi %mul3A_2, %add3A_111 : i32
    %add3A_113 = vector.broadcast %add3A_112 : i32 to vector<16xi32>
    %add3A_114 = arith.addi %broadcast_in_dim3A_110, %add3A_113 : vector<16xi32>
    %swap3A_115 = arith.constant 9 : i32
    %swap3A_116 = arith.index_cast %swap3A_115 : i32 to index
    %swap3A_117 = arith.constant 0 : index
    %swap3A_118 = tpu.vector_load %arg8[%swap3A_116, %swap3A_117] {strides = array<i32>} : memref<128x128xi32, #tpu.memory_space<vmem>>, vector<1x16xi32>,
    %swap3A_119 = vector.shape_cast %swap3A_118 : vector<1x16xi32> to vector<16xi32>
    %swap3A_120 = vector.shape_cast %add3A_114 : vector<16xi32> to vector<1x16xi32>
    tpu.vector_store %arg8[%swap3A_116, %swap3A_117], %swap3A_120 {strides = array<i32>} : memref<128x128xi32, #tpu.memory_space<vmem>>, vector<1x16xi32>,
    %broadcast_in_dim3A_121 = arith.constant 0 : i32
    %broadcast_in_dim3A_122 = vector.broadcast %broadcast_in_dim3A_121 : i32 to vector<16xi32>
    %add3A_123 = arith.constant 10 : i32
    %add3A_124 = arith.addi %mul3A_2, %add3A_123 : i32
    %add3A_125 = vector.broadcast %add3A_124 : i32 to vector<16xi32>
    %add3A_126 = arith.addi %broadcast_in_dim3A_122, %add3A_125 : vector<16xi32>
    %swap3A_127 = arith.constant 10 : i32
    %swap3A_128 = arith.index_cast %swap3A_127 : i32 to index
    %swap3A_129 = arith.constant 0 : index
    %swap3A_130 = tpu.vector_load %arg8[%swap3A_128, %swap3A_129] {strides = array<i32>} : memref<128x128xi32, #tpu.memory_space<vmem>>, vector<1x16xi32>,
    %swap3A_131 = vector.shape_cast %swap3A_130 : vector<1x16xi32> to vector<16xi32>
    %swap3A_132 = vector.shape_cast %add3A_126 : vector<16xi32> to vector<1x16xi32>
    tpu.vector_store %arg8[%swap3A_128, %swap3A_129], %swap3A_132 {strides = array<i32>} : memref<128x128xi32, #tpu.memory_space<vmem>>, vector<1x16xi32>,
    %broadcast_in_dim3A_133 = arith.constant 0 : i32
    %broadcast_in_dim3A_134 = vector.broadcast %broadcast_in_dim3A_133 : i32 to vector<16xi32>
    %add3A_135 = arith.constant 11 : i32
    %add3A_136 = arith.addi %mul3A_2, %add3A_135 : i32
    %add3A_137 = vector.broadcast %add3A_136 : i32 to vector<16xi32>
    %add3A_138 = arith.addi %broadcast_in_dim3A_134, %add3A_137 : vector<16xi32>
    %swap3A_139 = arith.constant 11 : i32
    %swap3A_140 = arith.index_cast %swap3A_139 : i32 to index
    %swap3A_141 = arith.constant 0 : index
    %swap3A_142 = tpu.vector_load %arg8[%swap3A_140, %swap3A_141] {strides = array<i32>} : memref<128x128xi32, #tpu.memory_space<vmem>>, vector<1x16xi32>,
    %swap3A_143 = vector.shape_cast %swap3A_142 : vector<1x16xi32> to vector<16xi32>
    %swap3A_144 = vector.shape_cast %add3A_138 : vector<16xi32> to vector<1x16xi32>
    tpu.vector_store %arg8[%swap3A_140, %swap3A_141], %swap3A_144 {strides = array<i32>} : memref<128x128xi32, #tpu.memory_space<vmem>>, vector<1x16xi32>,
    %broadcast_in_dim3A_145 = arith.constant 0 : i32
    %broadcast_in_dim3A_146 = vector.broadcast %broadcast_in_dim3A_145 : i32 to vector<16xi32>
    %add3A_147 = arith.constant 12 : i32
    %add3A_148 = arith.addi %mul3A_2, %add3A_147 : i32
    %add3A_149 = vector.broadcast %add3A_148 : i32 to vector<16xi32>
    %add3A_150 = arith.addi %broadcast_in_dim3A_146, %add3A_149 : vector<16xi32>
    %swap3A_151 = arith.constant 12 : i32
    %swap3A_152 = arith.index_cast %swap3A_151 : i32 to index
    %swap3A_153 = arith.constant 0 : index
    %swap3A_154 = tpu.vector_load %arg8[%swap3A_152, %swap3A_153] {strides = array<i32>} : memref<128x128xi32, #tpu.memory_space<vmem>>, vector<1x16xi32>,
    %swap3A_155 = vector.shape_cast %swap3A_154 : vector<1x16xi32> to vector<16xi32>
    %swap3A_156 = vector.shape_cast %add3A_150 : vector<16xi32> to vector<1x16xi32>
    tpu.vector_store %arg8[%swap3A_152, %swap3A_153], %swap3A_156 {strides = array<i32>} : memref<128x128xi32, #tpu.memory_space<vmem>>, vector<1x16xi32>,
    %broadcast_in_dim3A_157 = arith.constant 0 : i32
    %broadcast_in_dim3A_158 = vector.broadcast %broadcast_in_dim3A_157 : i32 to vector<16xi32>
    %add3A_159 = arith.constant 13 : i32
    %add3A_160 = arith.addi %mul3A_2, %add3A_159 : i32
    %add3A_161 = vector.broadcast %add3A_160 : i32 to vector<16xi32>
    %add3A_162 = arith.addi %broadcast_in_dim3A_158, %add3A_161 : vector<16xi32>
    %swap3A_163 = arith.constant 13 : i32
    %swap3A_164 = arith.index_cast %swap3A_163 : i32 to index
    %swap3A_165 = arith.constant 0 : index
    %swap3A_166 = tpu.vector_load %arg8[%swap3A_164, %swap3A_165] {strides = array<i32>} : memref<128x128xi32, #tpu.memory_space<vmem>>, vector<1x16xi32>,
    %swap3A_167 = vector.shape_cast %swap3A_166 : vector<1x16xi32> to vector<16xi32>
    %swap3A_168 = vector.shape_cast %add3A_162 : vector<16xi32> to vector<1x16xi32>
    tpu.vector_store %arg8[%swap3A_164, %swap3A_165], %swap3A_168 {strides = array<i32>} : memref<128x128xi32, #tpu.memory_space<vmem>>, vector<1x16xi32>,
    %broadcast_in_dim3A_169 = arith.constant 0 : i32
    %broadcast_in_dim3A_170 = vector.broadcast %broadcast_in_dim3A_169 : i32 to vector<16xi32>
    %add3A_171 = arith.constant 14 : i32
    %add3A_172 = arith.addi %mul3A_2, %add3A_171 : i32
    %add3A_173 = vector.broadcast %add3A_172 : i32 to vector<16xi32>
    %add3A_174 = arith.addi %broadcast_in_dim3A_170, %add3A_173 : vector<16xi32>
    %swap3A_175 = arith.constant 14 : i32
    %swap3A_176 = arith.index_cast %swap3A_175 : i32 to index
    %swap3A_177 = arith.constant 0 : index
    %swap3A_178 = tpu.vector_load %arg8[%swap3A_176, %swap3A_177] {strides = array<i32>} : memref<128x128xi32, #tpu.memory_space<vmem>>, vector<1x16xi32>,
    %swap3A_179 = vector.shape_cast %swap3A_178 : vector<1x16xi32> to vector<16xi32>
    %swap3A_180 = vector.shape_cast %add3A_174 : vector<16xi32> to vector<1x16xi32>
    tpu.vector_store %arg8[%swap3A_176, %swap3A_177], %swap3A_180 {strides = array<i32>} : memref<128x128xi32, #tpu.memory_space<vmem>>, vector<1x16xi32>,
    %broadcast_in_dim3A_181 = arith.constant 0 : i32
    %broadcast_in_dim3A_182 = vector.broadcast %broadcast_in_dim3A_181 : i32 to vector<16xi32>
    %add3A_183 = arith.constant 15 : i32
    %add3A_184 = arith.addi %mul3A_2, %add3A_183 : i32
    %add3A_185 = vector.broadcast %add3A_184 : i32 to vector<16xi32>
    %add3A_186 = arith.addi %broadcast_in_dim3A_182, %add3A_185 : vector<16xi32>
    %swap3A_187 = arith.constant 15 : i32
    %swap3A_188 = arith.index_cast %swap3A_187 : i32 to index
    %swap3A_189 = arith.constant 0 : index
    %swap3A_190 = tpu.vector_load %arg8[%swap3A_188, %swap3A_189] {strides = array<i32>} : memref<128x128xi32, #tpu.memory_space<vmem>>, vector<1x16xi32>,
    %swap3A_191 = vector.shape_cast %swap3A_190 : vector<1x16xi32> to vector<16xi32>
    %swap3A_192 = vector.shape_cast %add3A_186 : vector<16xi32> to vector<1x16xi32>
    tpu.vector_store %arg8[%swap3A_188, %swap3A_189], %swap3A_192 {strides = array<i32>} : memref<128x128xi32, #tpu.memory_space<vmem>>, vector<1x16xi32>,
    %broadcast_in_dim3A_193 = arith.constant 0 : i32
    %broadcast_in_dim3A_194 = vector.broadcast %broadcast_in_dim3A_193 : i32 to vector<16xi32>
    %add3A_195 = arith.constant 16 : i32
    %add3A_196 = arith.addi %mul3A_2, %add3A_195 : i32
    %add3A_197 = vector.broadcast %add3A_196 : i32 to vector<16xi32>
    %add3A_198 = arith.addi %broadcast_in_dim3A_194, %add3A_197 : vector<16xi32>
    %swap3A_199 = arith.constant 16 : i32
    %swap3A_200 = arith.index_cast %swap3A_199 : i32 to index
    %swap3A_201 = arith.constant 0 : index
    %swap3A_202 = tpu.vector_load %arg8[%swap3A_200, %swap3A_201] {strides = array<i32>} : memref<128x128xi32, #tpu.memory_space<vmem>>, vector<1x16xi32>,
    %swap3A_203 = vector.shape_cast %swap3A_202 : vector<1x16xi32> to vector<16xi32>
    %swap3A_204 = vector.shape_cast %add3A_198 : vector<16xi32> to vector<1x16xi32>
    tpu.vector_store %arg8[%swap3A_200, %swap3A_201], %swap3A_204 {strides = array<i32>} : memref<128x128xi32, #tpu.memory_space<vmem>>, vector<1x16xi32>,
    %broadcast_in_dim3A_205 = arith.constant 0 : i32
    %broadcast_in_dim3A_206 = vector.broadcast %broadcast_in_dim3A_205 : i32 to vector<16xi32>
    %add3A_207 = arith.constant 17 : i32
    %add3A_208 = arith.addi %mul3A_2, %add3A_207 : i32
    %add3A_209 = vector.broadcast %add3A_208 : i32 to vector<16xi32>
    %add3A_210 = arith.addi %broadcast_in_dim3A_206, %add3A_209 : vector<16xi32>
    %swap3A_211 = arith.constant 17 : i32
    %swap3A_212 = arith.index_cast %swap3A_211 : i32 to index
    %swap3A_213 = arith.constant 0 : index
    %swap3A_214 = tpu.vector_load %arg8[%swap3A_212, %swap3A_213] {strides = array<i32>} : memref<128x128xi32, #tpu.memory_space<vmem>>, vector<1x16xi32>,
    %swap3A_215 = vector.shape_cast %swap3A_214 : vector<1x16xi32> to vector<16xi32>
    %swap3A_216 = vector.shape_cast %add3A_210 : vector<16xi32> to vector<1x16xi32>
    tpu.vector_store %arg8[%swap3A_212, %swap3A_213], %swap3A_216 {strides = array<i32>} : memref<128x128xi32, #tpu.memory_space<vmem>>, vector<1x16xi32>,
    %broadcast_in_dim3A_217 = arith.constant 0 : i32
    %broadcast_in_dim3A_218 = vector.broadcast %broadcast_in_dim3A_217 : i32 to vector<16xi32>
    %add3A_219 = arith.constant 18 : i32
    %add3A_220 = arith.addi %mul3A_2, %add3A_219 : i32
    %add3A_221 = vector.broadcast %add3A_220 : i32 to vector<16xi32>
    %add3A_222 = arith.addi %broadcast_in_dim3A_218, %add3A_221 : vector<16xi32>
    %swap3A_223 = arith.constant 18 : i32
    %swap3A_224 = arith.index_cast %swap3A_223 : i32 to index
    %swap3A_225 = arith.constant 0 : index
    %swap3A_226 = tpu.vector_load %arg8[%swap3A_224, %swap3A_225] {strides = array<i32>} : memref<128x128xi32, #tpu.memory_space<vmem>>, vector<1x16xi32>,
    %swap3A_227 = vector.shape_cast %swap3A_226 : vector<1x16xi32> to vector<16xi32>
    %swap3A_228 = vector.shape_cast %add3A_222 : vector<16xi32> to vector<1x16xi32>
    tpu.vector_store %arg8[%swap3A_224, %swap3A_225], %swap3A_228 {strides = array<i32>} : memref<128x128xi32, #tpu.memory_space<vmem>>, vector<1x16xi32>,
    %broadcast_in_dim3A_229 = arith.constant 0 : i32
    %broadcast_in_dim3A_230 = vector.broadcast %broadcast_in_dim3A_229 : i32 to vector<16xi32>
    %add3A_231 = arith.constant 19 : i32
    %add3A_232 = arith.addi %mul3A_2, %add3A_231 : i32
    %add3A_233 = vector.broadcast %add3A_232 : i32 to vector<16xi32>
    %add3A_234 = arith.addi %broadcast_in_dim3A_230, %add3A_233 : vector<16xi32>
    %swap3A_235 = arith.constant 19 : i32
    %swap3A_236 = arith.index_cast %swap3A_235 : i32 to index
    %swap3A_237 = arith.constant 0 : index
    %swap3A_238 = tpu.vector_load %arg8[%swap3A_236, %swap3A_237] {strides = array<i32>} : memref<128x128xi32, #tpu.memory_space<vmem>>, vector<1x16xi32>,
    %swap3A_239 = vector.shape_cast %swap3A_238 : vector<1x16xi32> to vector<16xi32>
    %swap3A_240 = vector.shape_cast %add3A_234 : vector<16xi32> to vector<1x16xi32>
    tpu.vector_store %arg8[%swap3A_236, %swap3A_237], %swap3A_240 {strides = array<i32>} : memref<128x128xi32, #tpu.memory_space<vmem>>, vector<1x16xi32>,
    %broadcast_in_dim3A_241 = arith.constant 0 : i32
    %broadcast_in_dim3A_242 = vector.broadcast %broadcast_in_dim3A_241 : i32 to vector<16xi32>
    %add3A_243 = arith.constant 20 : i32
    %add3A_244 = arith.addi %mul3A_2, %add3A_243 : i32
    %add3A_245 = vector.broadcast %add3A_244 : i32 to vector<16xi32>
    %add3A_246 = arith.addi %broadcast_in_dim3A_242, %add3A_245 : vector<16xi32>
    %swap3A_247 = arith.constant 20 : i32
    %swap3A_248 = arith.index_cast %swap3A_247 : i32 to index
    %swap3A_249 = arith.constant 0 : index
    %swap3A_250 = tpu.vector_load %arg8[%swap3A_248, %swap3A_249] {strides = array<i32>} : memref<128x128xi32, #tpu.memory_space<vmem>>, vector<1x16xi32>,
    %swap3A_251 = vector.shape_cast %swap3A_250 : vector<1x16xi32> to vector<16xi32>
    %swap3A_252 = vector.shape_cast %add3A_246 : vector<16xi32> to vector<1x16xi32>
    tpu.vector_store %arg8[%swap3A_248, %swap3A_249], %swap3A_252 {strides = array<i32>} : memref<128x128xi32, #tpu.memory_space<vmem>>, vector<1x16xi32>,
    %broadcast_in_dim3A_253 = arith.constant 0 : i32
    %broadcast_in_dim3A_254 = vector.broadcast %broadcast_in_dim3A_253 : i32 to vector<16xi32>
    %add3A_255 = arith.constant 21 : i32
    %add3A_256 = arith.addi %mul3A_2, %add3A_255 : i32
    %add3A_257 = vector.broadcast %add3A_256 : i32 to vector<16xi32>
    %add3A_258 = arith.addi %broadcast_in_dim3A_254, %add3A_257 : vector<16xi32>
    %swap3A_259 = arith.constant 21 : i32
    %swap3A_260 = arith.index_cast %swap3A_259 : i32 to index
    %swap3A_261 = arith.constant 0 : index
    %swap3A_262 = tpu.vector_load %arg8[%swap3A_260, %swap3A_261] {strides = array<i32>} : memref<128x128xi32, #tpu.memory_space<vmem>>, vector<1x16xi32>,
    %swap3A_263 = vector.shape_cast %swap3A_262 : vector<1x16xi32> to vector<16xi32>
    %swap3A_264 = vector.shape_cast %add3A_258 : vector<16xi32> to vector<1x16xi32>
    tpu.vector_store %arg8[%swap3A_260, %swap3A_261], %swap3A_264 {strides = array<i32>} : memref<128x128xi32, #tpu.memory_space<vmem>>, vector<1x16xi32>,
    %broadcast_in_dim3A_265 = arith.constant 0 : i32
    %broadcast_in_dim3A_266 = vector.broadcast %broadcast_in_dim3A_265 : i32 to vector<16xi32>
    %add3A_267 = arith.constant 22 : i32
    %add3A_268 = arith.addi %mul3A_2, %add3A_267 : i32
    %add3A_269 = vector.broadcast %add3A_268 : i32 to vector<16xi32>
    %add3A_270 = arith.addi %broadcast_in_dim3A_266, %add3A_269 : vector<16xi32>
    %swap3A_271 = arith.constant 22 : i32
    %swap3A_272 = arith.index_cast %swap3A_271 : i32 to index
    %swap3A_273 = arith.constant 0 : index
    %swap3A_274 = tpu.vector_load %arg8[%swap3A_272, %swap3A_273] {strides = array<i32>} : memref<128x128xi32, #tpu.memory_space<vmem>>, vector<1x16xi32>,
    %swap3A_275 = vector.shape_cast %swap3A_274 : vector<1x16xi32> to vector<16xi32>
    %swap3A_276 = vector.shape_cast %add3A_270 : vector<16xi32> to vector<1x16xi32>
    tpu.vector_store %arg8[%swap3A_272, %swap3A_273], %swap3A_276 {strides = array<i32>} : memref<128x128xi32, #tpu.memory_space<vmem>>, vector<1x16xi32>,
    %broadcast_in_dim3A_277 = arith.constant 0 : i32
    %broadcast_in_dim3A_278 = vector.broadcast %broadcast_in_dim3A_277 : i32 to vector<16xi32>
    %add3A_279 = arith.constant 23 : i32
    %add3A_280 = arith.addi %mul3A_2, %add3A_279 : i32
    %add3A_281 = vector.broadcast %add3A_280 : i32 to vector<16xi32>
    %add3A_282 = arith.addi %broadcast_in_dim3A_278, %add3A_281 : vector<16xi32>
    %swap3A_283 = arith.constant 23 : i32
    %swap3A_284 = arith.index_cast %swap3A_283 : i32 to index
    %swap3A_285 = arith.constant 0 : index
    %swap3A_286 = tpu.vector_load %arg8[%swap3A_284, %swap3A_285] {strides = array<i32>} : memref<128x128xi32, #tpu.memory_space<vmem>>, vector<1x16xi32>,
    %swap3A_287 = vector.shape_cast %swap3A_286 : vector<1x16xi32> to vector<16xi32>
    %swap3A_288 = vector.shape_cast %add3A_282 : vector<16xi32> to vector<1x16xi32>
    tpu.vector_store %arg8[%swap3A_284, %swap3A_285], %swap3A_288 {strides = array<i32>} : memref<128x128xi32, #tpu.memory_space<vmem>>, vector<1x16xi32>,
    %broadcast_in_dim3A_289 = arith.constant 0 : i32
    %broadcast_in_dim3A_290 = vector.broadcast %broadcast_in_dim3A_289 : i32 to vector<16xi32>
    %add3A_291 = arith.constant 24 : i32
    %add3A_292 = arith.addi %mul3A_2, %add3A_291 : i32
    %add3A_293 = vector.broadcast %add3A_292 : i32 to vector<16xi32>
    %add3A_294 = arith.addi %broadcast_in_dim3A_290, %add3A_293 : vector<16xi32>
    %swap3A_295 = arith.constant 24 : i32
    %swap3A_296 = arith.index_cast %swap3A_295 : i32 to index
    %swap3A_297 = arith.constant 0 : index
    %swap3A_298 = tpu.vector_load %arg8[%swap3A_296, %swap3A_297] {strides = array<i32>} : memref<128x128xi32, #tpu.memory_space<vmem>>, vector<1x16xi32>,
    %swap3A_299 = vector.shape_cast %swap3A_298 : vector<1x16xi32> to vector<16xi32>
    %swap3A_300 = vector.shape_cast %add3A_294 : vector<16xi32> to vector<1x16xi32>
    tpu.vector_store %arg8[%swap3A_296, %swap3A_297], %swap3A_300 {strides = array<i32>} : memref<128x128xi32, #tpu.memory_space<vmem>>, vector<1x16xi32>,
    %broadcast_in_dim3A_301 = arith.constant 0 : i32
    %broadcast_in_dim3A_302 = vector.broadcast %broadcast_in_dim3A_301 : i32 to vector<16xi32>
    %add3A_303 = arith.constant 25 : i32
    %add3A_304 = arith.addi %mul3A_2, %add3A_303 : i32
    %add3A_305 = vector.broadcast %add3A_304 : i32 to vector<16xi32>
    %add3A_306 = arith.addi %broadcast_in_dim3A_302, %add3A_305 : vector<16xi32>
    %swap3A_307 = arith.constant 25 : i32
    %swap3A_308 = arith.index_cast %swap3A_307 : i32 to index
    %swap3A_309 = arith.constant 0 : index
    %swap3A_310 = tpu.vector_load %arg8[%swap3A_308, %swap3A_309] {strides = array<i32>} : memref<128x128xi32, #tpu.memory_space<vmem>>, vector<1x16xi32>,
    %swap3A_311 = vector.shape_cast %swap3A_310 : vector<1x16xi32> to vector<16xi32>
    %swap3A_312 = vector.shape_cast %add3A_306 : vector<16xi32> to vector<1x16xi32>
    tpu.vector_store %arg8[%swap3A_308, %swap3A_309], %swap3A_312 {strides = array<i32>} : memref<128x128xi32, #tpu.memory_space<vmem>>, vector<1x16xi32>,
    %broadcast_in_dim3A_313 = arith.constant 0 : i32
    %broadcast_in_dim3A_314 = vector.broadcast %broadcast_in_dim3A_313 : i32 to vector<16xi32>
    %add3A_315 = arith.constant 26 : i32
    %add3A_316 = arith.addi %mul3A_2, %add3A_315 : i32
    %add3A_317 = vector.broadcast %add3A_316 : i32 to vector<16xi32>
    %add3A_318 = arith.addi %broadcast_in_dim3A_314, %add3A_317 : vector<16xi32>
    %swap3A_319 = arith.constant 26 : i32
    %swap3A_320 = arith.index_cast %swap3A_319 : i32 to index
    %swap3A_321 = arith.constant 0 : index
    %swap3A_322 = tpu.vector_load %arg8[%swap3A_320, %swap3A_321] {strides = array<i32>} : memref<128x128xi32, #tpu.memory_space<vmem>>, vector<1x16xi32>,
    %swap3A_323 = vector.shape_cast %swap3A_322 : vector<1x16xi32> to vector<16xi32>
    %swap3A_324 = vector.shape_cast %add3A_318 : vector<16xi32> to vector<1x16xi32>
    tpu.vector_store %arg8[%swap3A_320, %swap3A_321], %swap3A_324 {strides = array<i32>} : memref<128x128xi32, #tpu.memory_space<vmem>>, vector<1x16xi32>,
    %broadcast_in_dim3A_325 = arith.constant 0 : i32
    %broadcast_in_dim3A_326 = vector.broadcast %broadcast_in_dim3A_325 : i32 to vector<16xi32>
    %add3A_327 = arith.constant 27 : i32
    %add3A_328 = arith.addi %mul3A_2, %add3A_327 : i32
    %add3A_329 = vector.broadcast %add3A_328 : i32 to vector<16xi32>
    %add3A_330 = arith.addi %broadcast_in_dim3A_326, %add3A_329 : vector<16xi32>
    %swap3A_331 = arith.constant 27 : i32
    %swap3A_332 = arith.index_cast %swap3A_331 : i32 to index
    %swap3A_333 = arith.constant 0 : index
    %swap3A_334 = tpu.vector_load %arg8[%swap3A_332, %swap3A_333] {strides = array<i32>} : memref<128x128xi32, #tpu.memory_space<vmem>>, vector<1x16xi32>,
    %swap3A_335 = vector.shape_cast %swap3A_334 : vector<1x16xi32> to vector<16xi32>
    %swap3A_336 = vector.shape_cast %add3A_330 : vector<16xi32> to vector<1x16xi32>
    tpu.vector_store %arg8[%swap3A_332, %swap3A_333], %swap3A_336 {strides = array<i32>} : memref<128x128xi32, #tpu.memory_space<vmem>>, vector<1x16xi32>,
    %broadcast_in_dim3A_337 = arith.constant 0 : i32
    %broadcast_in_dim3A_338 = vector.broadcast %broadcast_in_dim3A_337 : i32 to vector<16xi32>
    %add3A_339 = arith.constant 28 : i32
    %add3A_340 = arith.addi %mul3A_2, %add3A_339 : i32
    %add3A_341 = vector.broadcast %add3A_340 : i32 to vector<16xi32>
    %add3A_342 = arith.addi %broadcast_in_dim3A_338, %add3A_341 : vector<16xi32>
    %swap3A_343 = arith.constant 28 : i32
    %swap3A_344 = arith.index_cast %swap3A_343 : i32 to index
    %swap3A_345 = arith.constant 0 : index
    %swap3A_346 = tpu.vector_load %arg8[%swap3A_344, %swap3A_345] {strides = array<i32>} : memref<128x128xi32, #tpu.memory_space<vmem>>, vector<1x16xi32>,
    %swap3A_347 = vector.shape_cast %swap3A_346 : vector<1x16xi32> to vector<16xi32>
    %swap3A_348 = vector.shape_cast %add3A_342 : vector<16xi32> to vector<1x16xi32>
    tpu.vector_store %arg8[%swap3A_344, %swap3A_345], %swap3A_348 {strides = array<i32>} : memref<128x128xi32, #tpu.memory_space<vmem>>, vector<1x16xi32>,
    %broadcast_in_dim3A_349 = arith.constant 0 : i32
    %broadcast_in_dim3A_350 = vector.broadcast %broadcast_in_dim3A_349 : i32 to vector<16xi32>
    %add3A_351 = arith.constant 29 : i32
    %add3A_352 = arith.addi %mul3A_2, %add3A_351 : i32
    %add3A_353 = vector.broadcast %add3A_352 : i32 to vector<16xi32>
    %add3A_354 = arith.addi %broadcast_in_dim3A_350, %add3A_353 : vector<16xi32>
    %swap3A_355 = arith.constant 29 : i32
    %swap3A_356 = arith.index_cast %swap3A_355 : i32 to index
    %swap3A_357 = arith.constant 0 : index
    %swap3A_358 = tpu.vector_load %arg8[%swap3A_356, %swap3A_357] {strides = array<i32>} : memref<128x128xi32, #tpu.memory_space<vmem>>, vector<1x16xi32>,
    %swap3A_359 = vector.shape_cast %swap3A_358 : vector<1x16xi32> to vector<16xi32>
    %swap3A_360 = vector.shape_cast %add3A_354 : vector<16xi32> to vector<1x16xi32>
    tpu.vector_store %arg8[%swap3A_356, %swap3A_357], %swap3A_360 {strides = array<i32>} : memref<128x128xi32, #tpu.memory_space<vmem>>, vector<1x16xi32>,
    %broadcast_in_dim3A_361 = arith.constant 0 : i32
    %broadcast_in_dim3A_362 = vector.broadcast %broadcast_in_dim3A_361 : i32 to vector<16xi32>
    %add3A_363 = arith.constant 30 : i32
    %add3A_364 = arith.addi %mul3A_2, %add3A_363 : i32
    %add3A_365 = vector.broadcast %add3A_364 : i32 to vector<16xi32>
    %add3A_366 = arith.addi %broadcast_in_dim3A_362, %add3A_365 : vector<16xi32>
    %swap3A_367 = arith.constant 30 : i32
    %swap3A_368 = arith.index_cast %swap3A_367 : i32 to index
    %swap3A_369 = arith.constant 0 : index
    %swap3A_370 = tpu.vector_load %arg8[%swap3A_368, %swap3A_369] {strides = array<i32>} : memref<128x128xi32, #tpu.memory_space<vmem>>, vector<1x16xi32>,
    %swap3A_371 = vector.shape_cast %swap3A_370 : vector<1x16xi32> to vector<16xi32>
    %swap3A_372 = vector.shape_cast %add3A_366 : vector<16xi32> to vector<1x16xi32>
    tpu.vector_store %arg8[%swap3A_368, %swap3A_369], %swap3A_372 {strides = array<i32>} : memref<128x128xi32, #tpu.memory_space<vmem>>, vector<1x16xi32>,
    %broadcast_in_dim3A_373 = arith.constant 0 : i32
    %broadcast_in_dim3A_374 = vector.broadcast %broadcast_in_dim3A_373 : i32 to vector<16xi32>
    %add3A_375 = arith.constant 31 : i32
    %add3A_376 = arith.addi %mul3A_2, %add3A_375 : i32
    %add3A_377 = vector.broadcast %add3A_376 : i32 to vector<16xi32>
    %add3A_378 = arith.addi %broadcast_in_dim3A_374, %add3A_377 : vector<16xi32>
    %swap3A_379 = arith.constant 31 : i32
    %swap3A_380 = arith.index_cast %swap3A_379 : i32 to index
    %swap3A_381 = arith.constant 0 : index
    %swap3A_382 = tpu.vector_load %arg8[%swap3A_380, %swap3A_381] {strides = array<i32>} : memref<128x128xi32, #tpu.memory_space<vmem>>, vector<1x16xi32>,
    %swap3A_383 = vector.shape_cast %swap3A_382 : vector<1x16xi32> to vector<16xi32>
    %swap3A_384 = vector.shape_cast %add3A_378 : vector<16xi32> to vector<1x16xi32>
    tpu.vector_store %arg8[%swap3A_380, %swap3A_381], %swap3A_384 {strides = array<i32>} : memref<128x128xi32, #tpu.memory_space<vmem>>, vector<1x16xi32>,
    %broadcast_in_dim3A_385 = arith.constant 0 : i32
    %broadcast_in_dim3A_386 = vector.broadcast %broadcast_in_dim3A_385 : i32 to vector<16xi32>
    %add3A_387 = arith.constant 32 : i32
    %add3A_388 = arith.addi %mul3A_2, %add3A_387 : i32
    %add3A_389 = vector.broadcast %add3A_388 : i32 to vector<16xi32>
    %add3A_390 = arith.addi %broadcast_in_dim3A_386, %add3A_389 : vector<16xi32>
    %swap3A_391 = arith.constant 32 : i32
    %swap3A_392 = arith.index_cast %swap3A_391 : i32 to index
    %swap3A_393 = arith.constant 0 : index
    %swap3A_394 = tpu.vector_load %arg8[%swap3A_392, %swap3A_393] {strides = array<i32>} : memref<128x128xi32, #tpu.memory_space<vmem>>, vector<1x16xi32>,
    %swap3A_395 = vector.shape_cast %swap3A_394 : vector<1x16xi32> to vector<16xi32>
    %swap3A_396 = vector.shape_cast %add3A_390 : vector<16xi32> to vector<1x16xi32>
    tpu.vector_store %arg8[%swap3A_392, %swap3A_393], %swap3A_396 {strides = array<i32>} : memref<128x128xi32, #tpu.memory_space<vmem>>, vector<1x16xi32>,
    %broadcast_in_dim3A_397 = arith.constant 0 : i32
    %broadcast_in_dim3A_398 = vector.broadcast %broadcast_in_dim3A_397 : i32 to vector<16xi32>
    %add3A_399 = arith.constant 33 : i32
    %add3A_400 = arith.addi %mul3A_2, %add3A_399 : i32
    %add3A_401 = vector.broadcast %add3A_400 : i32 to vector<16xi32>
    %add3A_402 = arith.addi %broadcast_in_dim3A_398, %add3A_401 : vector<16xi32>
    %swap3A_403 = arith.constant 33 : i32
    %swap3A_404 = arith.index_cast %swap3A_403 : i32 to index
    %swap3A_405 = arith.constant 0 : index
    %swap3A_406 = tpu.vector_load %arg8[%swap3A_404, %swap3A_405] {strides = array<i32>} : memref<128x128xi32, #tpu.memory_space<vmem>>, vector<1x16xi32>,
    %swap3A_407 = vector.shape_cast %swap3A_406 : vector<1x16xi32> to vector<16xi32>
    %swap3A_408 = vector.shape_cast %add3A_402 : vector<16xi32> to vector<1x16xi32>
    tpu.vector_store %arg8[%swap3A_404, %swap3A_405], %swap3A_408 {strides = array<i32>} : memref<128x128xi32, #tpu.memory_space<vmem>>, vector<1x16xi32>,
    %broadcast_in_dim3A_409 = arith.constant 0 : i32
    %broadcast_in_dim3A_410 = vector.broadcast %broadcast_in_dim3A_409 : i32 to vector<16xi32>
    %add3A_411 = arith.constant 34 : i32
    %add3A_412 = arith.addi %mul3A_2, %add3A_411 : i32
    %add3A_413 = vector.broadcast %add3A_412 : i32 to vector<16xi32>
    %add3A_414 = arith.addi %broadcast_in_dim3A_410, %add3A_413 : vector<16xi32>
    %swap3A_415 = arith.constant 34 : i32
    %swap3A_416 = arith.index_cast %swap3A_415 : i32 to index
    %swap3A_417 = arith.constant 0 : index
    %swap3A_418 = tpu.vector_load %arg8[%swap3A_416, %swap3A_417] {strides = array<i32>} : memref<128x128xi32, #tpu.memory_space<vmem>>, vector<1x16xi32>,
    %swap3A_419 = vector.shape_cast %swap3A_418 : vector<1x16xi32> to vector<16xi32>
    %swap3A_420 = vector.shape_cast %add3A_414 : vector<16xi32> to vector<1x16xi32>
    tpu.vector_store %arg8[%swap3A_416, %swap3A_417], %swap3A_420 {strides = array<i32>} : memref<128x128xi32, #tpu.memory_space<vmem>>, vector<1x16xi32>,
    %broadcast_in_dim3A_421 = arith.constant 0 : i32
    %broadcast_in_dim3A_422 = vector.broadcast %broadcast_in_dim3A_421 : i32 to vector<16xi32>
    %add3A_423 = arith.constant 35 : i32
    %add3A_424 = arith.addi %mul3A_2, %add3A_423 : i32
    %add3A_425 = vector.broadcast %add3A_424 : i32 to vector<16xi32>
    %add3A_426 = arith.addi %broadcast_in_dim3A_422, %add3A_425 : vector<16xi32>
    %swap3A_427 = arith.constant 35 : i32
    %swap3A_428 = arith.index_cast %swap3A_427 : i32 to index
    %swap3A_429 = arith.constant 0 : index
    %swap3A_430 = tpu.vector_load %arg8[%swap3A_428, %swap3A_429] {strides = array<i32>} : memref<128x128xi32, #tpu.memory_space<vmem>>, vector<1x16xi32>,
    %swap3A_431 = vector.shape_cast %swap3A_430 : vector<1x16xi32> to vector<16xi32>
    %swap3A_432 = vector.shape_cast %add3A_426 : vector<16xi32> to vector<1x16xi32>
    tpu.vector_store %arg8[%swap3A_428, %swap3A_429], %swap3A_432 {strides = array<i32>} : memref<128x128xi32, #tpu.memory_space<vmem>>, vector<1x16xi32>,
    %broadcast_in_dim3A_433 = arith.constant 0 : i32
    %broadcast_in_dim3A_434 = vector.broadcast %broadcast_in_dim3A_433 : i32 to vector<16xi32>
    %add3A_435 = arith.constant 36 : i32
    %add3A_436 = arith.addi %mul3A_2, %add3A_435 : i32
    %add3A_437 = vector.broadcast %add3A_436 : i32 to vector<16xi32>
    %add3A_438 = arith.addi %broadcast_in_dim3A_434, %add3A_437 : vector<16xi32>
    %swap3A_439 = arith.constant 36 : i32
    %swap3A_440 = arith.index_cast %swap3A_439 : i32 to index
    %swap3A_441 = arith.constant 0 : index
    %swap3A_442 = tpu.vector_load %arg8[%swap3A_440, %swap3A_441] {strides = array<i32>} : memref<128x128xi32, #tpu.memory_space<vmem>>, vector<1x16xi32>,
    %swap3A_443 = vector.shape_cast %swap3A_442 : vector<1x16xi32> to vector<16xi32>
    %swap3A_444 = vector.shape_cast %add3A_438 : vector<16xi32> to vector<1x16xi32>
    tpu.vector_store %arg8[%swap3A_440, %swap3A_441], %swap3A_444 {strides = array<i32>} : memref<128x128xi32, #tpu.memory_space<vmem>>, vector<1x16xi32>,
    %broadcast_in_dim3A_445 = arith.constant 0 : i32
    %broadcast_in_dim3A_446 = vector.broadcast %broadcast_in_dim3A_445 : i32 to vector<16xi32>
    %add3A_447 = arith.constant 37 : i32
    %add3A_448 = arith.addi %mul3A_2, %add3A_447 : i32
    %add3A_449 = vector.broadcast %add3A_448 : i32 to vector<16xi32>
    %add3A_450 = arith.addi %broadcast_in_dim3A_446, %add3A_449 : vector<16xi32>
    %swap3A_451 = arith.constant 37 : i32
    %swap3A_452 = arith.index_cast %swap3A_451 : i32 to index
    %swap3A_453 = arith.constant 0 : index
    %swap3A_454 = tpu.vector_load %arg8[%swap3A_452, %swap3A_453] {strides = array<i32>} : memref<128x128xi32, #tpu.memory_space<vmem>>, vector<1x16xi32>,
    %swap3A_455 = vector.shape_cast %swap3A_454 : vector<1x16xi32> to vector<16xi32>
    %swap3A_456 = vector.shape_cast %add3A_450 : vector<16xi32> to vector<1x16xi32>
    tpu.vector_store %arg8[%swap3A_452, %swap3A_453], %swap3A_456 {strides = array<i32>} : memref<128x128xi32, #tpu.memory_space<vmem>>, vector<1x16xi32>,
    %broadcast_in_dim3A_457 = arith.constant 0 : i32
    %broadcast_in_dim3A_458 = vector.broadcast %broadcast_in_dim3A_457 : i32 to vector<16xi32>
    %add3A_459 = arith.constant 38 : i32
    %add3A_460 = arith.addi %mul3A_2, %add3A_459 : i32
    %add3A_461 = vector.broadcast %add3A_460 : i32 to vector<16xi32>
    %add3A_462 = arith.addi %broadcast_in_dim3A_458, %add3A_461 : vector<16xi32>
    %swap3A_463 = arith.constant 38 : i32
    %swap3A_464 = arith.index_cast %swap3A_463 : i32 to index
    %swap3A_465 = arith.constant 0 : index
    %swap3A_466 = tpu.vector_load %arg8[%swap3A_464, %swap3A_465] {strides = array<i32>} : memref<128x128xi32, #tpu.memory_space<vmem>>, vector<1x16xi32>,
    %swap3A_467 = vector.shape_cast %swap3A_466 : vector<1x16xi32> to vector<16xi32>
    %swap3A_468 = vector.shape_cast %add3A_462 : vector<16xi32> to vector<1x16xi32>
    tpu.vector_store %arg8[%swap3A_464, %swap3A_465], %swap3A_468 {strides = array<i32>} : memref<128x128xi32, #tpu.memory_space<vmem>>, vector<1x16xi32>,
    %broadcast_in_dim3A_469 = arith.constant 0 : i32
    %broadcast_in_dim3A_470 = vector.broadcast %broadcast_in_dim3A_469 : i32 to vector<16xi32>
    %add3A_471 = arith.constant 39 : i32
    %add3A_472 = arith.addi %mul3A_2, %add3A_471 : i32
    %add3A_473 = vector.broadcast %add3A_472 : i32 to vector<16xi32>
    %add3A_474 = arith.addi %broadcast_in_dim3A_470, %add3A_473 : vector<16xi32>
    %swap3A_475 = arith.constant 39 : i32
    %swap3A_476 = arith.index_cast %swap3A_475 : i32 to index
    %swap3A_477 = arith.constant 0 : index
    %swap3A_478 = tpu.vector_load %arg8[%swap3A_476, %swap3A_477] {strides = array<i32>} : memref<128x128xi32, #tpu.memory_space<vmem>>, vector<1x16xi32>,
    %swap3A_479 = vector.shape_cast %swap3A_478 : vector<1x16xi32> to vector<16xi32>
    %swap3A_480 = vector.shape_cast %add3A_474 : vector<16xi32> to vector<1x16xi32>
    tpu.vector_store %arg8[%swap3A_476, %swap3A_477], %swap3A_480 {strides = array<i32>} : memref<128x128xi32, #tpu.memory_space<vmem>>, vector<1x16xi32>,
    %broadcast_in_dim3A_481 = arith.constant 0 : i32
    %broadcast_in_dim3A_482 = vector.broadcast %broadcast_in_dim3A_481 : i32 to vector<16xi32>
    %add3A_483 = arith.constant 40 : i32
    %add3A_484 = arith.addi %mul3A_2, %add3A_483 : i32
    %add3A_485 = vector.broadcast %add3A_484 : i32 to vector<16xi32>
    %add3A_486 = arith.addi %broadcast_in_dim3A_482, %add3A_485 : vector<16xi32>
    %swap3A_487 = arith.constant 40 : i32
    %swap3A_488 = arith.index_cast %swap3A_487 : i32 to index
    %swap3A_489 = arith.constant 0 : index
    %swap3A_490 = tpu.vector_load %arg8[%swap3A_488, %swap3A_489] {strides = array<i32>} : memref<128x128xi32, #tpu.memory_space<vmem>>, vector<1x16xi32>,
    %swap3A_491 = vector.shape_cast %swap3A_490 : vector<1x16xi32> to vector<16xi32>
    %swap3A_492 = vector.shape_cast %add3A_486 : vector<16xi32> to vector<1x16xi32>
    tpu.vector_store %arg8[%swap3A_488, %swap3A_489], %swap3A_492 {strides = array<i32>} : memref<128x128xi32, #tpu.memory_space<vmem>>, vector<1x16xi32>,
    %broadcast_in_dim3A_493 = arith.constant 0 : i32
    %broadcast_in_dim3A_494 = vector.broadcast %broadcast_in_dim3A_493 : i32 to vector<16xi32>
    %add3A_495 = arith.constant 41 : i32
    %add3A_496 = arith.addi %mul3A_2, %add3A_495 : i32
    %add3A_497 = vector.broadcast %add3A_496 : i32 to vector<16xi32>
    %add3A_498 = arith.addi %broadcast_in_dim3A_494, %add3A_497 : vector<16xi32>
    %swap3A_499 = arith.constant 41 : i32
    %swap3A_500 = arith.index_cast %swap3A_499 : i32 to index
    %swap3A_501 = arith.constant 0 : index
    %swap3A_502 = tpu.vector_load %arg8[%swap3A_500, %swap3A_501] {strides = array<i32>} : memref<128x128xi32, #tpu.memory_space<vmem>>, vector<1x16xi32>,
    %swap3A_503 = vector.shape_cast %swap3A_502 : vector<1x16xi32> to vector<16xi32>
    %swap3A_504 = vector.shape_cast %add3A_498 : vector<16xi32> to vector<1x16xi32>
    tpu.vector_store %arg8[%swap3A_500, %swap3A_501], %swap3A_504 {strides = array<i32>} : memref<128x128xi32, #tpu.memory_space<vmem>>, vector<1x16xi32>,
    %broadcast_in_dim3A_505 = arith.constant 0 : i32
    %broadcast_in_dim3A_506 = vector.broadcast %broadcast_in_dim3A_505 : i32 to vector<16xi32>
    %add3A_507 = arith.constant 42 : i32
    %add3A_508 = arith.addi %mul3A_2, %add3A_507 : i32
    %add3A_509 = vector.broadcast %add3A_508 : i32 to vector<16xi32>
    %add3A_510 = arith.addi %broadcast_in_dim3A_506, %add3A_509 : vector<16xi32>
    %swap3A_511 = arith.constant 42 : i32
    %swap3A_512 = arith.index_cast %swap3A_511 : i32 to index
    %swap3A_513 = arith.constant 0 : index
    %swap3A_514 = tpu.vector_load %arg8[%swap3A_512, %swap3A_513] {strides = array<i32>} : memref<128x128xi32, #tpu.memory_space<vmem>>, vector<1x16xi32>,
    %swap3A_515 = vector.shape_cast %swap3A_514 : vector<1x16xi32> to vector<16xi32>
    %swap3A_516 = vector.shape_cast %add3A_510 : vector<16xi32> to vector<1x16xi32>
    tpu.vector_store %arg8[%swap3A_512, %swap3A_513], %swap3A_516 {strides = array<i32>} : memref<128x128xi32, #tpu.memory_space<vmem>>, vector<1x16xi32>,
    %broadcast_in_dim3A_517 = arith.constant 0 : i32
    %broadcast_in_dim3A_518 = vector.broadcast %broadcast_in_dim3A_517 : i32 to vector<16xi32>
    %add3A_519 = arith.constant 43 : i32
    %add3A_520 = arith.addi %mul3A_2, %add3A_519 : i32
    %add3A_521 = vector.broadcast %add3A_520 : i32 to vector<16xi32>
    %add3A_522 = arith.addi %broadcast_in_dim3A_518, %add3A_521 : vector<16xi32>
    %swap3A_523 = arith.constant 43 : i32
    %swap3A_524 = arith.index_cast %swap3A_523 : i32 to index
    %swap3A_525 = arith.constant 0 : index
    %swap3A_526 = tpu.vector_load %arg8[%swap3A_524, %swap3A_525] {strides = array<i32>} : memref<128x128xi32, #tpu.memory_space<vmem>>, vector<1x16xi32>,
    %swap3A_527 = vector.shape_cast %swap3A_526 : vector<1x16xi32> to vector<16xi32>
    %swap3A_528 = vector.shape_cast %add3A_522 : vector<16xi32> to vector<1x16xi32>
    tpu.vector_store %arg8[%swap3A_524, %swap3A_525], %swap3A_528 {strides = array<i32>} : memref<128x128xi32, #tpu.memory_space<vmem>>, vector<1x16xi32>,
    %broadcast_in_dim3A_529 = arith.constant 0 : i32
    %broadcast_in_dim3A_530 = vector.broadcast %broadcast_in_dim3A_529 : i32 to vector<16xi32>
    %add3A_531 = arith.constant 44 : i32
    %add3A_532 = arith.addi %mul3A_2, %add3A_531 : i32
    %add3A_533 = vector.broadcast %add3A_532 : i32 to vector<16xi32>
    %add3A_534 = arith.addi %broadcast_in_dim3A_530, %add3A_533 : vector<16xi32>
    %swap3A_535 = arith.constant 44 : i32
    %swap3A_536 = arith.index_cast %swap3A_535 : i32 to index
    %swap3A_537 = arith.constant 0 : index
    %swap3A_538 = tpu.vector_load %arg8[%swap3A_536, %swap3A_537] {strides = array<i32>} : memref<128x128xi32, #tpu.memory_space<vmem>>, vector<1x16xi32>,
    %swap3A_539 = vector.shape_cast %swap3A_538 : vector<1x16xi32> to vector<16xi32>
    %swap3A_540 = vector.shape_cast %add3A_534 : vector<16xi32> to vector<1x16xi32>
    tpu.vector_store %arg8[%swap3A_536, %swap3A_537], %swap3A_540 {strides = array<i32>} : memref<128x128xi32, #tpu.memory_space<vmem>>, vector<1x16xi32>,
    %broadcast_in_dim3A_541 = arith.constant 0 : i32
    %broadcast_in_dim3A_542 = vector.broadcast %broadcast_in_dim3A_541 : i32 to vector<16xi32>
    %add3A_543 = arith.constant 45 : i32
    %add3A_544 = arith.addi %mul3A_2, %add3A_543 : i32
    %add3A_545 = vector.broadcast %add3A_544 : i32 to vector<16xi32>
    %add3A_546 = arith.addi %broadcast_in_dim3A_542, %add3A_545 : vector<16xi32>
    %swap3A_547 = arith.constant 45 : i32
    %swap3A_548 = arith.index_cast %swap3A_547 : i32 to index
    %swap3A_549 = arith.constant 0 : index
    %swap3A_550 = tpu.vector_load %arg8[%swap3A_548, %swap3A_549] {strides = array<i32>} : memref<128x128xi32, #tpu.memory_space<vmem>>, vector<1x16xi32>,
    %swap3A_551 = vector.shape_cast %swap3A_550 : vector<1x16xi32> to vector<16xi32>
    %swap3A_552 = vector.shape_cast %add3A_546 : vector<16xi32> to vector<1x16xi32>
    tpu.vector_store %arg8[%swap3A_548, %swap3A_549], %swap3A_552 {strides = array<i32>} : memref<128x128xi32, #tpu.memory_space<vmem>>, vector<1x16xi32>,
    %broadcast_in_dim3A_553 = arith.constant 0 : i32
    %broadcast_in_dim3A_554 = vector.broadcast %broadcast_in_dim3A_553 : i32 to vector<16xi32>
    %add3A_555 = arith.constant 46 : i32
    %add3A_556 = arith.addi %mul3A_2, %add3A_555 : i32
    %add3A_557 = vector.broadcast %add3A_556 : i32 to vector<16xi32>
    %add3A_558 = arith.addi %broadcast_in_dim3A_554, %add3A_557 : vector<16xi32>
    %swap3A_559 = arith.constant 46 : i32
    %swap3A_560 = arith.index_cast %swap3A_559 : i32 to index
    %swap3A_561 = arith.constant 0 : index
    %swap3A_562 = tpu.vector_load %arg8[%swap3A_560, %swap3A_561] {strides = array<i32>} : memref<128x128xi32, #tpu.memory_space<vmem>>, vector<1x16xi32>,
    %swap3A_563 = vector.shape_cast %swap3A_562 : vector<1x16xi32> to vector<16xi32>
    %swap3A_564 = vector.shape_cast %add3A_558 : vector<16xi32> to vector<1x16xi32>
    tpu.vector_store %arg8[%swap3A_560, %swap3A_561], %swap3A_564 {strides = array<i32>} : memref<128x128xi32, #tpu.memory_space<vmem>>, vector<1x16xi32>,
    %broadcast_in_dim3A_565 = arith.constant 0 : i32
    %broadcast_in_dim3A_566 = vector.broadcast %broadcast_in_dim3A_565 : i32 to vector<16xi32>
    %add3A_567 = arith.constant 47 : i32
    %add3A_568 = arith.addi %mul3A_2, %add3A_567 : i32
    %add3A_569 = vector.broadcast %add3A_568 : i32 to vector<16xi32>
    %add3A_570 = arith.addi %broadcast_in_dim3A_566, %add3A_569 : vector<16xi32>
    %swap3A_571 = arith.constant 47 : i32
    %swap3A_572 = arith.index_cast %swap3A_571 : i32 to index
    %swap3A_573 = arith.constant 0 : index
    %swap3A_574 = tpu.vector_load %arg8[%swap3A_572, %swap3A_573] {strides = array<i32>} : memref<128x128xi32, #tpu.memory_space<vmem>>, vector<1x16xi32>,
    %swap3A_575 = vector.shape_cast %swap3A_574 : vector<1x16xi32> to vector<16xi32>
    %swap3A_576 = vector.shape_cast %add3A_570 : vector<16xi32> to vector<1x16xi32>
    tpu.vector_store %arg8[%swap3A_572, %swap3A_573], %swap3A_576 {strides = array<i32>} : memref<128x128xi32, #tpu.memory_space<vmem>>, vector<1x16xi32>,
    %broadcast_in_dim3A_577 = arith.constant 0 : i32
    %broadcast_in_dim3A_578 = vector.broadcast %broadcast_in_dim3A_577 : i32 to vector<16xi32>
    %add3A_579 = arith.constant 48 : i32
    %add3A_580 = arith.addi %mul3A_2, %add3A_579 : i32
    %add3A_581 = vector.broadcast %add3A_580 : i32 to vector<16xi32>
    %add3A_582 = arith.addi %broadcast_in_dim3A_578, %add3A_581 : vector<16xi32>
    %swap3A_583 = arith.constant 48 : i32
    %swap3A_584 = arith.index_cast %swap3A_583 : i32 to index
    %swap3A_585 = arith.constant 0 : index
    %swap3A_586 = tpu.vector_load %arg8[%swap3A_584, %swap3A_585] {strides = array<i32>} : memref<128x128xi32, #tpu.memory_space<vmem>>, vector<1x16xi32>,
    %swap3A_587 = vector.shape_cast %swap3A_586 : vector<1x16xi32> to vector<16xi32>
    %swap3A_588 = vector.shape_cast %add3A_582 : vector<16xi32> to vector<1x16xi32>
    tpu.vector_store %arg8[%swap3A_584, %swap3A_585], %swap3A_588 {strides = array<i32>} : memref<128x128xi32, #tpu.memory_space<vmem>>, vector<1x16xi32>,
    %broadcast_in_dim3A_589 = arith.constant 0 : i32
    %broadcast_in_dim3A_590 = vector.broadcast %broadcast_in_dim3A_589 : i32 to vector<16xi32>
    %add3A_591 = arith.constant 49 : i32
    %add3A_592 = arith.addi %mul3A_2, %add3A_591 : i32
    %add3A_593 = vector.broadcast %add3A_592 : i32 to vector<16xi32>
    %add3A_594 = arith.addi %broadcast_in_dim3A_590, %add3A_593 : vector<16xi32>
    %swap3A_595 = arith.constant 49 : i32
    %swap3A_596 = arith.index_cast %swap3A_595 : i32 to index
    %swap3A_597 = arith.constant 0 : index
    %swap3A_598 = tpu.vector_load %arg8[%swap3A_596, %swap3A_597] {strides = array<i32>} : memref<128x128xi32, #tpu.memory_space<vmem>>, vector<1x16xi32>,
    %swap3A_599 = vector.shape_cast %swap3A_598 : vector<1x16xi32> to vector<16xi32>
    %swap3A_600 = vector.shape_cast %add3A_594 : vector<16xi32> to vector<1x16xi32>
    tpu.vector_store %arg8[%swap3A_596, %swap3A_597], %swap3A_600 {strides = array<i32>} : memref<128x128xi32, #tpu.memory_space<vmem>>, vector<1x16xi32>,
    %broadcast_in_dim3A_601 = arith.constant 0 : i32
    %broadcast_in_dim3A_602 = vector.broadcast %broadcast_in_dim3A_601 : i32 to vector<16xi32>
    %add3A_603 = arith.constant 50 : i32
    %add3A_604 = arith.addi %mul3A_2, %add3A_603 : i32
    %add3A_605 = vector.broadcast %add3A_604 : i32 to vector<16xi32>
    %add3A_606 = arith.addi %broadcast_in_dim3A_602, %add3A_605 : vector<16xi32>
    %swap3A_607 = arith.constant 50 : i32
    %swap3A_608 = arith.index_cast %swap3A_607 : i32 to index
    %swap3A_609 = arith.constant 0 : index
    %swap3A_610 = tpu.vector_load %arg8[%swap3A_608, %swap3A_609] {strides = array<i32>} : memref<128x128xi32, #tpu.memory_space<vmem>>, vector<1x16xi32>,
    %swap3A_611 = vector.shape_cast %swap3A_610 : vector<1x16xi32> to vector<16xi32>
    %swap3A_612 = vector.shape_cast %add3A_606 : vector<16xi32> to vector<1x16xi32>
    tpu.vector_store %arg8[%swap3A_608, %swap3A_609], %swap3A_612 {strides = array<i32>} : memref<128x128xi32, #tpu.memory_space<vmem>>, vector<1x16xi32>,
    %broadcast_in_dim3A_613 = arith.constant 0 : i32
    %broadcast_in_dim3A_614 = vector.broadcast %broadcast_in_dim3A_613 : i32 to vector<16xi32>
    %add3A_615 = arith.constant 51 : i32
    %add3A_616 = arith.addi %mul3A_2, %add3A_615 : i32
    %add3A_617 = vector.broadcast %add3A_616 : i32 to vector<16xi32>
    %add3A_618 = arith.addi %broadcast_in_dim3A_614, %add3A_617 : vector<16xi32>
    %swap3A_619 = arith.constant 51 : i32
    %swap3A_620 = arith.index_cast %swap3A_619 : i32 to index
    %swap3A_621 = arith.constant 0 : index
    %swap3A_622 = tpu.vector_load %arg8[%swap3A_620, %swap3A_621] {strides = array<i32>} : memref<128x128xi32, #tpu.memory_space<vmem>>, vector<1x16xi32>,
    %swap3A_623 = vector.shape_cast %swap3A_622 : vector<1x16xi32> to vector<16xi32>
    %swap3A_624 = vector.shape_cast %add3A_618 : vector<16xi32> to vector<1x16xi32>
    tpu.vector_store %arg8[%swap3A_620, %swap3A_621], %swap3A_624 {strides = array<i32>} : memref<128x128xi32, #tpu.memory_space<vmem>>, vector<1x16xi32>,
    %broadcast_in_dim3A_625 = arith.constant 0 : i32
    %broadcast_in_dim3A_626 = vector.broadcast %broadcast_in_dim3A_625 : i32 to vector<16xi32>
    %add3A_627 = arith.constant 52 : i32
    %add3A_628 = arith.addi %mul3A_2, %add3A_627 : i32
    %add3A_629 = vector.broadcast %add3A_628 : i32 to vector<16xi32>
    %add3A_630 = arith.addi %broadcast_in_dim3A_626, %add3A_629 : vector<16xi32>
    %swap3A_631 = arith.constant 52 : i32
    %swap3A_632 = arith.index_cast %swap3A_631 : i32 to index
    %swap3A_633 = arith.constant 0 : index
    %swap3A_634 = tpu.vector_load %arg8[%swap3A_632, %swap3A_633] {strides = array<i32>} : memref<128x128xi32, #tpu.memory_space<vmem>>, vector<1x16xi32>,
    %swap3A_635 = vector.shape_cast %swap3A_634 : vector<1x16xi32> to vector<16xi32>
    %swap3A_636 = vector.shape_cast %add3A_630 : vector<16xi32> to vector<1x16xi32>
    tpu.vector_store %arg8[%swap3A_632, %swap3A_633], %swap3A_636 {strides = array<i32>} : memref<128x128xi32, #tpu.memory_space<vmem>>, vector<1x16xi32>,
    %broadcast_in_dim3A_637 = arith.constant 0 : i32
    %broadcast_in_dim3A_638 = vector.broadcast %broadcast_in_dim3A_637 : i32 to vector<16xi32>
    %add3A_639 = arith.constant 53 : i32
    %add3A_640 = arith.addi %mul3A_2, %add3A_639 : i32
    %add3A_641 = vector.broadcast %add3A_640 : i32 to vector<16xi32>
    %add3A_642 = arith.addi %broadcast_in_dim3A_638, %add3A_641 : vector<16xi32>
    %swap3A_643 = arith.constant 53 : i32
    %swap3A_644 = arith.index_cast %swap3A_643 : i32 to index
    %swap3A_645 = arith.constant 0 : index
    %swap3A_646 = tpu.vector_load %arg8[%swap3A_644, %swap3A_645] {strides = array<i32>} : memref<128x128xi32, #tpu.memory_space<vmem>>, vector<1x16xi32>,
    %swap3A_647 = vector.shape_cast %swap3A_646 : vector<1x16xi32> to vector<16xi32>
    %swap3A_648 = vector.shape_cast %add3A_642 : vector<16xi32> to vector<1x16xi32>
    tpu.vector_store %arg8[%swap3A_644, %swap3A_645], %swap3A_648 {strides = array<i32>} : memref<128x128xi32, #tpu.memory_space<vmem>>, vector<1x16xi32>,
    %broadcast_in_dim3A_649 = arith.constant 0 : i32
    %broadcast_in_dim3A_650 = vector.broadcast %broadcast_in_dim3A_649 : i32 to vector<16xi32>
    %add3A_651 = arith.constant 54 : i32
    %add3A_652 = arith.addi %mul3A_2, %add3A_651 : i32
    %add3A_653 = vector.broadcast %add3A_652 : i32 to vector<16xi32>
    %add3A_654 = arith.addi %broadcast_in_dim3A_650, %add3A_653 : vector<16xi32>
    %swap3A_655 = arith.constant 54 : i32
    %swap3A_656 = arith.index_cast %swap3A_655 : i32 to index
    %swap3A_657 = arith.constant 0 : index
    %swap3A_658 = tpu.vector_load %arg8[%swap3A_656, %swap3A_657] {strides = array<i32>} : memref<128x128xi32, #tpu.memory_space<vmem>>, vector<1x16xi32>,
    %swap3A_659 = vector.shape_cast %swap3A_658 : vector<1x16xi32> to vector<16xi32>
    %swap3A_660 = vector.shape_cast %add3A_654 : vector<16xi32> to vector<1x16xi32>
    tpu.vector_store %arg8[%swap3A_656, %swap3A_657], %swap3A_660 {strides = array<i32>} : memref<128x128xi32, #tpu.memory_space<vmem>>, vector<1x16xi32>,
    %broadcast_in_dim3A_661 = arith.constant 0 : i32
    %broadcast_in_dim3A_662 = vector.broadcast %broadcast_in_dim3A_661 : i32 to vector<16xi32>
    %add3A_663 = arith.constant 55 : i32
    %add3A_664 = arith.addi %mul3A_2, %add3A_663 : i32
    %add3A_665 = vector.broadcast %add3A_664 : i32 to vector<16xi32>
    %add3A_666 = arith.addi %broadcast_in_dim3A_662, %add3A_665 : vector<16xi32>
    %swap3A_667 = arith.constant 55 : i32
    %swap3A_668 = arith.index_cast %swap3A_667 : i32 to index
    %swap3A_669 = arith.constant 0 : index
    %swap3A_670 = tpu.vector_load %arg8[%swap3A_668, %swap3A_669] {strides = array<i32>} : memref<128x128xi32, #tpu.memory_space<vmem>>, vector<1x16xi32>,
    %swap3A_671 = vector.shape_cast %swap3A_670 : vector<1x16xi32> to vector<16xi32>
    %swap3A_672 = vector.shape_cast %add3A_666 : vector<16xi32> to vector<1x16xi32>
    tpu.vector_store %arg8[%swap3A_668, %swap3A_669], %swap3A_672 {strides = array<i32>} : memref<128x128xi32, #tpu.memory_space<vmem>>, vector<1x16xi32>,
    %broadcast_in_dim3A_673 = arith.constant 0 : i32
    %broadcast_in_dim3A_674 = vector.broadcast %broadcast_in_dim3A_673 : i32 to vector<16xi32>
    %add3A_675 = arith.constant 56 : i32
    %add3A_676 = arith.addi %mul3A_2, %add3A_675 : i32
    %add3A_677 = vector.broadcast %add3A_676 : i32 to vector<16xi32>
    %add3A_678 = arith.addi %broadcast_in_dim3A_674, %add3A_677 : vector<16xi32>
    %swap3A_679 = arith.constant 56 : i32
    %swap3A_680 = arith.index_cast %swap3A_679 : i32 to index
    %swap3A_681 = arith.constant 0 : index
    %swap3A_682 = tpu.vector_load %arg8[%swap3A_680, %swap3A_681] {strides = array<i32>} : memref<128x128xi32, #tpu.memory_space<vmem>>, vector<1x16xi32>,
    %swap3A_683 = vector.shape_cast %swap3A_682 : vector<1x16xi32> to vector<16xi32>
    %swap3A_684 = vector.shape_cast %add3A_678 : vector<16xi32> to vector<1x16xi32>
    tpu.vector_store %arg8[%swap3A_680, %swap3A_681], %swap3A_684 {strides = array<i32>} : memref<128x128xi32, #tpu.memory_space<vmem>>, vector<1x16xi32>,
    %broadcast_in_dim3A_685 = arith.constant 0 : i32
    %broadcast_in_dim3A_686 = vector.broadcast %broadcast_in_dim3A_685 : i32 to vector<16xi32>
    %add3A_687 = arith.constant 57 : i32
    %add3A_688 = arith.addi %mul3A_2, %add3A_687 : i32
    %add3A_689 = vector.broadcast %add3A_688 : i32 to vector<16xi32>
    %add3A_690 = arith.addi %broadcast_in_dim3A_686, %add3A_689 : vector<16xi32>
    %swap3A_691 = arith.constant 57 : i32
    %swap3A_692 = arith.index_cast %swap3A_691 : i32 to index
    %swap3A_693 = arith.constant 0 : index
    %swap3A_694 = tpu.vector_load %arg8[%swap3A_692, %swap3A_693] {strides = array<i32>} : memref<128x128xi32, #tpu.memory_space<vmem>>, vector<1x16xi32>,
    %swap3A_695 = vector.shape_cast %swap3A_694 : vector<1x16xi32> to vector<16xi32>
    %swap3A_696 = vector.shape_cast %add3A_690 : vector<16xi32> to vector<1x16xi32>
    tpu.vector_store %arg8[%swap3A_692, %swap3A_693], %swap3A_696 {strides = array<i32>} : memref<128x128xi32, #tpu.memory_space<vmem>>, vector<1x16xi32>,
    %broadcast_in_dim3A_697 = arith.constant 0 : i32
    %broadcast_in_dim3A_698 = vector.broadcast %broadcast_in_dim3A_697 : i32 to vector<16xi32>
    %add3A_699 = arith.constant 58 : i32
    %add3A_700 = arith.addi %mul3A_2, %add3A_699 : i32
    %add3A_701 = vector.broadcast %add3A_700 : i32 to vector<16xi32>
    %add3A_702 = arith.addi %broadcast_in_dim3A_698, %add3A_701 : vector<16xi32>
    %swap3A_703 = arith.constant 58 : i32
    %swap3A_704 = arith.index_cast %swap3A_703 : i32 to index
    %swap3A_705 = arith.constant 0 : index
    %swap3A_706 = tpu.vector_load %arg8[%swap3A_704, %swap3A_705] {strides = array<i32>} : memref<128x128xi32, #tpu.memory_space<vmem>>, vector<1x16xi32>,
    %swap3A_707 = vector.shape_cast %swap3A_706 : vector<1x16xi32> to vector<16xi32>
    %swap3A_708 = vector.shape_cast %add3A_702 : vector<16xi32> to vector<1x16xi32>
    tpu.vector_store %arg8[%swap3A_704, %swap3A_705], %swap3A_708 {strides = array<i32>} : memref<128x128xi32, #tpu.memory_space<vmem>>, vector<1x16xi32>,
    %broadcast_in_dim3A_709 = arith.constant 0 : i32
    %broadcast_in_dim3A_710 = vector.broadcast %broadcast_in_dim3A_709 : i32 to vector<16xi32>
    %add3A_711 = arith.constant 59 : i32
    %add3A_712 = arith.addi %mul3A_2, %add3A_711 : i32
    %add3A_713 = vector.broadcast %add3A_712 : i32 to vector<16xi32>
    %add3A_714 = arith.addi %broadcast_in_dim3A_710, %add3A_713 : vector<16xi32>
    %swap3A_715 = arith.constant 59 : i32
    %swap3A_716 = arith.index_cast %swap3A_715 : i32 to index
    %swap3A_717 = arith.constant 0 : index
    %swap3A_718 = tpu.vector_load %arg8[%swap3A_716, %swap3A_717] {strides = array<i32>} : memref<128x128xi32, #tpu.memory_space<vmem>>, vector<1x16xi32>,
    %swap3A_719 = vector.shape_cast %swap3A_718 : vector<1x16xi32> to vector<16xi32>
    %swap3A_720 = vector.shape_cast %add3A_714 : vector<16xi32> to vector<1x16xi32>
    tpu.vector_store %arg8[%swap3A_716, %swap3A_717], %swap3A_720 {strides = array<i32>} : memref<128x128xi32, #tpu.memory_space<vmem>>, vector<1x16xi32>,
    %broadcast_in_dim3A_721 = arith.constant 0 : i32
    %broadcast_in_dim3A_722 = vector.broadcast %broadcast_in_dim3A_721 : i32 to vector<16xi32>
    %add3A_723 = arith.constant 60 : i32
    %add3A_724 = arith.addi %mul3A_2, %add3A_723 : i32
    %add3A_725 = vector.broadcast %add3A_724 : i32 to vector<16xi32>
    %add3A_726 = arith.addi %broadcast_in_dim3A_722, %add3A_725 : vector<16xi32>
    %swap3A_727 = arith.constant 60 : i32
    %swap3A_728 = arith.index_cast %swap3A_727 : i32 to index
    %swap3A_729 = arith.constant 0 : index
    %swap3A_730 = tpu.vector_load %arg8[%swap3A_728, %swap3A_729] {strides = array<i32>} : memref<128x128xi32, #tpu.memory_space<vmem>>, vector<1x16xi32>,
    %swap3A_731 = vector.shape_cast %swap3A_730 : vector<1x16xi32> to vector<16xi32>
    %swap3A_732 = vector.shape_cast %add3A_726 : vector<16xi32> to vector<1x16xi32>
    tpu.vector_store %arg8[%swap3A_728, %swap3A_729], %swap3A_732 {strides = array<i32>} : memref<128x128xi32, #tpu.memory_space<vmem>>, vector<1x16xi32>,
    %broadcast_in_dim3A_733 = arith.constant 0 : i32
    %broadcast_in_dim3A_734 = vector.broadcast %broadcast_in_dim3A_733 : i32 to vector<16xi32>
    %add3A_735 = arith.constant 61 : i32
    %add3A_736 = arith.addi %mul3A_2, %add3A_735 : i32
    %add3A_737 = vector.broadcast %add3A_736 : i32 to vector<16xi32>
    %add3A_738 = arith.addi %broadcast_in_dim3A_734, %add3A_737 : vector<16xi32>
    %swap3A_739 = arith.constant 61 : i32
    %swap3A_740 = arith.index_cast %swap3A_739 : i32 to index
    %swap3A_741 = arith.constant 0 : index
    %swap3A_742 = tpu.vector_load %arg8[%swap3A_740, %swap3A_741] {strides = array<i32>} : memref<128x128xi32, #tpu.memory_space<vmem>>, vector<1x16xi32>,
    %swap3A_743 = vector.shape_cast %swap3A_742 : vector<1x16xi32> to vector<16xi32>
    %swap3A_744 = vector.shape_cast %add3A_738 : vector<16xi32> to vector<1x16xi32>
    tpu.vector_store %arg8[%swap3A_740, %swap3A_741], %swap3A_744 {strides = array<i32>} : memref<128x128xi32, #tpu.memory_space<vmem>>, vector<1x16xi32>,
    %broadcast_in_dim3A_745 = arith.constant 0 : i32
    %broadcast_in_dim3A_746 = vector.broadcast %broadcast_in_dim3A_745 : i32 to vector<16xi32>
    %add3A_747 = arith.constant 62 : i32
    %add3A_748 = arith.addi %mul3A_2, %add3A_747 : i32
    %add3A_749 = vector.broadcast %add3A_748 : i32 to vector<16xi32>
    %add3A_750 = arith.addi %broadcast_in_dim3A_746, %add3A_749 : vector<16xi32>
    %swap3A_751 = arith.constant 62 : i32
    %swap3A_752 = arith.index_cast %swap3A_751 : i32 to index
    %swap3A_753 = arith.constant 0 : index
    %swap3A_754 = tpu.vector_load %arg8[%swap3A_752, %swap3A_753] {strides = array<i32>} : memref<128x128xi32, #tpu.memory_space<vmem>>, vector<1x16xi32>,
    %swap3A_755 = vector.shape_cast %swap3A_754 : vector<1x16xi32> to vector<16xi32>
    %swap3A_756 = vector.shape_cast %add3A_750 : vector<16xi32> to vector<1x16xi32>
    tpu.vector_store %arg8[%swap3A_752, %swap3A_753], %swap3A_756 {strides = array<i32>} : memref<128x128xi32, #tpu.memory_space<vmem>>, vector<1x16xi32>,
    %broadcast_in_dim3A_757 = arith.constant 0 : i32
    %broadcast_in_dim3A_758 = vector.broadcast %broadcast_in_dim3A_757 : i32 to vector<16xi32>
    %add3A_759 = arith.constant 63 : i32
    %add3A_760 = arith.addi %mul3A_2, %add3A_759 : i32
    %add3A_761 = vector.broadcast %add3A_760 : i32 to vector<16xi32>
    %add3A_762 = arith.addi %broadcast_in_dim3A_758, %add3A_761 : vector<16xi32>
    %swap3A_763 = arith.constant 63 : i32
    %swap3A_764 = arith.index_cast %swap3A_763 : i32 to index
    %swap3A_765 = arith.constant 0 : index
    %swap3A_766 = tpu.vector_load %arg8[%swap3A_764, %swap3A_765] {strides = array<i32>} : memref<128x128xi32, #tpu.memory_space<vmem>>, vector<1x16xi32>,
    %swap3A_767 = vector.shape_cast %swap3A_766 : vector<1x16xi32> to vector<16xi32>
    %swap3A_768 = vector.shape_cast %add3A_762 : vector<16xi32> to vector<1x16xi32>
    tpu.vector_store %arg8[%swap3A_764, %swap3A_765], %swap3A_768 {strides = array<i32>} : memref<128x128xi32, #tpu.memory_space<vmem>>, vector<1x16xi32>,
    %broadcast_in_dim3A_769 = arith.constant 0 : i32
    %broadcast_in_dim3A_770 = vector.broadcast %broadcast_in_dim3A_769 : i32 to vector<16xi32>
    %add3A_771 = arith.constant 64 : i32
    %add3A_772 = arith.addi %mul3A_2, %add3A_771 : i32
    %add3A_773 = vector.broadcast %add3A_772 : i32 to vector<16xi32>
    %add3A_774 = arith.addi %broadcast_in_dim3A_770, %add3A_773 : vector<16xi32>
    %swap3A_775 = arith.constant 64 : i32
    %swap3A_776 = arith.index_cast %swap3A_775 : i32 to index
    %swap3A_777 = arith.constant 0 : index
    %swap3A_778 = tpu.vector_load %arg8[%swap3A_776, %swap3A_777] {strides = array<i32>} : memref<128x128xi32, #tpu.memory_space<vmem>>, vector<1x16xi32>,
    %swap3A_779 = vector.shape_cast %swap3A_778 : vector<1x16xi32> to vector<16xi32>
    %swap3A_780 = vector.shape_cast %add3A_774 : vector<16xi32> to vector<1x16xi32>
    tpu.vector_store %arg8[%swap3A_776, %swap3A_777], %swap3A_780 {strides = array<i32>} : memref<128x128xi32, #tpu.memory_space<vmem>>, vector<1x16xi32>,
    %broadcast_in_dim3A_781 = arith.constant 0 : i32
    %broadcast_in_dim3A_782 = vector.broadcast %broadcast_in_dim3A_781 : i32 to vector<16xi32>
    %add3A_783 = arith.constant 65 : i32
    %add3A_784 = arith.addi %mul3A_2, %add3A_783 : i32
    %add3A_785 = vector.broadcast %add3A_784 : i32 to vector<16xi32>
    %add3A_786 = arith.addi %broadcast_in_dim3A_782, %add3A_785 : vector<16xi32>
    %swap3A_787 = arith.constant 65 : i32
    %swap3A_788 = arith.index_cast %swap3A_787 : i32 to index
    %swap3A_789 = arith.constant 0 : index
    %swap3A_790 = tpu.vector_load %arg8[%swap3A_788, %swap3A_789] {strides = array<i32>} : memref<128x128xi32, #tpu.memory_space<vmem>>, vector<1x16xi32>,
    %swap3A_791 = vector.shape_cast %swap3A_790 : vector<1x16xi32> to vector<16xi32>
    %swap3A_792 = vector.shape_cast %add3A_786 : vector<16xi32> to vector<1x16xi32>
    tpu.vector_store %arg8[%swap3A_788, %swap3A_789], %swap3A_792 {strides = array<i32>} : memref<128x128xi32, #tpu.memory_space<vmem>>, vector<1x16xi32>,
    %broadcast_in_dim3A_793 = arith.constant 0 : i32
    %broadcast_in_dim3A_794 = vector.broadcast %broadcast_in_dim3A_793 : i32 to vector<16xi32>
    %add3A_795 = arith.constant 66 : i32
    %add3A_796 = arith.addi %mul3A_2, %add3A_795 : i32
    %add3A_797 = vector.broadcast %add3A_796 : i32 to vector<16xi32>
    %add3A_798 = arith.addi %broadcast_in_dim3A_794, %add3A_797 : vector<16xi32>
    %swap3A_799 = arith.constant 66 : i32
    %swap3A_800 = arith.index_cast %swap3A_799 : i32 to index
    %swap3A_801 = arith.constant 0 : index
    %swap3A_802 = tpu.vector_load %arg8[%swap3A_800, %swap3A_801] {strides = array<i32>} : memref<128x128xi32, #tpu.memory_space<vmem>>, vector<1x16xi32>,
    %swap3A_803 = vector.shape_cast %swap3A_802 : vector<1x16xi32> to vector<16xi32>
    %swap3A_804 = vector.shape_cast %add3A_798 : vector<16xi32> to vector<1x16xi32>
    tpu.vector_store %arg8[%swap3A_800, %swap3A_801], %swap3A_804 {strides = array<i32>} : memref<128x128xi32, #tpu.memory_space<vmem>>, vector<1x16xi32>,
    %broadcast_in_dim3A_805 = arith.constant 0 : i32
    %broadcast_in_dim3A_806 = vector.broadcast %broadcast_in_dim3A_805 : i32 to vector<16xi32>
    %add3A_807 = arith.constant 67 : i32
    %add3A_808 = arith.addi %mul3A_2, %add3A_807 : i32
    %add3A_809 = vector.broadcast %add3A_808 : i32 to vector<16xi32>
    %add3A_810 = arith.addi %broadcast_in_dim3A_806, %add3A_809 : vector<16xi32>
    %swap3A_811 = arith.constant 67 : i32
    %swap3A_812 = arith.index_cast %swap3A_811 : i32 to index
    %swap3A_813 = arith.constant 0 : index
    %swap3A_814 = tpu.vector_load %arg8[%swap3A_812, %swap3A_813] {strides = array<i32>} : memref<128x128xi32, #tpu.memory_space<vmem>>, vector<1x16xi32>,
    %swap3A_815 = vector.shape_cast %swap3A_814 : vector<1x16xi32> to vector<16xi32>
    %swap3A_816 = vector.shape_cast %add3A_810 : vector<16xi32> to vector<1x16xi32>
    tpu.vector_store %arg8[%swap3A_812, %swap3A_813], %swap3A_816 {strides = array<i32>} : memref<128x128xi32, #tpu.memory_space<vmem>>, vector<1x16xi32>,
    %broadcast_in_dim3A_817 = arith.constant 0 : i32
    %broadcast_in_dim3A_818 = vector.broadcast %broadcast_in_dim3A_817 : i32 to vector<16xi32>
    %add3A_819 = arith.constant 68 : i32
    %add3A_820 = arith.addi %mul3A_2, %add3A_819 : i32
    %add3A_821 = vector.broadcast %add3A_820 : i32 to vector<16xi32>
    %add3A_822 = arith.addi %broadcast_in_dim3A_818, %add3A_821 : vector<16xi32>
    %swap3A_823 = arith.constant 68 : i32
    %swap3A_824 = arith.index_cast %swap3A_823 : i32 to index
    %swap3A_825 = arith.constant 0 : index
    %swap3A_826 = tpu.vector_load %arg8[%swap3A_824, %swap3A_825] {strides = array<i32>} : memref<128x128xi32, #tpu.memory_space<vmem>>, vector<1x16xi32>,
    %swap3A_827 = vector.shape_cast %swap3A_826 : vector<1x16xi32> to vector<16xi32>
    %swap3A_828 = vector.shape_cast %add3A_822 : vector<16xi32> to vector<1x16xi32>
    tpu.vector_store %arg8[%swap3A_824, %swap3A_825], %swap3A_828 {strides = array<i32>} : memref<128x128xi32, #tpu.memory_space<vmem>>, vector<1x16xi32>,
    %broadcast_in_dim3A_829 = arith.constant 0 : i32
    %broadcast_in_dim3A_830 = vector.broadcast %broadcast_in_dim3A_829 : i32 to vector<16xi32>
    %add3A_831 = arith.constant 69 : i32
    %add3A_832 = arith.addi %mul3A_2, %add3A_831 : i32
    %add3A_833 = vector.broadcast %add3A_832 : i32 to vector<16xi32>
    %add3A_834 = arith.addi %broadcast_in_dim3A_830, %add3A_833 : vector<16xi32>
    %swap3A_835 = arith.constant 69 : i32
    %swap3A_836 = arith.index_cast %swap3A_835 : i32 to index
    %swap3A_837 = arith.constant 0 : index
    %swap3A_838 = tpu.vector_load %arg8[%swap3A_836, %swap3A_837] {strides = array<i32>} : memref<128x128xi32, #tpu.memory_space<vmem>>, vector<1x16xi32>,
    %swap3A_839 = vector.shape_cast %swap3A_838 : vector<1x16xi32> to vector<16xi32>
    %swap3A_840 = vector.shape_cast %add3A_834 : vector<16xi32> to vector<1x16xi32>
    tpu.vector_store %arg8[%swap3A_836, %swap3A_837], %swap3A_840 {strides = array<i32>} : memref<128x128xi32, #tpu.memory_space<vmem>>, vector<1x16xi32>,
    %broadcast_in_dim3A_841 = arith.constant 0 : i32
    %broadcast_in_dim3A_842 = vector.broadcast %broadcast_in_dim3A_841 : i32 to vector<16xi32>
    %add3A_843 = arith.constant 70 : i32
    %add3A_844 = arith.addi %mul3A_2, %add3A_843 : i32
    %add3A_845 = vector.broadcast %add3A_844 : i32 to vector<16xi32>
    %add3A_846 = arith.addi %broadcast_in_dim3A_842, %add3A_845 : vector<16xi32>
    %swap3A_847 = arith.constant 70 : i32
    %swap3A_848 = arith.index_cast %swap3A_847 : i32 to index
    %swap3A_849 = arith.constant 0 : index
    %swap3A_850 = tpu.vector_load %arg8[%swap3A_848, %swap3A_849] {strides = array<i32>} : memref<128x128xi32, #tpu.memory_space<vmem>>, vector<1x16xi32>,
    %swap3A_851 = vector.shape_cast %swap3A_850 : vector<1x16xi32> to vector<16xi32>
    %swap3A_852 = vector.shape_cast %add3A_846 : vector<16xi32> to vector<1x16xi32>
    tpu.vector_store %arg8[%swap3A_848, %swap3A_849], %swap3A_852 {strides = array<i32>} : memref<128x128xi32, #tpu.memory_space<vmem>>, vector<1x16xi32>,
    %broadcast_in_dim3A_853 = arith.constant 0 : i32
    %broadcast_in_dim3A_854 = vector.broadcast %broadcast_in_dim3A_853 : i32 to vector<16xi32>
    %add3A_855 = arith.constant 71 : i32
    %add3A_856 = arith.addi %mul3A_2, %add3A_855 : i32
    %add3A_857 = vector.broadcast %add3A_856 : i32 to vector<16xi32>
    %add3A_858 = arith.addi %broadcast_in_dim3A_854, %add3A_857 : vector<16xi32>
    %swap3A_859 = arith.constant 71 : i32
    %swap3A_860 = arith.index_cast %swap3A_859 : i32 to index
    %swap3A_861 = arith.constant 0 : index
    %swap3A_862 = tpu.vector_load %arg8[%swap3A_860, %swap3A_861] {strides = array<i32>} : memref<128x128xi32, #tpu.memory_space<vmem>>, vector<1x16xi32>,
    %swap3A_863 = vector.shape_cast %swap3A_862 : vector<1x16xi32> to vector<16xi32>
    %swap3A_864 = vector.shape_cast %add3A_858 : vector<16xi32> to vector<1x16xi32>
    tpu.vector_store %arg8[%swap3A_860, %swap3A_861], %swap3A_864 {strides = array<i32>} : memref<128x128xi32, #tpu.memory_space<vmem>>, vector<1x16xi32>,
    %broadcast_in_dim3A_865 = arith.constant 0 : i32
    %broadcast_in_dim3A_866 = vector.broadcast %broadcast_in_dim3A_865 : i32 to vector<16xi32>
    %add3A_867 = arith.constant 72 : i32
    %add3A_868 = arith.addi %mul3A_2, %add3A_867 : i32
    %add3A_869 = vector.broadcast %add3A_868 : i32 to vector<16xi32>
    %add3A_870 = arith.addi %broadcast_in_dim3A_866, %add3A_869 : vector<16xi32>
    %swap3A_871 = arith.constant 72 : i32
    %swap3A_872 = arith.index_cast %swap3A_871 : i32 to index
    %swap3A_873 = arith.constant 0 : index
    %swap3A_874 = tpu.vector_load %arg8[%swap3A_872, %swap3A_873] {strides = array<i32>} : memref<128x128xi32, #tpu.memory_space<vmem>>, vector<1x16xi32>,
    %swap3A_875 = vector.shape_cast %swap3A_874 : vector<1x16xi32> to vector<16xi32>
    %swap3A_876 = vector.shape_cast %add3A_870 : vector<16xi32> to vector<1x16xi32>
    tpu.vector_store %arg8[%swap3A_872, %swap3A_873], %swap3A_876 {strides = array<i32>} : memref<128x128xi32, #tpu.memory_space<vmem>>, vector<1x16xi32>,
    %broadcast_in_dim3A_877 = arith.constant 0 : i32
    %broadcast_in_dim3A_878 = vector.broadcast %broadcast_in_dim3A_877 : i32 to vector<16xi32>
    %add3A_879 = arith.constant 73 : i32
    %add3A_880 = arith.addi %mul3A_2, %add3A_879 : i32
    %add3A_881 = vector.broadcast %add3A_880 : i32 to vector<16xi32>
    %add3A_882 = arith.addi %broadcast_in_dim3A_878, %add3A_881 : vector<16xi32>
    %swap3A_883 = arith.constant 73 : i32
    %swap3A_884 = arith.index_cast %swap3A_883 : i32 to index
    %swap3A_885 = arith.constant 0 : index
    %swap3A_886 = tpu.vector_load %arg8[%swap3A_884, %swap3A_885] {strides = array<i32>} : memref<128x128xi32, #tpu.memory_space<vmem>>, vector<1x16xi32>,
    %swap3A_887 = vector.shape_cast %swap3A_886 : vector<1x16xi32> to vector<16xi32>
    %swap3A_888 = vector.shape_cast %add3A_882 : vector<16xi32> to vector<1x16xi32>
    tpu.vector_store %arg8[%swap3A_884, %swap3A_885], %swap3A_888 {strides = array<i32>} : memref<128x128xi32, #tpu.memory_space<vmem>>, vector<1x16xi32>,
    %broadcast_in_dim3A_889 = arith.constant 0 : i32
    %broadcast_in_dim3A_890 = vector.broadcast %broadcast_in_dim3A_889 : i32 to vector<16xi32>
    %add3A_891 = arith.constant 74 : i32
    %add3A_892 = arith.addi %mul3A_2, %add3A_891 : i32
    %add3A_893 = vector.broadcast %add3A_892 : i32 to vector<16xi32>
    %add3A_894 = arith.addi %broadcast_in_dim3A_890, %add3A_893 : vector<16xi32>
    %swap3A_895 = arith.constant 74 : i32
    %swap3A_896 = arith.index_cast %swap3A_895 : i32 to index
    %swap3A_897 = arith.constant 0 : index
    %swap3A_898 = tpu.vector_load %arg8[%swap3A_896, %swap3A_897] {strides = array<i32>} : memref<128x128xi32, #tpu.memory_space<vmem>>, vector<1x16xi32>,
    %swap3A_899 = vector.shape_cast %swap3A_898 : vector<1x16xi32> to vector<16xi32>
    %swap3A_900 = vector.shape_cast %add3A_894 : vector<16xi32> to vector<1x16xi32>
    tpu.vector_store %arg8[%swap3A_896, %swap3A_897], %swap3A_900 {strides = array<i32>} : memref<128x128xi32, #tpu.memory_space<vmem>>, vector<1x16xi32>,
    %broadcast_in_dim3A_901 = arith.constant 0 : i32
    %broadcast_in_dim3A_902 = vector.broadcast %broadcast_in_dim3A_901 : i32 to vector<16xi32>
    %add3A_903 = arith.constant 75 : i32
    %add3A_904 = arith.addi %mul3A_2, %add3A_903 : i32
    %add3A_905 = vector.broadcast %add3A_904 : i32 to vector<16xi32>
    %add3A_906 = arith.addi %broadcast_in_dim3A_902, %add3A_905 : vector<16xi32>
    %swap3A_907 = arith.constant 75 : i32
    %swap3A_908 = arith.index_cast %swap3A_907 : i32 to index
    %swap3A_909 = arith.constant 0 : index
    %swap3A_910 = tpu.vector_load %arg8[%swap3A_908, %swap3A_909] {strides = array<i32>} : memref<128x128xi32, #tpu.memory_space<vmem>>, vector<1x16xi32>,
    %swap3A_911 = vector.shape_cast %swap3A_910 : vector<1x16xi32> to vector<16xi32>
    %swap3A_912 = vector.shape_cast %add3A_906 : vector<16xi32> to vector<1x16xi32>
    tpu.vector_store %arg8[%swap3A_908, %swap3A_909], %swap3A_912 {strides = array<i32>} : memref<128x128xi32, #tpu.memory_space<vmem>>, vector<1x16xi32>,
    %broadcast_in_dim3A_913 = arith.constant 0 : i32
    %broadcast_in_dim3A_914 = vector.broadcast %broadcast_in_dim3A_913 : i32 to vector<16xi32>
    %add3A_915 = arith.constant 76 : i32
    %add3A_916 = arith.addi %mul3A_2, %add3A_915 : i32
    %add3A_917 = vector.broadcast %add3A_916 : i32 to vector<16xi32>
    %add3A_918 = arith.addi %broadcast_in_dim3A_914, %add3A_917 : vector<16xi32>
    %swap3A_919 = arith.constant 76 : i32
    %swap3A_920 = arith.index_cast %swap3A_919 : i32 to index
    %swap3A_921 = arith.constant 0 : index
    %swap3A_922 = tpu.vector_load %arg8[%swap3A_920, %swap3A_921] {strides = array<i32>} : memref<128x128xi32, #tpu.memory_space<vmem>>, vector<1x16xi32>,
    %swap3A_923 = vector.shape_cast %swap3A_922 : vector<1x16xi32> to vector<16xi32>
    %swap3A_924 = vector.shape_cast %add3A_918 : vector<16xi32> to vector<1x16xi32>
    tpu.vector_store %arg8[%swap3A_920, %swap3A_921], %swap3A_924 {strides = array<i32>} : memref<128x128xi32, #tpu.memory_space<vmem>>, vector<1x16xi32>,
    %broadcast_in_dim3A_925 = arith.constant 0 : i32
    %broadcast_in_dim3A_926 = vector.broadcast %broadcast_in_dim3A_925 : i32 to vector<16xi32>
    %add3A_927 = arith.constant 77 : i32
    %add3A_928 = arith.addi %mul3A_2, %add3A_927 : i32
    %add3A_929 = vector.broadcast %add3A_928 : i32 to vector<16xi32>
    %add3A_930 = arith.addi %broadcast_in_dim3A_926, %add3A_929 : vector<16xi32>
    %swap3A_931 = arith.constant 77 : i32
    %swap3A_932 = arith.index_cast %swap3A_931 : i32 to index
    %swap3A_933 = arith.constant 0 : index
    %swap3A_934 = tpu.vector_load %arg8[%swap3A_932, %swap3A_933] {strides = array<i32>} : memref<128x128xi32, #tpu.memory_space<vmem>>, vector<1x16xi32>,
    %swap3A_935 = vector.shape_cast %swap3A_934 : vector<1x16xi32> to vector<16xi32>
    %swap3A_936 = vector.shape_cast %add3A_930 : vector<16xi32> to vector<1x16xi32>
    tpu.vector_store %arg8[%swap3A_932, %swap3A_933], %swap3A_936 {strides = array<i32>} : memref<128x128xi32, #tpu.memory_space<vmem>>, vector<1x16xi32>,
    %broadcast_in_dim3A_937 = arith.constant 0 : i32
    %broadcast_in_dim3A_938 = vector.broadcast %broadcast_in_dim3A_937 : i32 to vector<16xi32>
    %add3A_939 = arith.constant 78 : i32
    %add3A_940 = arith.addi %mul3A_2, %add3A_939 : i32
    %add3A_941 = vector.broadcast %add3A_940 : i32 to vector<16xi32>
    %add3A_942 = arith.addi %broadcast_in_dim3A_938, %add3A_941 : vector<16xi32>
    %swap3A_943 = arith.constant 78 : i32
    %swap3A_944 = arith.index_cast %swap3A_943 : i32 to index
    %swap3A_945 = arith.constant 0 : index
    %swap3A_946 = tpu.vector_load %arg8[%swap3A_944, %swap3A_945] {strides = array<i32>} : memref<128x128xi32, #tpu.memory_space<vmem>>, vector<1x16xi32>,
    %swap3A_947 = vector.shape_cast %swap3A_946 : vector<1x16xi32> to vector<16xi32>
    %swap3A_948 = vector.shape_cast %add3A_942 : vector<16xi32> to vector<1x16xi32>
    tpu.vector_store %arg8[%swap3A_944, %swap3A_945], %swap3A_948 {strides = array<i32>} : memref<128x128xi32, #tpu.memory_space<vmem>>, vector<1x16xi32>,
    %broadcast_in_dim3A_949 = arith.constant 0 : i32
    %broadcast_in_dim3A_950 = vector.broadcast %broadcast_in_dim3A_949 : i32 to vector<16xi32>
    %add3A_951 = arith.constant 79 : i32
    %add3A_952 = arith.addi %mul3A_2, %add3A_951 : i32
    %add3A_953 = vector.broadcast %add3A_952 : i32 to vector<16xi32>
    %add3A_954 = arith.addi %broadcast_in_dim3A_950, %add3A_953 : vector<16xi32>
    %swap3A_955 = arith.constant 79 : i32
    %swap3A_956 = arith.index_cast %swap3A_955 : i32 to index
    %swap3A_957 = arith.constant 0 : index
    %swap3A_958 = tpu.vector_load %arg8[%swap3A_956, %swap3A_957] {strides = array<i32>} : memref<128x128xi32, #tpu.memory_space<vmem>>, vector<1x16xi32>,
    %swap3A_959 = vector.shape_cast %swap3A_958 : vector<1x16xi32> to vector<16xi32>
    %swap3A_960 = vector.shape_cast %add3A_954 : vector<16xi32> to vector<1x16xi32>
    tpu.vector_store %arg8[%swap3A_956, %swap3A_957], %swap3A_960 {strides = array<i32>} : memref<128x128xi32, #tpu.memory_space<vmem>>, vector<1x16xi32>,
    %broadcast_in_dim3A_961 = arith.constant 0 : i32
    %broadcast_in_dim3A_962 = vector.broadcast %broadcast_in_dim3A_961 : i32 to vector<16xi32>
    %add3A_963 = arith.constant 80 : i32
    %add3A_964 = arith.addi %mul3A_2, %add3A_963 : i32
    %add3A_965 = vector.broadcast %add3A_964 : i32 to vector<16xi32>
    %add3A_966 = arith.addi %broadcast_in_dim3A_962, %add3A_965 : vector<16xi32>
    %swap3A_967 = arith.constant 80 : i32
    %swap3A_968 = arith.index_cast %swap3A_967 : i32 to index
    %swap3A_969 = arith.constant 0 : index
    %swap3A_970 = tpu.vector_load %arg8[%swap3A_968, %swap3A_969] {strides = array<i32>} : memref<128x128xi32, #tpu.memory_space<vmem>>, vector<1x16xi32>,
    %swap3A_971 = vector.shape_cast %swap3A_970 : vector<1x16xi32> to vector<16xi32>
    %swap3A_972 = vector.shape_cast %add3A_966 : vector<16xi32> to vector<1x16xi32>
    tpu.vector_store %arg8[%swap3A_968, %swap3A_969], %swap3A_972 {strides = array<i32>} : memref<128x128xi32, #tpu.memory_space<vmem>>, vector<1x16xi32>,
    %broadcast_in_dim3A_973 = arith.constant 0 : i32
    %broadcast_in_dim3A_974 = vector.broadcast %broadcast_in_dim3A_973 : i32 to vector<16xi32>
    %add3A_975 = arith.constant 81 : i32
    %add3A_976 = arith.addi %mul3A_2, %add3A_975 : i32
    %add3A_977 = vector.broadcast %add3A_976 : i32 to vector<16xi32>
    %add3A_978 = arith.addi %broadcast_in_dim3A_974, %add3A_977 : vector<16xi32>
    %swap3A_979 = arith.constant 81 : i32
    %swap3A_980 = arith.index_cast %swap3A_979 : i32 to index
    %swap3A_981 = arith.constant 0 : index
    %swap3A_982 = tpu.vector_load %arg8[%swap3A_980, %swap3A_981] {strides = array<i32>} : memref<128x128xi32, #tpu.memory_space<vmem>>, vector<1x16xi32>,
    %swap3A_983 = vector.shape_cast %swap3A_982 : vector<1x16xi32> to vector<16xi32>
    %swap3A_984 = vector.shape_cast %add3A_978 : vector<16xi32> to vector<1x16xi32>
    tpu.vector_store %arg8[%swap3A_980, %swap3A_981], %swap3A_984 {strides = array<i32>} : memref<128x128xi32, #tpu.memory_space<vmem>>, vector<1x16xi32>,
    %broadcast_in_dim3A_985 = arith.constant 0 : i32
    %broadcast_in_dim3A_986 = vector.broadcast %broadcast_in_dim3A_985 : i32 to vector<16xi32>
    %add3A_987 = arith.constant 82 : i32
    %add3A_988 = arith.addi %mul3A_2, %add3A_987 : i32
    %add3A_989 = vector.broadcast %add3A_988 : i32 to vector<16xi32>
    %add3A_990 = arith.addi %broadcast_in_dim3A_986, %add3A_989 : vector<16xi32>
    %swap3A_991 = arith.constant 82 : i32
    %swap3A_992 = arith.index_cast %swap3A_991 : i32 to index
    %swap3A_993 = arith.constant 0 : index
    %swap3A_994 = tpu.vector_load %arg8[%swap3A_992, %swap3A_993] {strides = array<i32>} : memref<128x128xi32, #tpu.memory_space<vmem>>, vector<1x16xi32>,
    %swap3A_995 = vector.shape_cast %swap3A_994 : vector<1x16xi32> to vector<16xi32>
    %swap3A_996 = vector.shape_cast %add3A_990 : vector<16xi32> to vector<1x16xi32>
    tpu.vector_store %arg8[%swap3A_992, %swap3A_993], %swap3A_996 {strides = array<i32>} : memref<128x128xi32, #tpu.memory_space<vmem>>, vector<1x16xi32>,
    %broadcast_in_dim3A_997 = arith.constant 0 : i32
    %broadcast_in_dim3A_998 = vector.broadcast %broadcast_in_dim3A_997 : i32 to vector<16xi32>
    %add3A_999 = arith.constant 83 : i32
    %add3A_1000 = arith.addi %mul3A_2, %add3A_999 : i32
    %add3A_1001 = vector.broadcast %add3A_1000 : i32 to vector<16xi32>
    %add3A_1002 = arith.addi %broadcast_in_dim3A_998, %add3A_1001 : vector<16xi32>
    %swap3A_1003 = arith.constant 83 : i32
    %swap3A_1004 = arith.index_cast %swap3A_1003 : i32 to index
    %swap3A_1005 = arith.constant 0 : index
    %swap3A_1006 = tpu.vector_load %arg8[%swap3A_1004, %swap3A_1005] {strides = array<i32>} : memref<128x128xi32, #tpu.memory_space<vmem>>, vector<1x16xi32>,
    %swap3A_1007 = vector.shape_cast %swap3A_1006 : vector<1x16xi32> to vector<16xi32>
    %swap3A_1008 = vector.shape_cast %add3A_1002 : vector<16xi32> to vector<1x16xi32>
    tpu.vector_store %arg8[%swap3A_1004, %swap3A_1005], %swap3A_1008 {strides = array<i32>} : memref<128x128xi32, #tpu.memory_space<vmem>>, vector<1x16xi32>,
    %broadcast_in_dim3A_1009 = arith.constant 0 : i32
    %broadcast_in_dim3A_1010 = vector.broadcast %broadcast_in_dim3A_1009 : i32 to vector<16xi32>
    %add3A_1011 = arith.constant 84 : i32
    %add3A_1012 = arith.addi %mul3A_2, %add3A_1011 : i32
    %add3A_1013 = vector.broadcast %add3A_1012 : i32 to vector<16xi32>
    %add3A_1014 = arith.addi %broadcast_in_dim3A_1010, %add3A_1013 : vector<16xi32>
    %swap3A_1015 = arith.constant 84 : i32
    %swap3A_1016 = arith.index_cast %swap3A_1015 : i32 to index
    %swap3A_1017 = arith.constant 0 : index
    %swap3A_1018 = tpu.vector_load %arg8[%swap3A_1016, %swap3A_1017] {strides = array<i32>} : memref<128x128xi32, #tpu.memory_space<vmem>>, vector<1x16xi32>,
    %swap3A_1019 = vector.shape_cast %swap3A_1018 : vector<1x16xi32> to vector<16xi32>
    %swap3A_1020 = vector.shape_cast %add3A_1014 : vector<16xi32> to vector<1x16xi32>
    tpu.vector_store %arg8[%swap3A_1016, %swap3A_1017], %swap3A_1020 {strides = array<i32>} : memref<128x128xi32, #tpu.memory_space<vmem>>, vector<1x16xi32>,
    %broadcast_in_dim3A_1021 = arith.constant 0 : i32
    %broadcast_in_dim3A_1022 = vector.broadcast %broadcast_in_dim3A_1021 : i32 to vector<16xi32>
    %add3A_1023 = arith.constant 85 : i32
    %add3A_1024 = arith.addi %mul3A_2, %add3A_1023 : i32
    %add3A_1025 = vector.broadcast %add3A_1024 : i32 to vector<16xi32>
    %add3A_1026 = arith.addi %broadcast_in_dim3A_1022, %add3A_1025 : vector<16xi32>
    %swap3A_1027 = arith.constant 85 : i32
    %swap3A_1028 = arith.index_cast %swap3A_1027 : i32 to index
    %swap3A_1029 = arith.constant 0 : index
    %swap3A_1030 = tpu.vector_load %arg8[%swap3A_1028, %swap3A_1029] {strides = array<i32>} : memref<128x128xi32, #tpu.memory_space<vmem>>, vector<1x16xi32>,
    %swap3A_1031 = vector.shape_cast %swap3A_1030 : vector<1x16xi32> to vector<16xi32>
    %swap3A_1032 = vector.shape_cast %add3A_1026 : vector<16xi32> to vector<1x16xi32>
    tpu.vector_store %arg8[%swap3A_1028, %swap3A_1029], %swap3A_1032 {strides = array<i32>} : memref<128x128xi32, #tpu.memory_space<vmem>>, vector<1x16xi32>,
    %broadcast_in_dim3A_1033 = arith.constant 0 : i32
    %broadcast_in_dim3A_1034 = vector.broadcast %broadcast_in_dim3A_1033 : i32 to vector<16xi32>
    %add3A_1035 = arith.constant 86 : i32
    %add3A_1036 = arith.addi %mul3A_2, %add3A_1035 : i32
    %add3A_1037 = vector.broadcast %add3A_1036 : i32 to vector<16xi32>
    %add3A_1038 = arith.addi %broadcast_in_dim3A_1034, %add3A_1037 : vector<16xi32>
    %swap3A_1039 = arith.constant 86 : i32
    %swap3A_1040 = arith.index_cast %swap3A_1039 : i32 to index
    %swap3A_1041 = arith.constant 0 : index
    %swap3A_1042 = tpu.vector_load %arg8[%swap3A_1040, %swap3A_1041] {strides = array<i32>} : memref<128x128xi32, #tpu.memory_space<vmem>>, vector<1x16xi32>,
    %swap3A_1043 = vector.shape_cast %swap3A_1042 : vector<1x16xi32> to vector<16xi32>
    %swap3A_1044 = vector.shape_cast %add3A_1038 : vector<16xi32> to vector<1x16xi32>
    tpu.vector_store %arg8[%swap3A_1040, %swap3A_1041], %swap3A_1044 {strides = array<i32>} : memref<128x128xi32, #tpu.memory_space<vmem>>, vector<1x16xi32>,
    %broadcast_in_dim3A_1045 = arith.constant 0 : i32
    %broadcast_in_dim3A_1046 = vector.broadcast %broadcast_in_dim3A_1045 : i32 to vector<16xi32>
    %add3A_1047 = arith.constant 87 : i32
    %add3A_1048 = arith.addi %mul3A_2, %add3A_1047 : i32
    %add3A_1049 = vector.broadcast %add3A_1048 : i32 to vector<16xi32>
    %add3A_1050 = arith.addi %broadcast_in_dim3A_1046, %add3A_1049 : vector<16xi32>
    %swap3A_1051 = arith.constant 87 : i32
    %swap3A_1052 = arith.index_cast %swap3A_1051 : i32 to index
    %swap3A_1053 = arith.constant 0 : index
    %swap3A_1054 = tpu.vector_load %arg8[%swap3A_1052, %swap3A_1053] {strides = array<i32>} : memref<128x128xi32, #tpu.memory_space<vmem>>, vector<1x16xi32>,
    %swap3A_1055 = vector.shape_cast %swap3A_1054 : vector<1x16xi32> to vector<16xi32>
    %swap3A_1056 = vector.shape_cast %add3A_1050 : vector<16xi32> to vector<1x16xi32>
    tpu.vector_store %arg8[%swap3A_1052, %swap3A_1053], %swap3A_1056 {strides = array<i32>} : memref<128x128xi32, #tpu.memory_space<vmem>>, vector<1x16xi32>,
    %broadcast_in_dim3A_1057 = arith.constant 0 : i32
    %broadcast_in_dim3A_1058 = vector.broadcast %broadcast_in_dim3A_1057 : i32 to vector<16xi32>
    %add3A_1059 = arith.constant 88 : i32
    %add3A_1060 = arith.addi %mul3A_2, %add3A_1059 : i32
    %add3A_1061 = vector.broadcast %add3A_1060 : i32 to vector<16xi32>
    %add3A_1062 = arith.addi %broadcast_in_dim3A_1058, %add3A_1061 : vector<16xi32>
    %swap3A_1063 = arith.constant 88 : i32
    %swap3A_1064 = arith.index_cast %swap3A_1063 : i32 to index
    %swap3A_1065 = arith.constant 0 : index
    %swap3A_1066 = tpu.vector_load %arg8[%swap3A_1064, %swap3A_1065] {strides = array<i32>} : memref<128x128xi32, #tpu.memory_space<vmem>>, vector<1x16xi32>,
    %swap3A_1067 = vector.shape_cast %swap3A_1066 : vector<1x16xi32> to vector<16xi32>
    %swap3A_1068 = vector.shape_cast %add3A_1062 : vector<16xi32> to vector<1x16xi32>
    tpu.vector_store %arg8[%swap3A_1064, %swap3A_1065], %swap3A_1068 {strides = array<i32>} : memref<128x128xi32, #tpu.memory_space<vmem>>, vector<1x16xi32>,
    %broadcast_in_dim3A_1069 = arith.constant 0 : i32
    %broadcast_in_dim3A_1070 = vector.broadcast %broadcast_in_dim3A_1069 : i32 to vector<16xi32>
    %add3A_1071 = arith.constant 89 : i32
    %add3A_1072 = arith.addi %mul3A_2, %add3A_1071 : i32
    %add3A_1073 = vector.broadcast %add3A_1072 : i32 to vector<16xi32>
    %add3A_1074 = arith.addi %broadcast_in_dim3A_1070, %add3A_1073 : vector<16xi32>
    %swap3A_1075 = arith.constant 89 : i32
    %swap3A_1076 = arith.index_cast %swap3A_1075 : i32 to index
    %swap3A_1077 = arith.constant 0 : index
    %swap3A_1078 = tpu.vector_load %arg8[%swap3A_1076, %swap3A_1077] {strides = array<i32>} : memref<128x128xi32, #tpu.memory_space<vmem>>, vector<1x16xi32>,
    %swap3A_1079 = vector.shape_cast %swap3A_1078 : vector<1x16xi32> to vector<16xi32>
    %swap3A_1080 = vector.shape_cast %add3A_1074 : vector<16xi32> to vector<1x16xi32>
    tpu.vector_store %arg8[%swap3A_1076, %swap3A_1077], %swap3A_1080 {strides = array<i32>} : memref<128x128xi32, #tpu.memory_space<vmem>>, vector<1x16xi32>,
    %broadcast_in_dim3A_1081 = arith.constant 0 : i32
    %broadcast_in_dim3A_1082 = vector.broadcast %broadcast_in_dim3A_1081 : i32 to vector<16xi32>
    %add3A_1083 = arith.constant 90 : i32
    %add3A_1084 = arith.addi %mul3A_2, %add3A_1083 : i32
    %add3A_1085 = vector.broadcast %add3A_1084 : i32 to vector<16xi32>
    %add3A_1086 = arith.addi %broadcast_in_dim3A_1082, %add3A_1085 : vector<16xi32>
    %swap3A_1087 = arith.constant 90 : i32
    %swap3A_1088 = arith.index_cast %swap3A_1087 : i32 to index
    %swap3A_1089 = arith.constant 0 : index
    %swap3A_1090 = tpu.vector_load %arg8[%swap3A_1088, %swap3A_1089] {strides = array<i32>} : memref<128x128xi32, #tpu.memory_space<vmem>>, vector<1x16xi32>,
    %swap3A_1091 = vector.shape_cast %swap3A_1090 : vector<1x16xi32> to vector<16xi32>
    %swap3A_1092 = vector.shape_cast %add3A_1086 : vector<16xi32> to vector<1x16xi32>
    tpu.vector_store %arg8[%swap3A_1088, %swap3A_1089], %swap3A_1092 {strides = array<i32>} : memref<128x128xi32, #tpu.memory_space<vmem>>, vector<1x16xi32>,
    %broadcast_in_dim3A_1093 = arith.constant 0 : i32
    %broadcast_in_dim3A_1094 = vector.broadcast %broadcast_in_dim3A_1093 : i32 to vector<16xi32>
    %add3A_1095 = arith.constant 91 : i32
    %add3A_1096 = arith.addi %mul3A_2, %add3A_1095 : i32
    %add3A_1097 = vector.broadcast %add3A_1096 : i32 to vector<16xi32>
    %add3A_1098 = arith.addi %broadcast_in_dim3A_1094, %add3A_1097 : vector<16xi32>
    %swap3A_1099 = arith.constant 91 : i32
    %swap3A_1100 = arith.index_cast %swap3A_1099 : i32 to index
    %swap3A_1101 = arith.constant 0 : index
    %swap3A_1102 = tpu.vector_load %arg8[%swap3A_1100, %swap3A_1101] {strides = array<i32>} : memref<128x128xi32, #tpu.memory_space<vmem>>, vector<1x16xi32>,
    %swap3A_1103 = vector.shape_cast %swap3A_1102 : vector<1x16xi32> to vector<16xi32>
    %swap3A_1104 = vector.shape_cast %add3A_1098 : vector<16xi32> to vector<1x16xi32>
    tpu.vector_store %arg8[%swap3A_1100, %swap3A_1101], %swap3A_1104 {strides = array<i32>} : memref<128x128xi32, #tpu.memory_space<vmem>>, vector<1x16xi32>,
    %broadcast_in_dim3A_1105 = arith.constant 0 : i32
    %broadcast_in_dim3A_1106 = vector.broadcast %broadcast_in_dim3A_1105 : i32 to vector<16xi32>
    %add3A_1107 = arith.constant 92 : i32
    %add3A_1108 = arith.addi %mul3A_2, %add3A_1107 : i32
    %add3A_1109 = vector.broadcast %add3A_1108 : i32 to vector<16xi32>
    %add3A_1110 = arith.addi %broadcast_in_dim3A_1106, %add3A_1109 : vector<16xi32>
    %swap3A_1111 = arith.constant 92 : i32
    %swap3A_1112 = arith.index_cast %swap3A_1111 : i32 to index
    %swap3A_1113 = arith.constant 0 : index
    %swap3A_1114 = tpu.vector_load %arg8[%swap3A_1112, %swap3A_1113] {strides = array<i32>} : memref<128x128xi32, #tpu.memory_space<vmem>>, vector<1x16xi32>,
    %swap3A_1115 = vector.shape_cast %swap3A_1114 : vector<1x16xi32> to vector<16xi32>
    %swap3A_1116 = vector.shape_cast %add3A_1110 : vector<16xi32> to vector<1x16xi32>
    tpu.vector_store %arg8[%swap3A_1112, %swap3A_1113], %swap3A_1116 {strides = array<i32>} : memref<128x128xi32, #tpu.memory_space<vmem>>, vector<1x16xi32>,
    %broadcast_in_dim3A_1117 = arith.constant 0 : i32
    %broadcast_in_dim3A_1118 = vector.broadcast %broadcast_in_dim3A_1117 : i32 to vector<16xi32>
    %add3A_1119 = arith.constant 93 : i32
    %add3A_1120 = arith.addi %mul3A_2, %add3A_1119 : i32
    %add3A_1121 = vector.broadcast %add3A_1120 : i32 to vector<16xi32>
    %add3A_1122 = arith.addi %broadcast_in_dim3A_1118, %add3A_1121 : vector<16xi32>
    %swap3A_1123 = arith.constant 93 : i32
    %swap3A_1124 = arith.index_cast %swap3A_1123 : i32 to index
    %swap3A_1125 = arith.constant 0 : index
    %swap3A_1126 = tpu.vector_load %arg8[%swap3A_1124, %swap3A_1125] {strides = array<i32>} : memref<128x128xi32, #tpu.memory_space<vmem>>, vector<1x16xi32>,
    %swap3A_1127 = vector.shape_cast %swap3A_1126 : vector<1x16xi32> to vector<16xi32>
    %swap3A_1128 = vector.shape_cast %add3A_1122 : vector<16xi32> to vector<1x16xi32>
    tpu.vector_store %arg8[%swap3A_1124, %swap3A_1125], %swap3A_1128 {strides = array<i32>} : memref<128x128xi32, #tpu.memory_space<vmem>>, vector<1x16xi32>,
    %broadcast_in_dim3A_1129 = arith.constant 0 : i32
    %broadcast_in_dim3A_1130 = vector.broadcast %broadcast_in_dim3A_1129 : i32 to vector<16xi32>
    %add3A_1131 = arith.constant 94 : i32
    %add3A_1132 = arith.addi %mul3A_2, %add3A_1131 : i32
    %add3A_1133 = vector.broadcast %add3A_1132 : i32 to vector<16xi32>
    %add3A_1134 = arith.addi %broadcast_in_dim3A_1130, %add3A_1133 : vector<16xi32>
    %swap3A_1135 = arith.constant 94 : i32
    %swap3A_1136 = arith.index_cast %swap3A_1135 : i32 to index
    %swap3A_1137 = arith.constant 0 : index
    %swap3A_1138 = tpu.vector_load %arg8[%swap3A_1136, %swap3A_1137] {strides = array<i32>} : memref<128x128xi32, #tpu.memory_space<vmem>>, vector<1x16xi32>,
    %swap3A_1139 = vector.shape_cast %swap3A_1138 : vector<1x16xi32> to vector<16xi32>
    %swap3A_1140 = vector.shape_cast %add3A_1134 : vector<16xi32> to vector<1x16xi32>
    tpu.vector_store %arg8[%swap3A_1136, %swap3A_1137], %swap3A_1140 {strides = array<i32>} : memref<128x128xi32, #tpu.memory_space<vmem>>, vector<1x16xi32>,
    %broadcast_in_dim3A_1141 = arith.constant 0 : i32
    %broadcast_in_dim3A_1142 = vector.broadcast %broadcast_in_dim3A_1141 : i32 to vector<16xi32>
    %add3A_1143 = arith.constant 95 : i32
    %add3A_1144 = arith.addi %mul3A_2, %add3A_1143 : i32
    %add3A_1145 = vector.broadcast %add3A_1144 : i32 to vector<16xi32>
    %add3A_1146 = arith.addi %broadcast_in_dim3A_1142, %add3A_1145 : vector<16xi32>
    %swap3A_1147 = arith.constant 95 : i32
    %swap3A_1148 = arith.index_cast %swap3A_1147 : i32 to index
    %swap3A_1149 = arith.constant 0 : index
    %swap3A_1150 = tpu.vector_load %arg8[%swap3A_1148, %swap3A_1149] {strides = array<i32>} : memref<128x128xi32, #tpu.memory_space<vmem>>, vector<1x16xi32>,
    %swap3A_1151 = vector.shape_cast %swap3A_1150 : vector<1x16xi32> to vector<16xi32>
    %swap3A_1152 = vector.shape_cast %add3A_1146 : vector<16xi32> to vector<1x16xi32>
    tpu.vector_store %arg8[%swap3A_1148, %swap3A_1149], %swap3A_1152 {strides = array<i32>} : memref<128x128xi32, #tpu.memory_space<vmem>>, vector<1x16xi32>,
    %broadcast_in_dim3A_1153 = arith.constant 0 : i32
    %broadcast_in_dim3A_1154 = vector.broadcast %broadcast_in_dim3A_1153 : i32 to vector<16xi32>
    %add3A_1155 = arith.constant 96 : i32
    %add3A_1156 = arith.addi %mul3A_2, %add3A_1155 : i32
    %add3A_1157 = vector.broadcast %add3A_1156 : i32 to vector<16xi32>
    %add3A_1158 = arith.addi %broadcast_in_dim3A_1154, %add3A_1157 : vector<16xi32>
    %swap3A_1159 = arith.constant 96 : i32
    %swap3A_1160 = arith.index_cast %swap3A_1159 : i32 to index
    %swap3A_1161 = arith.constant 0 : index
    %swap3A_1162 = tpu.vector_load %arg8[%swap3A_1160, %swap3A_1161] {strides = array<i32>} : memref<128x128xi32, #tpu.memory_space<vmem>>, vector<1x16xi32>,
    %swap3A_1163 = vector.shape_cast %swap3A_1162 : vector<1x16xi32> to vector<16xi32>
    %swap3A_1164 = vector.shape_cast %add3A_1158 : vector<16xi32> to vector<1x16xi32>
    tpu.vector_store %arg8[%swap3A_1160, %swap3A_1161], %swap3A_1164 {strides = array<i32>} : memref<128x128xi32, #tpu.memory_space<vmem>>, vector<1x16xi32>,
    %broadcast_in_dim3A_1165 = arith.constant 0 : i32
    %broadcast_in_dim3A_1166 = vector.broadcast %broadcast_in_dim3A_1165 : i32 to vector<16xi32>
    %add3A_1167 = arith.constant 97 : i32
    %add3A_1168 = arith.addi %mul3A_2, %add3A_1167 : i32
    %add3A_1169 = vector.broadcast %add3A_1168 : i32 to vector<16xi32>
    %add3A_1170 = arith.addi %broadcast_in_dim3A_1166, %add3A_1169 : vector<16xi32>
    %swap3A_1171 = arith.constant 97 : i32
    %swap3A_1172 = arith.index_cast %swap3A_1171 : i32 to index
    %swap3A_1173 = arith.constant 0 : index
    %swap3A_1174 = tpu.vector_load %arg8[%swap3A_1172, %swap3A_1173] {strides = array<i32>} : memref<128x128xi32, #tpu.memory_space<vmem>>, vector<1x16xi32>,
    %swap3A_1175 = vector.shape_cast %swap3A_1174 : vector<1x16xi32> to vector<16xi32>
    %swap3A_1176 = vector.shape_cast %add3A_1170 : vector<16xi32> to vector<1x16xi32>
    tpu.vector_store %arg8[%swap3A_1172, %swap3A_1173], %swap3A_1176 {strides = array<i32>} : memref<128x128xi32, #tpu.memory_space<vmem>>, vector<1x16xi32>,
    %broadcast_in_dim3A_1177 = arith.constant 0 : i32
    %broadcast_in_dim3A_1178 = vector.broadcast %broadcast_in_dim3A_1177 : i32 to vector<16xi32>
    %add3A_1179 = arith.constant 98 : i32
    %add3A_1180 = arith.addi %mul3A_2, %add3A_1179 : i32
    %add3A_1181 = vector.broadcast %add3A_1180 : i32 to vector<16xi32>
    %add3A_1182 = arith.addi %broadcast_in_dim3A_1178, %add3A_1181 : vector<16xi32>
    %swap3A_1183 = arith.constant 98 : i32
    %swap3A_1184 = arith.index_cast %swap3A_1183 : i32 to index
    %swap3A_1185 = arith.constant 0 : index
    %swap3A_1186 = tpu.vector_load %arg8[%swap3A_1184, %swap3A_1185] {strides = array<i32>} : memref<128x128xi32, #tpu.memory_space<vmem>>, vector<1x16xi32>,
    %swap3A_1187 = vector.shape_cast %swap3A_1186 : vector<1x16xi32> to vector<16xi32>
    %swap3A_1188 = vector.shape_cast %add3A_1182 : vector<16xi32> to vector<1x16xi32>
    tpu.vector_store %arg8[%swap3A_1184, %swap3A_1185], %swap3A_1188 {strides = array<i32>} : memref<128x128xi32, #tpu.memory_space<vmem>>, vector<1x16xi32>,
    %broadcast_in_dim3A_1189 = arith.constant 0 : i32
    %broadcast_in_dim3A_1190 = vector.broadcast %broadcast_in_dim3A_1189 : i32 to vector<16xi32>
    %add3A_1191 = arith.constant 99 : i32
    %add3A_1192 = arith.addi %mul3A_2, %add3A_1191 : i32
    %add3A_1193 = vector.broadcast %add3A_1192 : i32 to vector<16xi32>
    %add3A_1194 = arith.addi %broadcast_in_dim3A_1190, %add3A_1193 : vector<16xi32>
    %swap3A_1195 = arith.constant 99 : i32
    %swap3A_1196 = arith.index_cast %swap3A_1195 : i32 to index
    %swap3A_1197 = arith.constant 0 : index
    %swap3A_1198 = tpu.vector_load %arg8[%swap3A_1196, %swap3A_1197] {strides = array<i32>} : memref<128x128xi32, #tpu.memory_space<vmem>>, vector<1x16xi32>,
    %swap3A_1199 = vector.shape_cast %swap3A_1198 : vector<1x16xi32> to vector<16xi32>
    %swap3A_1200 = vector.shape_cast %add3A_1194 : vector<16xi32> to vector<1x16xi32>
    tpu.vector_store %arg8[%swap3A_1196, %swap3A_1197], %swap3A_1200 {strides = array<i32>} : memref<128x128xi32, #tpu.memory_space<vmem>>, vector<1x16xi32>,
    %broadcast_in_dim3A_1201 = arith.constant 0 : i32
    %broadcast_in_dim3A_1202 = vector.broadcast %broadcast_in_dim3A_1201 : i32 to vector<16xi32>
    %add3A_1203 = arith.constant 100 : i32
    %add3A_1204 = arith.addi %mul3A_2, %add3A_1203 : i32
    %add3A_1205 = vector.broadcast %add3A_1204 : i32 to vector<16xi32>
    %add3A_1206 = arith.addi %broadcast_in_dim3A_1202, %add3A_1205 : vector<16xi32>
    %swap3A_1207 = arith.constant 100 : i32
    %swap3A_1208 = arith.index_cast %swap3A_1207 : i32 to index
    %swap3A_1209 = arith.constant 0 : index
    %swap3A_1210 = tpu.vector_load %arg8[%swap3A_1208, %swap3A_1209] {strides = array<i32>} : memref<128x128xi32, #tpu.memory_space<vmem>>, vector<1x16xi32>,
    %swap3A_1211 = vector.shape_cast %swap3A_1210 : vector<1x16xi32> to vector<16xi32>
    %swap3A_1212 = vector.shape_cast %add3A_1206 : vector<16xi32> to vector<1x16xi32>
    tpu.vector_store %arg8[%swap3A_1208, %swap3A_1209], %swap3A_1212 {strides = array<i32>} : memref<128x128xi32, #tpu.memory_space<vmem>>, vector<1x16xi32>,
    %broadcast_in_dim3A_1213 = arith.constant 0 : i32
    %broadcast_in_dim3A_1214 = vector.broadcast %broadcast_in_dim3A_1213 : i32 to vector<16xi32>
    %add3A_1215 = arith.constant 101 : i32
    %add3A_1216 = arith.addi %mul3A_2, %add3A_1215 : i32
    %add3A_1217 = vector.broadcast %add3A_1216 : i32 to vector<16xi32>
    %add3A_1218 = arith.addi %broadcast_in_dim3A_1214, %add3A_1217 : vector<16xi32>
    %swap3A_1219 = arith.constant 101 : i32
    %swap3A_1220 = arith.index_cast %swap3A_1219 : i32 to index
    %swap3A_1221 = arith.constant 0 : index
    %swap3A_1222 = tpu.vector_load %arg8[%swap3A_1220, %swap3A_1221] {strides = array<i32>} : memref<128x128xi32, #tpu.memory_space<vmem>>, vector<1x16xi32>,
    %swap3A_1223 = vector.shape_cast %swap3A_1222 : vector<1x16xi32> to vector<16xi32>
    %swap3A_1224 = vector.shape_cast %add3A_1218 : vector<16xi32> to vector<1x16xi32>
    tpu.vector_store %arg8[%swap3A_1220, %swap3A_1221], %swap3A_1224 {strides = array<i32>} : memref<128x128xi32, #tpu.memory_space<vmem>>, vector<1x16xi32>,
    %broadcast_in_dim3A_1225 = arith.constant 0 : i32
    %broadcast_in_dim3A_1226 = vector.broadcast %broadcast_in_dim3A_1225 : i32 to vector<16xi32>
    %add3A_1227 = arith.constant 102 : i32
    %add3A_1228 = arith.addi %mul3A_2, %add3A_1227 : i32
    %add3A_1229 = vector.broadcast %add3A_1228 : i32 to vector<16xi32>
    %add3A_1230 = arith.addi %broadcast_in_dim3A_1226, %add3A_1229 : vector<16xi32>
    %swap3A_1231 = arith.constant 102 : i32
    %swap3A_1232 = arith.index_cast %swap3A_1231 : i32 to index
    %swap3A_1233 = arith.constant 0 : index
    %swap3A_1234 = tpu.vector_load %arg8[%swap3A_1232, %swap3A_1233] {strides = array<i32>} : memref<128x128xi32, #tpu.memory_space<vmem>>, vector<1x16xi32>,
    %swap3A_1235 = vector.shape_cast %swap3A_1234 : vector<1x16xi32> to vector<16xi32>
    %swap3A_1236 = vector.shape_cast %add3A_1230 : vector<16xi32> to vector<1x16xi32>
    tpu.vector_store %arg8[%swap3A_1232, %swap3A_1233], %swap3A_1236 {strides = array<i32>} : memref<128x128xi32, #tpu.memory_space<vmem>>, vector<1x16xi32>,
    %broadcast_in_dim3A_1237 = arith.constant 0 : i32
    %broadcast_in_dim3A_1238 = vector.broadcast %broadcast_in_dim3A_1237 : i32 to vector<16xi32>
    %add3A_1239 = arith.constant 103 : i32
    %add3A_1240 = arith.addi %mul3A_2, %add3A_1239 : i32
    %add3A_1241 = vector.broadcast %add3A_1240 : i32 to vector<16xi32>
    %add3A_1242 = arith.addi %broadcast_in_dim3A_1238, %add3A_1241 : vector<16xi32>
    %swap3A_1243 = arith.constant 103 : i32
    %swap3A_1244 = arith.index_cast %swap3A_1243 : i32 to index
    %swap3A_1245 = arith.constant 0 : index
    %swap3A_1246 = tpu.vector_load %arg8[%swap3A_1244, %swap3A_1245] {strides = array<i32>} : memref<128x128xi32, #tpu.memory_space<vmem>>, vector<1x16xi32>,
    %swap3A_1247 = vector.shape_cast %swap3A_1246 : vector<1x16xi32> to vector<16xi32>
    %swap3A_1248 = vector.shape_cast %add3A_1242 : vector<16xi32> to vector<1x16xi32>
    tpu.vector_store %arg8[%swap3A_1244, %swap3A_1245], %swap3A_1248 {strides = array<i32>} : memref<128x128xi32, #tpu.memory_space<vmem>>, vector<1x16xi32>,
    %broadcast_in_dim3A_1249 = arith.constant 0 : i32
    %broadcast_in_dim3A_1250 = vector.broadcast %broadcast_in_dim3A_1249 : i32 to vector<16xi32>
    %add3A_1251 = arith.constant 104 : i32
    %add3A_1252 = arith.addi %mul3A_2, %add3A_1251 : i32
    %add3A_1253 = vector.broadcast %add3A_1252 : i32 to vector<16xi32>
    %add3A_1254 = arith.addi %broadcast_in_dim3A_1250, %add3A_1253 : vector<16xi32>
    %swap3A_1255 = arith.constant 104 : i32
    %swap3A_1256 = arith.index_cast %swap3A_1255 : i32 to index
    %swap3A_1257 = arith.constant 0 : index
    %swap3A_1258 = tpu.vector_load %arg8[%swap3A_1256, %swap3A_1257] {strides = array<i32>} : memref<128x128xi32, #tpu.memory_space<vmem>>, vector<1x16xi32>,
    %swap3A_1259 = vector.shape_cast %swap3A_1258 : vector<1x16xi32> to vector<16xi32>
    %swap3A_1260 = vector.shape_cast %add3A_1254 : vector<16xi32> to vector<1x16xi32>
    tpu.vector_store %arg8[%swap3A_1256, %swap3A_1257], %swap3A_1260 {strides = array<i32>} : memref<128x128xi32, #tpu.memory_space<vmem>>, vector<1x16xi32>,
    %broadcast_in_dim3A_1261 = arith.constant 0 : i32
    %broadcast_in_dim3A_1262 = vector.broadcast %broadcast_in_dim3A_1261 : i32 to vector<16xi32>
    %add3A_1263 = arith.constant 105 : i32
    %add3A_1264 = arith.addi %mul3A_2, %add3A_1263 : i32
    %add3A_1265 = vector.broadcast %add3A_1264 : i32 to vector<16xi32>
    %add3A_1266 = arith.addi %broadcast_in_dim3A_1262, %add3A_1265 : vector<16xi32>
    %swap3A_1267 = arith.constant 105 : i32
    %swap3A_1268 = arith.index_cast %swap3A_1267 : i32 to index
    %swap3A_1269 = arith.constant 0 : index
    %swap3A_1270 = tpu.vector_load %arg8[%swap3A_1268, %swap3A_1269] {strides = array<i32>} : memref<128x128xi32, #tpu.memory_space<vmem>>, vector<1x16xi32>,
    %swap3A_1271 = vector.shape_cast %swap3A_1270 : vector<1x16xi32> to vector<16xi32>
    %swap3A_1272 = vector.shape_cast %add3A_1266 : vector<16xi32> to vector<1x16xi32>
    tpu.vector_store %arg8[%swap3A_1268, %swap3A_1269], %swap3A_1272 {strides = array<i32>} : memref<128x128xi32, #tpu.memory_space<vmem>>, vector<1x16xi32>,
    %broadcast_in_dim3A_1273 = arith.constant 0 : i32
    %broadcast_in_dim3A_1274 = vector.broadcast %broadcast_in_dim3A_1273 : i32 to vector<16xi32>
    %add3A_1275 = arith.constant 106 : i32
    %add3A_1276 = arith.addi %mul3A_2, %add3A_1275 : i32
    %add3A_1277 = vector.broadcast %add3A_1276 : i32 to vector<16xi32>
    %add3A_1278 = arith.addi %broadcast_in_dim3A_1274, %add3A_1277 : vector<16xi32>
    %swap3A_1279 = arith.constant 106 : i32
    %swap3A_1280 = arith.index_cast %swap3A_1279 : i32 to index
    %swap3A_1281 = arith.constant 0 : index
    %swap3A_1282 = tpu.vector_load %arg8[%swap3A_1280, %swap3A_1281] {strides = array<i32>} : memref<128x128xi32, #tpu.memory_space<vmem>>, vector<1x16xi32>,
    %swap3A_1283 = vector.shape_cast %swap3A_1282 : vector<1x16xi32> to vector<16xi32>
    %swap3A_1284 = vector.shape_cast %add3A_1278 : vector<16xi32> to vector<1x16xi32>
    tpu.vector_store %arg8[%swap3A_1280, %swap3A_1281], %swap3A_1284 {strides = array<i32>} : memref<128x128xi32, #tpu.memory_space<vmem>>, vector<1x16xi32>,
    %broadcast_in_dim3A_1285 = arith.constant 0 : i32
    %broadcast_in_dim3A_1286 = vector.broadcast %broadcast_in_dim3A_1285 : i32 to vector<16xi32>
    %add3A_1287 = arith.constant 107 : i32
    %add3A_1288 = arith.addi %mul3A_2, %add3A_1287 : i32
    %add3A_1289 = vector.broadcast %add3A_1288 : i32 to vector<16xi32>
    %add3A_1290 = arith.addi %broadcast_in_dim3A_1286, %add3A_1289 : vector<16xi32>
    %swap3A_1291 = arith.constant 107 : i32
    %swap3A_1292 = arith.index_cast %swap3A_1291 : i32 to index
    %swap3A_1293 = arith.constant 0 : index
    %swap3A_1294 = tpu.vector_load %arg8[%swap3A_1292, %swap3A_1293] {strides = array<i32>} : memref<128x128xi32, #tpu.memory_space<vmem>>, vector<1x16xi32>,
    %swap3A_1295 = vector.shape_cast %swap3A_1294 : vector<1x16xi32> to vector<16xi32>
    %swap3A_1296 = vector.shape_cast %add3A_1290 : vector<16xi32> to vector<1x16xi32>
    tpu.vector_store %arg8[%swap3A_1292, %swap3A_1293], %swap3A_1296 {strides = array<i32>} : memref<128x128xi32, #tpu.memory_space<vmem>>, vector<1x16xi32>,
    %broadcast_in_dim3A_1297 = arith.constant 0 : i32
    %broadcast_in_dim3A_1298 = vector.broadcast %broadcast_in_dim3A_1297 : i32 to vector<16xi32>
    %add3A_1299 = arith.constant 108 : i32
    %add3A_1300 = arith.addi %mul3A_2, %add3A_1299 : i32
    %add3A_1301 = vector.broadcast %add3A_1300 : i32 to vector<16xi32>
    %add3A_1302 = arith.addi %broadcast_in_dim3A_1298, %add3A_1301 : vector<16xi32>
    %swap3A_1303 = arith.constant 108 : i32
    %swap3A_1304 = arith.index_cast %swap3A_1303 : i32 to index
    %swap3A_1305 = arith.constant 0 : index
    %swap3A_1306 = tpu.vector_load %arg8[%swap3A_1304, %swap3A_1305] {strides = array<i32>} : memref<128x128xi32, #tpu.memory_space<vmem>>, vector<1x16xi32>,
    %swap3A_1307 = vector.shape_cast %swap3A_1306 : vector<1x16xi32> to vector<16xi32>
    %swap3A_1308 = vector.shape_cast %add3A_1302 : vector<16xi32> to vector<1x16xi32>
    tpu.vector_store %arg8[%swap3A_1304, %swap3A_1305], %swap3A_1308 {strides = array<i32>} : memref<128x128xi32, #tpu.memory_space<vmem>>, vector<1x16xi32>,
    %broadcast_in_dim3A_1309 = arith.constant 0 : i32
    %broadcast_in_dim3A_1310 = vector.broadcast %broadcast_in_dim3A_1309 : i32 to vector<16xi32>
    %add3A_1311 = arith.constant 109 : i32
    %add3A_1312 = arith.addi %mul3A_2, %add3A_1311 : i32
    %add3A_1313 = vector.broadcast %add3A_1312 : i32 to vector<16xi32>
    %add3A_1314 = arith.addi %broadcast_in_dim3A_1310, %add3A_1313 : vector<16xi32>
    %swap3A_1315 = arith.constant 109 : i32
    %swap3A_1316 = arith.index_cast %swap3A_1315 : i32 to index
    %swap3A_1317 = arith.constant 0 : index
    %swap3A_1318 = tpu.vector_load %arg8[%swap3A_1316, %swap3A_1317] {strides = array<i32>} : memref<128x128xi32, #tpu.memory_space<vmem>>, vector<1x16xi32>,
    %swap3A_1319 = vector.shape_cast %swap3A_1318 : vector<1x16xi32> to vector<16xi32>
    %swap3A_1320 = vector.shape_cast %add3A_1314 : vector<16xi32> to vector<1x16xi32>
    tpu.vector_store %arg8[%swap3A_1316, %swap3A_1317], %swap3A_1320 {strides = array<i32>} : memref<128x128xi32, #tpu.memory_space<vmem>>, vector<1x16xi32>,
    %broadcast_in_dim3A_1321 = arith.constant 0 : i32
    %broadcast_in_dim3A_1322 = vector.broadcast %broadcast_in_dim3A_1321 : i32 to vector<16xi32>
    %add3A_1323 = arith.constant 110 : i32
    %add3A_1324 = arith.addi %mul3A_2, %add3A_1323 : i32
    %add3A_1325 = vector.broadcast %add3A_1324 : i32 to vector<16xi32>
    %add3A_1326 = arith.addi %broadcast_in_dim3A_1322, %add3A_1325 : vector<16xi32>
    %swap3A_1327 = arith.constant 110 : i32
    %swap3A_1328 = arith.index_cast %swap3A_1327 : i32 to index
    %swap3A_1329 = arith.constant 0 : index
    %swap3A_1330 = tpu.vector_load %arg8[%swap3A_1328, %swap3A_1329] {strides = array<i32>} : memref<128x128xi32, #tpu.memory_space<vmem>>, vector<1x16xi32>,
    %swap3A_1331 = vector.shape_cast %swap3A_1330 : vector<1x16xi32> to vector<16xi32>
    %swap3A_1332 = vector.shape_cast %add3A_1326 : vector<16xi32> to vector<1x16xi32>
    tpu.vector_store %arg8[%swap3A_1328, %swap3A_1329], %swap3A_1332 {strides = array<i32>} : memref<128x128xi32, #tpu.memory_space<vmem>>, vector<1x16xi32>,
    %broadcast_in_dim3A_1333 = arith.constant 0 : i32
    %broadcast_in_dim3A_1334 = vector.broadcast %broadcast_in_dim3A_1333 : i32 to vector<16xi32>
    %add3A_1335 = arith.constant 111 : i32
    %add3A_1336 = arith.addi %mul3A_2, %add3A_1335 : i32
    %add3A_1337 = vector.broadcast %add3A_1336 : i32 to vector<16xi32>
    %add3A_1338 = arith.addi %broadcast_in_dim3A_1334, %add3A_1337 : vector<16xi32>
    %swap3A_1339 = arith.constant 111 : i32
    %swap3A_1340 = arith.index_cast %swap3A_1339 : i32 to index
    %swap3A_1341 = arith.constant 0 : index
    %swap3A_1342 = tpu.vector_load %arg8[%swap3A_1340, %swap3A_1341] {strides = array<i32>} : memref<128x128xi32, #tpu.memory_space<vmem>>, vector<1x16xi32>,
    %swap3A_1343 = vector.shape_cast %swap3A_1342 : vector<1x16xi32> to vector<16xi32>
    %swap3A_1344 = vector.shape_cast %add3A_1338 : vector<16xi32> to vector<1x16xi32>
    tpu.vector_store %arg8[%swap3A_1340, %swap3A_1341], %swap3A_1344 {strides = array<i32>} : memref<128x128xi32, #tpu.memory_space<vmem>>, vector<1x16xi32>,
    %broadcast_in_dim3A_1345 = arith.constant 0 : i32
    %broadcast_in_dim3A_1346 = vector.broadcast %broadcast_in_dim3A_1345 : i32 to vector<16xi32>
    %add3A_1347 = arith.constant 112 : i32
    %add3A_1348 = arith.addi %mul3A_2, %add3A_1347 : i32
    %add3A_1349 = vector.broadcast %add3A_1348 : i32 to vector<16xi32>
    %add3A_1350 = arith.addi %broadcast_in_dim3A_1346, %add3A_1349 : vector<16xi32>
    %swap3A_1351 = arith.constant 112 : i32
    %swap3A_1352 = arith.index_cast %swap3A_1351 : i32 to index
    %swap3A_1353 = arith.constant 0 : index
    %swap3A_1354 = tpu.vector_load %arg8[%swap3A_1352, %swap3A_1353] {strides = array<i32>} : memref<128x128xi32, #tpu.memory_space<vmem>>, vector<1x16xi32>,
    %swap3A_1355 = vector.shape_cast %swap3A_1354 : vector<1x16xi32> to vector<16xi32>
    %swap3A_1356 = vector.shape_cast %add3A_1350 : vector<16xi32> to vector<1x16xi32>
    tpu.vector_store %arg8[%swap3A_1352, %swap3A_1353], %swap3A_1356 {strides = array<i32>} : memref<128x128xi32, #tpu.memory_space<vmem>>, vector<1x16xi32>,
    %broadcast_in_dim3A_1357 = arith.constant 0 : i32
    %broadcast_in_dim3A_1358 = vector.broadcast %broadcast_in_dim3A_1357 : i32 to vector<16xi32>
    %add3A_1359 = arith.constant 113 : i32
    %add3A_1360 = arith.addi %mul3A_2, %add3A_1359 : i32
    %add3A_1361 = vector.broadcast %add3A_1360 : i32 to vector<16xi32>
    %add3A_1362 = arith.addi %broadcast_in_dim3A_1358, %add3A_1361 : vector<16xi32>
    %swap3A_1363 = arith.constant 113 : i32
    %swap3A_1364 = arith.index_cast %swap3A_1363 : i32 to index
    %swap3A_1365 = arith.constant 0 : index
    %swap3A_1366 = tpu.vector_load %arg8[%swap3A_1364, %swap3A_1365] {strides = array<i32>} : memref<128x128xi32, #tpu.memory_space<vmem>>, vector<1x16xi32>,
    %swap3A_1367 = vector.shape_cast %swap3A_1366 : vector<1x16xi32> to vector<16xi32>
    %swap3A_1368 = vector.shape_cast %add3A_1362 : vector<16xi32> to vector<1x16xi32>
    tpu.vector_store %arg8[%swap3A_1364, %swap3A_1365], %swap3A_1368 {strides = array<i32>} : memref<128x128xi32, #tpu.memory_space<vmem>>, vector<1x16xi32>,
    %broadcast_in_dim3A_1369 = arith.constant 0 : i32
    %broadcast_in_dim3A_1370 = vector.broadcast %broadcast_in_dim3A_1369 : i32 to vector<16xi32>
    %add3A_1371 = arith.constant 114 : i32
    %add3A_1372 = arith.addi %mul3A_2, %add3A_1371 : i32
    %add3A_1373 = vector.broadcast %add3A_1372 : i32 to vector<16xi32>
    %add3A_1374 = arith.addi %broadcast_in_dim3A_1370, %add3A_1373 : vector<16xi32>
    %swap3A_1375 = arith.constant 114 : i32
    %swap3A_1376 = arith.index_cast %swap3A_1375 : i32 to index
    %swap3A_1377 = arith.constant 0 : index
    %swap3A_1378 = tpu.vector_load %arg8[%swap3A_1376, %swap3A_1377] {strides = array<i32>} : memref<128x128xi32, #tpu.memory_space<vmem>>, vector<1x16xi32>,
    %swap3A_1379 = vector.shape_cast %swap3A_1378 : vector<1x16xi32> to vector<16xi32>
    %swap3A_1380 = vector.shape_cast %add3A_1374 : vector<16xi32> to vector<1x16xi32>
    tpu.vector_store %arg8[%swap3A_1376, %swap3A_1377], %swap3A_1380 {strides = array<i32>} : memref<128x128xi32, #tpu.memory_space<vmem>>, vector<1x16xi32>,
    %broadcast_in_dim3A_1381 = arith.constant 0 : i32
    %broadcast_in_dim3A_1382 = vector.broadcast %broadcast_in_dim3A_1381 : i32 to vector<16xi32>
    %add3A_1383 = arith.constant 115 : i32
    %add3A_1384 = arith.addi %mul3A_2, %add3A_1383 : i32
    %add3A_1385 = vector.broadcast %add3A_1384 : i32 to vector<16xi32>
    %add3A_1386 = arith.addi %broadcast_in_dim3A_1382, %add3A_1385 : vector<16xi32>
    %swap3A_1387 = arith.constant 115 : i32
    %swap3A_1388 = arith.index_cast %swap3A_1387 : i32 to index
    %swap3A_1389 = arith.constant 0 : index
    %swap3A_1390 = tpu.vector_load %arg8[%swap3A_1388, %swap3A_1389] {strides = array<i32>} : memref<128x128xi32, #tpu.memory_space<vmem>>, vector<1x16xi32>,
    %swap3A_1391 = vector.shape_cast %swap3A_1390 : vector<1x16xi32> to vector<16xi32>
    %swap3A_1392 = vector.shape_cast %add3A_1386 : vector<16xi32> to vector<1x16xi32>
    tpu.vector_store %arg8[%swap3A_1388, %swap3A_1389], %swap3A_1392 {strides = array<i32>} : memref<128x128xi32, #tpu.memory_space<vmem>>, vector<1x16xi32>,
    %broadcast_in_dim3A_1393 = arith.constant 0 : i32
    %broadcast_in_dim3A_1394 = vector.broadcast %broadcast_in_dim3A_1393 : i32 to vector<16xi32>
    %add3A_1395 = arith.constant 116 : i32
    %add3A_1396 = arith.addi %mul3A_2, %add3A_1395 : i32
    %add3A_1397 = vector.broadcast %add3A_1396 : i32 to vector<16xi32>
    %add3A_1398 = arith.addi %broadcast_in_dim3A_1394, %add3A_1397 : vector<16xi32>
    %swap3A_1399 = arith.constant 116 : i32
    %swap3A_1400 = arith.index_cast %swap3A_1399 : i32 to index
    %swap3A_1401 = arith.constant 0 : index
    %swap3A_1402 = tpu.vector_load %arg8[%swap3A_1400, %swap3A_1401] {strides = array<i32>} : memref<128x128xi32, #tpu.memory_space<vmem>>, vector<1x16xi32>,
    %swap3A_1403 = vector.shape_cast %swap3A_1402 : vector<1x16xi32> to vector<16xi32>
    %swap3A_1404 = vector.shape_cast %add3A_1398 : vector<16xi32> to vector<1x16xi32>
    tpu.vector_store %arg8[%swap3A_1400, %swap3A_1401], %swap3A_1404 {strides = array<i32>} : memref<128x128xi32, #tpu.memory_space<vmem>>, vector<1x16xi32>,
    %broadcast_in_dim3A_1405 = arith.constant 0 : i32
    %broadcast_in_dim3A_1406 = vector.broadcast %broadcast_in_dim3A_1405 : i32 to vector<16xi32>
    %add3A_1407 = arith.constant 117 : i32
    %add3A_1408 = arith.addi %mul3A_2, %add3A_1407 : i32
    %add3A_1409 = vector.broadcast %add3A_1408 : i32 to vector<16xi32>
    %add3A_1410 = arith.addi %broadcast_in_dim3A_1406, %add3A_1409 : vector<16xi32>
    %swap3A_1411 = arith.constant 117 : i32
    %swap3A_1412 = arith.index_cast %swap3A_1411 : i32 to index
    %swap3A_1413 = arith.constant 0 : index
    %swap3A_1414 = tpu.vector_load %arg8[%swap3A_1412, %swap3A_1413] {strides = array<i32>} : memref<128x128xi32, #tpu.memory_space<vmem>>, vector<1x16xi32>,
    %swap3A_1415 = vector.shape_cast %swap3A_1414 : vector<1x16xi32> to vector<16xi32>
    %swap3A_1416 = vector.shape_cast %add3A_1410 : vector<16xi32> to vector<1x16xi32>
    tpu.vector_store %arg8[%swap3A_1412, %swap3A_1413], %swap3A_1416 {strides = array<i32>} : memref<128x128xi32, #tpu.memory_space<vmem>>, vector<1x16xi32>,
    %broadcast_in_dim3A_1417 = arith.constant 0 : i32
    %broadcast_in_dim3A_1418 = vector.broadcast %broadcast_in_dim3A_1417 : i32 to vector<16xi32>
    %add3A_1419 = arith.constant 118 : i32
    %add3A_1420 = arith.addi %mul3A_2, %add3A_1419 : i32
    %add3A_1421 = vector.broadcast %add3A_1420 : i32 to vector<16xi32>
    %add3A_1422 = arith.addi %broadcast_in_dim3A_1418, %add3A_1421 : vector<16xi32>
    %swap3A_1423 = arith.constant 118 : i32
    %swap3A_1424 = arith.index_cast %swap3A_1423 : i32 to index
    %swap3A_1425 = arith.constant 0 : index
    %swap3A_1426 = tpu.vector_load %arg8[%swap3A_1424, %swap3A_1425] {strides = array<i32>} : memref<128x128xi32, #tpu.memory_space<vmem>>, vector<1x16xi32>,
    %swap3A_1427 = vector.shape_cast %swap3A_1426 : vector<1x16xi32> to vector<16xi32>
    %swap3A_1428 = vector.shape_cast %add3A_1422 : vector<16xi32> to vector<1x16xi32>
    tpu.vector_store %arg8[%swap3A_1424, %swap3A_1425], %swap3A_1428 {strides = array<i32>} : memref<128x128xi32, #tpu.memory_space<vmem>>, vector<1x16xi32>,
    %broadcast_in_dim3A_1429 = arith.constant 0 : i32
    %broadcast_in_dim3A_1430 = vector.broadcast %broadcast_in_dim3A_1429 : i32 to vector<16xi32>
    %add3A_1431 = arith.constant 119 : i32
    %add3A_1432 = arith.addi %mul3A_2, %add3A_1431 : i32
    %add3A_1433 = vector.broadcast %add3A_1432 : i32 to vector<16xi32>
    %add3A_1434 = arith.addi %broadcast_in_dim3A_1430, %add3A_1433 : vector<16xi32>
    %swap3A_1435 = arith.constant 119 : i32
    %swap3A_1436 = arith.index_cast %swap3A_1435 : i32 to index
    %swap3A_1437 = arith.constant 0 : index
    %swap3A_1438 = tpu.vector_load %arg8[%swap3A_1436, %swap3A_1437] {strides = array<i32>} : memref<128x128xi32, #tpu.memory_space<vmem>>, vector<1x16xi32>,
    %swap3A_1439 = vector.shape_cast %swap3A_1438 : vector<1x16xi32> to vector<16xi32>
    %swap3A_1440 = vector.shape_cast %add3A_1434 : vector<16xi32> to vector<1x16xi32>
    tpu.vector_store %arg8[%swap3A_1436, %swap3A_1437], %swap3A_1440 {strides = array<i32>} : memref<128x128xi32, #tpu.memory_space<vmem>>, vector<1x16xi32>,
    %broadcast_in_dim3A_1441 = arith.constant 0 : i32
    %broadcast_in_dim3A_1442 = vector.broadcast %broadcast_in_dim3A_1441 : i32 to vector<16xi32>
    %add3A_1443 = arith.constant 120 : i32
    %add3A_1444 = arith.addi %mul3A_2, %add3A_1443 : i32
    %add3A_1445 = vector.broadcast %add3A_1444 : i32 to vector<16xi32>
    %add3A_1446 = arith.addi %broadcast_in_dim3A_1442, %add3A_1445 : vector<16xi32>
    %swap3A_1447 = arith.constant 120 : i32
    %swap3A_1448 = arith.index_cast %swap3A_1447 : i32 to index
    %swap3A_1449 = arith.constant 0 : index
    %swap3A_1450 = tpu.vector_load %arg8[%swap3A_1448, %swap3A_1449] {strides = array<i32>} : memref<128x128xi32, #tpu.memory_space<vmem>>, vector<1x16xi32>,
    %swap3A_1451 = vector.shape_cast %swap3A_1450 : vector<1x16xi32> to vector<16xi32>
    %swap3A_1452 = vector.shape_cast %add3A_1446 : vector<16xi32> to vector<1x16xi32>
    tpu.vector_store %arg8[%swap3A_1448, %swap3A_1449], %swap3A_1452 {strides = array<i32>} : memref<128x128xi32, #tpu.memory_space<vmem>>, vector<1x16xi32>,
    %broadcast_in_dim3A_1453 = arith.constant 0 : i32
    %broadcast_in_dim3A_1454 = vector.broadcast %broadcast_in_dim3A_1453 : i32 to vector<16xi32>
    %add3A_1455 = arith.constant 121 : i32
    %add3A_1456 = arith.addi %mul3A_2, %add3A_1455 : i32
    %add3A_1457 = vector.broadcast %add3A_1456 : i32 to vector<16xi32>
    %add3A_1458 = arith.addi %broadcast_in_dim3A_1454, %add3A_1457 : vector<16xi32>
    %swap3A_1459 = arith.constant 121 : i32
    %swap3A_1460 = arith.index_cast %swap3A_1459 : i32 to index
    %swap3A_1461 = arith.constant 0 : index
    %swap3A_1462 = tpu.vector_load %arg8[%swap3A_1460, %swap3A_1461] {strides = array<i32>} : memref<128x128xi32, #tpu.memory_space<vmem>>, vector<1x16xi32>,
    %swap3A_1463 = vector.shape_cast %swap3A_1462 : vector<1x16xi32> to vector<16xi32>
    %swap3A_1464 = vector.shape_cast %add3A_1458 : vector<16xi32> to vector<1x16xi32>
    tpu.vector_store %arg8[%swap3A_1460, %swap3A_1461], %swap3A_1464 {strides = array<i32>} : memref<128x128xi32, #tpu.memory_space<vmem>>, vector<1x16xi32>,
    %broadcast_in_dim3A_1465 = arith.constant 0 : i32
    %broadcast_in_dim3A_1466 = vector.broadcast %broadcast_in_dim3A_1465 : i32 to vector<16xi32>
    %add3A_1467 = arith.constant 122 : i32
    %add3A_1468 = arith.addi %mul3A_2, %add3A_1467 : i32
    %add3A_1469 = vector.broadcast %add3A_1468 : i32 to vector<16xi32>
    %add3A_1470 = arith.addi %broadcast_in_dim3A_1466, %add3A_1469 : vector<16xi32>
    %swap3A_1471 = arith.constant 122 : i32
    %swap3A_1472 = arith.index_cast %swap3A_1471 : i32 to index
    %swap3A_1473 = arith.constant 0 : index
    %swap3A_1474 = tpu.vector_load %arg8[%swap3A_1472, %swap3A_1473] {strides = array<i32>} : memref<128x128xi32, #tpu.memory_space<vmem>>, vector<1x16xi32>,
    %swap3A_1475 = vector.shape_cast %swap3A_1474 : vector<1x16xi32> to vector<16xi32>
    %swap3A_1476 = vector.shape_cast %add3A_1470 : vector<16xi32> to vector<1x16xi32>
    tpu.vector_store %arg8[%swap3A_1472, %swap3A_1473], %swap3A_1476 {strides = array<i32>} : memref<128x128xi32, #tpu.memory_space<vmem>>, vector<1x16xi32>,
    %broadcast_in_dim3A_1477 = arith.constant 0 : i32
    %broadcast_in_dim3A_1478 = vector.broadcast %broadcast_in_dim3A_1477 : i32 to vector<16xi32>
    %add3A_1479 = arith.constant 123 : i32
    %add3A_1480 = arith.addi %mul3A_2, %add3A_1479 : i32
    %add3A_1481 = vector.broadcast %add3A_1480 : i32 to vector<16xi32>
    %add3A_1482 = arith.addi %broadcast_in_dim3A_1478, %add3A_1481 : vector<16xi32>
    %swap3A_1483 = arith.constant 123 : i32
    %swap3A_1484 = arith.index_cast %swap3A_1483 : i32 to index
    %swap3A_1485 = arith.constant 0 : index
    %swap3A_1486 = tpu.vector_load %arg8[%swap3A_1484, %swap3A_1485] {strides = array<i32>} : memref<128x128xi32, #tpu.memory_space<vmem>>, vector<1x16xi32>,
    %swap3A_1487 = vector.shape_cast %swap3A_1486 : vector<1x16xi32> to vector<16xi32>
    %swap3A_1488 = vector.shape_cast %add3A_1482 : vector<16xi32> to vector<1x16xi32>
    tpu.vector_store %arg8[%swap3A_1484, %swap3A_1485], %swap3A_1488 {strides = array<i32>} : memref<128x128xi32, #tpu.memory_space<vmem>>, vector<1x16xi32>,
    %broadcast_in_dim3A_1489 = arith.constant 0 : i32
    %broadcast_in_dim3A_1490 = vector.broadcast %broadcast_in_dim3A_1489 : i32 to vector<16xi32>
    %add3A_1491 = arith.constant 124 : i32
    %add3A_1492 = arith.addi %mul3A_2, %add3A_1491 : i32
    %add3A_1493 = vector.broadcast %add3A_1492 : i32 to vector<16xi32>
    %add3A_1494 = arith.addi %broadcast_in_dim3A_1490, %add3A_1493 : vector<16xi32>
    %swap3A_1495 = arith.constant 124 : i32
    %swap3A_1496 = arith.index_cast %swap3A_1495 : i32 to index
    %swap3A_1497 = arith.constant 0 : index
    %swap3A_1498 = tpu.vector_load %arg8[%swap3A_1496, %swap3A_1497] {strides = array<i32>} : memref<128x128xi32, #tpu.memory_space<vmem>>, vector<1x16xi32>,
    %swap3A_1499 = vector.shape_cast %swap3A_1498 : vector<1x16xi32> to vector<16xi32>
    %swap3A_1500 = vector.shape_cast %add3A_1494 : vector<16xi32> to vector<1x16xi32>
    tpu.vector_store %arg8[%swap3A_1496, %swap3A_1497], %swap3A_1500 {strides = array<i32>} : memref<128x128xi32, #tpu.memory_space<vmem>>, vector<1x16xi32>,
    %broadcast_in_dim3A_1501 = arith.constant 0 : i32
    %broadcast_in_dim3A_1502 = vector.broadcast %broadcast_in_dim3A_1501 : i32 to vector<16xi32>
    %add3A_1503 = arith.constant 125 : i32
    %add3A_1504 = arith.addi %mul3A_2, %add3A_1503 : i32
    %add3A_1505 = vector.broadcast %add3A_1504 : i32 to vector<16xi32>
    %add3A_1506 = arith.addi %broadcast_in_dim3A_1502, %add3A_1505 : vector<16xi32>
    %swap3A_1507 = arith.constant 125 : i32
    %swap3A_1508 = arith.index_cast %swap3A_1507 : i32 to index
    %swap3A_1509 = arith.constant 0 : index
    %swap3A_1510 = tpu.vector_load %arg8[%swap3A_1508, %swap3A_1509] {strides = array<i32>} : memref<128x128xi32, #tpu.memory_space<vmem>>, vector<1x16xi32>,
    %swap3A_1511 = vector.shape_cast %swap3A_1510 : vector<1x16xi32> to vector<16xi32>
    %swap3A_1512 = vector.shape_cast %add3A_1506 : vector<16xi32> to vector<1x16xi32>
    tpu.vector_store %arg8[%swap3A_1508, %swap3A_1509], %swap3A_1512 {strides = array<i32>} : memref<128x128xi32, #tpu.memory_space<vmem>>, vector<1x16xi32>,
    %broadcast_in_dim3A_1513 = arith.constant 0 : i32
    %broadcast_in_dim3A_1514 = vector.broadcast %broadcast_in_dim3A_1513 : i32 to vector<16xi32>
    %add3A_1515 = arith.constant 126 : i32
    %add3A_1516 = arith.addi %mul3A_2, %add3A_1515 : i32
    %add3A_1517 = vector.broadcast %add3A_1516 : i32 to vector<16xi32>
    %add3A_1518 = arith.addi %broadcast_in_dim3A_1514, %add3A_1517 : vector<16xi32>
    %swap3A_1519 = arith.constant 126 : i32
    %swap3A_1520 = arith.index_cast %swap3A_1519 : i32 to index
    %swap3A_1521 = arith.constant 0 : index
    %swap3A_1522 = tpu.vector_load %arg8[%swap3A_1520, %swap3A_1521] {strides = array<i32>} : memref<128x128xi32, #tpu.memory_space<vmem>>, vector<1x16xi32>,
    %swap3A_1523 = vector.shape_cast %swap3A_1522 : vector<1x16xi32> to vector<16xi32>
    %swap3A_1524 = vector.shape_cast %add3A_1518 : vector<16xi32> to vector<1x16xi32>
    tpu.vector_store %arg8[%swap3A_1520, %swap3A_1521], %swap3A_1524 {strides = array<i32>} : memref<128x128xi32, #tpu.memory_space<vmem>>, vector<1x16xi32>,
    %broadcast_in_dim3A_1525 = arith.constant 0 : i32
    %broadcast_in_dim3A_1526 = vector.broadcast %broadcast_in_dim3A_1525 : i32 to vector<16xi32>
    %add3A_1527 = arith.constant 127 : i32
    %add3A_1528 = arith.addi %mul3A_2, %add3A_1527 : i32
    %add3A_1529 = vector.broadcast %add3A_1528 : i32 to vector<16xi32>
    %add3A_1530 = arith.addi %broadcast_in_dim3A_1526, %add3A_1529 : vector<16xi32>
    %swap3A_1531 = arith.constant 127 : i32
    %swap3A_1532 = arith.index_cast %swap3A_1531 : i32 to index
    %swap3A_1533 = arith.constant 0 : index
    %swap3A_1534 = tpu.vector_load %arg8[%swap3A_1532, %swap3A_1533] {strides = array<i32>} : memref<128x128xi32, #tpu.memory_space<vmem>>, vector<1x16xi32>,
    %swap3A_1535 = vector.shape_cast %swap3A_1534 : vector<1x16xi32> to vector<16xi32>
    %swap3A_1536 = vector.shape_cast %add3A_1530 : vector<16xi32> to vector<1x16xi32>
    tpu.vector_store %arg8[%swap3A_1532, %swap3A_1533], %swap3A_1536 {strides = array<i32>} : memref<128x128xi32, #tpu.memory_space<vmem>>, vector<1x16xi32>,
    %add3A_1537 = arith.constant 0 : i32
    %add3A_1538 = arith.addi %mul3A_2, %add3A_1537 : i32
    "tpu.region"() ({
      %run_scoped3A = tpu.sem_alloc : memref<!tpu.dma_semaphore, #tpu.memory_space<semaphore_mem>>
      %dma_start3A_1561 = tpu.memref_slice %arg3[%add3A_1538] : memref<4096xi32, #tpu.memory_space<hbm>> -> memref<128xi32, #tpu.memory_space<hbm>>
      %dma_start3A_1562 = tpu.memref_slice %arg3[%add3A_1538] : memref<4096xi32, #tpu.memory_space<hbm>> -> memref<128xi32, #tpu.memory_space<hbm>>
      tpu.enqueue_dma source(%dma_start3A_1562 : memref<128xi32, #tpu.memory_space<hbm>>) target(%arg6 : memref<128xi32, #tpu.memory_space<vmem>>) target_semaphore(%run_scoped3A : memref<!tpu.dma_semaphore, #tpu.memory_space<semaphore_mem>>)
      %dma_wait3A_1563 = tpu.memref_slice %arg3[%add3A_1538] : memref<4096xi32, #tpu.memory_space<hbm>> -> memref<128xi32, #tpu.memory_space<hbm>>
      %dma_wait3A_1564 = tpu.memref_slice %arg3[%add3A_1538] : memref<4096xi32, #tpu.memory_space<hbm>> -> memref<128xi32, #tpu.memory_space<hbm>>
      tpu.wait_dma2 semaphore(%run_scoped3A : memref<!tpu.dma_semaphore, #tpu.memory_space<semaphore_mem>>) src(%dma_wait3A_1564 : memref<128xi32, #tpu.memory_space<hbm>>) dst(%arg6 : memref<128xi32, #tpu.memory_space<vmem>>)
      tpu.yield
    }) : () -> ()
    %dma_start3A = arith.constant 0 : i32
    %dma_start3A_1539 = arith.constant 0 : i32
    %dma_start3A_1540 = tpu.memref_slice %arg7[%dma_start3A, %dma_start3A_1539] : memref<128x256xf32, #tpu.memory_space<vmem>> -> memref<128x256xf32, #tpu.memory_space<vmem>>
    %dma_start3A_1541 = arith.constant 0 : i32
    %dma_start3A_1542 = arith.constant 0 : i32
    %dma_start3A_1543 = tpu.memref_slice %arg4[%dma_start3A_1541, %dma_start3A_1542] : memref<4608x256xf32, #tpu.memory_space<hbm>> -> memref<4608x256xf32, #tpu.memory_space<hbm>>
    tpu.enqueue_indirect_dma source(%dma_start3A_1540 : memref<128x256xf32, #tpu.memory_space<vmem>>) target(%dma_start3A_1543 : memref<4608x256xf32, #tpu.memory_space<hbm>>) offsets(%arg6 : memref<128xi32, #tpu.memory_space<vmem>>) semaphore(%arg9 : memref<!tpu.dma_semaphore, #tpu.memory_space<semaphore_mem>>)
    %dma_start3A_1544 = arith.constant 0 : i32
    %dma_start3A_1545 = arith.constant 0 : i32
    %dma_start3A_1546 = tpu.memref_slice %arg8[%dma_start3A_1544, %dma_start3A_1545] : memref<128x128xi32, #tpu.memory_space<vmem>> -> memref<128x128xi32, #tpu.memory_space<vmem>>
    %dma_start3A_1547 = arith.constant 0 : i32
    %dma_start3A_1548 = arith.constant 0 : i32
    %dma_start3A_1549 = tpu.memref_slice %arg5[%dma_start3A_1547, %dma_start3A_1548] : memref<4608x128xi32, #tpu.memory_space<hbm>> -> memref<4608x128xi32, #tpu.memory_space<hbm>>
    tpu.enqueue_indirect_dma source(%dma_start3A_1546 : memref<128x128xi32, #tpu.memory_space<vmem>>) target(%dma_start3A_1549 : memref<4608x128xi32, #tpu.memory_space<hbm>>) offsets(%arg6 : memref<128xi32, #tpu.memory_space<vmem>>) semaphore(%arg9 : memref<!tpu.dma_semaphore, #tpu.memory_space<semaphore_mem>>)
    %dma_wait3A = arith.constant 0 : i32
    %dma_wait3A_1550 = arith.constant 0 : i32
    %dma_wait3A_1551 = tpu.memref_slice %arg7[%dma_wait3A, %dma_wait3A_1550] : memref<128x256xf32, #tpu.memory_space<vmem>> -> memref<128x256xf32, #tpu.memory_space<vmem>>
    %dma_wait3A_1552 = arith.constant 0 : i32
    %dma_wait3A_1553 = arith.constant 0 : i32
    %dma_wait3A_1554 = tpu.memref_slice %arg4[%dma_wait3A_1552, %dma_wait3A_1553] : memref<4608x256xf32, #tpu.memory_space<hbm>> -> memref<4608x256xf32, #tpu.memory_space<hbm>>
    tpu.wait_indirect_dma semaphore(%arg9 : memref<!tpu.dma_semaphore, #tpu.memory_space<semaphore_mem>>) src(%dma_wait3A_1551 : memref<128x256xf32, #tpu.memory_space<vmem>>) dst(%dma_wait3A_1554 : memref<4608x256xf32, #tpu.memory_space<hbm>>)
    %dma_wait3A_1555 = arith.constant 0 : i32
    %dma_wait3A_1556 = arith.constant 0 : i32
    %dma_wait3A_1557 = tpu.memref_slice %arg8[%dma_wait3A_1555, %dma_wait3A_1556] : memref<128x128xi32, #tpu.memory_space<vmem>> -> memref<128x128xi32, #tpu.memory_space<vmem>>
    %dma_wait3A_1558 = arith.constant 0 : i32
    %dma_wait3A_1559 = arith.constant 0 : i32
    %dma_wait3A_1560 = tpu.memref_slice %arg5[%dma_wait3A_1558, %dma_wait3A_1559] : memref<4608x128xi32, #tpu.memory_space<hbm>> -> memref<4608x128xi32, #tpu.memory_space<hbm>>
    tpu.wait_indirect_dma semaphore(%arg9 : memref<!tpu.dma_semaphore, #tpu.memory_space<semaphore_mem>>) src(%dma_wait3A_1557 : memref<128x128xi32, #tpu.memory_space<vmem>>) dst(%dma_wait3A_1560 : memref<4608x128xi32, #tpu.memory_space<hbm>>)
    return
  }
}

module attributes {stable_mosaic.version = 14 : i64} {
  func.func @_l0_kernel(%arg0: i32, %arg1: memref<1xi32, #tpu.memory_space<smem>>, %arg2: memref<512x256xf32, #tpu.memory_space<vmem>>, %arg3: memref<1x256x1024xf32, #tpu.memory_space<vmem>>, %arg4: memref<7x1024xf32, #tpu.memory_space<vmem>>, %arg5: memref<1x1024x1024xf32, #tpu.memory_space<vmem>>, %arg6: memref<7x1024xf32, #tpu.memory_space<vmem>>, %arg7: memref<7x1024x2xf32, #tpu.memory_space<vmem>>, %arg8: memref<7x2xf32, #tpu.memory_space<vmem>>, %arg9: memref<8x512xi32, #tpu.memory_space<vmem>>, %arg10: memref<1x8xf32, #tpu.memory_space<vmem>>, %arg11: memref<1x9xi32, #tpu.memory_space<vmem>>, %arg12: memref<8x512x1xf32, #tpu.memory_space<vmem>>) attributes {dimension_semantics = [#tpu.dimension_semantics<arbitrary>], iteration_bounds = array<i64: 8>, scalar_prefetch = 1 : i64, scratch_operands = 1 : i64, tpu.core_type = #tpu.core_type<tc>, window_params = [{transform_indices = @transform_0, window_bounds = array<i64: 512, 256>}, {transform_indices = @transform_1, window_bounds = array<i64: 1, 256, 1024>}, {pipeline_mode = #tpu.pipeline_mode<synchronous>, transform_indices = @transform_2, window_bounds = array<i64: 7, 1024>}, {transform_indices = @transform_3, window_bounds = array<i64: 1, 1024, 1024>}, {pipeline_mode = #tpu.pipeline_mode<synchronous>, transform_indices = @transform_4, window_bounds = array<i64: 7, 1024>}, {pipeline_mode = #tpu.pipeline_mode<synchronous>, transform_indices = @transform_5, window_bounds = array<i64: 7, 1024, 2>}, {pipeline_mode = #tpu.pipeline_mode<synchronous>, transform_indices = @transform_6, window_bounds = array<i64: 7, 2>}, {pipeline_mode = #tpu.pipeline_mode<synchronous>, transform_indices = @transform_7, window_bounds = array<i64: 8, 512>}, {pipeline_mode = #tpu.pipeline_mode<synchronous>, transform_indices = @transform_8, window_bounds = array<i64: 1, 8>}, {pipeline_mode = #tpu.pipeline_mode<synchronous>, transform_indices = @transform_9, window_bounds = array<i64: 1, 9>}]} {
    %get3A = arith.constant 0 : index
    %get3A_0 = arith.constant 0 : index
    %get3A_1 = vector.load %arg2[%get3A, %get3A_0] : memref<512x256xf32, #tpu.memory_space<vmem>>, vector<512x256xf32>
    %get3A_2 = arith.constant 0 : index
    %get3A_3 = arith.constant 0 : index
    %get3A_4 = vector.load %arg4[%get3A_2, %get3A_3] : memref<7x1024xf32, #tpu.memory_space<vmem>>, vector<1x1024xf32>
    %get3A_5 = arith.constant 0 : index
    %get3A_6 = arith.constant 0 : index
    %get3A_7 = vector.load %arg6[%get3A_5, %get3A_6] : memref<7x1024xf32, #tpu.memory_space<vmem>>, vector<1x1024xf32>
    %get3A_8 = arith.constant 0 : index
    %get3A_9 = arith.constant 0 : index
    %get3A_10 = arith.constant 0 : index
    %get3A_11 = vector.load %arg7[%get3A_8, %get3A_9, %get3A_10] : memref<7x1024x2xf32, #tpu.memory_space<vmem>>, vector<1x1024x2xf32>
    %squeeze3A = vector.shape_cast %get3A_11 : vector<1x1024x2xf32> to vector<1024x2xf32>
    %get3A_12 = arith.constant 0 : index
    %get3A_13 = arith.constant 0 : index
    %get3A_14 = vector.load %arg8[%get3A_12, %get3A_13] : memref<7x2xf32, #tpu.memory_space<vmem>>, vector<1x2xf32>
    %get3A_15 = arith.constant 0 : index
    %get3A_16 = arith.constant 0 : index
    %get3A_17 = arith.constant 0 : index
    %get3A_18 = vector.load %arg3[%get3A_15, %get3A_16, %get3A_17] : memref<1x256x1024xf32, #tpu.memory_space<vmem>>, vector<1x256x1024xf32>
    %get3A_19 = vector.shape_cast %get3A_18 : vector<1x256x1024xf32> to vector<256x1024xf32>
    %dot_general3A = arith.constant dense<0.000000e+00> : vector<512x1024xf32>
    %dot_general3A_20 = tpu.matmul %get3A_1, %get3A_19, %dot_general3A {dimension_numbers = #tpu.dot_dimension_numbers<[1], [0], [0], [1], [0, 0, 1, 1], [], []>, transpose_lhs_hint = false} : vector<512x256xf32>, vector<256x1024xf32>, vector<512x1024xf32> -> vector<512x1024xf32>
    %add3A = vector.broadcast %get3A_4 : vector<1x1024xf32> to vector<512x1024xf32>
    %add3A_21 = arith.addf %dot_general3A_20, %add3A : vector<512x1024xf32>
    %tanh3A = math.tanh %add3A_21 : vector<512x1024xf32>
    %get3A_22 = arith.constant 0 : index
    %get3A_23 = arith.constant 0 : index
    %get3A_24 = arith.constant 0 : index
    %get3A_25 = vector.load %arg5[%get3A_22, %get3A_23, %get3A_24] : memref<1x1024x1024xf32, #tpu.memory_space<vmem>>, vector<1x1024x1024xf32>
    %get3A_26 = vector.shape_cast %get3A_25 : vector<1x1024x1024xf32> to vector<1024x1024xf32>
    %dot_general3A_27 = arith.constant dense<0.000000e+00> : vector<512x1024xf32>
    %dot_general3A_28 = tpu.matmul %tanh3A, %get3A_26, %dot_general3A_27 {dimension_numbers = #tpu.dot_dimension_numbers<[1], [0], [0], [1], [0, 0, 1, 1], [], []>, transpose_lhs_hint = false} : vector<512x1024xf32>, vector<1024x1024xf32>, vector<512x1024xf32> -> vector<512x1024xf32>
    %add3A_29 = vector.broadcast %get3A_7 : vector<1x1024xf32> to vector<512x1024xf32>
    %add3A_30 = arith.addf %dot_general3A_28, %add3A_29 : vector<512x1024xf32>
    %tanh3A_31 = math.tanh %add3A_30 : vector<512x1024xf32>
    %dot_general3A_32 = arith.constant dense<0.000000e+00> : vector<512x2xf32>
    %dot_general3A_33 = tpu.matmul %tanh3A_31, %squeeze3A, %dot_general3A_32 {dimension_numbers = #tpu.dot_dimension_numbers<[1], [0], [0], [1], [0, 0, 1, 1], [], []>, transpose_lhs_hint = false} : vector<512x1024xf32>, vector<1024x2xf32>, vector<512x2xf32> -> vector<512x2xf32>
    %add3A_34 = vector.broadcast %get3A_14 : vector<1x2xf32> to vector<512x2xf32>
    %add3A_35 = arith.addf %dot_general3A_33, %add3A_34 : vector<512x2xf32>
    %slice3A = vector.extract_strided_slice %add3A_35 {offsets = [0, 0], sizes = [512, 1], strides = [1, 1]} : vector<512x2xf32> to vector<512x1xf32>
    %slice3A_36 = vector.extract_strided_slice %add3A_35 {offsets = [0, 1], sizes = [512, 1], strides = [1, 1]} : vector<512x2xf32> to vector<512x1xf32>
    %ge3A = arith.cmpf oge, %slice3A, %slice3A_36 : vector<512x1xf32>
    %convert_element_type3A = arith.extui %ge3A : vector<512x1xi1> to vector<512x1xi32>
    %convert_element_type3A_37 = arith.sitofp %convert_element_type3A : vector<512x1xi32> to vector<512x1xf32>
    %broadcast_in_dim3A = vector.shape_cast %convert_element_type3A_37 : vector<512x1xf32> to vector<1x512x1xf32>
    %swap3A = arith.index_cast %arg0 : i32 to index
    %swap3A_38 = arith.constant 0 : index
    %swap3A_39 = arith.constant 0 : index
    %swap3A_40 = vector.load %arg12[%swap3A, %swap3A_38, %swap3A_39] : memref<8x512x1xf32, #tpu.memory_space<vmem>>, vector<1x512x1xf32>
    tpu.vector_store %arg12[%swap3A, %swap3A_38, %swap3A_39], %broadcast_in_dim3A {strides = array<i32>} : memref<8x512x1xf32, #tpu.memory_space<vmem>>, vector<1x512x1xf32>,
    %eq3A = arith.constant 7 : i32
    %eq3A_41 = arith.cmpi eq, %arg0, %eq3A : i32
    %convert_element_type3A_42 = arith.extui %eq3A_41 : i1 to i32
    %cond3A = arith.constant 0 : i32
    %cond3A_43 = arith.cmpi ne, %convert_element_type3A_42, %cond3A : i32
    scf.if %cond3A_43 {
      %get3A_44 = arith.constant 0 : index
      %get3A_45 = arith.constant 0 : index
      %get3A_46 = arith.constant 0 : index
      %get3A_47 = vector.load %arg12[%get3A_44, %get3A_45, %get3A_46] : memref<8x512x1xf32, #tpu.memory_space<vmem>>, vector<8x512x1xf32>
      %get3A_48 = vector.shape_cast %get3A_47 : vector<8x512x1xf32> to vector<8x512xf32>
      %iota3A = tpu.iota {dimensions = array<i32: 0>} : vector<512x512xi32>
      %iota3A_49 = tpu.iota {dimensions = array<i32: 1>} : vector<512x512xi32>
      %le3A = arith.cmpi sle, %iota3A, %iota3A_49 : vector<512x512xi32>
      %convert_element_type3A_50 = arith.extui %le3A : vector<512x512xi1> to vector<512x512xi32>
      %convert_element_type3A_51 = arith.sitofp %convert_element_type3A_50 : vector<512x512xi32> to vector<512x512xf32>
      %iota3A_52 = tpu.iota {dimensions = array<i32: 0>} : vector<8x8xi32>
      %iota3A_53 = tpu.iota {dimensions = array<i32: 1>} : vector<8x8xi32>
      %gt3A = arith.cmpi sgt, %iota3A_52, %iota3A_53 : vector<8x8xi32>
      %convert_element_type3A_54 = arith.extui %gt3A : vector<8x8xi1> to vector<8x8xi32>
      %convert_element_type3A_55 = arith.sitofp %convert_element_type3A_54 : vector<8x8xi32> to vector<8x8xf32>
      %sub3A = arith.constant 1.000000e+00 : f32
      %sub3A_56 = vector.broadcast %sub3A : f32 to vector<8x512xf32>
      %sub3A_57 = arith.subf %sub3A_56, %get3A_48 : vector<8x512xf32>
      %concatenate3A = tpu.concatenate %get3A_48, %sub3A_57 in 0 : vector<8x512xf32>, vector<8x512xf32> -> vector<16x512xf32>
      %dot_general3A_58 = arith.constant dense<0.000000e+00> : vector<16x512xf32>
      %dot_general3A_59 = tpu.matmul %concatenate3A, %convert_element_type3A_51, %dot_general3A_58 {dimension_numbers = #tpu.dot_dimension_numbers<[1], [0], [0], [1], [0, 0, 1, 1], [], []>, precision = #tpu.contract_precision<fp32>, transpose_lhs_hint = false} : vector<16x512xf32>, vector<512x512xf32>, vector<16x512xf32> -> vector<16x512xf32>
      %slice3A_60 = vector.extract_strided_slice %dot_general3A_59 {offsets = [0, 511], sizes = [8, 1], strides = [1, 1]} : vector<16x512xf32> to vector<8x1xf32>
      %slice3A_61 = vector.extract_strided_slice %dot_general3A_59 {offsets = [8, 511], sizes = [8, 1], strides = [1, 1]} : vector<16x512xf32> to vector<8x1xf32>
      %concatenate3A_62 = tpu.concatenate %slice3A_60, %slice3A_61 in 1 : vector<8x1xf32>, vector<8x1xf32> -> vector<8x2xf32>
      %dot_general3A_63 = arith.constant dense<0.000000e+00> : vector<8x2xf32>
      %dot_general3A_64 = tpu.matmul %convert_element_type3A_55, %concatenate3A_62, %dot_general3A_63 {dimension_numbers = #tpu.dot_dimension_numbers<[1], [0], [0], [1], [0, 0, 1, 1], [], []>, precision = #tpu.contract_precision<fp32>, transpose_lhs_hint = false} : vector<8x8xf32>, vector<8x2xf32>, vector<8x2xf32> -> vector<8x2xf32>
      %slice3A_65 = vector.extract_strided_slice %dot_general3A_59 {offsets = [0, 0], sizes = [8, 512], strides = [1, 1]} : vector<16x512xf32> to vector<8x512xf32>
      %slice3A_66 = vector.extract_strided_slice %dot_general3A_64 {offsets = [0, 0], sizes = [8, 1], strides = [1, 1]} : vector<8x2xf32> to vector<8x1xf32>
      %add3A_67 = vector.broadcast %slice3A_66 : vector<8x1xf32> to vector<8x512xf32>
      %add3A_68 = arith.addf %slice3A_65, %add3A_67 : vector<8x512xf32>
      %sub3A_69 = arith.constant 1.000000e+00 : f32
      %sub3A_70 = vector.broadcast %sub3A_69 : f32 to vector<8x512xf32>
      %sub3A_71 = arith.subf %add3A_68, %sub3A_70 : vector<8x512xf32>
      %slice3A_72 = vector.extract_strided_slice %dot_general3A_59 {offsets = [8, 0], sizes = [8, 512], strides = [1, 1]} : vector<16x512xf32> to vector<8x512xf32>
      %slice3A_73 = vector.extract_strided_slice %dot_general3A_64 {offsets = [0, 1], sizes = [8, 1], strides = [1, 1]} : vector<8x2xf32> to vector<8x1xf32>
      %add3A_74 = vector.broadcast %slice3A_73 : vector<8x1xf32> to vector<8x512xf32>
      %add3A_75 = arith.addf %slice3A_72, %add3A_74 : vector<8x512xf32>
      %sub3A_76 = arith.constant 1.000000e+00 : f32
      %sub3A_77 = vector.broadcast %sub3A_76 : f32 to vector<8x512xf32>
      %sub3A_78 = arith.subf %add3A_75, %sub3A_77 : vector<8x512xf32>
      %slice3A_79 = vector.extract_strided_slice %dot_general3A_64 {offsets = [7, 0], sizes = [1, 1], strides = [1, 1]} : vector<8x2xf32> to vector<1x1xf32>
      %slice3A_80 = vector.extract_strided_slice %concatenate3A_62 {offsets = [7, 0], sizes = [1, 1], strides = [1, 1]} : vector<8x2xf32> to vector<1x1xf32>
      %add3A_81 = arith.addf %slice3A_79, %slice3A_80 : vector<1x1xf32>
      %slice3A_82 = vector.extract_strided_slice %dot_general3A_64 {offsets = [7, 1], sizes = [1, 1], strides = [1, 1]} : vector<8x2xf32> to vector<1x1xf32>
      %slice3A_83 = vector.extract_strided_slice %concatenate3A_62 {offsets = [7, 1], sizes = [1, 1], strides = [1, 1]} : vector<8x2xf32> to vector<1x1xf32>
      %add3A_84 = arith.addf %slice3A_82, %slice3A_83 : vector<1x1xf32>
      %add3A_85 = arith.constant 5.110000e+02 : f32
      %add3A_86 = vector.broadcast %add3A_85 : f32 to vector<1x1xf32>
      %add3A_87 = arith.addf %add3A_81, %add3A_86 : vector<1x1xf32>
      %div3A = arith.constant 5.120000e+02 : f32
      %div3A_88 = vector.broadcast %div3A : f32 to vector<1x1xf32>
      %div3A_89 = arith.divf %add3A_87, %div3A_88 : vector<1x1xf32>
      %floor3A = math.floor %div3A_89 : vector<1x1xf32>
      %mul3A = arith.constant 5.120000e+02 : f32
      %mul3A_90 = vector.broadcast %mul3A : f32 to vector<1x1xf32>
      %mul3A_91 = arith.mulf %floor3A, %mul3A_90 : vector<1x1xf32>
      %mul3A_92 = arith.mulf %get3A_48, %sub3A_71 : vector<8x512xf32>
      %sub3A_93 = arith.constant 1.000000e+00 : f32
      %sub3A_94 = vector.broadcast %sub3A_93 : f32 to vector<8x512xf32>
      %sub3A_95 = arith.subf %sub3A_94, %get3A_48 : vector<8x512xf32>
      %add3A_96 = vector.broadcast %mul3A_91 : vector<1x1xf32> to vector<8x512xf32>
      %add3A_97 = arith.addf %add3A_96, %sub3A_78 : vector<8x512xf32>
      %mul3A_98 = arith.mulf %sub3A_95, %add3A_97 : vector<8x512xf32>
      %add3A_99 = arith.addf %mul3A_92, %mul3A_98 : vector<8x512xf32>
      %convert_element_type3A_100 = arith.fptosi %add3A_99 : vector<8x512xf32> to vector<8x512xi32>
      %swap3A_101 = arith.constant 0 : index
      %swap3A_102 = arith.constant 0 : index
      %swap3A_103 = vector.load %arg9[%swap3A_101, %swap3A_102] : memref<8x512xi32, #tpu.memory_space<vmem>>, vector<8x512xi32>
      tpu.vector_store %arg9[%swap3A_101, %swap3A_102], %convert_element_type3A_100 {strides = array<i32>} : memref<8x512xi32, #tpu.memory_space<vmem>>, vector<8x512xi32>,
      %broadcast_in_dim3A_104 = arith.constant 0.000000e+00 : f32
      %broadcast_in_dim3A_105 = vector.broadcast %broadcast_in_dim3A_104 : f32 to vector<1x5xf32>
      %concatenate3A_106 = tpu.concatenate %mul3A_91, %add3A_81, %add3A_84, %broadcast_in_dim3A_105 in 1 : vector<1x1xf32>, vector<1x1xf32>, vector<1x1xf32>, vector<1x5xf32> -> vector<1x8xf32>
      %swap3A_107 = arith.constant 0 : index
      %swap3A_108 = arith.constant 0 : index
      %swap3A_109 = vector.load %arg10[%swap3A_107, %swap3A_108] : memref<1x8xf32, #tpu.memory_space<vmem>>, vector<1x8xf32>
      tpu.vector_store %arg10[%swap3A_107, %swap3A_108], %concatenate3A_106 {strides = array<i32>} : memref<1x8xf32, #tpu.memory_space<vmem>>, vector<1x8xf32>,
      %iota3A_110 = tpu.iota {dimensions = array<i32: 1>} : vector<1x9xi32>
      %convert_element_type3A_111 = arith.sitofp %iota3A_110 : vector<1x9xi32> to vector<1x9xf32>
      %mul3A_112 = arith.constant 5.120000e+02 : f32
      %mul3A_113 = vector.broadcast %mul3A_112 : f32 to vector<1x9xf32>
      %mul3A_114 = arith.mulf %convert_element_type3A_111, %mul3A_113 : vector<1x9xf32>
      %ge3A_115 = vector.broadcast %mul3A_91 : vector<1x1xf32> to vector<1x9xf32>
      %ge3A_116 = arith.cmpf oge, %mul3A_114, %ge3A_115 : vector<1x9xf32>
      %convert_element_type3A_117 = arith.extui %ge3A_116 : vector<1x9xi1> to vector<1x9xi32>
      %add3A_118 = arith.constant 1 : i32
      %add3A_119 = vector.broadcast %add3A_118 : i32 to vector<1x9xi32>
      %add3A_120 = arith.addi %add3A_119, %convert_element_type3A_117 : vector<1x9xi32>
      %swap3A_121 = arith.constant 0 : index
      %swap3A_122 = arith.constant 0 : index
      %swap3A_123 = vector.load %arg11[%swap3A_121, %swap3A_122] : memref<1x9xi32, #tpu.memory_space<vmem>>, vector<1x9xi32>
      tpu.vector_store %arg11[%swap3A_121, %swap3A_122], %add3A_120 {strides = array<i32>} : memref<1x9xi32, #tpu.memory_space<vmem>>, vector<1x9xi32>,
    } else {
    }
    return
  }
  func.func @transform_0(%arg0: i32, %arg1: memref<1xi32, #tpu.memory_space<smem>>) -> (i32, i32) {
    %c0_i32 = arith.constant 0 : i32
    %c0_i32_0 = arith.constant 0 : i32
    return %arg0, %c0_i32 : i32, i32
  }
  func.func @transform_1(%arg0: i32, %arg1: memref<1xi32, #tpu.memory_space<smem>>) -> (i32, i32, i32) {
    %c0_i32 = arith.constant 0 : i32
    %c0_i32_0 = arith.constant 0 : i32
    %c0_i32_1 = arith.constant 0 : i32
    %c0_i32_2 = arith.constant 0 : i32
    return %c0_i32, %c0_i32_0, %c0_i32_1 : i32, i32, i32
  }
  func.func @transform_2(%arg0: i32, %arg1: memref<1xi32, #tpu.memory_space<smem>>) -> (i32, i32) {
    %c0_i32 = arith.constant 0 : i32
    %c0_i32_0 = arith.constant 0 : i32
    %c0_i32_1 = arith.constant 0 : i32
    return %c0_i32, %c0_i32_0 : i32, i32
  }
  func.func @transform_3(%arg0: i32, %arg1: memref<1xi32, #tpu.memory_space<smem>>) -> (i32, i32, i32) {
    %c0_i32 = arith.constant 0 : i32
    %c0_i32_0 = arith.constant 0 : i32
    %c0_i32_1 = arith.constant 0 : i32
    %c0_i32_2 = arith.constant 0 : i32
    return %c0_i32, %c0_i32_0, %c0_i32_1 : i32, i32, i32
  }
  func.func @transform_4(%arg0: i32, %arg1: memref<1xi32, #tpu.memory_space<smem>>) -> (i32, i32) {
    %c0_i32 = arith.constant 0 : i32
    %c0_i32_0 = arith.constant 0 : i32
    %c0_i32_1 = arith.constant 0 : i32
    return %c0_i32, %c0_i32_0 : i32, i32
  }
  func.func @transform_5(%arg0: i32, %arg1: memref<1xi32, #tpu.memory_space<smem>>) -> (i32, i32, i32) {
    %c0_i32 = arith.constant 0 : i32
    %c0_i32_0 = arith.constant 0 : i32
    %c0_i32_1 = arith.constant 0 : i32
    %c0_i32_2 = arith.constant 0 : i32
    return %c0_i32, %c0_i32_0, %c0_i32_1 : i32, i32, i32
  }
  func.func @transform_6(%arg0: i32, %arg1: memref<1xi32, #tpu.memory_space<smem>>) -> (i32, i32) {
    %c0_i32 = arith.constant 0 : i32
    %c0_i32_0 = arith.constant 0 : i32
    %c0_i32_1 = arith.constant 0 : i32
    return %c0_i32, %c0_i32_0 : i32, i32
  }
  func.func @transform_7(%arg0: i32, %arg1: memref<1xi32, #tpu.memory_space<smem>>) -> (i32, i32) {
    %c0_i32 = arith.constant 0 : i32
    %c0_i32_0 = arith.constant 0 : i32
    %c0_i32_1 = arith.constant 0 : i32
    return %c0_i32, %c0_i32_0 : i32, i32
  }
  func.func @transform_8(%arg0: i32, %arg1: memref<1xi32, #tpu.memory_space<smem>>) -> (i32, i32) {
    %c0_i32 = arith.constant 0 : i32
    %c0_i32_0 = arith.constant 0 : i32
    %c0_i32_1 = arith.constant 0 : i32
    return %c0_i32, %c0_i32_0 : i32, i32
  }
  func.func @transform_9(%arg0: i32, %arg1: memref<1xi32, #tpu.memory_space<smem>>) -> (i32, i32) {
    %c0_i32 = arith.constant 0 : i32
    %c0_i32_0 = arith.constant 0 : i32
    %c0_i32_1 = arith.constant 0 : i32
    return %c0_i32, %c0_i32_0 : i32, i32
  }
}

module attributes {stable_mosaic.version = 14 : i64} {
  func.func @_l1_kernel(%arg0: i32, %arg1: memref<9xi32, #tpu.memory_space<smem>>, %arg2: memref<512x256xf32, #tpu.memory_space<vmem>>, %arg3: memref<1x256x1024xf32, #tpu.memory_space<vmem>>, %arg4: memref<7x1024xf32, #tpu.memory_space<vmem>>, %arg5: memref<1x1024x1024xf32, #tpu.memory_space<vmem>>, %arg6: memref<7x1024xf32, #tpu.memory_space<vmem>>, %arg7: memref<7x1024x2xf32, #tpu.memory_space<vmem>>, %arg8: memref<7x2xf32, #tpu.memory_space<vmem>>, %arg9: memref<1x8xf32, #tpu.memory_space<smem>>, %arg10: memref<9x512xi32, #tpu.memory_space<vmem>>, %arg11: memref<1x8xf32, #tpu.memory_space<vmem>>, %arg12: memref<1x12xi32, #tpu.memory_space<vmem>>, %arg13: memref<9x512x1xf32, #tpu.memory_space<vmem>>) attributes {dimension_semantics = [#tpu.dimension_semantics<arbitrary>], iteration_bounds = array<i64: 9>, scalar_prefetch = 1 : i64, scratch_operands = 1 : i64, tpu.core_type = #tpu.core_type<tc>, window_params = [{transform_indices = @transform_0, window_bounds = array<i64: 512, 256>}, {transform_indices = @transform_1, window_bounds = array<i64: 1, 256, 1024>}, {pipeline_mode = #tpu.pipeline_mode<synchronous>, transform_indices = @transform_2, window_bounds = array<i64: 7, 1024>}, {transform_indices = @transform_3, window_bounds = array<i64: 1, 1024, 1024>}, {pipeline_mode = #tpu.pipeline_mode<synchronous>, transform_indices = @transform_4, window_bounds = array<i64: 7, 1024>}, {pipeline_mode = #tpu.pipeline_mode<synchronous>, transform_indices = @transform_5, window_bounds = array<i64: 7, 1024, 2>}, {pipeline_mode = #tpu.pipeline_mode<synchronous>, transform_indices = @transform_6, window_bounds = array<i64: 7, 2>}, {transform_indices = @transform_7, window_bounds = array<i64: 1, 8>}, {pipeline_mode = #tpu.pipeline_mode<synchronous>, transform_indices = @transform_8, window_bounds = array<i64: 9, 512>}, {pipeline_mode = #tpu.pipeline_mode<synchronous>, transform_indices = @transform_9, window_bounds = array<i64: 1, 8>}, {pipeline_mode = #tpu.pipeline_mode<synchronous>, transform_indices = @transform_10, window_bounds = array<i64: 1, 12>}]} {
    %get3A = arith.index_cast %arg0 : i32 to index
    %get3A_0 = memref.load %arg1[%get3A] : memref<9xi32, #tpu.memory_space<smem>>
    %get3A_1 = arith.constant 0 : index
    %get3A_2 = arith.constant 0 : index
    %get3A_3 = memref.load %arg9[%get3A_1, %get3A_2] : memref<1x8xf32, #tpu.memory_space<smem>>
    %eq3A = arith.constant 1 : i32
    %eq3A_4 = arith.cmpi eq, %get3A_0, %eq3A : i32
    %get3A_5 = arith.constant 0 : index
    %get3A_6 = arith.constant 1 : index
    %get3A_7 = memref.load %arg9[%get3A_5, %get3A_6] : memref<1x8xf32, #tpu.memory_space<smem>>
    %get3A_8 = arith.constant 0 : index
    %get3A_9 = arith.constant 2 : index
    %get3A_10 = memref.load %arg9[%get3A_8, %get3A_9] : memref<1x8xf32, #tpu.memory_space<smem>>
    %add3A = arith.addf %get3A_3, %get3A_10 : f32
    %select_n3A = arith.select %eq3A_4, %get3A_7, %add3A : f32
    %mul3A = arith.constant 512 : i32
    %mul3A_11 = arith.muli %arg0, %mul3A : i32
    %convert_element_type3A = arith.sitofp %mul3A_11 : i32 to f32
    %lt3A = arith.cmpf olt, %convert_element_type3A, %select_n3A : f32
    %convert_element_type3A_12 = arith.extui %lt3A : i1 to i32
    %cond3A = arith.constant 0 : i32
    %cond3A_13 = arith.cmpi ne, %convert_element_type3A_12, %cond3A : i32
    scf.if %cond3A_13 {
      %get3A_19 = arith.constant 0 : index
      %get3A_20 = arith.constant 0 : index
      %get3A_21 = vector.load %arg2[%get3A_19, %get3A_20] : memref<512x256xf32, #tpu.memory_space<vmem>>, vector<512x256xf32>
      %get3A_22 = arith.index_cast %get3A_0 : i32 to index
      %get3A_23 = arith.constant 0 : index
      %get3A_24 = vector.load %arg4[%get3A_22, %get3A_23] : memref<7x1024xf32, #tpu.memory_space<vmem>>, vector<1x1024xf32>
      %get3A_25 = arith.index_cast %get3A_0 : i32 to index
      %get3A_26 = arith.constant 0 : index
      %get3A_27 = vector.load %arg6[%get3A_25, %get3A_26] : memref<7x1024xf32, #tpu.memory_space<vmem>>, vector<1x1024xf32>
      %get3A_28 = arith.index_cast %get3A_0 : i32 to index
      %get3A_29 = arith.constant 0 : index
      %get3A_30 = arith.constant 0 : index
      %get3A_31 = vector.load %arg7[%get3A_28, %get3A_29, %get3A_30] : memref<7x1024x2xf32, #tpu.memory_space<vmem>>, vector<1x1024x2xf32>
      %squeeze3A = vector.shape_cast %get3A_31 : vector<1x1024x2xf32> to vector<1024x2xf32>
      %get3A_32 = arith.index_cast %get3A_0 : i32 to index
      %get3A_33 = arith.constant 0 : index
      %get3A_34 = vector.load %arg8[%get3A_32, %get3A_33] : memref<7x2xf32, #tpu.memory_space<vmem>>, vector<1x2xf32>
      %get3A_35 = arith.constant 0 : index
      %get3A_36 = arith.constant 0 : index
      %get3A_37 = arith.constant 0 : index
      %get3A_38 = vector.load %arg3[%get3A_35, %get3A_36, %get3A_37] : memref<1x256x1024xf32, #tpu.memory_space<vmem>>, vector<1x256x1024xf32>
      %get3A_39 = vector.shape_cast %get3A_38 : vector<1x256x1024xf32> to vector<256x1024xf32>
      %dot_general3A = arith.constant dense<0.000000e+00> : vector<512x1024xf32>
      %dot_general3A_40 = tpu.matmul %get3A_21, %get3A_39, %dot_general3A {dimension_numbers = #tpu.dot_dimension_numbers<[1], [0], [0], [1], [0, 0, 1, 1], [], []>, transpose_lhs_hint = false} : vector<512x256xf32>, vector<256x1024xf32>, vector<512x1024xf32> -> vector<512x1024xf32>
      %add3A_41 = vector.broadcast %get3A_24 : vector<1x1024xf32> to vector<512x1024xf32>
      %add3A_42 = arith.addf %dot_general3A_40, %add3A_41 : vector<512x1024xf32>
      %tanh3A = math.tanh %add3A_42 : vector<512x1024xf32>
      %get3A_43 = arith.constant 0 : index
      %get3A_44 = arith.constant 0 : index
      %get3A_45 = arith.constant 0 : index
      %get3A_46 = vector.load %arg5[%get3A_43, %get3A_44, %get3A_45] : memref<1x1024x1024xf32, #tpu.memory_space<vmem>>, vector<1x1024x1024xf32>
      %get3A_47 = vector.shape_cast %get3A_46 : vector<1x1024x1024xf32> to vector<1024x1024xf32>
      %dot_general3A_48 = arith.constant dense<0.000000e+00> : vector<512x1024xf32>
      %dot_general3A_49 = tpu.matmul %tanh3A, %get3A_47, %dot_general3A_48 {dimension_numbers = #tpu.dot_dimension_numbers<[1], [0], [0], [1], [0, 0, 1, 1], [], []>, transpose_lhs_hint = false} : vector<512x1024xf32>, vector<1024x1024xf32>, vector<512x1024xf32> -> vector<512x1024xf32>
      %add3A_50 = vector.broadcast %get3A_27 : vector<1x1024xf32> to vector<512x1024xf32>
      %add3A_51 = arith.addf %dot_general3A_49, %add3A_50 : vector<512x1024xf32>
      %tanh3A_52 = math.tanh %add3A_51 : vector<512x1024xf32>
      %dot_general3A_53 = arith.constant dense<0.000000e+00> : vector<512x2xf32>
      %dot_general3A_54 = tpu.matmul %tanh3A_52, %squeeze3A, %dot_general3A_53 {dimension_numbers = #tpu.dot_dimension_numbers<[1], [0], [0], [1], [0, 0, 1, 1], [], []>, transpose_lhs_hint = false} : vector<512x1024xf32>, vector<1024x2xf32>, vector<512x2xf32> -> vector<512x2xf32>
      %add3A_55 = vector.broadcast %get3A_34 : vector<1x2xf32> to vector<512x2xf32>
      %add3A_56 = arith.addf %dot_general3A_54, %add3A_55 : vector<512x2xf32>
      %slice3A = vector.extract_strided_slice %add3A_56 {offsets = [0, 0], sizes = [512, 1], strides = [1, 1]} : vector<512x2xf32> to vector<512x1xf32>
      %slice3A_57 = vector.extract_strided_slice %add3A_56 {offsets = [0, 1], sizes = [512, 1], strides = [1, 1]} : vector<512x2xf32> to vector<512x1xf32>
      %ge3A = arith.cmpf oge, %slice3A, %slice3A_57 : vector<512x1xf32>
      %convert_element_type3A_58 = arith.extui %ge3A : vector<512x1xi1> to vector<512x1xi32>
      %convert_element_type3A_59 = arith.sitofp %convert_element_type3A_58 : vector<512x1xi32> to vector<512x1xf32>
      %broadcast_in_dim3A = vector.shape_cast %convert_element_type3A_59 : vector<512x1xf32> to vector<1x512x1xf32>
      %swap3A = arith.index_cast %arg0 : i32 to index
      %swap3A_60 = arith.constant 0 : index
      %swap3A_61 = arith.constant 0 : index
      %swap3A_62 = vector.load %arg13[%swap3A, %swap3A_60, %swap3A_61] : memref<9x512x1xf32, #tpu.memory_space<vmem>>, vector<1x512x1xf32>
      tpu.vector_store %arg13[%swap3A, %swap3A_60, %swap3A_61], %broadcast_in_dim3A {strides = array<i32>} : memref<9x512x1xf32, #tpu.memory_space<vmem>>, vector<1x512x1xf32>,
    } else {
    }
    %eq3A_14 = arith.constant 8 : i32
    %eq3A_15 = arith.cmpi eq, %arg0, %eq3A_14 : i32
    %convert_element_type3A_16 = arith.extui %eq3A_15 : i1 to i32
    %cond3A_17 = arith.constant 0 : i32
    %cond3A_18 = arith.cmpi ne, %convert_element_type3A_16, %cond3A_17 : i32
    scf.if %cond3A_18 {
      %get3A_19 = arith.constant 0 : index
      %get3A_20 = arith.constant 0 : index
      %get3A_21 = arith.constant 0 : index
      %get3A_22 = vector.load %arg13[%get3A_19, %get3A_20, %get3A_21] : memref<9x512x1xf32, #tpu.memory_space<vmem>>, vector<9x512x1xf32>
      %get3A_23 = vector.shape_cast %get3A_22 : vector<9x512x1xf32> to vector<9x512xf32>
      %get3A_24 = arith.constant 0 : index
      %get3A_25 = arith.constant 0 : index
      %get3A_26 = memref.load %arg9[%get3A_24, %get3A_25] : memref<1x8xf32, #tpu.memory_space<smem>>
      %get3A_27 = arith.constant 0 : index
      %get3A_28 = arith.constant 1 : index
      %get3A_29 = memref.load %arg9[%get3A_27, %get3A_28] : memref<1x8xf32, #tpu.memory_space<smem>>
      %get3A_30 = arith.constant 0 : index
      %get3A_31 = arith.constant 2 : index
      %get3A_32 = memref.load %arg9[%get3A_30, %get3A_31] : memref<1x8xf32, #tpu.memory_space<smem>>
      %iota3A = tpu.iota {dimensions = array<i32: 0>} : vector<512x512xi32>
      %iota3A_33 = tpu.iota {dimensions = array<i32: 1>} : vector<512x512xi32>
      %le3A = arith.cmpi sle, %iota3A, %iota3A_33 : vector<512x512xi32>
      %convert_element_type3A_34 = arith.extui %le3A : vector<512x512xi1> to vector<512x512xi32>
      %convert_element_type3A_35 = arith.sitofp %convert_element_type3A_34 : vector<512x512xi32> to vector<512x512xf32>
      %iota3A_36 = tpu.iota {dimensions = array<i32: 0>} : vector<9x9xi32>
      %iota3A_37 = tpu.iota {dimensions = array<i32: 1>} : vector<9x9xi32>
      %gt3A = arith.cmpi sgt, %iota3A_36, %iota3A_37 : vector<9x9xi32>
      %convert_element_type3A_38 = arith.extui %gt3A : vector<9x9xi1> to vector<9x9xi32>
      %convert_element_type3A_39 = arith.sitofp %convert_element_type3A_38 : vector<9x9xi32> to vector<9x9xf32>
      %iota3A_40 = tpu.iota {dimensions = array<i32: 0>} : vector<9x512xi32>
      %mul3A_41 = arith.constant 512 : i32
      %mul3A_42 = vector.broadcast %mul3A_41 : i32 to vector<9x512xi32>
      %mul3A_43 = arith.muli %iota3A_40, %mul3A_42 : vector<9x512xi32>
      %iota3A_44 = tpu.iota {dimensions = array<i32: 1>} : vector<9x512xi32>
      %add3A_45 = arith.addi %mul3A_43, %iota3A_44 : vector<9x512xi32>
      %convert_element_type3A_46 = arith.sitofp %add3A_45 : vector<9x512xi32> to vector<9x512xf32>
      %ge3A = vector.broadcast %get3A_26 : f32 to vector<9x512xf32>
      %ge3A_47 = arith.cmpf oge, %convert_element_type3A_46, %ge3A : vector<9x512xf32>
      %lt3A_48 = vector.broadcast %get3A_29 : f32 to vector<9x512xf32>
      %lt3A_49 = arith.cmpf olt, %convert_element_type3A_46, %lt3A_48 : vector<9x512xf32>
      %add3A_50 = arith.addf %get3A_26, %get3A_32 : f32
      %lt3A_51 = vector.broadcast %add3A_50 : f32 to vector<9x512xf32>
      %lt3A_52 = arith.cmpf olt, %convert_element_type3A_46, %lt3A_51 : vector<9x512xf32>
      %and3A = arith.andi %ge3A_47, %lt3A_52 : vector<9x512xi1>
      %or3A = arith.ori %lt3A_49, %and3A : vector<9x512xi1>
      %eq3A_53 = arith.constant false
      %eq3A_54 = vector.broadcast %eq3A_53 : i1 to vector<9x512xi1>
      %eq3A_55 = vector.broadcast %eq3A_54 : vector<9x512xi1> to vector<9x512xi1>
      %eq3A_56 = arith.xori %ge3A_47, %eq3A_55 : vector<9x512xi1>
      %eq3A_57 = arith.constant dense<true> : vector<9x512xi1>
      %eq3A_58 = arith.xori %eq3A_56, %eq3A_57 : vector<9x512xi1>
      %and3A_59 = arith.andi %or3A, %eq3A_58 : vector<9x512xi1>
      %gt3A_60 = arith.constant 5.000000e-01 : f32
      %gt3A_61 = vector.broadcast %gt3A_60 : f32 to vector<9x512xf32>
      %gt3A_62 = arith.cmpf ogt, %get3A_23, %gt3A_61 : vector<9x512xf32>
      %eq3A_63 = arith.constant true
      %eq3A_64 = vector.broadcast %eq3A_63 : i1 to vector<9x512xi1>
      %eq3A_65 = vector.broadcast %eq3A_64 : vector<9x512xi1> to vector<9x512xi1>
      %eq3A_66 = arith.xori %gt3A_62, %eq3A_65 : vector<9x512xi1>
      %eq3A_67 = arith.constant dense<true> : vector<9x512xi1>
      %eq3A_68 = arith.xori %eq3A_66, %eq3A_67 : vector<9x512xi1>
      %and3A_69 = arith.andi %and3A_59, %eq3A_68 : vector<9x512xi1>
      %convert_element_type3A_70 = arith.extui %and3A_69 : vector<9x512xi1> to vector<9x512xi32>
      %convert_element_type3A_71 = arith.sitofp %convert_element_type3A_70 : vector<9x512xi32> to vector<9x512xf32>
      %eq3A_72 = arith.constant false
      %eq3A_73 = vector.broadcast %eq3A_72 : i1 to vector<9x512xi1>
      %eq3A_74 = vector.broadcast %eq3A_73 : vector<9x512xi1> to vector<9x512xi1>
      %eq3A_75 = arith.xori %ge3A_47, %eq3A_74 : vector<9x512xi1>
      %eq3A_76 = arith.constant dense<true> : vector<9x512xi1>
      %eq3A_77 = arith.xori %eq3A_75, %eq3A_76 : vector<9x512xi1>
      %and3A_78 = arith.andi %or3A, %eq3A_77 : vector<9x512xi1>
      %gt3A_79 = arith.constant 5.000000e-01 : f32
      %gt3A_80 = vector.broadcast %gt3A_79 : f32 to vector<9x512xf32>
      %gt3A_81 = arith.cmpf ogt, %get3A_23, %gt3A_80 : vector<9x512xf32>
      %eq3A_82 = arith.constant false
      %eq3A_83 = vector.broadcast %eq3A_82 : i1 to vector<9x512xi1>
      %eq3A_84 = vector.broadcast %eq3A_83 : vector<9x512xi1> to vector<9x512xi1>
      %eq3A_85 = arith.xori %gt3A_81, %eq3A_84 : vector<9x512xi1>
      %eq3A_86 = arith.constant dense<true> : vector<9x512xi1>
      %eq3A_87 = arith.xori %eq3A_85, %eq3A_86 : vector<9x512xi1>
      %and3A_88 = arith.andi %and3A_78, %eq3A_87 : vector<9x512xi1>
      %convert_element_type3A_89 = arith.extui %and3A_88 : vector<9x512xi1> to vector<9x512xi32>
      %convert_element_type3A_90 = arith.sitofp %convert_element_type3A_89 : vector<9x512xi32> to vector<9x512xf32>
      %eq3A_91 = arith.constant true
      %eq3A_92 = vector.broadcast %eq3A_91 : i1 to vector<9x512xi1>
      %eq3A_93 = vector.broadcast %eq3A_92 : vector<9x512xi1> to vector<9x512xi1>
      %eq3A_94 = arith.xori %ge3A_47, %eq3A_93 : vector<9x512xi1>
      %eq3A_95 = arith.constant dense<true> : vector<9x512xi1>
      %eq3A_96 = arith.xori %eq3A_94, %eq3A_95 : vector<9x512xi1>
      %and3A_97 = arith.andi %or3A, %eq3A_96 : vector<9x512xi1>
      %gt3A_98 = arith.constant 5.000000e-01 : f32
      %gt3A_99 = vector.broadcast %gt3A_98 : f32 to vector<9x512xf32>
      %gt3A_100 = arith.cmpf ogt, %get3A_23, %gt3A_99 : vector<9x512xf32>
      %eq3A_101 = arith.constant true
      %eq3A_102 = vector.broadcast %eq3A_101 : i1 to vector<9x512xi1>
      %eq3A_103 = vector.broadcast %eq3A_102 : vector<9x512xi1> to vector<9x512xi1>
      %eq3A_104 = arith.xori %gt3A_100, %eq3A_103 : vector<9x512xi1>
      %eq3A_105 = arith.constant dense<true> : vector<9x512xi1>
      %eq3A_106 = arith.xori %eq3A_104, %eq3A_105 : vector<9x512xi1>
      %and3A_107 = arith.andi %and3A_97, %eq3A_106 : vector<9x512xi1>
      %convert_element_type3A_108 = arith.extui %and3A_107 : vector<9x512xi1> to vector<9x512xi32>
      %convert_element_type3A_109 = arith.sitofp %convert_element_type3A_108 : vector<9x512xi32> to vector<9x512xf32>
      %eq3A_110 = arith.constant true
      %eq3A_111 = vector.broadcast %eq3A_110 : i1 to vector<9x512xi1>
      %eq3A_112 = vector.broadcast %eq3A_111 : vector<9x512xi1> to vector<9x512xi1>
      %eq3A_113 = arith.xori %ge3A_47, %eq3A_112 : vector<9x512xi1>
      %eq3A_114 = arith.constant dense<true> : vector<9x512xi1>
      %eq3A_115 = arith.xori %eq3A_113, %eq3A_114 : vector<9x512xi1>
      %and3A_116 = arith.andi %or3A, %eq3A_115 : vector<9x512xi1>
      %gt3A_117 = arith.constant 5.000000e-01 : f32
      %gt3A_118 = vector.broadcast %gt3A_117 : f32 to vector<9x512xf32>
      %gt3A_119 = arith.cmpf ogt, %get3A_23, %gt3A_118 : vector<9x512xf32>
      %eq3A_120 = arith.constant false
      %eq3A_121 = vector.broadcast %eq3A_120 : i1 to vector<9x512xi1>
      %eq3A_122 = vector.broadcast %eq3A_121 : vector<9x512xi1> to vector<9x512xi1>
      %eq3A_123 = arith.xori %gt3A_119, %eq3A_122 : vector<9x512xi1>
      %eq3A_124 = arith.constant dense<true> : vector<9x512xi1>
      %eq3A_125 = arith.xori %eq3A_123, %eq3A_124 : vector<9x512xi1>
      %and3A_126 = arith.andi %and3A_116, %eq3A_125 : vector<9x512xi1>
      %convert_element_type3A_127 = arith.extui %and3A_126 : vector<9x512xi1> to vector<9x512xi32>
      %convert_element_type3A_128 = arith.sitofp %convert_element_type3A_127 : vector<9x512xi32> to vector<9x512xf32>
      %convert_element_type3A_129 = arith.extui %or3A : vector<9x512xi1> to vector<9x512xi32>
      %convert_element_type3A_130 = arith.sitofp %convert_element_type3A_129 : vector<9x512xi32> to vector<9x512xf32>
      %sub3A = arith.constant 1.000000e+00 : f32
      %sub3A_131 = vector.broadcast %sub3A : f32 to vector<9x512xf32>
      %sub3A_132 = arith.subf %sub3A_131, %convert_element_type3A_130 : vector<9x512xf32>
      %concatenate3A = tpu.concatenate %convert_element_type3A_71, %convert_element_type3A_90, %convert_element_type3A_109, %convert_element_type3A_128, %sub3A_132 in 0 : vector<9x512xf32>, vector<9x512xf32>, vector<9x512xf32>, vector<9x512xf32>, vector<9x512xf32> -> vector<45x512xf32>
      %dot_general3A = arith.constant dense<0.000000e+00> : vector<45x512xf32>
      %dot_general3A_133 = tpu.matmul %concatenate3A, %convert_element_type3A_35, %dot_general3A {dimension_numbers = #tpu.dot_dimension_numbers<[1], [0], [0], [1], [0, 0, 1, 1], [], []>, precision = #tpu.contract_precision<fp32>, transpose_lhs_hint = false} : vector<45x512xf32>, vector<512x512xf32>, vector<45x512xf32> -> vector<45x512xf32>
      %slice3A = vector.extract_strided_slice %dot_general3A_133 {offsets = [0, 511], sizes = [9, 1], strides = [1, 1]} : vector<45x512xf32> to vector<9x1xf32>
      %slice3A_134 = vector.extract_strided_slice %dot_general3A_133 {offsets = [9, 511], sizes = [9, 1], strides = [1, 1]} : vector<45x512xf32> to vector<9x1xf32>
      %slice3A_135 = vector.extract_strided_slice %dot_general3A_133 {offsets = [18, 511], sizes = [9, 1], strides = [1, 1]} : vector<45x512xf32> to vector<9x1xf32>
      %slice3A_136 = vector.extract_strided_slice %dot_general3A_133 {offsets = [27, 511], sizes = [9, 1], strides = [1, 1]} : vector<45x512xf32> to vector<9x1xf32>
      %slice3A_137 = vector.extract_strided_slice %dot_general3A_133 {offsets = [36, 511], sizes = [9, 1], strides = [1, 1]} : vector<45x512xf32> to vector<9x1xf32>
      %concatenate3A_138 = tpu.concatenate %slice3A, %slice3A_134, %slice3A_135, %slice3A_136, %slice3A_137 in 1 : vector<9x1xf32>, vector<9x1xf32>, vector<9x1xf32>, vector<9x1xf32>, vector<9x1xf32> -> vector<9x5xf32>
      %dot_general3A_139 = arith.constant dense<0.000000e+00> : vector<9x5xf32>
      %dot_general3A_140 = tpu.matmul %convert_element_type3A_39, %concatenate3A_138, %dot_general3A_139 {dimension_numbers = #tpu.dot_dimension_numbers<[1], [0], [0], [1], [0, 0, 1, 1], [], []>, precision = #tpu.contract_precision<fp32>, transpose_lhs_hint = false} : vector<9x9xf32>, vector<9x5xf32>, vector<9x5xf32> -> vector<9x5xf32>
      %slice3A_141 = vector.extract_strided_slice %dot_general3A_133 {offsets = [0, 0], sizes = [9, 512], strides = [1, 1]} : vector<45x512xf32> to vector<9x512xf32>
      %slice3A_142 = vector.extract_strided_slice %dot_general3A_140 {offsets = [0, 0], sizes = [9, 1], strides = [1, 1]} : vector<9x5xf32> to vector<9x1xf32>
      %add3A_143 = vector.broadcast %slice3A_142 : vector<9x1xf32> to vector<9x512xf32>
      %add3A_144 = arith.addf %slice3A_141, %add3A_143 : vector<9x512xf32>
      %sub3A_145 = arith.constant 1.000000e+00 : f32
      %sub3A_146 = vector.broadcast %sub3A_145 : f32 to vector<9x512xf32>
      %sub3A_147 = arith.subf %add3A_144, %sub3A_146 : vector<9x512xf32>
      %slice3A_148 = vector.extract_strided_slice %dot_general3A_133 {offsets = [9, 0], sizes = [9, 512], strides = [1, 1]} : vector<45x512xf32> to vector<9x512xf32>
      %slice3A_149 = vector.extract_strided_slice %dot_general3A_140 {offsets = [0, 1], sizes = [9, 1], strides = [1, 1]} : vector<9x5xf32> to vector<9x1xf32>
      %add3A_150 = vector.broadcast %slice3A_149 : vector<9x1xf32> to vector<9x512xf32>
      %add3A_151 = arith.addf %slice3A_148, %add3A_150 : vector<9x512xf32>
      %sub3A_152 = arith.constant 1.000000e+00 : f32
      %sub3A_153 = vector.broadcast %sub3A_152 : f32 to vector<9x512xf32>
      %sub3A_154 = arith.subf %add3A_151, %sub3A_153 : vector<9x512xf32>
      %slice3A_155 = vector.extract_strided_slice %dot_general3A_133 {offsets = [18, 0], sizes = [9, 512], strides = [1, 1]} : vector<45x512xf32> to vector<9x512xf32>
      %slice3A_156 = vector.extract_strided_slice %dot_general3A_140 {offsets = [0, 2], sizes = [9, 1], strides = [1, 1]} : vector<9x5xf32> to vector<9x1xf32>
      %add3A_157 = vector.broadcast %slice3A_156 : vector<9x1xf32> to vector<9x512xf32>
      %add3A_158 = arith.addf %slice3A_155, %add3A_157 : vector<9x512xf32>
      %sub3A_159 = arith.constant 1.000000e+00 : f32
      %sub3A_160 = vector.broadcast %sub3A_159 : f32 to vector<9x512xf32>
      %sub3A_161 = arith.subf %add3A_158, %sub3A_160 : vector<9x512xf32>
      %slice3A_162 = vector.extract_strided_slice %dot_general3A_133 {offsets = [27, 0], sizes = [9, 512], strides = [1, 1]} : vector<45x512xf32> to vector<9x512xf32>
      %slice3A_163 = vector.extract_strided_slice %dot_general3A_140 {offsets = [0, 3], sizes = [9, 1], strides = [1, 1]} : vector<9x5xf32> to vector<9x1xf32>
      %add3A_164 = vector.broadcast %slice3A_163 : vector<9x1xf32> to vector<9x512xf32>
      %add3A_165 = arith.addf %slice3A_162, %add3A_164 : vector<9x512xf32>
      %sub3A_166 = arith.constant 1.000000e+00 : f32
      %sub3A_167 = vector.broadcast %sub3A_166 : f32 to vector<9x512xf32>
      %sub3A_168 = arith.subf %add3A_165, %sub3A_167 : vector<9x512xf32>
      %slice3A_169 = vector.extract_strided_slice %dot_general3A_133 {offsets = [36, 0], sizes = [9, 512], strides = [1, 1]} : vector<45x512xf32> to vector<9x512xf32>
      %slice3A_170 = vector.extract_strided_slice %dot_general3A_140 {offsets = [0, 4], sizes = [9, 1], strides = [1, 1]} : vector<9x5xf32> to vector<9x1xf32>
      %add3A_171 = vector.broadcast %slice3A_170 : vector<9x1xf32> to vector<9x512xf32>
      %add3A_172 = arith.addf %slice3A_169, %add3A_171 : vector<9x512xf32>
      %sub3A_173 = arith.constant 1.000000e+00 : f32
      %sub3A_174 = vector.broadcast %sub3A_173 : f32 to vector<9x512xf32>
      %sub3A_175 = arith.subf %add3A_172, %sub3A_174 : vector<9x512xf32>
      %slice3A_176 = vector.extract_strided_slice %dot_general3A_140 {offsets = [8, 0], sizes = [1, 1], strides = [1, 1]} : vector<9x5xf32> to vector<1x1xf32>
      %slice3A_177 = vector.extract_strided_slice %concatenate3A_138 {offsets = [8, 0], sizes = [1, 1], strides = [1, 1]} : vector<9x5xf32> to vector<1x1xf32>
      %add3A_178 = arith.addf %slice3A_176, %slice3A_177 : vector<1x1xf32>
      %slice3A_179 = vector.extract_strided_slice %dot_general3A_140 {offsets = [8, 1], sizes = [1, 1], strides = [1, 1]} : vector<9x5xf32> to vector<1x1xf32>
      %slice3A_180 = vector.extract_strided_slice %concatenate3A_138 {offsets = [8, 1], sizes = [1, 1], strides = [1, 1]} : vector<9x5xf32> to vector<1x1xf32>
      %add3A_181 = arith.addf %slice3A_179, %slice3A_180 : vector<1x1xf32>
      %slice3A_182 = vector.extract_strided_slice %dot_general3A_140 {offsets = [8, 2], sizes = [1, 1], strides = [1, 1]} : vector<9x5xf32> to vector<1x1xf32>
      %slice3A_183 = vector.extract_strided_slice %concatenate3A_138 {offsets = [8, 2], sizes = [1, 1], strides = [1, 1]} : vector<9x5xf32> to vector<1x1xf32>
      %add3A_184 = arith.addf %slice3A_182, %slice3A_183 : vector<1x1xf32>
      %slice3A_185 = vector.extract_strided_slice %dot_general3A_140 {offsets = [8, 3], sizes = [1, 1], strides = [1, 1]} : vector<9x5xf32> to vector<1x1xf32>
      %slice3A_186 = vector.extract_strided_slice %concatenate3A_138 {offsets = [8, 3], sizes = [1, 1], strides = [1, 1]} : vector<9x5xf32> to vector<1x1xf32>
      %add3A_187 = arith.addf %slice3A_185, %slice3A_186 : vector<1x1xf32>
      %broadcast_in_dim3A = arith.constant 0.000000e+00 : f32
      %broadcast_in_dim3A_188 = vector.broadcast %broadcast_in_dim3A : f32 to vector<9x512xf32>
      %broadcast_in_dim3A_189 = arith.constant 0.000000e+00 : f32
      %broadcast_in_dim3A_190 = vector.broadcast %broadcast_in_dim3A_189 : f32 to vector<1x1xf32>
      %add3A_191 = arith.addf %broadcast_in_dim3A_190, %add3A_178 : vector<1x1xf32>
      %add3A_192 = vector.broadcast %broadcast_in_dim3A_190 : vector<1x1xf32> to vector<9x512xf32>
      %add3A_193 = arith.addf %add3A_192, %sub3A_147 : vector<9x512xf32>
      %mul3A_194 = arith.mulf %convert_element_type3A_71, %add3A_193 : vector<9x512xf32>
      %add3A_195 = arith.addf %broadcast_in_dim3A_188, %mul3A_194 : vector<9x512xf32>
      %add3A_196 = arith.addf %broadcast_in_dim3A_190, %add3A_178 : vector<1x1xf32>
      %add3A_197 = arith.constant 5.110000e+02 : f32
      %add3A_198 = vector.broadcast %add3A_197 : f32 to vector<1x1xf32>
      %add3A_199 = arith.addf %add3A_196, %add3A_198 : vector<1x1xf32>
      %div3A = arith.constant 5.120000e+02 : f32
      %div3A_200 = vector.broadcast %div3A : f32 to vector<1x1xf32>
      %div3A_201 = arith.divf %add3A_199, %div3A_200 : vector<1x1xf32>
      %floor3A = math.floor %div3A_201 : vector<1x1xf32>
      %mul3A_202 = arith.constant 5.120000e+02 : f32
      %mul3A_203 = vector.broadcast %mul3A_202 : f32 to vector<1x1xf32>
      %mul3A_204 = arith.mulf %floor3A, %mul3A_203 : vector<1x1xf32>
      %add3A_205 = arith.addf %mul3A_204, %add3A_181 : vector<1x1xf32>
      %add3A_206 = vector.broadcast %mul3A_204 : vector<1x1xf32> to vector<9x512xf32>
      %add3A_207 = arith.addf %add3A_206, %sub3A_154 : vector<9x512xf32>
      %mul3A_208 = arith.mulf %convert_element_type3A_90, %add3A_207 : vector<9x512xf32>
      %add3A_209 = arith.addf %add3A_195, %mul3A_208 : vector<9x512xf32>
      %add3A_210 = arith.addf %mul3A_204, %add3A_181 : vector<1x1xf32>
      %add3A_211 = arith.constant 5.110000e+02 : f32
      %add3A_212 = vector.broadcast %add3A_211 : f32 to vector<1x1xf32>
      %add3A_213 = arith.addf %add3A_210, %add3A_212 : vector<1x1xf32>
      %div3A_214 = arith.constant 5.120000e+02 : f32
      %div3A_215 = vector.broadcast %div3A_214 : f32 to vector<1x1xf32>
      %div3A_216 = arith.divf %add3A_213, %div3A_215 : vector<1x1xf32>
      %floor3A_217 = math.floor %div3A_216 : vector<1x1xf32>
      %mul3A_218 = arith.constant 5.120000e+02 : f32
      %mul3A_219 = vector.broadcast %mul3A_218 : f32 to vector<1x1xf32>
      %mul3A_220 = arith.mulf %floor3A_217, %mul3A_219 : vector<1x1xf32>
      %add3A_221 = arith.addf %mul3A_220, %add3A_184 : vector<1x1xf32>
      %add3A_222 = vector.broadcast %mul3A_220 : vector<1x1xf32> to vector<9x512xf32>
      %add3A_223 = arith.addf %add3A_222, %sub3A_161 : vector<9x512xf32>
      %mul3A_224 = arith.mulf %convert_element_type3A_109, %add3A_223 : vector<9x512xf32>
      %add3A_225 = arith.addf %add3A_209, %mul3A_224 : vector<9x512xf32>
      %add3A_226 = arith.addf %mul3A_220, %add3A_184 : vector<1x1xf32>
      %add3A_227 = arith.constant 5.110000e+02 : f32
      %add3A_228 = vector.broadcast %add3A_227 : f32 to vector<1x1xf32>
      %add3A_229 = arith.addf %add3A_226, %add3A_228 : vector<1x1xf32>
      %div3A_230 = arith.constant 5.120000e+02 : f32
      %div3A_231 = vector.broadcast %div3A_230 : f32 to vector<1x1xf32>
      %div3A_232 = arith.divf %add3A_229, %div3A_231 : vector<1x1xf32>
      %floor3A_233 = math.floor %div3A_232 : vector<1x1xf32>
      %mul3A_234 = arith.constant 5.120000e+02 : f32
      %mul3A_235 = vector.broadcast %mul3A_234 : f32 to vector<1x1xf32>
      %mul3A_236 = arith.mulf %floor3A_233, %mul3A_235 : vector<1x1xf32>
      %add3A_237 = arith.addf %mul3A_236, %add3A_187 : vector<1x1xf32>
      %add3A_238 = vector.broadcast %mul3A_236 : vector<1x1xf32> to vector<9x512xf32>
      %add3A_239 = arith.addf %add3A_238, %sub3A_168 : vector<9x512xf32>
      %mul3A_240 = arith.mulf %convert_element_type3A_128, %add3A_239 : vector<9x512xf32>
      %add3A_241 = arith.addf %add3A_225, %mul3A_240 : vector<9x512xf32>
      %add3A_242 = arith.addf %mul3A_236, %add3A_187 : vector<1x1xf32>
      %add3A_243 = arith.constant 5.110000e+02 : f32
      %add3A_244 = vector.broadcast %add3A_243 : f32 to vector<1x1xf32>
      %add3A_245 = arith.addf %add3A_242, %add3A_244 : vector<1x1xf32>
      %div3A_246 = arith.constant 5.120000e+02 : f32
      %div3A_247 = vector.broadcast %div3A_246 : f32 to vector<1x1xf32>
      %div3A_248 = arith.divf %add3A_245, %div3A_247 : vector<1x1xf32>
      %floor3A_249 = math.floor %div3A_248 : vector<1x1xf32>
      %mul3A_250 = arith.constant 5.120000e+02 : f32
      %mul3A_251 = vector.broadcast %mul3A_250 : f32 to vector<1x1xf32>
      %mul3A_252 = arith.mulf %floor3A_249, %mul3A_251 : vector<1x1xf32>
      %add3A_253 = vector.broadcast %mul3A_252 : vector<1x1xf32> to vector<9x512xf32>
      %add3A_254 = arith.addf %add3A_253, %sub3A_175 : vector<9x512xf32>
      %mul3A_255 = arith.mulf %sub3A_132, %add3A_254 : vector<9x512xf32>
      %add3A_256 = arith.addf %add3A_241, %mul3A_255 : vector<9x512xf32>
      %convert_element_type3A_257 = arith.fptosi %add3A_256 : vector<9x512xf32> to vector<9x512xi32>
      %swap3A = arith.constant 0 : index
      %swap3A_258 = arith.constant 0 : index
      %swap3A_259 = vector.load %arg10[%swap3A, %swap3A_258] : memref<9x512xi32, #tpu.memory_space<vmem>>, vector<9x512xi32>
      tpu.vector_store %arg10[%swap3A, %swap3A_258], %convert_element_type3A_257 {strides = array<i32>} : memref<9x512xi32, #tpu.memory_space<vmem>>, vector<9x512xi32>,
      %concatenate3A_260 = tpu.concatenate %broadcast_in_dim3A_190, %mul3A_204, %mul3A_220, %mul3A_236, %add3A_191, %add3A_205, %add3A_221, %add3A_237 in 1 : vector<1x1xf32>, vector<1x1xf32>, vector<1x1xf32>, vector<1x1xf32>, vector<1x1xf32>, vector<1x1xf32>, vector<1x1xf32>, vector<1x1xf32> -> vector<1x8xf32>
      %swap3A_261 = arith.constant 0 : index
      %swap3A_262 = arith.constant 0 : index
      %swap3A_263 = vector.load %arg11[%swap3A_261, %swap3A_262] : memref<1x8xf32, #tpu.memory_space<vmem>>, vector<1x8xf32>
      tpu.vector_store %arg11[%swap3A_261, %swap3A_262], %concatenate3A_260 {strides = array<i32>} : memref<1x8xf32, #tpu.memory_space<vmem>>, vector<1x8xf32>,
      %iota3A_264 = tpu.iota {dimensions = array<i32: 1>} : vector<1x12xi32>
      %convert_element_type3A_265 = arith.sitofp %iota3A_264 : vector<1x12xi32> to vector<1x12xf32>
      %mul3A_266 = arith.constant 5.120000e+02 : f32
      %mul3A_267 = vector.broadcast %mul3A_266 : f32 to vector<1x12xf32>
      %mul3A_268 = arith.mulf %convert_element_type3A_265, %mul3A_267 : vector<1x12xf32>
      %ge3A_269 = vector.broadcast %mul3A_204 : vector<1x1xf32> to vector<1x12xf32>
      %ge3A_270 = arith.cmpf oge, %mul3A_268, %ge3A_269 : vector<1x12xf32>
      %convert_element_type3A_271 = arith.extui %ge3A_270 : vector<1x12xi1> to vector<1x12xi32>
      %add3A_272 = arith.constant 0 : i32
      %add3A_273 = vector.broadcast %add3A_272 : i32 to vector<1x12xi32>
      %add3A_274 = arith.addi %add3A_273, %convert_element_type3A_271 : vector<1x12xi32>
      %ge3A_275 = vector.broadcast %mul3A_220 : vector<1x1xf32> to vector<1x12xf32>
      %ge3A_276 = arith.cmpf oge, %mul3A_268, %ge3A_275 : vector<1x12xf32>
      %convert_element_type3A_277 = arith.extui %ge3A_276 : vector<1x12xi1> to vector<1x12xi32>
      %add3A_278 = arith.addi %add3A_274, %convert_element_type3A_277 : vector<1x12xi32>
      %ge3A_279 = vector.broadcast %mul3A_236 : vector<1x1xf32> to vector<1x12xf32>
      %ge3A_280 = arith.cmpf oge, %mul3A_268, %ge3A_279 : vector<1x12xf32>
      %convert_element_type3A_281 = arith.extui %ge3A_280 : vector<1x12xi1> to vector<1x12xi32>
      %add3A_282 = arith.addi %add3A_278, %convert_element_type3A_281 : vector<1x12xi32>
      %add3A_283 = arith.constant 3 : i32
      %add3A_284 = vector.broadcast %add3A_283 : i32 to vector<1x12xi32>
      %add3A_285 = arith.addi %add3A_284, %add3A_282 : vector<1x12xi32>
      %swap3A_286 = arith.constant 0 : index
      %swap3A_287 = arith.constant 0 : index
      %swap3A_288 = vector.load %arg12[%swap3A_286, %swap3A_287] : memref<1x12xi32, #tpu.memory_space<vmem>>, vector<1x12xi32>
      tpu.vector_store %arg12[%swap3A_286, %swap3A_287], %add3A_285 {strides = array<i32>} : memref<1x12xi32, #tpu.memory_space<vmem>>, vector<1x12xi32>,
    } else {
    }
    return
  }
  func.func @transform_0(%arg0: i32, %arg1: memref<9xi32, #tpu.memory_space<smem>>) -> (i32, i32) {
    %c0_i32 = arith.constant 0 : i32
    %c0_i32_0 = arith.constant 0 : i32
    return %arg0, %c0_i32 : i32, i32
  }
  func.func @transform_1(%arg0: i32, %arg1: memref<9xi32, #tpu.memory_space<smem>>) -> (i32, i32, i32) {
    %get3A = arith.index_cast %arg0 : i32 to index
    %get3A_0 = memref.load %arg1[%get3A] : memref<9xi32, #tpu.memory_space<smem>>
    %c0_i32 = arith.constant 0 : i32
    %c0_i32_1 = arith.constant 0 : i32
    %c0_i32_2 = arith.constant 0 : i32
    return %get3A_0, %c0_i32, %c0_i32_1 : i32, i32, i32
  }
  func.func @transform_2(%arg0: i32, %arg1: memref<9xi32, #tpu.memory_space<smem>>) -> (i32, i32) {
    %c0_i32 = arith.constant 0 : i32
    %c0_i32_0 = arith.constant 0 : i32
    %c0_i32_1 = arith.constant 0 : i32
    return %c0_i32, %c0_i32_0 : i32, i32
  }
  func.func @transform_3(%arg0: i32, %arg1: memref<9xi32, #tpu.memory_space<smem>>) -> (i32, i32, i32) {
    %get3A = arith.index_cast %arg0 : i32 to index
    %get3A_0 = memref.load %arg1[%get3A] : memref<9xi32, #tpu.memory_space<smem>>
    %c0_i32 = arith.constant 0 : i32
    %c0_i32_1 = arith.constant 0 : i32
    %c0_i32_2 = arith.constant 0 : i32
    return %get3A_0, %c0_i32, %c0_i32_1 : i32, i32, i32
  }
  func.func @transform_4(%arg0: i32, %arg1: memref<9xi32, #tpu.memory_space<smem>>) -> (i32, i32) {
    %c0_i32 = arith.constant 0 : i32
    %c0_i32_0 = arith.constant 0 : i32
    %c0_i32_1 = arith.constant 0 : i32
    return %c0_i32, %c0_i32_0 : i32, i32
  }
  func.func @transform_5(%arg0: i32, %arg1: memref<9xi32, #tpu.memory_space<smem>>) -> (i32, i32, i32) {
    %c0_i32 = arith.constant 0 : i32
    %c0_i32_0 = arith.constant 0 : i32
    %c0_i32_1 = arith.constant 0 : i32
    %c0_i32_2 = arith.constant 0 : i32
    return %c0_i32, %c0_i32_0, %c0_i32_1 : i32, i32, i32
  }
  func.func @transform_6(%arg0: i32, %arg1: memref<9xi32, #tpu.memory_space<smem>>) -> (i32, i32) {
    %c0_i32 = arith.constant 0 : i32
    %c0_i32_0 = arith.constant 0 : i32
    %c0_i32_1 = arith.constant 0 : i32
    return %c0_i32, %c0_i32_0 : i32, i32
  }
  func.func @transform_7(%arg0: i32, %arg1: memref<9xi32, #tpu.memory_space<smem>>) -> (i32, i32) {
    %c0_i32 = arith.constant 0 : i32
    %c0_i32_0 = arith.constant 0 : i32
    %c0_i32_1 = arith.constant 0 : i32
    return %c0_i32, %c0_i32_0 : i32, i32
  }
  func.func @transform_8(%arg0: i32, %arg1: memref<9xi32, #tpu.memory_space<smem>>) -> (i32, i32) {
    %c0_i32 = arith.constant 0 : i32
    %c0_i32_0 = arith.constant 0 : i32
    %c0_i32_1 = arith.constant 0 : i32
    return %c0_i32, %c0_i32_0 : i32, i32
  }
  func.func @transform_9(%arg0: i32, %arg1: memref<9xi32, #tpu.memory_space<smem>>) -> (i32, i32) {
    %c0_i32 = arith.constant 0 : i32
    %c0_i32_0 = arith.constant 0 : i32
    %c0_i32_1 = arith.constant 0 : i32
    return %c0_i32, %c0_i32_0 : i32, i32
  }
  func.func @transform_10(%arg0: i32, %arg1: memref<9xi32, #tpu.memory_space<smem>>) -> (i32, i32) {
    %c0_i32 = arith.constant 0 : i32
    %c0_i32_0 = arith.constant 0 : i32
    %c0_i32_1 = arith.constant 0 : i32
    return %c0_i32, %c0_i32_0 : i32, i32
  }
}

module attributes {stable_mosaic.version = 14 : i64} {
  func.func @_l2_kernel(%arg0: i32, %arg1: memref<12xi32, #tpu.memory_space<smem>>, %arg2: memref<512x256xf32, #tpu.memory_space<vmem>>, %arg3: memref<512x128xi32, #tpu.memory_space<vmem>>, %arg4: memref<1x256x1024xf32, #tpu.memory_space<vmem>>, %arg5: memref<7x1024xf32, #tpu.memory_space<vmem>>, %arg6: memref<1x1024x1024xf32, #tpu.memory_space<vmem>>, %arg7: memref<7x1024xf32, #tpu.memory_space<vmem>>, %arg8: memref<7x1024x2xf32, #tpu.memory_space<vmem>>, %arg9: memref<7x2xf32, #tpu.memory_space<vmem>>, %arg10: memref<1x8xf32, #tpu.memory_space<smem>>, %arg11: memref<8xf32, #tpu.memory_space<smem>>, %arg12: memref<1x512x128xf32, #tpu.memory_space<vmem>>, %arg13: memref<1x512x1xi32, #tpu.memory_space<vmem>>) attributes {dimension_semantics = [#tpu.dimension_semantics<arbitrary>], iteration_bounds = array<i64: 12>, scalar_prefetch = 1 : i64, scratch_operands = 0 : i64, tpu.core_type = #tpu.core_type<tc>, window_params = [{transform_indices = @transform_0, window_bounds = array<i64: 512, 256>}, {transform_indices = @transform_1, window_bounds = array<i64: 512, 128>}, {transform_indices = @transform_2, window_bounds = array<i64: 1, 256, 1024>}, {pipeline_mode = #tpu.pipeline_mode<synchronous>, transform_indices = @transform_3, window_bounds = array<i64: 7, 1024>}, {transform_indices = @transform_4, window_bounds = array<i64: 1, 1024, 1024>}, {pipeline_mode = #tpu.pipeline_mode<synchronous>, transform_indices = @transform_5, window_bounds = array<i64: 7, 1024>}, {pipeline_mode = #tpu.pipeline_mode<synchronous>, transform_indices = @transform_6, window_bounds = array<i64: 7, 1024, 2>}, {pipeline_mode = #tpu.pipeline_mode<synchronous>, transform_indices = @transform_7, window_bounds = array<i64: 7, 2>}, {transform_indices = @transform_8, window_bounds = array<i64: 1, 8>}, {transform_indices = @transform_9, window_bounds = array<i64: 8>}, {transform_indices = @transform_10, window_bounds = array<i64: 1, 512, 128>}, {transform_indices = @transform_11, window_bounds = array<i64: 1, 512, 1>}]} {
    %get3A = arith.index_cast %arg0 : i32 to index
    %get3A_0 = memref.load %arg1[%get3A] : memref<12xi32, #tpu.memory_space<smem>>
    %sub3A = arith.constant 3 : i32
    %sub3A_1 = arith.subi %get3A_0, %sub3A : i32
    %add3A = arith.constant 4 : i32
    %add3A_2 = arith.addi %add3A, %sub3A_1 : i32
    %get3A_3 = arith.constant 0 : index
    %get3A_4 = arith.index_cast %add3A_2 : i32 to index
    %get3A_5 = memref.load %arg10[%get3A_3, %get3A_4] : memref<1x8xf32, #tpu.memory_space<smem>>
    %mul3A = arith.constant 512 : i32
    %mul3A_6 = arith.muli %arg0, %mul3A : i32
    %iota3A = tpu.iota {dimensions = array<i32: 0>} : vector<512x1xi32>
    %add3A_7 = vector.broadcast %mul3A_6 : i32 to vector<512x1xi32>
    %add3A_8 = arith.addi %add3A_7, %iota3A : vector<512x1xi32>
    %convert_element_type3A = arith.sitofp %add3A_8 : vector<512x1xi32> to vector<512x1xf32>
    %lt3A = vector.broadcast %get3A_5 : f32 to vector<512x1xf32>
    %lt3A_9 = arith.cmpf olt, %convert_element_type3A, %lt3A : vector<512x1xf32>
    %get3A_10 = arith.constant 0 : index
    %get3A_11 = arith.constant 0 : index
    %get3A_12 = vector.load %arg3[%get3A_10, %get3A_11] : memref<512x128xi32, #tpu.memory_space<vmem>>, vector<512x1xi32>
    %add3A_13 = arith.constant 4096 : i32
    %add3A_14 = vector.broadcast %add3A_13 : i32 to vector<512x1xi32>
    %add3A_15 = arith.addi %add3A_14, %add3A_8 : vector<512x1xi32>
    %select_n3A = arith.select %lt3A_9, %get3A_12, %add3A_15 : vector<512x1xi1>, vector<512x1xi32>
    %broadcast_in_dim3A = vector.shape_cast %select_n3A : vector<512x1xi32> to vector<1x512x1xi32>
    %swap3A = arith.constant 0 : index
    %swap3A_16 = arith.constant 0 : index
    %swap3A_17 = arith.constant 0 : index
    %swap3A_18 = vector.load %arg13[%swap3A, %swap3A_16, %swap3A_17] : memref<1x512x1xi32, #tpu.memory_space<vmem>>, vector<1x512x1xi32>
    tpu.vector_store %arg13[%swap3A, %swap3A_16, %swap3A_17], %broadcast_in_dim3A {strides = array<i32>} : memref<1x512x1xi32, #tpu.memory_space<vmem>>, vector<1x512x1xi32>,
    %mul3A_19 = arith.constant 512 : i32
    %mul3A_20 = arith.muli %arg0, %mul3A_19 : i32
    %convert_element_type3A_21 = arith.sitofp %mul3A_20 : i32 to f32
    %lt3A_22 = arith.cmpf olt, %convert_element_type3A_21, %get3A_5 : f32
    %convert_element_type3A_23 = arith.extui %lt3A_22 : i1 to i32
    %cond3A = arith.constant 0 : i32
    %cond3A_24 = arith.cmpi ne, %convert_element_type3A_23, %cond3A : i32
    scf.if %cond3A_24 {
      %get3A_25 = arith.constant 0 : index
      %get3A_26 = arith.constant 0 : index
      %get3A_27 = vector.load %arg2[%get3A_25, %get3A_26] : memref<512x256xf32, #tpu.memory_space<vmem>>, vector<512x256xf32>
      %get3A_28 = arith.index_cast %get3A_0 : i32 to index
      %get3A_29 = arith.constant 0 : index
      %get3A_30 = vector.load %arg5[%get3A_28, %get3A_29] : memref<7x1024xf32, #tpu.memory_space<vmem>>, vector<1x1024xf32>
      %get3A_31 = arith.index_cast %get3A_0 : i32 to index
      %get3A_32 = arith.constant 0 : index
      %get3A_33 = vector.load %arg7[%get3A_31, %get3A_32] : memref<7x1024xf32, #tpu.memory_space<vmem>>, vector<1x1024xf32>
      %get3A_34 = arith.index_cast %get3A_0 : i32 to index
      %get3A_35 = arith.constant 0 : index
      %get3A_36 = arith.constant 0 : index
      %get3A_37 = vector.load %arg8[%get3A_34, %get3A_35, %get3A_36] : memref<7x1024x2xf32, #tpu.memory_space<vmem>>, vector<1x1024x2xf32>
      %squeeze3A = vector.shape_cast %get3A_37 : vector<1x1024x2xf32> to vector<1024x2xf32>
      %get3A_38 = arith.index_cast %get3A_0 : i32 to index
      %get3A_39 = arith.constant 0 : index
      %get3A_40 = vector.load %arg9[%get3A_38, %get3A_39] : memref<7x2xf32, #tpu.memory_space<vmem>>, vector<1x2xf32>
      %get3A_41 = arith.constant 0 : index
      %get3A_42 = arith.constant 0 : index
      %get3A_43 = arith.constant 0 : index
      %get3A_44 = vector.load %arg4[%get3A_41, %get3A_42, %get3A_43] : memref<1x256x1024xf32, #tpu.memory_space<vmem>>, vector<1x256x1024xf32>
      %get3A_45 = vector.shape_cast %get3A_44 : vector<1x256x1024xf32> to vector<256x1024xf32>
      %dot_general3A = arith.constant dense<0.000000e+00> : vector<512x1024xf32>
      %dot_general3A_46 = tpu.matmul %get3A_27, %get3A_45, %dot_general3A {dimension_numbers = #tpu.dot_dimension_numbers<[1], [0], [0], [1], [0, 0, 1, 1], [], []>, transpose_lhs_hint = false} : vector<512x256xf32>, vector<256x1024xf32>, vector<512x1024xf32> -> vector<512x1024xf32>
      %add3A_47 = vector.broadcast %get3A_30 : vector<1x1024xf32> to vector<512x1024xf32>
      %add3A_48 = arith.addf %dot_general3A_46, %add3A_47 : vector<512x1024xf32>
      %tanh3A = math.tanh %add3A_48 : vector<512x1024xf32>
      %get3A_49 = arith.constant 0 : index
      %get3A_50 = arith.constant 0 : index
      %get3A_51 = arith.constant 0 : index
      %get3A_52 = vector.load %arg6[%get3A_49, %get3A_50, %get3A_51] : memref<1x1024x1024xf32, #tpu.memory_space<vmem>>, vector<1x1024x1024xf32>
      %get3A_53 = vector.shape_cast %get3A_52 : vector<1x1024x1024xf32> to vector<1024x1024xf32>
      %dot_general3A_54 = arith.constant dense<0.000000e+00> : vector<512x1024xf32>
      %dot_general3A_55 = tpu.matmul %tanh3A, %get3A_53, %dot_general3A_54 {dimension_numbers = #tpu.dot_dimension_numbers<[1], [0], [0], [1], [0, 0, 1, 1], [], []>, transpose_lhs_hint = false} : vector<512x1024xf32>, vector<1024x1024xf32>, vector<512x1024xf32> -> vector<512x1024xf32>
      %add3A_56 = vector.broadcast %get3A_33 : vector<1x1024xf32> to vector<512x1024xf32>
      %add3A_57 = arith.addf %dot_general3A_55, %add3A_56 : vector<512x1024xf32>
      %tanh3A_58 = math.tanh %add3A_57 : vector<512x1024xf32>
      %dot_general3A_59 = arith.constant dense<0.000000e+00> : vector<512x2xf32>
      %dot_general3A_60 = tpu.matmul %tanh3A_58, %squeeze3A, %dot_general3A_59 {dimension_numbers = #tpu.dot_dimension_numbers<[1], [0], [0], [1], [0, 0, 1, 1], [], []>, transpose_lhs_hint = false} : vector<512x1024xf32>, vector<1024x2xf32>, vector<512x2xf32> -> vector<512x2xf32>
      %add3A_61 = vector.broadcast %get3A_40 : vector<1x2xf32> to vector<512x2xf32>
      %add3A_62 = arith.addf %dot_general3A_60, %add3A_61 : vector<512x2xf32>
      %slice3A = vector.extract_strided_slice %add3A_62 {offsets = [0, 0], sizes = [512, 1], strides = [1, 1]} : vector<512x2xf32> to vector<512x1xf32>
      %slice3A_63 = vector.extract_strided_slice %add3A_62 {offsets = [0, 1], sizes = [512, 1], strides = [1, 1]} : vector<512x2xf32> to vector<512x1xf32>
      %ge3A = arith.cmpf oge, %slice3A, %slice3A_63 : vector<512x1xf32>
      %convert_element_type3A_64 = arith.extui %ge3A : vector<512x1xi1> to vector<512x1xi32>
      %convert_element_type3A_65 = arith.sitofp %convert_element_type3A_64 : vector<512x1xi32> to vector<512x1xf32>
      %convert_element_type3A_66 = arith.sitofp %get3A_0 : i32 to f32
      %mul3A_67 = arith.constant 2.000000e+00 : f32
      %mul3A_68 = arith.mulf %mul3A_67, %convert_element_type3A_66 : f32
      %add3A_69 = arith.constant 2.000000e+00 : f32
      %add3A_70 = arith.addf %mul3A_68, %add3A_69 : f32
      %sub3A_71 = vector.broadcast %add3A_70 : f32 to vector<512x1xf32>
      %sub3A_72 = arith.subf %sub3A_71, %convert_element_type3A_65 : vector<512x1xf32>
      %sub3A_73 = arith.constant 7.000000e+00 : f32
      %sub3A_74 = vector.broadcast %sub3A_73 : f32 to vector<512x1xf32>
      %sub3A_75 = arith.subf %sub3A_72, %sub3A_74 : vector<512x1xf32>
      %broadcast_in_dim3A_76 = arith.constant 0.000000e+00 : f32
      %broadcast_in_dim3A_77 = vector.broadcast %broadcast_in_dim3A_76 : f32 to vector<512x1xf32>
      %eq3A = arith.constant 0.000000e+00 : f32
      %eq3A_78 = vector.broadcast %eq3A : f32 to vector<512x1xf32>
      %eq3A_79 = arith.cmpf oeq, %sub3A_75, %eq3A_78 : vector<512x1xf32>
      %get3A_80 = arith.constant 0 : index
      %get3A_81 = memref.load %arg11[%get3A_80] : memref<8xf32, #tpu.memory_space<smem>>
      %broadcast_in_dim3A_82 = vector.broadcast %get3A_81 : f32 to vector<512x1xf32>
      %select_n3A_83 = arith.select %eq3A_79, %broadcast_in_dim3A_82, %broadcast_in_dim3A_77 : vector<512x1xi1>, vector<512x1xf32>
      %eq3A_84 = arith.constant 1.000000e+00 : f32
      %eq3A_85 = vector.broadcast %eq3A_84 : f32 to vector<512x1xf32>
      %eq3A_86 = arith.cmpf oeq, %sub3A_75, %eq3A_85 : vector<512x1xf32>
      %get3A_87 = arith.constant 1 : index
      %get3A_88 = memref.load %arg11[%get3A_87] : memref<8xf32, #tpu.memory_space<smem>>
      %broadcast_in_dim3A_89 = vector.broadcast %get3A_88 : f32 to vector<512x1xf32>
      %select_n3A_90 = arith.select %eq3A_86, %broadcast_in_dim3A_89, %select_n3A_83 : vector<512x1xi1>, vector<512x1xf32>
      %eq3A_91 = arith.constant 2.000000e+00 : f32
      %eq3A_92 = vector.broadcast %eq3A_91 : f32 to vector<512x1xf32>
      %eq3A_93 = arith.cmpf oeq, %sub3A_75, %eq3A_92 : vector<512x1xf32>
      %get3A_94 = arith.constant 2 : index
      %get3A_95 = memref.load %arg11[%get3A_94] : memref<8xf32, #tpu.memory_space<smem>>
      %broadcast_in_dim3A_96 = vector.broadcast %get3A_95 : f32 to vector<512x1xf32>
      %select_n3A_97 = arith.select %eq3A_93, %broadcast_in_dim3A_96, %select_n3A_90 : vector<512x1xi1>, vector<512x1xf32>
      %eq3A_98 = arith.constant 3.000000e+00 : f32
      %eq3A_99 = vector.broadcast %eq3A_98 : f32 to vector<512x1xf32>
      %eq3A_100 = arith.cmpf oeq, %sub3A_75, %eq3A_99 : vector<512x1xf32>
      %get3A_101 = arith.constant 3 : index
      %get3A_102 = memref.load %arg11[%get3A_101] : memref<8xf32, #tpu.memory_space<smem>>
      %broadcast_in_dim3A_103 = vector.broadcast %get3A_102 : f32 to vector<512x1xf32>
      %select_n3A_104 = arith.select %eq3A_100, %broadcast_in_dim3A_103, %select_n3A_97 : vector<512x1xi1>, vector<512x1xf32>
      %eq3A_105 = arith.constant 4.000000e+00 : f32
      %eq3A_106 = vector.broadcast %eq3A_105 : f32 to vector<512x1xf32>
      %eq3A_107 = arith.cmpf oeq, %sub3A_75, %eq3A_106 : vector<512x1xf32>
      %get3A_108 = arith.constant 4 : index
      %get3A_109 = memref.load %arg11[%get3A_108] : memref<8xf32, #tpu.memory_space<smem>>
      %broadcast_in_dim3A_110 = vector.broadcast %get3A_109 : f32 to vector<512x1xf32>
      %select_n3A_111 = arith.select %eq3A_107, %broadcast_in_dim3A_110, %select_n3A_104 : vector<512x1xi1>, vector<512x1xf32>
      %eq3A_112 = arith.constant 5.000000e+00 : f32
      %eq3A_113 = vector.broadcast %eq3A_112 : f32 to vector<512x1xf32>
      %eq3A_114 = arith.cmpf oeq, %sub3A_75, %eq3A_113 : vector<512x1xf32>
      %get3A_115 = arith.constant 5 : index
      %get3A_116 = memref.load %arg11[%get3A_115] : memref<8xf32, #tpu.memory_space<smem>>
      %broadcast_in_dim3A_117 = vector.broadcast %get3A_116 : f32 to vector<512x1xf32>
      %select_n3A_118 = arith.select %eq3A_114, %broadcast_in_dim3A_117, %select_n3A_111 : vector<512x1xi1>, vector<512x1xf32>
      %eq3A_119 = arith.constant 6.000000e+00 : f32
      %eq3A_120 = vector.broadcast %eq3A_119 : f32 to vector<512x1xf32>
      %eq3A_121 = arith.cmpf oeq, %sub3A_75, %eq3A_120 : vector<512x1xf32>
      %get3A_122 = arith.constant 6 : index
      %get3A_123 = memref.load %arg11[%get3A_122] : memref<8xf32, #tpu.memory_space<smem>>
      %broadcast_in_dim3A_124 = vector.broadcast %get3A_123 : f32 to vector<512x1xf32>
      %select_n3A_125 = arith.select %eq3A_121, %broadcast_in_dim3A_124, %select_n3A_118 : vector<512x1xi1>, vector<512x1xf32>
      %eq3A_126 = arith.constant 7.000000e+00 : f32
      %eq3A_127 = vector.broadcast %eq3A_126 : f32 to vector<512x1xf32>
      %eq3A_128 = arith.cmpf oeq, %sub3A_75, %eq3A_127 : vector<512x1xf32>
      %get3A_129 = arith.constant 7 : index
      %get3A_130 = memref.load %arg11[%get3A_129] : memref<8xf32, #tpu.memory_space<smem>>
      %broadcast_in_dim3A_131 = vector.broadcast %get3A_130 : f32 to vector<512x1xf32>
      %select_n3A_132 = arith.select %eq3A_128, %broadcast_in_dim3A_131, %select_n3A_125 : vector<512x1xi1>, vector<512x1xf32>
      %broadcast_in_dim3A_133 = vector.shape_cast %select_n3A_132 : vector<512x1xf32> to vector<512x1xf32>
      %broadcast_in_dim3A_134 = vector.broadcast %broadcast_in_dim3A_133 : vector<512x1xf32> to vector<512x128xf32>
      %broadcast_in_dim3A_135 = vector.shape_cast %broadcast_in_dim3A_134 : vector<512x128xf32> to vector<1x512x128xf32>
      %swap3A_136 = arith.constant 0 : index
      %swap3A_137 = arith.constant 0 : index
      %swap3A_138 = arith.constant 0 : index
      %swap3A_139 = vector.load %arg12[%swap3A_136, %swap3A_137, %swap3A_138] : memref<1x512x128xf32, #tpu.memory_space<vmem>>, vector<1x512x128xf32>
      tpu.vector_store %arg12[%swap3A_136, %swap3A_137, %swap3A_138], %broadcast_in_dim3A_135 {strides = array<i32>} : memref<1x512x128xf32, #tpu.memory_space<vmem>>, vector<1x512x128xf32>,
    } else {
    }
    return
  }
  func.func @transform_0(%arg0: i32, %arg1: memref<12xi32, #tpu.memory_space<smem>>) -> (i32, i32) {
    %c0_i32 = arith.constant 0 : i32
    %c0_i32_0 = arith.constant 0 : i32
    return %arg0, %c0_i32 : i32, i32
  }
  func.func @transform_1(%arg0: i32, %arg1: memref<12xi32, #tpu.memory_space<smem>>) -> (i32, i32) {
    %c0_i32 = arith.constant 0 : i32
    %c0_i32_0 = arith.constant 0 : i32
    return %arg0, %c0_i32 : i32, i32
  }
  func.func @transform_2(%arg0: i32, %arg1: memref<12xi32, #tpu.memory_space<smem>>) -> (i32, i32, i32) {
    %get3A = arith.index_cast %arg0 : i32 to index
    %get3A_0 = memref.load %arg1[%get3A] : memref<12xi32, #tpu.memory_space<smem>>
    %c0_i32 = arith.constant 0 : i32
    %c0_i32_1 = arith.constant 0 : i32
    %c0_i32_2 = arith.constant 0 : i32
    return %get3A_0, %c0_i32, %c0_i32_1 : i32, i32, i32
  }
  func.func @transform_3(%arg0: i32, %arg1: memref<12xi32, #tpu.memory_space<smem>>) -> (i32, i32) {
    %c0_i32 = arith.constant 0 : i32
    %c0_i32_0 = arith.constant 0 : i32
    %c0_i32_1 = arith.constant 0 : i32
    return %c0_i32, %c0_i32_0 : i32, i32
  }
  func.func @transform_4(%arg0: i32, %arg1: memref<12xi32, #tpu.memory_space<smem>>) -> (i32, i32, i32) {
    %get3A = arith.index_cast %arg0 : i32 to index
    %get3A_0 = memref.load %arg1[%get3A] : memref<12xi32, #tpu.memory_space<smem>>
    %c0_i32 = arith.constant 0 : i32
    %c0_i32_1 = arith.constant 0 : i32
    %c0_i32_2 = arith.constant 0 : i32
    return %get3A_0, %c0_i32, %c0_i32_1 : i32, i32, i32
  }
  func.func @transform_5(%arg0: i32, %arg1: memref<12xi32, #tpu.memory_space<smem>>) -> (i32, i32) {
    %c0_i32 = arith.constant 0 : i32
    %c0_i32_0 = arith.constant 0 : i32
    %c0_i32_1 = arith.constant 0 : i32
    return %c0_i32, %c0_i32_0 : i32, i32
  }
  func.func @transform_6(%arg0: i32, %arg1: memref<12xi32, #tpu.memory_space<smem>>) -> (i32, i32, i32) {
    %c0_i32 = arith.constant 0 : i32
    %c0_i32_0 = arith.constant 0 : i32
    %c0_i32_1 = arith.constant 0 : i32
    %c0_i32_2 = arith.constant 0 : i32
    return %c0_i32, %c0_i32_0, %c0_i32_1 : i32, i32, i32
  }
  func.func @transform_7(%arg0: i32, %arg1: memref<12xi32, #tpu.memory_space<smem>>) -> (i32, i32) {
    %c0_i32 = arith.constant 0 : i32
    %c0_i32_0 = arith.constant 0 : i32
    %c0_i32_1 = arith.constant 0 : i32
    return %c0_i32, %c0_i32_0 : i32, i32
  }
  func.func @transform_8(%arg0: i32, %arg1: memref<12xi32, #tpu.memory_space<smem>>) -> (i32, i32) {
    %c0_i32 = arith.constant 0 : i32
    %c0_i32_0 = arith.constant 0 : i32
    %c0_i32_1 = arith.constant 0 : i32
    return %c0_i32, %c0_i32_0 : i32, i32
  }
  func.func @transform_9(%arg0: i32, %arg1: memref<12xi32, #tpu.memory_space<smem>>) -> i32 {
    %c0_i32 = arith.constant 0 : i32
    %c0_i32_0 = arith.constant 0 : i32
    return %c0_i32 : i32
  }
  func.func @transform_10(%arg0: i32, %arg1: memref<12xi32, #tpu.memory_space<smem>>) -> (i32, i32, i32) {
    %c0_i32 = arith.constant 0 : i32
    %c0_i32_0 = arith.constant 0 : i32
    %c0_i32_1 = arith.constant 0 : i32
    return %arg0, %c0_i32, %c0_i32_0 : i32, i32, i32
  }
  func.func @transform_11(%arg0: i32, %arg1: memref<12xi32, #tpu.memory_space<smem>>) -> (i32, i32, i32) {
    %c0_i32 = arith.constant 0 : i32
    %c0_i32_0 = arith.constant 0 : i32
    %c0_i32_1 = arith.constant 0 : i32
    return %arg0, %c0_i32, %c0_i32_0 : i32, i32, i32
  }
}

</mosaic_0001>

<sc_bundles>
// kernel: kernel.11.cloned.1.call-start
scs
__scs_entry_jumppad:
0x0: {  	(pc) =	sbr.rel $0x88, $3  }
0x1: {  	(tag) =	ssettag $0x0;
	lr =	simm.s32 $0x1  }
0x2: {  	[smem:$0x3F99] =	sst lr;
	_ =	strace $0xD0000000  }
0x3: {  	_ = 	snop  }
0x4: {  	_ = 	snop  }
0x5: {  	_ = 	snop  }
0x6: {  	_ = 	snop  }
0x7: {  	_ = 	snop  }
__scs_overlays_trampoline_lowered:
0x8: {  	[smem:$0x3FA8] =	sst s0  }
0x9: {  	[smem:$0x3FA9] =	sst s1  }
0xa: {  	[smem:$0x3FAA] =	sst s2  }
0xb: {  	[smem:$0x3FAB] =	sst s3  }
0xc: {  	[smem:$0x3FAC] =	sst s4  }
0xd: {  	[smem:$0x3FAD] =	sst s5  }
0xe: {  	[smem:$0x3FAE] =	sst s6  }
0xf: {  	[smem:$0x3FAF] =	sst s7  }
0x10: {  	[smem:$0x3FB0] =	sst s8  }
0x11: {  	[smem:$0x3FB1] =	sst s9;
	s0 =	simm.s32 @!p0 $0x0  }
0x12: {  	s1 =	sld [smem:$0x3F97];
	s0 =	simm.s32 @p0 $0x1  }
0x13: {  	[smem:$0x3FB2] =	sst s0;
	s0 =	simm.s32 @!p1 $0x0  }
0x14: {  	s2 =	sld [smem:$0x3F96];
	s0 =	simm.s32 @p1 $0x1  }
0x15: {  	[smem:$0x3FB3] =	sst s0;
	s0 =	simm.s32 @!p2 $0x0  }
0x16: {  	s3 =	sld [smem:$0x3FDB];
	s0 =	simm.s32 @p2 $0x1  }
0x17: {  	s4 =	simm.s32 $0x1BF5;
	[smem:$0x3FB5] =	sst s0  }
0x18: {  	s0 =	sld [smem:$0x3F98];
	_ =	swait.ge [sflag:s4], $0x0  }
0x19: {  	s7 =	sld [smem:$0x3F99]  }
0x1a: {  	s8 =	sadd.s32 $0xFFFFE003, lr  }
0x1b: {  	s9 =	sadd.s32 $0xFFFFFEF7, lr;
	s5 =	simm.s32 $0xFFFFFFFF;
	p2 =	slt.u32 s8, $0xFFFFF086  }
0x1c: {  	p1 =	slt.u32 s9, $0xF7A;
	s5 =	simm.s32 @!p2 $0x0  }
0x1d: {  	s5 =	simm.s32 @p1 $0x1;
	p0 =	seq.s32 s7, s2  }
0x1e: {  	s7 =	smul.u32 @!p0 $0xF7A, s2;
	p2 =	seq.s32 @!p0 s5, $0x0  }
0x1f: {  	s9 =	smul.u32 $0xF7A, s1;
	s8 =	simm.s32 @!p0 $0x1BF5;
	p2 =	por !p2, p0  }
0x20: {  	[sflag:s8] =	ssyncset.s32 @!p0 $0xFFFFF086;
	s6 =	sadd.s32 @!p0 s3, s7;
	s7 =	simm.s32 @!p0 $0x108  }
0x21: {  	s3 =	sadd.s32 s3, s9;
	s6 =	sadd.s32 @!p0 $0x88, s6;
	s7 =	simm.s32 @p2 $0x1082  }
0x22: {  	[simem:s7], [sflag:s8] =	dma.local @!p0 [hbm:s6], $0xF7A  }
0x23: {  	s9 =	sor.u32 $0xD0000000, s2;
	s6 =	simm.s32 $0x108;
	_ =	swait.ge @!p0 [sflag:s8], $0x0  }
0x24: {  	s3 =	sadd.s32 $0x88, s3;
	s6 =	simm.s32 @!p1 $0x1082;
	[sflag:s4] =	ssyncset.s32 $0xFFFFF086  }
0x25: {  	[simem:s6], [sflag:s4] =	dma.local [hbm:s3], $0xF7A  }
0x26: {  	[smem:$0x3F99] =	sst s1;
	(tag) =	ssettag s2;
	_ =	strace s9  }
0x27: {  	s1 =	sld [smem:$0x3FA9]  }
0x28: {  	s2 =	sld [smem:$0x3FAA]  }
0x29: {  	s4 =	sld [smem:$0x3FAC]  }
0x2a: {  	p0 =	seq.s32 s5, $0x0;
	s5 =	sld [smem:$0x3FAD]  }
0x2b: {  	s6 =	sld [smem:$0x3FAE]  }
0x2c: {  	s7 =	sld [smem:$0x3FAF]  }
0x2d: {  	s3 =	simm.s32 $0x108;
	s8 =	sld [smem:$0x3FB0]  }
0x2e: {  	s3 =	simm.s32 @!p0 $0x1082;
	s9 =	sld [smem:$0x3FB1]  }
0x2f: {  	lr =	sadd.s32 s0, s3;
	s0 =	sld [smem:$0x3FA8]  }
0x30: {  	s3 =	sld [smem:$0x3FAB]  }
0x31: {  	[smem:$0x3FB4] =	sst s10  }
0x32: {  	s10 =	sld [smem:$0x3FB2];
	_ =	sdelay $0x3  }
0x33: {  	p0 =	seq.s32 s10, $0x1;
	s10 =	sld [smem:$0x3FB4];
	_ =	sdelay $0x3  }
0x34: {  	[smem:$0x3FB4] =	sst s10  }
0x35: {  	s10 =	sld [smem:$0x3FB3];
	_ =	sdelay $0x3  }
0x36: {  	p1 =	seq.s32 s10, $0x1;
	s10 =	sld [smem:$0x3FB4];
	_ =	sdelay $0x3  }
0x37: {  	[smem:$0x3FB4] =	sst s10  }
0x38: {  	s10 =	sld [smem:$0x3FB5]  }
0x39: {  	_ = 	snop;
	(pc) =	sbr.ind lr, $3  }
0x3a: {  	_ = 	snop  }
0x3b: {  	_ = 	snop  }
0x3c: {  	p2 =	seq.s32 s10, $0x1;
	s10 =	sld [smem:$0x3FB4]  }
0x3d: {  	_ =	shalt  }
0x3e: {  	_ =	shalt  }
0x3f: {  	_ =	shalt  }
0x40: {  	_ =	shalt  }
0x41: {  	_ =	shalt  }
0x42: {  	_ =	shalt  }
0x43: {  	_ =	shalt  }
0x44: {  	_ =	shalt  }
0x45: {  	_ =	shalt  }
0x46: {  	_ =	shalt  }
0x47: {  	_ =	shalt  }
0x48: {  	_ =	shalt  }
0x49: {  	_ =	shalt  }
0x4a: {  	_ =	shalt  }
0x4b: {  	_ =	shalt  }
0x4c: {  	_ =	shalt  }
0x4d: {  	_ =	shalt  }
0x4e: {  	_ =	shalt  }
0x4f: {  	_ =	shalt  }
0x50: {  	_ =	shalt  }
0x51: {  	_ =	shalt  }
0x52: {  	_ =	shalt  }
0x53: {  	_ =	shalt  }
0x54: {  	_ =	shalt  }
0x55: {  	_ =	shalt  }
0x56: {  	_ =	shalt  }
0x57: {  	_ =	shalt  }
0x58: {  	_ =	shalt  }
0x59: {  	_ =	shalt  }
0x5a: {  	_ =	shalt  }
0x5b: {  	_ =	shalt  }
0x5c: {  	_ =	shalt  }
0x5d: {  	_ =	shalt  }
0x5e: {  	_ =	shalt  }
0x5f: {  	_ =	shalt  }
0x60: {  	_ =	shalt  }
0x61: {  	_ =	shalt  }
0x62: {  	_ =	shalt  }
0x63: {  	_ =	shalt  }
0x64: {  	_ =	shalt  }
0x65: {  	_ =	shalt  }
0x66: {  	_ =	shalt  }
0x67: {  	_ =	shalt  }
0x68: {  	_ =	shalt  }
0x69: {  	_ =	shalt  }
0x6a: {  	_ =	shalt  }
0x6b: {  	_ =	shalt  }
0x6c: {  	_ =	shalt  }
0x6d: {  	_ =	shalt  }
0x6e: {  	_ =	shalt  }
0x6f: {  	_ =	shalt  }
0x70: {  	_ =	shalt  }
0x71: {  	_ =	shalt  }
0x72: {  	_ =	shalt  }
0x73: {  	_ =	shalt  }
0x74: {  	_ =	shalt  }
0x75: {  	_ =	shalt  }
0x76: {  	_ =	shalt  }
0x77: {  	_ =	shalt  }
0x78: {  	_ =	shalt  }
0x79: {  	_ =	shalt  }
0x7a: {  	_ =	shalt  }
0x7b: {  	_ =	shalt  }
0x7c: {  	_ =	shalt  }
0x7d: {  	_ =	shalt  }
0x7e: {  	_ =	shalt  }
0x7f: {  	_ =	shalt  }
0x80: {  	_ =	shalt  }
0x81: {  	_ =	shalt  }
0x82: {  	_ =	shalt  }
0x83: {  	_ =	shalt  }
0x84: {  	_ =	shalt  }
0x85: {  	_ =	shalt  }
0x86: {  	_ =	shalt  }
0x87: {  	_ =	shalt  }
.Lfunc_end0:
.L_simem_size_0:
called_computation.1_lowered:
.L_overlay_start_0:
0x88: {  	s2 =	sld [smem:$0x3FD9]  }
0x89: {  	s3 =	sld [smem:$0x3FFE];
	_ =	sdelay $0x1  }
0x8a: {  	s1 =	srdreg.scid  }
0x8b: {  	s0 =	sand.u32 $0x1, s1  }
0x8c: {  	s16 =	sshll.u32 s0, $0xA;
	s2 =	sadd.s32 s3, s2  }
0x8d: {  	s2 =	sadd.s32 s2, s16  }
0x8e: {  	[smem:$0x3FC0] =	sst s2  }
0x8f: {  	_ = 	snop  }
0x90: {  	(tm) =	ssettm $0x1  }
0x91: {  	s17 =	sld [smem:$0x3FFB];
	_ =	sdelay $0x3  }
0x92: {  	_ =	strace s17  }
0x93: {  	s2 =	sld [smem:$0x3FFC];
	_ =	sdelay $0x3  }
0x94: {  	_ =	strace s2  }
0x95: {  	s2 =	sld [smem:$0x3FFD];
	_ =	sdelay $0x3  }
0x96: {  	_ =	strace s2  }
0x97: {  	_ =	strace $0x8FFFFFFF  }
0x98: {  	s18 =	sld [smem:$0x3FDB];
	_ =	sdelay $0x1  }
0x99: {  	s19 =	simm.s32 $_scs_section_size  }
0x9a: {  	s4 =	simm.s32 $_size__tile_overlayer_lowered;
	s5 =	simm.s32 $_tile_overlayer_lowered  }
0x9b: {  	s22 =	simm.s32 $0x1BFF;
	s21 =	sshll.u32 s5, $0x1;
	s2 =	sadd.s32 s19, s18  }
0x9c: {  	s6 =	simm.s32 $0x0;
	s20 =	sshll.u32 s4, $0x1;
	s4 =	sadd.s32 s21, s2  }
0x9d: {  	[timem:s6], [sflag:s22] =	dma.local [hbm:s4], s20  }
0x9e: {  	_ =	swait.ge [sflag:s22], s20  }
0x9f: {  	s3 =	ssub.s32 $0x0, s20;
	[sflag:s22] =	ssyncset.done $0x0  }
0xa0: {  	[sflag:s22] =	ssyncadd.s32 s3;
	_ =	sdelay $0x1  }
0xa1: {  	s23 =	simm.s32 $0x1B8B  }
0xa2: {  	_ =	swait.ge [sflag:s23], $0x1  }
0xa3: {  	[sflag:s23] =	ssyncset.done $0x0  }
0xa4: {  	s25 =	simm.s32 $0x1B8E;
	s24 =	sld [smem:$0x3FFE];
	[sflag:s23] =	ssyncadd.s32 $0xFFFFFFFF  }
0xa5: {  	s26 =	simm.s32 $execute0_lowered;
	[smem:$0x3FD2] =	sst s25  }
0xa6: {  	s4 =	sshll.u32 s26, $0x1;
	_ =	strace $0x80000049;
	[dreg:$0x1] =	wrdreg $0xFFFFFFFF  }
0xa7: {  	s28 =	simm.s32 $_size_execute0_lowered;
	s2 =	sadd.s32 s2, s4;
	[dreg:$0x0] =	wrdreg $0x0  }
0xa8: {  	s4 =	sshll.u32 s28, $0x1;
	[dreg:$0x2] =	wrdreg s2  }
0xa9: {  	[dreg:$0x3] =	wrdreg s4  }
0xaa: {  	[dreg:$0x4] =	wrdreg $0xC0  }
0xab: {  	_ =	task [dreg:s6], $0x5FFFF  }
0xac: {  	[dreg:$0x1] =	wrdreg $0xFFFFFFFF  }
0xad: {  	[dreg:$0x0] =	wrdreg $0x60  }
0xae: {  	[dreg:$0x2] =	wrdreg s24  }
0xaf: {  	[dreg:$0x3] =	wrdreg $0x9  }
0xb0: {  	_ =	task.clear_ibuf [dreg:s6], $0x4FFFF;
	_ =	strace $0x90000049  }
0xb1: {  	s29 =	simm.s32 $0x9;
	_ =	strace $0x8000004B  }
0xb2: {  	_ =	swait.ge [sflag:s29], $0x1  }
0xb3: {  	[sflag:s29] =	ssyncadd.s32 $0xFFFFFFFF  }
0xb4: {  	_ =	strace $0x9000004B  }
0xb5: {  	_ =	sfence  }
0xb6: {  	s30 =	sld [smem:$0x0];
	_ =	sdelay $0x2  }
0xb7: {  	s31 =	sshll.u32 s1, $0xD;
	s1 =	sshrl.u32 s1, $0x2  }
0xb8: {  	s3 =	sand.u32 $0x4000, s31;
	s1 =	sadd.s32 s1, s30  }
0xb9: {  	s0 =	sor.u32 s3, s0;
	s1 =	sshll.u32 s1, $0x11  }
0xba: {  	s0 =	sor.u32 s1, s0  }
0xbb: {  	s0 =	sadd.s32 $0x8F2B, s0  }
0xbc: {  	[sflag:s0] =	ssyncadd.remote.s32 $0x1  }
0xbd: {  	_ =	sfence.sel $0xFFFF  }
0xbe: {  	[dreg:$0x0] =	wrdreg $0xFFFFFFFF;
	(pc) =	sbr.abs _section_cstart, $3  }
0xbf: {  	[dreg:$0x1] =	wrdreg $0xFFFFFFFF  }
0xc0: {  	_ =	task.clear_ibuf [dreg:s6], $0x2FFFF;
	_ =	strace $0x9FFFFFFF  }
0xc1: {  	(tm) =	ssettm $0x7FFFFFFF  }
tec
execute0_lowered:
.L_overlay_start_1:
0x0: {  	(tag) =	ssettag $0x1  }
0x1: {  	s1 =	srdreg.scid  }
0x2: {  	s0 =	stileid.u32;
	s4 =	rddreg [dreg:$0x0];
	s9 =	simm.s32 $0x2  }
0x3: {  	s10 =	simm.s32 $0x9100;
	s11 =	simm.s32 $0x80;
	s12 =	simm.s32 $0x900  }
0x4: {  	s13 =	simm.s32 $0x1100;
	s14 =	simm.s32 $0x1900;
	s15 =	simm.s32 $0x2100  }
0x5: {  	s16 =	simm.s32 $0x2900;
	s17 =	simm.s32 $0x3100;
	s18 =	simm.s32 $0x3900  }
0x6: {  	s19 =	simm.s32 $0x4100;
	s20 =	simm.s32 $0x4900;
	s21 =	simm.s32 $0x5100  }
0x7: {  	s22 =	simm.s32 $0x5900;
	s23 =	simm.s32 $0x6100;
	s24 =	simm.s32 $0x6900  }
0x8: {  	s25 =	simm.s32 $0x7100;
	s1 =	sand.u32 $0x1, s1;
	s2 =	sshll.u32 s0, $0x1  }
0x9: {  	s28 =	simm.s32 $0x8100;
	s29 =	simm.s32 $0x8900;
	s3 =	sor.u32 s1, s2  }
0xa: {  	s30 =	simm.s32 $0x10;
	s31 =	simm.s32 $0xD100;
	s5 =	smul.u32 $0x1200, s3  }
0xb: {  	s2 =	simm.s32 $0x0;
	s1 =	ssub.s32 $0x2, s1;
	s6 =	smul.u32 $0x90, s3  }
0xc: {  	[smem:$0x7FF] =	sst s2;
	s3 =	smul.u32 $0x900, s3;
	s8 =	sshrl.u32 s1, $0x1  }
0xd: {  	_ =	strace $0x8000004A;
	s1 =	ssub.s32 s1, s8;
	s8 =	simm.s32 $0x100  }
0xe: {  	s6 =	sshrl.u32 s6, $0x3;
	s5 =	sadd.s32 s5, s4;
	s7 =	sadd.s32 s3, s4  }
0xf: {  	s3 =	sadd.s32 $0x38C00, s4;
	s6 =	sadd.s32 s6, s4;
	s5 =	sadd.s32 $0x2800, s5  }
0x10: {  	v2 =	vlaneseq.u32;
	s26 =	sadd.s32 $0x26800, s7;
	s4 =	sadd.s32 $0x68C00, s4;
	[dreg:$0x2] =	wrdreg s5  }
0x11: {  	vm0 =	vmmov $0xffff;
	v1 =	vshrl.u32 v2, $0x3;
	s7 =	smax.u32 s1, $0x1;
	s1 =	simm.s32 $0x1;
	[dreg:$0x3] =	wrdreg s26  }
0x12: {  	v0 =	vand.u32 $0x7, v2;
	v2 =	vor.u32 $0x8, v2;
	v1 =	vmul.u32 $0x8, v1;
	s5 =	sadd.s32 $0x38800, s6;
	s6 =	sadd.s32 $0x38810, s6;
	s26 =	simm.s32 $0x7900  }
.LBB2_1:
0x13: {  	s0 =	rddreg [dreg:$0x2]  }
0x14: {  	[tilespmem:s8], [sflag:$0x2] =	stream.linear.gather [hbm4b:s0+s2], $0x9000, $0x38;
	[tilespmem:$0xD900] =	vst v63  }
0x15: {  	_ =	swait.ge [sflag:s9], $0x9000  }
0x16: {  	[sflag:s9] =	ssyncset.done $0x0  }
0x17: {  	s0 =	rddreg [dreg:$0x3];
	[sflag:s9] =	ssyncadd.s32 $0xFFFF7000  }
0x18: {  	[tilespmem:s10], [sflag:$0x2] =	stream.linear.gather [hbm4b:s0+s2], $0x4800, $0x38;
	[tilespmem:$0xD900] =	vst v63  }
0x19: {  	_ =	swait.ge [sflag:s9], $0x4800  }
0x1a: {  	[sflag:s9] =	ssyncset.done $0x0  }
0x1b: {  	[sflag:s9] =	ssyncadd.s32 $0xFFFFB800  }
0x1c: {  	[tilespmem:s2], [sflag:$0x2] =	stream.linear.gather [hbm4b:s5+s2], $0x80, $0x38;
	[tilespmem:$0xD900] =	vst v63  }
0x1d: {  	_ =	swait.ge [sflag:s9], $0x80  }
0x1e: {  	[sflag:s9] =	ssyncset.done $0x0  }
0x1f: {  	[sflag:s9] =	ssyncadd.s32 $0xFFFFFF80  }
0x20: {  	[tilespmem:s11], [sflag:$0x2] =	stream.linear.gather [hbm4b:s6+s2], $0x10, $0x38;
	[tilespmem:$0xD900] =	vst v63  }
0x21: {  	_ =	swait.ge [sflag:s9], $0x10  }
0x22: {  	[sflag:s9] =	ssyncset.done $0x0  }
0x23: {  	[sflag:s9] =	ssyncadd.s32 $0xFFFFFFF0  }
0x24: {  	v3 =	vld [tilespmem:$0x0];
	_ =	sdelay $0x4  }
0x25: {  	v4 =	vshll.u32 v3, $0x1  }
0x26: {  	v3 =	vand.u32 $0x7, v3;
	v4 =	vand.u32 $0xFFFFFFF0, v4  }
0x27: {  	v3 =	vor.u32 v3, v4  }
0x28: {  	v4 =	vperm.xlane v3, v0;
	_ =	sdelay $0x1  }
0x29: {  	v3 =	vperm.xlane v3, v2;
	v4 =	vadd.s32 v1, v4;
	_ =	sdelay $0x1  }
0x2a: {  	v3 =	vadd.s32 v1, v3;
	_ =	sdelay $0x2  }
0x2b: {  	[hbm4b:s3+s2] =	stream.indirect_vreg.scatter [tilespmem:s8], [sflag:$0x1], $0x80, v4, vm0, $0xb8;
	[tilespmem:$0xD900] =	vst v63  }
0x2c: {  	_ = 	snop  }
0x2d: {  	[hbm4b:s3+s2] =	stream.indirect_vreg.scatter [tilespmem:s12], [sflag:$0x1], $0x80, v3, vm0, $0xb8;
	[tilespmem:$0xD900] =	vst v63  }
0x2e: {  	v3 =	vld [tilespmem:$0x10];
	_ =	sdelay $0x4  }
0x2f: {  	v56 =	vshll.u32 v3, $0x1  }
0x30: {  	v3 =	vand.u32 $0x7, v3;
	v4 =	vand.u32 $0xFFFFFFF0, v56  }
0x31: {  	v3 =	vor.u32 v3, v4  }
0x32: {  	v4 =	vperm.xlane v3, v0;
	_ =	sdelay $0x1  }
0x33: {  	v3 =	vperm.xlane v3, v2;
	v4 =	vadd.s32 v1, v4;
	_ =	sdelay $0x1  }
0x34: {  	v3 =	vadd.s32 v1, v3;
	_ =	sdelay $0x2  }
0x35: {  	[hbm4b:s3+s2] =	stream.indirect_vreg.scatter [tilespmem:s13], [sflag:$0x1], $0x80, v4, vm0, $0xb8;
	[tilespmem:$0xD900] =	vst v63  }
0x36: {  	_ = 	snop  }
0x37: {  	[hbm4b:s3+s2] =	stream.indirect_vreg.scatter [tilespmem:s14], [sflag:$0x1], $0x80, v3, vm0, $0xb8;
	[tilespmem:$0xD900] =	vst v63  }
0x38: {  	v3 =	vld [tilespmem:$0x20];
	_ =	sdelay $0x4  }
0x39: {  	v57 =	vshll.u32 v3, $0x1  }
0x3a: {  	v3 =	vand.u32 $0x7, v3;
	v4 =	vand.u32 $0xFFFFFFF0, v57  }
0x3b: {  	v3 =	vor.u32 v3, v4  }
0x3c: {  	v4 =	vperm.xlane v3, v0;
	_ =	sdelay $0x1  }
0x3d: {  	v3 =	vperm.xlane v3, v2;
	v4 =	vadd.s32 v1, v4;
	_ =	sdelay $0x1  }
0x3e: {  	v3 =	vadd.s32 v1, v3;
	_ =	sdelay $0x2  }
0x3f: {  	[hbm4b:s3+s2] =	stream.indirect_vreg.scatter [tilespmem:s15], [sflag:$0x1], $0x80, v4, vm0, $0xb8;
	[tilespmem:$0xD900] =	vst v63  }
0x40: {  	_ = 	snop  }
0x41: {  	[hbm4b:s3+s2] =	stream.indirect_vreg.scatter [tilespmem:s16], [sflag:$0x1], $0x80, v3, vm0, $0xb8;
	[tilespmem:$0xD900] =	vst v63  }
0x42: {  	v3 =	vld [tilespmem:$0x30];
	_ =	sdelay $0x4  }
0x43: {  	v58 =	vshll.u32 v3, $0x1  }
0x44: {  	v3 =	vand.u32 $0x7, v3;
	v4 =	vand.u32 $0xFFFFFFF0, v58  }
0x45: {  	v3 =	vor.u32 v3, v4  }
0x46: {  	v4 =	vperm.xlane v3, v0;
	_ =	sdelay $0x1  }
0x47: {  	v3 =	vperm.xlane v3, v2;
	v4 =	vadd.s32 v1, v4;
	_ =	sdelay $0x1  }
0x48: {  	v3 =	vadd.s32 v1, v3;
	_ =	sdelay $0x2  }
0x49: {  	[hbm4b:s3+s2] =	stream.indirect_vreg.scatter [tilespmem:s17], [sflag:$0x1], $0x80, v4, vm0, $0xb8;
	[tilespmem:$0xD900] =	vst v63  }
0x4a: {  	_ = 	snop  }
0x4b: {  	[hbm4b:s3+s2] =	stream.indirect_vreg.scatter [tilespmem:s18], [sflag:$0x1], $0x80, v3, vm0, $0xb8;
	[tilespmem:$0xD900] =	vst v63  }
0x4c: {  	v3 =	vld [tilespmem:$0x40];
	_ =	sdelay $0x4  }
0x4d: {  	v59 =	vshll.u32 v3, $0x1  }
0x4e: {  	v3 =	vand.u32 $0x7, v3;
	v4 =	vand.u32 $0xFFFFFFF0, v59  }
0x4f: {  	v3 =	vor.u32 v3, v4  }
0x50: {  	v4 =	vperm.xlane v3, v0;
	_ =	sdelay $0x1  }
0x51: {  	v3 =	vperm.xlane v3, v2;
	v4 =	vadd.s32 v1, v4;
	_ =	sdelay $0x1  }
0x52: {  	v3 =	vadd.s32 v1, v3;
	_ =	sdelay $0x2  }
0x53: {  	[hbm4b:s3+s2] =	stream.indirect_vreg.scatter [tilespmem:s19], [sflag:$0x1], $0x80, v4, vm0, $0xb8;
	[tilespmem:$0xD900] =	vst v63  }
0x54: {  	_ = 	snop  }
0x55: {  	[hbm4b:s3+s2] =	stream.indirect_vreg.scatter [tilespmem:s20], [sflag:$0x1], $0x80, v3, vm0, $0xb8;
	[tilespmem:$0xD900] =	vst v63  }
0x56: {  	v3 =	vld [tilespmem:$0x50];
	_ =	sdelay $0x4  }
0x57: {  	v60 =	vshll.u32 v3, $0x1  }
0x58: {  	v3 =	vand.u32 $0x7, v3;
	v4 =	vand.u32 $0xFFFFFFF0, v60  }
0x59: {  	v3 =	vor.u32 v3, v4  }
0x5a: {  	v4 =	vperm.xlane v3, v0;
	_ =	sdelay $0x1  }
0x5b: {  	v3 =	vperm.xlane v3, v2;
	v4 =	vadd.s32 v1, v4;
	_ =	sdelay $0x1  }
0x5c: {  	v3 =	vadd.s32 v1, v3;
	_ =	sdelay $0x2  }
0x5d: {  	[hbm4b:s3+s2] =	stream.indirect_vreg.scatter [tilespmem:s21], [sflag:$0x1], $0x80, v4, vm0, $0xb8;
	[tilespmem:$0xD900] =	vst v63  }
0x5e: {  	_ = 	snop  }
0x5f: {  	[hbm4b:s3+s2] =	stream.indirect_vreg.scatter [tilespmem:s22], [sflag:$0x1], $0x80, v3, vm0, $0xb8;
	[tilespmem:$0xD900] =	vst v63  }
0x60: {  	v3 =	vld [tilespmem:$0x60];
	_ =	sdelay $0x4  }
0x61: {  	v61 =	vshll.u32 v3, $0x1  }
0x62: {  	v3 =	vand.u32 $0x7, v3;
	v4 =	vand.u32 $0xFFFFFFF0, v61  }
0x63: {  	v3 =	vor.u32 v3, v4  }
0x64: {  	v4 =	vperm.xlane v3, v0;
	_ =	sdelay $0x1  }
0x65: {  	v3 =	vperm.xlane v3, v2;
	v4 =	vadd.s32 v1, v4;
	_ =	sdelay $0x1  }
0x66: {  	v3 =	vadd.s32 v1, v3;
	_ =	sdelay $0x2  }
0x67: {  	[hbm4b:s3+s2] =	stream.indirect_vreg.scatter [tilespmem:s23], [sflag:$0x1], $0x80, v4, vm0, $0xb8;
	[tilespmem:$0xD900] =	vst v63  }
0x68: {  	_ = 	snop  }
0x69: {  	[hbm4b:s3+s2] =	stream.indirect_vreg.scatter [tilespmem:s24], [sflag:$0x1], $0x80, v3, vm0, $0xb8;
	[tilespmem:$0xD900] =	vst v63  }
0x6a: {  	v3 =	vld [tilespmem:$0x70];
	_ =	sdelay $0x4  }
0x6b: {  	v62 =	vshll.u32 v3, $0x1  }
0x6c: {  	v3 =	vand.u32 $0x7, v3;
	v4 =	vand.u32 $0xFFFFFFF0, v62  }
0x6d: {  	v3 =	vor.u32 v3, v4  }
0x6e: {  	v4 =	vperm.xlane v3, v0;
	_ =	sdelay $0x1  }
0x6f: {  	v3 =	vperm.xlane v3, v2;
	v4 =	vadd.s32 v1, v4;
	_ =	sdelay $0x1  }
0x70: {  	v3 =	vadd.s32 v1, v3;
	_ =	sdelay $0x2  }
0x71: {  	[hbm4b:s3+s2] =	stream.indirect_vreg.scatter [tilespmem:s25], [sflag:$0x1], $0x80, v4, vm0, $0xb8;
	[tilespmem:$0xD900] =	vst v63  }
0x72: {  	_ = 	snop  }
0x73: {  	[hbm4b:s3+s2] =	stream.indirect_vreg.scatter [tilespmem:s26], [sflag:$0x1], $0x80, v3, vm0, $0xb8;
	[tilespmem:$0xD900] =	vst v63  }
0x74: {  	_ = 	snop  }
0x75: {  	[hbm4b:s4+s11] =	stream.indirect.scatter [tilespmem:s10], [sflag:$0x1], $0x80, s2, s11, $0xb8;
	[tilespmem:$0xD900] =	vst v63  }
0x76: {  	v3 =	vld [tilespmem:$0x80];
	_ =	sdelay $0x4  }
0x77: {  	v63 =	vshll.u32 v3, $0x1  }
0x78: {  	v3 =	vand.u32 $0x7, v3;
	v4 =	vand.u32 $0xFFFFFFF0, v63  }
0x79: {  	v3 =	vor.u32 v3, v4  }
0x7a: {  	v4 =	vperm.xlane v3, v0;
	_ =	sdelay $0x1  }
0x7b: {  	v3 =	vperm.xlane v3, v2;
	v4 =	vadd.s32 v1, v4;
	_ =	sdelay $0x1  }
0x7c: {  	v3 =	vadd.s32 v1, v3;
	_ =	sdelay $0x2  }
0x7d: {  	[hbm4b:s3+s2] =	stream.indirect_vreg.scatter [tilespmem:s28], [sflag:$0x1], $0x80, v4, vm0, $0xb8;
	[tilespmem:$0xD900] =	vst v63  }
0x7e: {  	_ = 	snop  }
0x7f: {  	[hbm4b:s3+s2] =	stream.indirect_vreg.scatter [tilespmem:s29], [sflag:$0x1], $0x80, v3, vm0, $0xb8;
	[tilespmem:$0xD900] =	vst v63  }
0x80: {  	_ = 	snop  }
0x81: {  	[hbm4b:s4+s30] =	stream.indirect.scatter [tilespmem:s31], [sflag:$0x1], $0x80, s11, s30, $0xb8;
	[tilespmem:$0xD900] =	vst v63  }
0x82: {  	_ =	swait.ge [sflag:s1], $0x8000  }
0x83: {  	[sflag:s1] =	ssyncset.done $0x0  }
0x84: {  	[sflag:s1] =	ssyncadd.s32 $0xFFFF8000  }
0x85: {  	_ =	swait.ge [sflag:s1], $0x4000  }
0x86: {  	[sflag:s1] =	ssyncset.done $0x0  }
0x87: {  	[sflag:s1] =	ssyncadd.s32 $0xFFFFC000  }
0x88: {  	p0 =	sne.s32 s7, $0x1;
	_ =	swait.ge [sflag:s1], $0x1000  }
.Ltmp0:
0x89: {  	[sflag:s1] =	ssyncset.done $0x0;
	(pc) =	sbr.rel @p0 .LBB2_1-.Ltmp0, $4  }
0x8a: {  	[sflag:s1] =	ssyncadd.s32 $0xFFFFF000  }
0x8b: {  	_ =	swait.ge [sflag:s1], $0x800  }
0x8c: {  	[sflag:s1] =	ssyncset.done $0x0  }
0x8d: {  	s7 =	sadd.s32 $0xFFFFFFFF, s7;
	[sflag:s1] =	ssyncadd.s32 $0xFFFFF800  }
0x8e: {  	_ =	sfence.sel $0x180000  }
0x8f: {  	[bflag:$0x0] =	sbarrier.arrive $0xFFFF  }
0x90: {  	_ =	strace $0x9000004A  }
0x91: {  	s0 =	stileid.u32;
	[bflag:$0x2] =	sbarrier.arrive $0xFFFF  }
0x92: {  	p0 =	sne.s32 s0, $0x0;
	s0 =	rddreg [dreg:$0x1]  }
0x93: {  	s0 =	sadd.s32 @!p0 $0x100000, s0  }
0x94: {  	[sflag:s0] =	ssyncadd.tile.s32 @!p0 $0x1;
	_ =	shalt  }
.Lfunc_end2:
_tile_overlayer_lowered:
.L_overlay_start_2:
0x95: {  	(tag) =	ssettag $0x2  }
0x96: {  	s0 =	rddreg [dreg:$0x0];
	s2 =	stileid.u32  }
0x97: {  	s1 =	rddreg [dreg:$0x1];
	p0 =	sne.s32 s2, $0x0  }
0x98: {  	s3 =	rddreg [dreg:$0x2];
	[bflag:$0x3] =	sbarrier.arrive $0xFFFF;
	s2 =	simm.s32 @!p0 $0x1C02  }
0x99: {  	[timem:s3], [sflag:s2] =	dma.local @!p0 [hbm:s0], s1  }
0x9a: {  	s0 =	simm.s32 @!p0 $0x2  }
0x9b: {  	_ =	swait.ge @!p0 [sflag:s0], s1  }
0x9c: {  	s1 =	ssub.s32 @!p0 $0x0, s1;
	[sflag:s0] =	ssyncset.done @!p0 $0x0  }
0x9d: {  	[sflag:s0] =	ssyncadd.s32 @!p0 s1  }
0x9e: {  	[bflag:$0x3] =	sbarrier.arrive $0xFFFF  }
0x9f: {  	_ =	shalt  }

// kernel: kernel.14.cloned.1.call-start
scs
__scs_entry_jumppad:
0x0: {  	(pc) =	sbr.rel $0x88, $3  }
0x1: {  	(tag) =	ssettag $0x0;
	lr =	simm.s32 $0x1  }
0x2: {  	[smem:$0x3F99] =	sst lr;
	_ =	strace $0xD0000000  }
0x3: {  	_ = 	snop  }
0x4: {  	_ = 	snop  }
0x5: {  	_ = 	snop  }
0x6: {  	_ = 	snop  }
0x7: {  	_ = 	snop  }
__scs_overlays_trampoline_lowered:
0x8: {  	[smem:$0x3FA8] =	sst s0  }
0x9: {  	[smem:$0x3FA9] =	sst s1  }
0xa: {  	[smem:$0x3FAA] =	sst s2  }
0xb: {  	[smem:$0x3FAB] =	sst s3  }
0xc: {  	[smem:$0x3FAC] =	sst s4  }
0xd: {  	[smem:$0x3FAD] =	sst s5  }
0xe: {  	[smem:$0x3FAE] =	sst s6  }
0xf: {  	[smem:$0x3FAF] =	sst s7  }
0x10: {  	[smem:$0x3FB0] =	sst s8  }
0x11: {  	[smem:$0x3FB1] =	sst s9;
	s0 =	simm.s32 @!p0 $0x0  }
0x12: {  	s1 =	sld [smem:$0x3F97];
	s0 =	simm.s32 @p0 $0x1  }
0x13: {  	[smem:$0x3FB2] =	sst s0;
	s0 =	simm.s32 @!p1 $0x0  }
0x14: {  	s2 =	sld [smem:$0x3F96];
	s0 =	simm.s32 @p1 $0x1  }
0x15: {  	[smem:$0x3FB3] =	sst s0;
	s0 =	simm.s32 @!p2 $0x0  }
0x16: {  	s3 =	sld [smem:$0x3FDB];
	s0 =	simm.s32 @p2 $0x1  }
0x17: {  	s4 =	simm.s32 $0x1BF5;
	[smem:$0x3FB5] =	sst s0  }
0x18: {  	s0 =	sld [smem:$0x3F98];
	_ =	swait.ge [sflag:s4], $0x0  }
0x19: {  	s7 =	sld [smem:$0x3F99]  }
0x1a: {  	s8 =	sadd.s32 $0xFFFFE003, lr  }
0x1b: {  	s9 =	sadd.s32 $0xFFFFFEF7, lr;
	s5 =	simm.s32 $0xFFFFFFFF;
	p2 =	slt.u32 s8, $0xFFFFF086  }
0x1c: {  	p1 =	slt.u32 s9, $0xF7A;
	s5 =	simm.s32 @!p2 $0x0  }
0x1d: {  	s5 =	simm.s32 @p1 $0x1;
	p0 =	seq.s32 s7, s2  }
0x1e: {  	s7 =	smul.u32 @!p0 $0xF7A, s2;
	p2 =	seq.s32 @!p0 s5, $0x0  }
0x1f: {  	s9 =	smul.u32 $0xF7A, s1;
	s8 =	simm.s32 @!p0 $0x1BF5;
	p2 =	por !p2, p0  }
0x20: {  	[sflag:s8] =	ssyncset.s32 @!p0 $0xFFFFF086;
	s6 =	sadd.s32 @!p0 s3, s7;
	s7 =	simm.s32 @!p0 $0x108  }
0x21: {  	s3 =	sadd.s32 s3, s9;
	s6 =	sadd.s32 @!p0 $0x88, s6;
	s7 =	simm.s32 @p2 $0x1082  }
0x22: {  	[simem:s7], [sflag:s8] =	dma.local @!p0 [hbm:s6], $0xF7A  }
0x23: {  	s9 =	sor.u32 $0xD0000000, s2;
	s6 =	simm.s32 $0x108;
	_ =	swait.ge @!p0 [sflag:s8], $0x0  }
0x24: {  	s3 =	sadd.s32 $0x88, s3;
	s6 =	simm.s32 @!p1 $0x1082;
	[sflag:s4] =	ssyncset.s32 $0xFFFFF086  }
0x25: {  	[simem:s6], [sflag:s4] =	dma.local [hbm:s3], $0xF7A  }
0x26: {  	[smem:$0x3F99] =	sst s1;
	(tag) =	ssettag s2;
	_ =	strace s9  }
0x27: {  	s1 =	sld [smem:$0x3FA9]  }
0x28: {  	s2 =	sld [smem:$0x3FAA]  }
0x29: {  	s4 =	sld [smem:$0x3FAC]  }
0x2a: {  	p0 =	seq.s32 s5, $0x0;
	s5 =	sld [smem:$0x3FAD]  }
0x2b: {  	s6 =	sld [smem:$0x3FAE]  }
0x2c: {  	s7 =	sld [smem:$0x3FAF]  }
0x2d: {  	s3 =	simm.s32 $0x108;
	s8 =	sld [smem:$0x3FB0]  }
0x2e: {  	s3 =	simm.s32 @!p0 $0x1082;
	s9 =	sld [smem:$0x3FB1]  }
0x2f: {  	lr =	sadd.s32 s0, s3;
	s0 =	sld [smem:$0x3FA8]  }
0x30: {  	s3 =	sld [smem:$0x3FAB]  }
0x31: {  	[smem:$0x3FB4] =	sst s10  }
0x32: {  	s10 =	sld [smem:$0x3FB2];
	_ =	sdelay $0x3  }
0x33: {  	p0 =	seq.s32 s10, $0x1;
	s10 =	sld [smem:$0x3FB4];
	_ =	sdelay $0x3  }
0x34: {  	[smem:$0x3FB4] =	sst s10  }
0x35: {  	s10 =	sld [smem:$0x3FB3];
	_ =	sdelay $0x3  }
0x36: {  	p1 =	seq.s32 s10, $0x1;
	s10 =	sld [smem:$0x3FB4];
	_ =	sdelay $0x3  }
0x37: {  	[smem:$0x3FB4] =	sst s10  }
0x38: {  	s10 =	sld [smem:$0x3FB5]  }
0x39: {  	_ = 	snop;
	(pc) =	sbr.ind lr, $3  }
0x3a: {  	_ = 	snop  }
0x3b: {  	_ = 	snop  }
0x3c: {  	p2 =	seq.s32 s10, $0x1;
	s10 =	sld [smem:$0x3FB4]  }
0x3d: {  	_ =	shalt  }
0x3e: {  	_ =	shalt  }
0x3f: {  	_ =	shalt  }
0x40: {  	_ =	shalt  }
0x41: {  	_ =	shalt  }
0x42: {  	_ =	shalt  }
0x43: {  	_ =	shalt  }
0x44: {  	_ =	shalt  }
0x45: {  	_ =	shalt  }
0x46: {  	_ =	shalt  }
0x47: {  	_ =	shalt  }
0x48: {  	_ =	shalt  }
0x49: {  	_ =	shalt  }
0x4a: {  	_ =	shalt  }
0x4b: {  	_ =	shalt  }
0x4c: {  	_ =	shalt  }
0x4d: {  	_ =	shalt  }
0x4e: {  	_ =	shalt  }
0x4f: {  	_ =	shalt  }
0x50: {  	_ =	shalt  }
0x51: {  	_ =	shalt  }
0x52: {  	_ =	shalt  }
0x53: {  	_ =	shalt  }
0x54: {  	_ =	shalt  }
0x55: {  	_ =	shalt  }
0x56: {  	_ =	shalt  }
0x57: {  	_ =	shalt  }
0x58: {  	_ =	shalt  }
0x59: {  	_ =	shalt  }
0x5a: {  	_ =	shalt  }
0x5b: {  	_ =	shalt  }
0x5c: {  	_ =	shalt  }
0x5d: {  	_ =	shalt  }
0x5e: {  	_ =	shalt  }
0x5f: {  	_ =	shalt  }
0x60: {  	_ =	shalt  }
0x61: {  	_ =	shalt  }
0x62: {  	_ =	shalt  }
0x63: {  	_ =	shalt  }
0x64: {  	_ =	shalt  }
0x65: {  	_ =	shalt  }
0x66: {  	_ =	shalt  }
0x67: {  	_ =	shalt  }
0x68: {  	_ =	shalt  }
0x69: {  	_ =	shalt  }
0x6a: {  	_ =	shalt  }
0x6b: {  	_ =	shalt  }
0x6c: {  	_ =	shalt  }
0x6d: {  	_ =	shalt  }
0x6e: {  	_ =	shalt  }
0x6f: {  	_ =	shalt  }
0x70: {  	_ =	shalt  }
0x71: {  	_ =	shalt  }
0x72: {  	_ =	shalt  }
0x73: {  	_ =	shalt  }
0x74: {  	_ =	shalt  }
0x75: {  	_ =	shalt  }
0x76: {  	_ =	shalt  }
0x77: {  	_ =	shalt  }
0x78: {  	_ =	shalt  }
0x79: {  	_ =	shalt  }
0x7a: {  	_ =	shalt  }
0x7b: {  	_ =	shalt  }
0x7c: {  	_ =	shalt  }
0x7d: {  	_ =	shalt  }
0x7e: {  	_ =	shalt  }
0x7f: {  	_ =	shalt  }
0x80: {  	_ =	shalt  }
0x81: {  	_ =	shalt  }
0x82: {  	_ =	shalt  }
0x83: {  	_ =	shalt  }
0x84: {  	_ =	shalt  }
0x85: {  	_ =	shalt  }
0x86: {  	_ =	shalt  }
0x87: {  	_ =	shalt  }
.Lfunc_end0:
.L_simem_size_0:
called_computation.2_lowered:
.L_overlay_start_0:
0x88: {  	s2 =	sld [smem:$0x3FD9]  }
0x89: {  	s3 =	sld [smem:$0x3FFE];
	_ =	sdelay $0x1  }
0x8a: {  	s1 =	srdreg.scid  }
0x8b: {  	s0 =	sand.u32 $0x1, s1  }
0x8c: {  	s16 =	sshll.u32 s0, $0xA;
	s2 =	sadd.s32 s3, s2  }
0x8d: {  	s2 =	sadd.s32 s2, s16  }
0x8e: {  	[smem:$0x3FC0] =	sst s2  }
0x8f: {  	_ = 	snop  }
0x90: {  	(tm) =	ssettm $0x1  }
0x91: {  	s17 =	sld [smem:$0x3FFB];
	_ =	sdelay $0x3  }
0x92: {  	_ =	strace s17  }
0x93: {  	s2 =	sld [smem:$0x3FFC];
	_ =	sdelay $0x3  }
0x94: {  	_ =	strace s2  }
0x95: {  	s2 =	sld [smem:$0x3FFD];
	_ =	sdelay $0x3  }
0x96: {  	_ =	strace s2  }
0x97: {  	_ =	strace $0x8FFFFFFF  }
0x98: {  	s18 =	sld [smem:$0x3FDB];
	_ =	sdelay $0x1  }
0x99: {  	s19 =	simm.s32 $_scs_section_size  }
0x9a: {  	s4 =	simm.s32 $_size__tile_overlayer_lowered;
	s5 =	simm.s32 $_tile_overlayer_lowered  }
0x9b: {  	s22 =	simm.s32 $0x1BFF;
	s21 =	sshll.u32 s5, $0x1;
	s2 =	sadd.s32 s19, s18  }
0x9c: {  	s6 =	simm.s32 $0x0;
	s20 =	sshll.u32 s4, $0x1;
	s4 =	sadd.s32 s21, s2  }
0x9d: {  	[timem:s6], [sflag:s22] =	dma.local [hbm:s4], s20  }
0x9e: {  	_ =	swait.ge [sflag:s22], s20  }
0x9f: {  	s3 =	ssub.s32 $0x0, s20;
	[sflag:s22] =	ssyncset.done $0x0  }
0xa0: {  	[sflag:s22] =	ssyncadd.s32 s3;
	_ =	sdelay $0x1  }
0xa1: {  	s23 =	simm.s32 $0x1B8B  }
0xa2: {  	_ =	swait.ge [sflag:s23], $0x1  }
0xa3: {  	[sflag:s23] =	ssyncset.done $0x0  }
0xa4: {  	s25 =	simm.s32 $0x1B8E;
	s24 =	sld [smem:$0x3FFE];
	[sflag:s23] =	ssyncadd.s32 $0xFFFFFFFF  }
0xa5: {  	s26 =	simm.s32 $execute0_lowered;
	[smem:$0x3FD2] =	sst s25  }
0xa6: {  	s4 =	sshll.u32 s26, $0x1;
	_ =	strace $0x8000004C;
	[dreg:$0x1] =	wrdreg $0xFFFFFFFF  }
0xa7: {  	s28 =	simm.s32 $_size_execute0_lowered;
	s2 =	sadd.s32 s2, s4;
	[dreg:$0x0] =	wrdreg $0x0  }
0xa8: {  	s4 =	sshll.u32 s28, $0x1;
	[dreg:$0x2] =	wrdreg s2  }
0xa9: {  	[dreg:$0x3] =	wrdreg s4  }
0xaa: {  	[dreg:$0x4] =	wrdreg $0xC0  }
0xab: {  	_ =	task [dreg:s6], $0x5FFFF  }
0xac: {  	[dreg:$0x1] =	wrdreg $0xFFFFFFFF  }
0xad: {  	[dreg:$0x0] =	wrdreg $0x60  }
0xae: {  	[dreg:$0x2] =	wrdreg s24  }
0xaf: {  	[dreg:$0x3] =	wrdreg $0x9  }
0xb0: {  	_ =	task.clear_ibuf [dreg:s6], $0x4FFFF;
	_ =	strace $0x9000004C  }
0xb1: {  	s29 =	simm.s32 $0x9;
	_ =	strace $0x8000004E  }
0xb2: {  	_ =	swait.ge [sflag:s29], $0x1  }
0xb3: {  	[sflag:s29] =	ssyncadd.s32 $0xFFFFFFFF  }
0xb4: {  	_ =	strace $0x9000004E  }
0xb5: {  	_ =	sfence  }
0xb6: {  	s30 =	sld [smem:$0x0];
	_ =	sdelay $0x2  }
0xb7: {  	s31 =	sshll.u32 s1, $0xD;
	s1 =	sshrl.u32 s1, $0x2  }
0xb8: {  	s3 =	sand.u32 $0x4000, s31;
	s1 =	sadd.s32 s1, s30  }
0xb9: {  	s0 =	sor.u32 s3, s0;
	s1 =	sshll.u32 s1, $0x11  }
0xba: {  	s0 =	sor.u32 s1, s0  }
0xbb: {  	s0 =	sadd.s32 $0x8F2B, s0  }
0xbc: {  	[sflag:s0] =	ssyncadd.remote.s32 $0x1  }
0xbd: {  	_ =	sfence.sel $0xFFFF  }
0xbe: {  	[dreg:$0x0] =	wrdreg $0xFFFFFFFF;
	(pc) =	sbr.abs _section_cstart, $3  }
0xbf: {  	[dreg:$0x1] =	wrdreg $0xFFFFFFFF  }
0xc0: {  	_ =	task.clear_ibuf [dreg:s6], $0x2FFFF;
	_ =	strace $0x9FFFFFFF  }
0xc1: {  	(tm) =	ssettm $0x7FFFFFFF  }
tec
execute0_lowered:
.L_overlay_start_1:
0x0: {  	(tag) =	ssettag $0x1  }
0x1: {  	s1 =	srdreg.scid;
	s0 =	stileid.u32  }
0x2: {  	s10 =	sand.u32 $0x1, s1;
	s31 =	sshll.u32 s0, $0x1  }
0x3: {  	s3 =	sor.u32 s10, s31  }
0x4: {  	s9 =	rddreg [dreg:$0x0];
	s2 =	simm.s32 $0x0;
	s4 =	smul.u32 $0xC00, s3  }
0x5: {  	s5 =	simm.s32 $0x2;
	[smem:$0x7FF] =	sst s2  }
0x6: {  	s1 =	rddreg [dreg:$0x1];
	_ =	strace $0x8000004D;
	s4 =	sadd.s32 s4, s9  }
0x7: {  	s6 =	smul.u32 $0xC0, s3;
	s3 =	sadd.s32 $0x2800, s4;
	s4 =	simm.s32 $0x100  }
0x8: {  	[tilespmem:s4], [sflag:$0x2] =	stream.linear.gather [hbm4b:s3+s2], $0x6000, $0x38;
	[tilespmem:$0x6100] =	vst v63  }
0x9: {  	s6 =	sshrl.u32 s6, $0x3;
	_ =	swait.ge [sflag:s5], $0x6000  }
0xa: {  	s7 =	sadd.s32 s6, s9;
	[sflag:s5] =	ssyncset.done $0x0  }
0xb: {  	s6 =	sadd.s32 $0x1A800, s7;
	[sflag:s5] =	ssyncadd.s32 $0xFFFFA000  }
0xc: {  	[tilespmem:s2], [sflag:$0x2] =	stream.linear.gather [hbm4b:s6+s2], $0x80, $0x38;
	[tilespmem:$0x6100] =	vst v63  }
0xd: {  	_ =	swait.ge [sflag:s5], $0x80  }
0xe: {  	s8 =	simm.s32 $0x80;
	[sflag:s5] =	ssyncset.done $0x0  }
0xf: {  	s13 =	ssub.s32 $0x2, s10;
	s7 =	sadd.s32 $0x1A810, s7;
	[sflag:s5] =	ssyncadd.s32 $0xFFFFFF80  }
0x10: {  	[tilespmem:s8], [sflag:$0x2] =	stream.linear.gather [hbm4b:s7+s2], $0x40, $0x38;
	[tilespmem:$0x6100] =	vst v63  }
0x11: {  	s14 =	sshrl.u32 s13, $0x1;
	_ =	swait.ge [sflag:s5], $0x40  }
0x12: {  	s12 =	simm.s32 $0x4100;
	s13 =	ssub.s32 s13, s14;
	[sflag:s5] =	ssyncset.done $0x0  }
0x13: {  	s13 =	smax.u32 s13, $0x1;
	s9 =	sadd.s32 $0x1AC00, s9;
	[sflag:s5] =	ssyncadd.s32 $0xFFFFFFC0  }
0x14: {  	[hbm4b:s9+s8] =	stream.indirect.scatter [tilespmem:s4], [sflag:$0x1], $0x80, s2, s8, $0xb8;
	[tilespmem:$0x6100] =	vst v63  }
0x15: {  	s11 =	simm.s32 $0x1;
	s10 =	simm.s32 $0x40;
	p0 =	sne.s32 s13, $0x1  }
0x16: {  	[hbm4b:s9+s10] =	stream.indirect.scatter [tilespmem:s12], [sflag:$0x1], $0x80, s8, s10, $0xb8;
	[tilespmem:$0x6100] =	vst v63  }
.Ltmp0:
0x17: {  	_ =	swait.ge [sflag:s11], $0x4000;
	(pc) =	sbr.rel @!p0 .LBB2_2-.Ltmp0, $4  }
0x18: {  	[sflag:s11] =	ssyncset.done $0x0  }
0x19: {  	[sflag:s11] =	ssyncadd.s32 $0xFFFFC000  }
0x1a: {  	_ =	swait.ge [sflag:s11], $0x2000  }
0x1b: {  	s13 =	sadd.s32 $0xFFFFFFFF, s13;
	[sflag:s11] =	ssyncset.done $0x0  }
.LBB2_1:
0x1c: {  	p0 =	sne.s32 s13, $0x1;
	s13 =	sadd.s32 $0xFFFFFFFF, s13;
	[sflag:s11] =	ssyncadd.s32 $0xFFFFE000  }
0x1d: {  	[tilespmem:s4], [sflag:$0x2] =	stream.linear.gather [hbm4b:s3+s2], $0x6000, $0x38;
	[tilespmem:$0x6100] =	vst v63  }
0x1e: {  	_ =	swait.ge [sflag:s5], $0x6000  }
0x1f: {  	[sflag:s5] =	ssyncset.done $0x0  }
0x20: {  	[sflag:s5] =	ssyncadd.s32 $0xFFFFA000  }
0x21: {  	[tilespmem:s2], [sflag:$0x2] =	stream.linear.gather [hbm4b:s6+s2], $0x80, $0x38;
	[tilespmem:$0x6100] =	vst v63  }
0x22: {  	_ =	swait.ge [sflag:s5], $0x80  }
0x23: {  	[sflag:s5] =	ssyncset.done $0x0  }
0x24: {  	[sflag:s5] =	ssyncadd.s32 $0xFFFFFF80  }
0x25: {  	[tilespmem:s8], [sflag:$0x2] =	stream.linear.gather [hbm4b:s7+s2], $0x40, $0x38;
	[tilespmem:$0x6100] =	vst v63  }
0x26: {  	_ =	swait.ge [sflag:s5], $0x40  }
0x27: {  	[sflag:s5] =	ssyncset.done $0x0  }
0x28: {  	[sflag:s5] =	ssyncadd.s32 $0xFFFFFFC0  }
0x29: {  	[hbm4b:s9+s8] =	stream.indirect.scatter [tilespmem:s4], [sflag:$0x1], $0x80, s2, s8, $0xb8;
	[tilespmem:$0x6100] =	vst v63  }
0x2a: {  	_ = 	snop  }
0x2b: {  	[hbm4b:s9+s10] =	stream.indirect.scatter [tilespmem:s12], [sflag:$0x1], $0x80, s8, s10, $0xb8;
	[tilespmem:$0x6100] =	vst v63  }
.Ltmp1:
0x2c: {  	_ =	swait.ge [sflag:s11], $0x4000;
	(pc) =	sbr.rel @p0 .LBB2_1-.Ltmp1, $4  }
0x2d: {  	[sflag:s11] =	ssyncset.done $0x0  }
0x2e: {  	[sflag:s11] =	ssyncadd.s32 $0xFFFFC000  }
0x2f: {  	_ =	swait.ge [sflag:s11], $0x2000  }
0x30: {  	[sflag:s11] =	ssyncset.done $0x0  }
.LBB2_2:
0x31: {  	[sflag:s11] =	ssyncadd.s32 $0xFFFFE000  }
0x32: {  	_ =	sfence.sel $0x180000  }
0x33: {  	[bflag:$0x0] =	sbarrier.arrive $0xFFFF  }
0x34: {  	p0 =	sne.s32 s0, $0x0;
	_ =	strace $0x9000004D  }
0x35: {  	s0 =	sadd.s32 @!p0 $0x100000, s1;
	[bflag:$0x2] =	sbarrier.arrive $0xFFFF  }
0x36: {  	[sflag:s0] =	ssyncadd.tile.s32 @!p0 $0x1;
	_ =	shalt  }
.Lfunc_end2:
_tile_overlayer_lowered:
.L_overlay_start_2:
0x37: {  	(tag) =	ssettag $0x2  }
0x38: {  	s0 =	rddreg [dreg:$0x0];
	s2 =	stileid.u32  }
0x39: {  	s1 =	rddreg [dreg:$0x1];
	p0 =	sne.s32 s2, $0x0  }
0x3a: {  	s3 =	rddreg [dreg:$0x2];
	[bflag:$0x3] =	sbarrier.arrive $0xFFFF;
	s2 =	simm.s32 @!p0 $0x1C02  }
0x3b: {  	[timem:s3], [sflag:s2] =	dma.local @!p0 [hbm:s0], s1  }
0x3c: {  	s0 =	simm.s32 @!p0 $0x2  }
0x3d: {  	_ =	swait.ge @!p0 [sflag:s0], s1  }
0x3e: {  	s1 =	ssub.s32 @!p0 $0x0, s1;
	[sflag:s0] =	ssyncset.done @!p0 $0x0  }
0x3f: {  	[sflag:s0] =	ssyncadd.s32 @!p0 s1  }
0x40: {  	[bflag:$0x3] =	sbarrier.arrive $0xFFFF  }
0x41: {  	_ =	shalt  }

// kernel: kernel.8.cloned.1.call-start
scs
__scs_entry_jumppad:
0x0: {  	(pc) =	sbr.rel $0x88, $3  }
0x1: {  	(tag) =	ssettag $0x0;
	lr =	simm.s32 $0x1  }
0x2: {  	[smem:$0x3F99] =	sst lr;
	_ =	strace $0xD0000000  }
0x3: {  	_ = 	snop  }
0x4: {  	_ = 	snop  }
0x5: {  	_ = 	snop  }
0x6: {  	_ = 	snop  }
0x7: {  	_ = 	snop  }
__scs_overlays_trampoline_lowered:
0x8: {  	[smem:$0x3FA8] =	sst s0  }
0x9: {  	[smem:$0x3FA9] =	sst s1  }
0xa: {  	[smem:$0x3FAA] =	sst s2  }
0xb: {  	[smem:$0x3FAB] =	sst s3  }
0xc: {  	[smem:$0x3FAC] =	sst s4  }
0xd: {  	[smem:$0x3FAD] =	sst s5  }
0xe: {  	[smem:$0x3FAE] =	sst s6  }
0xf: {  	[smem:$0x3FAF] =	sst s7  }
0x10: {  	[smem:$0x3FB0] =	sst s8  }
0x11: {  	[smem:$0x3FB1] =	sst s9;
	s0 =	simm.s32 @!p0 $0x0  }
0x12: {  	s1 =	sld [smem:$0x3F97];
	s0 =	simm.s32 @p0 $0x1  }
0x13: {  	[smem:$0x3FB2] =	sst s0;
	s0 =	simm.s32 @!p1 $0x0  }
0x14: {  	s2 =	sld [smem:$0x3F96];
	s0 =	simm.s32 @p1 $0x1  }
0x15: {  	[smem:$0x3FB3] =	sst s0;
	s0 =	simm.s32 @!p2 $0x0  }
0x16: {  	s3 =	sld [smem:$0x3FDB];
	s0 =	simm.s32 @p2 $0x1  }
0x17: {  	s4 =	simm.s32 $0x1BF5;
	[smem:$0x3FB5] =	sst s0  }
0x18: {  	s0 =	sld [smem:$0x3F98];
	_ =	swait.ge [sflag:s4], $0x0  }
0x19: {  	s7 =	sld [smem:$0x3F99]  }
0x1a: {  	s8 =	sadd.s32 $0xFFFFE003, lr  }
0x1b: {  	s9 =	sadd.s32 $0xFFFFFEF7, lr;
	s5 =	simm.s32 $0xFFFFFFFF;
	p2 =	slt.u32 s8, $0xFFFFF086  }
0x1c: {  	p1 =	slt.u32 s9, $0xF7A;
	s5 =	simm.s32 @!p2 $0x0  }
0x1d: {  	s5 =	simm.s32 @p1 $0x1;
	p0 =	seq.s32 s7, s2  }
0x1e: {  	s7 =	smul.u32 @!p0 $0xF7A, s2;
	p2 =	seq.s32 @!p0 s5, $0x0  }
0x1f: {  	s9 =	smul.u32 $0xF7A, s1;
	s8 =	simm.s32 @!p0 $0x1BF5;
	p2 =	por !p2, p0  }
0x20: {  	[sflag:s8] =	ssyncset.s32 @!p0 $0xFFFFF086;
	s6 =	sadd.s32 @!p0 s3, s7;
	s7 =	simm.s32 @!p0 $0x108  }
0x21: {  	s3 =	sadd.s32 s3, s9;
	s6 =	sadd.s32 @!p0 $0x88, s6;
	s7 =	simm.s32 @p2 $0x1082  }
0x22: {  	[simem:s7], [sflag:s8] =	dma.local @!p0 [hbm:s6], $0xF7A  }
0x23: {  	s9 =	sor.u32 $0xD0000000, s2;
	s6 =	simm.s32 $0x108;
	_ =	swait.ge @!p0 [sflag:s8], $0x0  }
0x24: {  	s3 =	sadd.s32 $0x88, s3;
	s6 =	simm.s32 @!p1 $0x1082;
	[sflag:s4] =	ssyncset.s32 $0xFFFFF086  }
0x25: {  	[simem:s6], [sflag:s4] =	dma.local [hbm:s3], $0xF7A  }
0x26: {  	[smem:$0x3F99] =	sst s1;
	(tag) =	ssettag s2;
	_ =	strace s9  }
0x27: {  	s1 =	sld [smem:$0x3FA9]  }
0x28: {  	s2 =	sld [smem:$0x3FAA]  }
0x29: {  	s4 =	sld [smem:$0x3FAC]  }
0x2a: {  	p0 =	seq.s32 s5, $0x0;
	s5 =	sld [smem:$0x3FAD]  }
0x2b: {  	s6 =	sld [smem:$0x3FAE]  }
0x2c: {  	s7 =	sld [smem:$0x3FAF]  }
0x2d: {  	s3 =	simm.s32 $0x108;
	s8 =	sld [smem:$0x3FB0]  }
0x2e: {  	s3 =	simm.s32 @!p0 $0x1082;
	s9 =	sld [smem:$0x3FB1]  }
0x2f: {  	lr =	sadd.s32 s0, s3;
	s0 =	sld [smem:$0x3FA8]  }
0x30: {  	s3 =	sld [smem:$0x3FAB]  }
0x31: {  	[smem:$0x3FB4] =	sst s10  }
0x32: {  	s10 =	sld [smem:$0x3FB2];
	_ =	sdelay $0x3  }
0x33: {  	p0 =	seq.s32 s10, $0x1;
	s10 =	sld [smem:$0x3FB4];
	_ =	sdelay $0x3  }
0x34: {  	[smem:$0x3FB4] =	sst s10  }
0x35: {  	s10 =	sld [smem:$0x3FB3];
	_ =	sdelay $0x3  }
0x36: {  	p1 =	seq.s32 s10, $0x1;
	s10 =	sld [smem:$0x3FB4];
	_ =	sdelay $0x3  }
0x37: {  	[smem:$0x3FB4] =	sst s10  }
0x38: {  	s10 =	sld [smem:$0x3FB5]  }
0x39: {  	_ = 	snop;
	(pc) =	sbr.ind lr, $3  }
0x3a: {  	_ = 	snop  }
0x3b: {  	_ = 	snop  }
0x3c: {  	p2 =	seq.s32 s10, $0x1;
	s10 =	sld [smem:$0x3FB4]  }
0x3d: {  	_ =	shalt  }
0x3e: {  	_ =	shalt  }
0x3f: {  	_ =	shalt  }
0x40: {  	_ =	shalt  }
0x41: {  	_ =	shalt  }
0x42: {  	_ =	shalt  }
0x43: {  	_ =	shalt  }
0x44: {  	_ =	shalt  }
0x45: {  	_ =	shalt  }
0x46: {  	_ =	shalt  }
0x47: {  	_ =	shalt  }
0x48: {  	_ =	shalt  }
0x49: {  	_ =	shalt  }
0x4a: {  	_ =	shalt  }
0x4b: {  	_ =	shalt  }
0x4c: {  	_ =	shalt  }
0x4d: {  	_ =	shalt  }
0x4e: {  	_ =	shalt  }
0x4f: {  	_ =	shalt  }
0x50: {  	_ =	shalt  }
0x51: {  	_ =	shalt  }
0x52: {  	_ =	shalt  }
0x53: {  	_ =	shalt  }
0x54: {  	_ =	shalt  }
0x55: {  	_ =	shalt  }
0x56: {  	_ =	shalt  }
0x57: {  	_ =	shalt  }
0x58: {  	_ =	shalt  }
0x59: {  	_ =	shalt  }
0x5a: {  	_ =	shalt  }
0x5b: {  	_ =	shalt  }
0x5c: {  	_ =	shalt  }
0x5d: {  	_ =	shalt  }
0x5e: {  	_ =	shalt  }
0x5f: {  	_ =	shalt  }
0x60: {  	_ =	shalt  }
0x61: {  	_ =	shalt  }
0x62: {  	_ =	shalt  }
0x63: {  	_ =	shalt  }
0x64: {  	_ =	shalt  }
0x65: {  	_ =	shalt  }
0x66: {  	_ =	shalt  }
0x67: {  	_ =	shalt  }
0x68: {  	_ =	shalt  }
0x69: {  	_ =	shalt  }
0x6a: {  	_ =	shalt  }
0x6b: {  	_ =	shalt  }
0x6c: {  	_ =	shalt  }
0x6d: {  	_ =	shalt  }
0x6e: {  	_ =	shalt  }
0x6f: {  	_ =	shalt  }
0x70: {  	_ =	shalt  }
0x71: {  	_ =	shalt  }
0x72: {  	_ =	shalt  }
0x73: {  	_ =	shalt  }
0x74: {  	_ =	shalt  }
0x75: {  	_ =	shalt  }
0x76: {  	_ =	shalt  }
0x77: {  	_ =	shalt  }
0x78: {  	_ =	shalt  }
0x79: {  	_ =	shalt  }
0x7a: {  	_ =	shalt  }
0x7b: {  	_ =	shalt  }
0x7c: {  	_ =	shalt  }
0x7d: {  	_ =	shalt  }
0x7e: {  	_ =	shalt  }
0x7f: {  	_ =	shalt  }
0x80: {  	_ =	shalt  }
0x81: {  	_ =	shalt  }
0x82: {  	_ =	shalt  }
0x83: {  	_ =	shalt  }
0x84: {  	_ =	shalt  }
0x85: {  	_ =	shalt  }
0x86: {  	_ =	shalt  }
0x87: {  	_ =	shalt  }
.Lfunc_end0:
.L_simem_size_0:
called_computation_lowered:
.L_overlay_start_0:
0x88: {  	s2 =	sld [smem:$0x3FD9]  }
0x89: {  	s3 =	sld [smem:$0x3FFE];
	_ =	sdelay $0x1  }
0x8a: {  	s1 =	srdreg.scid  }
0x8b: {  	s0 =	sand.u32 $0x1, s1  }
0x8c: {  	s17 =	sshll.u32 s0, $0xA;
	s2 =	sadd.s32 s3, s2  }
0x8d: {  	s2 =	sadd.s32 s2, s17  }
0x8e: {  	[smem:$0x3FC0] =	sst s2  }
0x8f: {  	_ = 	snop  }
0x90: {  	s2 =	sld [smem:$0x3FC9]  }
0x91: {  	s18 =	sld [smem:$0x3FD0];
	(tm) =	ssettm $0x1  }
0x92: {  	s4 =	sld [smem:$0x3FFB];
	_ =	sdelay $0x3  }
0x93: {  	_ =	strace s4  }
0x94: {  	s4 =	sld [smem:$0x3FFC];
	_ =	sdelay $0x3  }
0x95: {  	_ =	strace s4  }
0x96: {  	s4 =	sld [smem:$0x3FFD];
	_ =	sdelay $0x3  }
0x97: {  	_ =	strace s4  }
0x98: {  	_ =	strace $0x8FFFFFFF  }
0x99: {  	s19 =	sld [smem:$0x3FDB];
	_ =	sdelay $0x1  }
0x9a: {  	s5 =	simm.s32 $_scs_section_size  }
0x9b: {  	s6 =	simm.s32 $_size__tile_overlayer_lowered;
	s7 =	simm.s32 $_tile_overlayer_lowered  }
0x9c: {  	s22 =	simm.s32 $0x1BFF;
	s21 =	sshll.u32 s7, $0x1;
	s4 =	sadd.s32 s5, s19  }
0x9d: {  	s8 =	simm.s32 $0x0;
	s20 =	sshll.u32 s6, $0x1;
	s6 =	sadd.s32 s21, s4  }
0x9e: {  	[timem:s8], [sflag:s22] =	dma.local [hbm:s6], s20  }
0x9f: {  	_ =	swait.ge [sflag:s22], s20  }
0xa0: {  	s5 =	ssub.s32 $0x0, s20;
	[sflag:s22] =	ssyncset.done $0x0  }
0xa1: {  	[sflag:s22] =	ssyncadd.s32 s5;
	_ =	sdelay $0x1  }
0xa2: {  	s23 =	simm.s32 $0x1B8B  }
0xa3: {  	_ =	swait.ge [sflag:s23], $0x1  }
0xa4: {  	[sflag:s23] =	ssyncset.done $0x0  }
0xa5: {  	s25 =	simm.s32 $0x1B8E;
	s24 =	sld [smem:$0x3FFE];
	[sflag:s23] =	ssyncadd.s32 $0xFFFFFFFF  }
0xa6: {  	s26 =	simm.s32 $execute0_lowered;
	[smem:$0x3FD2] =	sst s25  }
0xa7: {  	s6 =	sshll.u32 s26, $0x1;
	_ =	strace $0x80000046;
	[dreg:$0x1] =	wrdreg $0xFFFFFFFF  }
0xa8: {  	s28 =	simm.s32 $_size_execute0_lowered;
	s4 =	sadd.s32 s4, s6;
	[dreg:$0x0] =	wrdreg $0x0  }
0xa9: {  	s6 =	sshll.u32 s28, $0x1;
	[dreg:$0x2] =	wrdreg s4  }
0xaa: {  	[dreg:$0x3] =	wrdreg s6  }
0xab: {  	[dreg:$0x4] =	wrdreg $0xC0  }
0xac: {  	_ =	task [dreg:s8], $0x5FFFF  }
0xad: {  	[dreg:$0x1] =	wrdreg $0xFFFFFFFF  }
0xae: {  	[dreg:$0x0] =	wrdreg $0x60  }
0xaf: {  	[dreg:$0x2] =	wrdreg s2  }
0xb0: {  	[dreg:$0x3] =	wrdreg s18  }
0xb1: {  	[dreg:$0x4] =	wrdreg s24  }
0xb2: {  	[dreg:$0x5] =	wrdreg $0x9  }
0xb3: {  	_ =	task.clear_ibuf [dreg:s8], $0x6FFFF;
	_ =	strace $0x90000046  }
0xb4: {  	s29 =	simm.s32 $0x9;
	_ =	strace $0x80000048  }
0xb5: {  	_ =	swait.ge [sflag:s29], $0x1  }
0xb6: {  	[sflag:s29] =	ssyncadd.s32 $0xFFFFFFFF  }
0xb7: {  	_ =	strace $0x90000048  }
0xb8: {  	_ =	sfence  }
0xb9: {  	s30 =	sld [smem:$0x0];
	_ =	sdelay $0x2  }
0xba: {  	s31 =	sshll.u32 s1, $0xD;
	s1 =	sshrl.u32 s1, $0x2  }
0xbb: {  	s3 =	sand.u32 $0x4000, s31;
	s1 =	sadd.s32 s1, s30  }
0xbc: {  	s0 =	sor.u32 s3, s0;
	s1 =	sshll.u32 s1, $0x11  }
0xbd: {  	s0 =	sor.u32 s1, s0  }
0xbe: {  	s0 =	sadd.s32 $0x8F2B, s0  }
0xbf: {  	[sflag:s0] =	ssyncadd.remote.s32 $0x1  }
0xc0: {  	_ =	sfence.sel $0xFFFF  }
0xc1: {  	[dreg:$0x0] =	wrdreg $0xFFFFFFFF;
	(pc) =	sbr.abs _section_cstart, $3  }
0xc2: {  	[dreg:$0x1] =	wrdreg $0xFFFFFFFF  }
0xc3: {  	_ =	task.clear_ibuf [dreg:s8], $0x2FFFF;
	_ =	strace $0x9FFFFFFF  }
0xc4: {  	(tm) =	ssettm $0x7FFFFFFF  }
0xc5: {  	_ =	shalt  }
tec
execute0_lowered:
.L_overlay_start_1:
0x0: {  	(tag) =	ssettag $0x1  }
0x1: {  	s3 =	srdreg.scid  }
0x2: {  	s0 =	stileid.u32;
	s3 =	sand.u32 $0x1, s3  }
0x3: {  	s7 =	sshll.u32 s0, $0x8;
	s9 =	sshll.u32 s3, $0x7  }
0x4: {  	s5 =	rddreg [dreg:$0x0];
	s7 =	sor.u32 s9, s7  }
0x5: {  	s6 =	rddreg [dreg:$0x1];
	s2 =	simm.s32 $0x0;
	s30 =	sor.u32 $0x1, s7  }
0x6: {  	[smem:$0x7FF] =	sst s2;
	s31 =	sor.u32 $0x2, s7;
	v0 =	vmov s30  }
0x7: {  	s4 =	rddreg [dreg:$0x2];
	_ =	strace $0x80000047;
	s11 =	sor.u32 $0x3, s7;
	[tilespmem:$0x1FBA0] =	vst v0;
	v0 =	vmov s31  }
0x8: {  	s12 =	sor.u32 $0x4, s7;
	[tilespmem:$0x1FBB0] =	vst v0;
	v0 =	vmov s11  }
0x9: {  	s13 =	sor.u32 $0x5, s7;
	[tilespmem:$0x1FBC0] =	vst v0;
	v0 =	vmov s12  }
0xa: {  	s14 =	sor.u32 $0x6, s7;
	[tilespmem:$0x1FBD0] =	vst v0;
	v0 =	vmov s13  }
0xb: {  	s15 =	sor.u32 $0x7, s7;
	[tilespmem:$0x1FBE0] =	vst v0;
	v0 =	vmov s14  }
0xc: {  	s16 =	sor.u32 $0x8, s7;
	[tilespmem:$0x1FBF0] =	vst v0;
	v0 =	vmov s15  }
0xd: {  	s17 =	sor.u32 $0x9, s7;
	[tilespmem:$0x1FC00] =	vst v0;
	v0 =	vmov s16  }
0xe: {  	s18 =	sor.u32 $0xA, s7;
	[tilespmem:$0x1FC10] =	vst v0;
	v0 =	vmov s17  }
0xf: {  	s19 =	sor.u32 $0xB, s7;
	[tilespmem:$0x1FC20] =	vst v0;
	v0 =	vmov s18  }
0x10: {  	s20 =	sor.u32 $0xC, s7;
	[tilespmem:$0x1FC30] =	vst v0;
	v0 =	vmov s19  }
0x11: {  	s21 =	sor.u32 $0xD, s7;
	[tilespmem:$0x1FC40] =	vst v0;
	v0 =	vmov s20  }
0x12: {  	s22 =	sor.u32 $0xE, s7;
	[tilespmem:$0x1FC50] =	vst v0;
	v0 =	vmov s21  }
0x13: {  	s23 =	sor.u32 $0xF, s7;
	[tilespmem:$0x1FC60] =	vst v0;
	v0 =	vmov s22  }
0x14: {  	s24 =	sor.u32 $0x10, s7;
	[tilespmem:$0x1FC70] =	vst v0;
	v0 =	vmov s23  }
0x15: {  	s25 =	sor.u32 $0x11, s7;
	[tilespmem:$0x1FC80] =	vst v0;
	v0 =	vmov s24  }
0x16: {  	s26 =	sor.u32 $0x12, s7;
	[tilespmem:$0x1FC90] =	vst v0;
	v0 =	vmov s25  }
0x17: {  	s28 =	sor.u32 $0x13, s7;
	[tilespmem:$0x1FCA0] =	vst v0;
	v0 =	vmov s26  }
0x18: {  	s8 =	ssub.s32 $0x2, s3;
	s29 =	sor.u32 $0x14, s7;
	[tilespmem:$0x1FCB0] =	vst v0;
	v0 =	vmov s28  }
0x19: {  	s10 =	sshrl.u32 s8, $0x1;
	s0 =	sor.u32 $0x15, s7;
	[tilespmem:$0x1FCC0] =	vst v0;
	v0 =	vmov s29  }
0x1a: {  	s8 =	ssub.s32 s8, s10;
	s10 =	sor.u32 $0x16, s7;
	[tilespmem:$0x1FCD0] =	vst v0;
	v0 =	vmov s0  }
0x1b: {  	s11 =	sor.u32 $0x17, s7;
	[tilespmem:$0x1FCE0] =	vst v0;
	v0 =	vmov s10  }
0x1c: {  	s1 =	sor.u32 $0x18, s7;
	[tilespmem:$0x1FCF0] =	vst v0;
	v0 =	vmov s11  }
0x1d: {  	s13 =	sor.u32 $0x19, s7;
	[tilespmem:$0x1FD00] =	vst v0;
	v0 =	vmov s1  }
0x1e: {  	s14 =	sor.u32 $0x1A, s7;
	[tilespmem:$0x1FD10] =	vst v0;
	v0 =	vmov s13  }
0x1f: {  	s15 =	sor.u32 $0x1B, s7;
	[tilespmem:$0x1FD20] =	vst v0;
	v0 =	vmov s14  }
0x20: {  	s16 =	sor.u32 $0x1C, s7;
	[tilespmem:$0x1FD30] =	vst v0;
	v0 =	vmov s15  }
0x21: {  	s17 =	sor.u32 $0x1D, s7;
	[tilespmem:$0x1FD40] =	vst v0;
	v0 =	vmov s16  }
0x22: {  	s30 =	sor.u32 $0x1E, s7;
	[tilespmem:$0x1FD50] =	vst v0;
	v0 =	vmov s17  }
0x23: {  	s19 =	sor.u32 $0x1F, s7;
	[tilespmem:$0x1FD60] =	vst v0;
	v0 =	vmov s30  }
0x24: {  	s20 =	sor.u32 $0x20, s7;
	[tilespmem:$0x1FD70] =	vst v0;
	v0 =	vmov s19  }
0x25: {  	s21 =	sor.u32 $0x21, s7;
	[tilespmem:$0x1FD80] =	vst v0;
	v0 =	vmov s20  }
0x26: {  	s22 =	sor.u32 $0x22, s7;
	[tilespmem:$0x1FD90] =	vst v0;
	v0 =	vmov s21  }
0x27: {  	s23 =	sor.u32 $0x23, s7;
	[tilespmem:$0x1FDA0] =	vst v0;
	v0 =	vmov s22  }
0x28: {  	s31 =	sor.u32 $0x24, s7;
	[tilespmem:$0x1FDB0] =	vst v0;
	v0 =	vmov s23  }
0x29: {  	s25 =	sor.u32 $0x25, s7;
	[tilespmem:$0x1FDC0] =	vst v0;
	v0 =	vmov s31  }
0x2a: {  	s3 =	sadd.s32 $0x2800, s4;
	s9 =	sshll.u32 s7, $0x5;
	s26 =	sor.u32 $0x26, s7;
	[tilespmem:$0x1FDD0] =	vst v0;
	v0 =	vmov s25  }
0x2b: {  	s4 =	sadd.s32 $0x26800, s4;
	s5 =	sadd.s32 s5, s9;
	s0 =	sor.u32 $0x27, s7;
	[tilespmem:$0x1FDE0] =	vst v0;
	v0 =	vmov s26  }
0x2c: {  	s9 =	simm.s32 $0x2;
	s12 =	sor.u32 $0x2C, s7;
	s28 =	sor.u32 $0x28, s7;
	[tilespmem:$0x1FDF0] =	vst v0;
	v0 =	vmov s0  }
0x2d: {  	s18 =	sor.u32 $0x32, s7;
	s29 =	sor.u32 $0x29, s7;
	s10 =	sor.u32 $0x4E, s7;
	[tilespmem:$0x1FE00] =	vst v0;
	v0 =	vmov s28  }
0x2e: {  	s24 =	sor.u32 $0x38, s7;
	v13 =	vmov s10;
	s10 =	sor.u32 $0x70, s7;
	s1 =	sor.u32 $0x2A, s7;
	[tilespmem:$0x1FE10] =	vst v0;
	v0 =	vmov s29  }
0x2f: {  	s11 =	sor.u32 $0x2B, s7;
	v48 =	vmov s10;
	s10 =	simm.s32 $0x880;
	s13 =	sor.u32 $0x2D, s7;
	[tilespmem:$0x1FE20] =	vst v0;
	v0 =	vmov s1  }
0x30: {  	s14 =	sor.u32 $0x2E, s7;
	s15 =	sor.u32 $0x2F, s7;
	s16 =	sor.u32 $0x44, s7;
	[tilespmem:$0x1FE30] =	vst v0;
	v0 =	vmov s11  }
0x31: {  	s17 =	sor.u32 $0x31, s7;
	s30 =	sor.u32 $0x30, s7;
	s19 =	sor.u32 $0x33, s7;
	[tilespmem:$0x1FE40] =	vst v0;
	v0 =	vmov s12  }
0x32: {  	s20 =	sor.u32 $0x34, s7;
	s21 =	sor.u32 $0x35, s7;
	s22 =	sor.u32 $0x49, s7;
	[tilespmem:$0x1FE50] =	vst v0;
	v0 =	vmov s13  }
0x33: {  	s23 =	sor.u32 $0x37, s7;
	v8 =	vmov s22;
	s22 =	sor.u32 $0x7C, s7;
	s31 =	sor.u32 $0x36, s7;
	[tilespmem:$0x1FE60] =	vst v0;
	v0 =	vmov s14  }
0x34: {  	v60 =	vmov s22;
	s22 =	simm.s32 $0x6880;
	s25 =	sor.u32 $0x3A, s7;
	s26 =	sor.u32 $0x3B, s7;
	[tilespmem:$0x1FE70] =	vst v0;
	v0 =	vmov s15  }
0x35: {  	s0 =	sor.u32 $0x39, s7;
	s28 =	sor.u32 $0x3D, s7;
	s29 =	sor.u32 $0x3E, s7;
	[tilespmem:$0x1FE80] =	vst v0;
	v0 =	vmov s30  }
0x36: {  	s1 =	sor.u32 $0x3C, s7;
	s11 =	sor.u32 $0x3F, s7;
	s12 =	sor.u32 $0x40, s7;
	[tilespmem:$0x1FE90] =	vst v0;
	v0 =	vmov s17  }
0x37: {  	s13 =	sor.u32 $0x41, s7;
	s14 =	simm.s32 $0x2880;
	s15 =	sor.u32 $0x43, s7;
	[tilespmem:$0x1FEA0] =	vst v0;
	v0 =	vmov s18  }
0x38: {  	s30 =	sor.u32 $0x42, s7;
	s17 =	sor.u32 $0x45, s7;
	[tilespmem:$0x1FEB0] =	vst v0;
	v0 =	vmov s19;
	s19 =	sor.u32 $0x47, s7  }
0x39: {  	s18 =	sor.u32 $0x46, s7;
	[tilespmem:$0x1FEC0] =	vst v0;
	v0 =	vmov s20;
	v6 =	vmov s19;
	s19 =	sor.u32 $0x59, s7;
	s20 =	sor.u32 $0x5A, s7  }
0x3a: {  	[tilespmem:$0x1FED0] =	vst v0;
	v0 =	vmov s21;
	s21 =	sor.u32 $0x48, s7;
	v24 =	vmov s19;
	v25 =	vmov s20;
	s19 =	sor.u32 $0x6B, s7;
	s20 =	sor.u32 $0x6C, s7  }
0x3b: {  	[tilespmem:$0x1FEE0] =	vst v0;
	v0 =	vmov s31;
	s31 =	sor.u32 $0x4A, s7;
	v7 =	vmov s21;
	s21 =	sor.u32 $0x6E, s7;
	v43 =	vmov s20;
	s20 =	sor.u32 $0x7E, s7  }
0x3c: {  	v42 =	vmov s19;
	s19 =	simm.s32 $0x5080;
	[tilespmem:$0x1FEF0] =	vst v0;
	v0 =	vmov s23;
	s23 =	sor.u32 $0x4C, s7;
	v9 =	vmov s31;
	s31 =	sor.u32 $0x5C, s7  }
0x3d: {  	[dreg:$0x8] =	wrdreg s20;
	s20 =	simm.s32 $0x5880;
	[tilespmem:$0x1FF00] =	vst v0;
	v0 =	vmov s24;
	s24 =	sor.u32 $0x4D, s7  }
0x3e: {  	v11 =	vmov s23;
	s23 =	sor.u32 $0x5E, s7;
	v27 =	vmov s31;
	s31 =	sor.u32 $0x6F, s7;
	[tilespmem:$0x1FF10] =	vst v0;
	v0 =	vmov s0;
	s0 =	sor.u32 $0x4B, s7  }
0x3f: {  	v12 =	vmov s24;
	s24 =	sor.u32 $0x5F, s7;
	[dreg:$0x4] =	wrdreg s31;
	v29 =	vmov s23;
	s23 =	sor.u32 $0x71, s7  }
0x40: {  	v46 =	vmov s21;
	s31 =	sor.u32 $0x78, s7;
	[tilespmem:$0x1FF20] =	vst v0;
	v0 =	vmov s25;
	s25 =	sor.u32 $0x4F, s7;
	s21 =	rddreg [dreg:$0x4]  }
0x41: {  	v10 =	vmov s0;
	s0 =	sor.u32 $0x5D, s7;
	v30 =	vmov s24;
	s24 =	sor.u32 $0x7D, s7;
	v56 =	vmov s31;
	s31 =	rddreg [dreg:$0x8]  }
0x42: {  	[tilespmem:$0x1FF30] =	vst v0;
	v0 =	vmov s26;
	s26 =	sor.u32 $0x51, s7;
	v14 =	vmov s25;
	s25 =	sor.u32 $0x62, s7;
	v28 =	vmov s0;
	s0 =	sor.u32 $0x79, s7  }
0x43: {  	v47 =	vmov s21;
	s21 =	simm.s32 $0x6080;
	v61 =	vmov s24;
	s24 =	simm.s32 $0x7880;
	[tilespmem:$0x1FF40] =	vst v0;
	v0 =	vmov s1;
	s1 =	sshrl.u32 s7, $0x3  }
0x44: {  	v16 =	vmov s26;
	s26 =	sor.u32 $0x63, s7;
	v33 =	vmov s25;
	s25 =	sor.u32 $0x73, s7;
	s6 =	sadd.s32 s6, s1  }
0x45: {  	vm0 =	vmmov $0xffff;
	[tilespmem:$0x1FF50] =	vst v0;
	v0 =	vmov s28;
	s28 =	sor.u32 $0x5B, s7;
	s1 =	sor.u32 $0x60, s7;
	v34 =	vmov s26;
	s26 =	sor.u32 $0x74, s7  }
0x46: {  	v51 =	vmov s25;
	s25 =	simm.s32 $0x8080;
	[tilespmem:$0x1FF60] =	vst v0;
	v0 =	vmov s29;
	s29 =	sor.u32 $0x53, s7;
	v26 =	vmov s28;
	s28 =	sor.u32 $0x6D, s7  }
0x47: {  	v31 =	vmov s1;
	s1 =	sor.u32 $0x72, s7;
	[tilespmem:$0x1FF70] =	vst v0;
	v0 =	vmov s11;
	s11 =	sor.u32 $0x50, s7;
	v18 =	vmov s29;
	s29 =	sor.u32 $0x65, s7  }
0x48: {  	v45 =	vmov s7;
	v49 =	vmov s23;
	[dreg:$0x5] =	wrdreg s1;
	s1 =	sor.u32 $0x7A, s7;
	v44 =	vmov s28;
	s28 =	sor.u32 $0x7F, s7  }
0x49: {  	[tilespmem:$0x1FF80] =	vst v0;
	v0 =	vmov s12;
	v15 =	vmov s11;
	s11 =	sor.u32 $0x61, s7;
	v36 =	vmov s29;
	s29 =	sor.u32 $0x76, s7;
	s23 =	rddreg [dreg:$0x5]  }
0x4a: {  	v62 =	vmov s31;
	s12 =	simm.s32 $0x1880;
	[tilespmem:$0x1FF90] =	vst v0;
	v0 =	vmov s13;
	s13 =	sor.u32 $0x52, s7;
	v32 =	vmov s11;
	s11 =	sor.u32 $0x75, s7  }
0x4b: {  	v50 =	vmov s23;
	s23 =	simm.s32 $0x7080;
	[tilespmem:$0x1FFA0] =	vst v0;
	v0 =	vmov s30;
	s30 =	sor.u32 $0x54, s7;
	v17 =	vmov s13;
	s13 =	sor.u32 $0x64, s7  }
0x4c: {  	v57 =	vmov s0;
	v52 =	vmov s26;
	[dreg:$0x6] =	wrdreg s11;
	s11 =	simm.s32 $0x1080;
	[tilespmem:$0x1FFB0] =	vst v0;
	v0 =	vmov s15;
	s15 =	sor.u32 $0x55, s7  }
0x4d: {  	v19 =	vmov s30;
	s30 =	sor.u32 $0x66, s7;
	v35 =	vmov s13;
	s13 =	simm.s32 $0x2080;
	s26 =	rddreg [dreg:$0x6];
	[tilespmem:$0x1FFC0] =	vst v0;
	v0 =	vmov s16  }
0x4e: {  	v58 =	vmov s1;
	s16 =	sor.u32 $0x56, s7;
	v20 =	vmov s15;
	s15 =	sor.u32 $0x67, s7;
	[tilespmem:$0x1FFD0] =	vst v0;
	v0 =	vmov s17;
	s17 =	sor.u32 $0x57, s7  }
0x4f: {  	v37 =	vmov s30;
	s30 =	sor.u32 $0x77, s7;
	v53 =	vmov s26;
	s26 =	simm.s32 $0x1;
	v22 =	vmov s17;
	s17 =	sor.u32 $0x69, s7  }
0x50: {  	v21 =	vmov s16;
	s16 =	sor.u32 $0x68, s7;
	v38 =	vmov s15;
	s15 =	simm.s32 $0x3080;
	v40 =	vmov s17;
	s17 =	sor.u32 $0x7B, s7  }
0x51: {  	v63 =	vmov s28;
	[tilespmem:$0x1FFE0] =	vst v0;
	v0 =	vmov s18;
	s18 =	sor.u32 $0x58, s7;
	v39 =	vmov s16;
	s16 =	simm.s32 $0x3880;
	[dreg:$0x7] =	wrdreg s17  }
0x52: {  	v54 =	vmov s29;
	v55 =	vmov s30;
	v23 =	vmov s18;
	s18 =	sor.u32 $0x6A, s7;
	s7 =	smax.u32 s8, $0x1;
	s30 =	rddreg [dreg:$0x7]  }
0x53: {  	[tilespmem:$0x1FFF0] =	vst v0;
	s8 =	simm.s32 $0x80;
	v0 =	vlaneseq.u32;
	v41 =	vmov s18;
	s17 =	simm.s32 $0x4080;
	s18 =	simm.s32 $0x4880;
	v59 =	vmov s30  }
.LBB2_1:
0x54: {  	[tilespmem:s8], [sflag:$0x2] =	stream.linear.gather [hbm4b:s5+s2], $0x8000, $0x38;
	[tilespmem:$0xC080] =	vst v63  }
0x55: {  	_ =	swait.ge [sflag:s9], $0x8000  }
0x56: {  	v1 =	vld [tilespmem:$0x1FBA0];
	_ =	sdelay $0x2  }
0x57: {  	[sflag:s9] =	ssyncset.done $0x0  }
0x58: {  	[sflag:s9] =	ssyncadd.s32 $0xFFFF8000  }
0x59: {  	[tilespmem:$0x8100] =	vst v1;
	v1 =	vld [tilespmem:$0x1FBB0];
	_ =	sdelay $0x4  }
0x5a: {  	[tilespmem:$0x8180] =	vst v1;
	v1 =	vld [tilespmem:$0x1FBC0];
	_ =	sdelay $0x4  }
0x5b: {  	[tilespmem:$0x8200] =	vst v1;
	v1 =	vld [tilespmem:$0x1FBD0];
	_ =	sdelay $0x4  }
0x5c: {  	[tilespmem:$0x8280] =	vst v1;
	v1 =	vld [tilespmem:$0x1FBE0];
	_ =	sdelay $0x4  }
0x5d: {  	[tilespmem:$0x8300] =	vst v1;
	v1 =	vld [tilespmem:$0x1FBF0];
	_ =	sdelay $0x4  }
0x5e: {  	[tilespmem:$0x8380] =	vst v1;
	v1 =	vld [tilespmem:$0x1FC00];
	_ =	sdelay $0x4  }
0x5f: {  	[tilespmem:$0x8400] =	vst v1;
	v1 =	vld [tilespmem:$0x1FC10];
	_ =	sdelay $0x4  }
0x60: {  	[tilespmem:$0x8480] =	vst v1;
	v1 =	vld [tilespmem:$0x1FC20];
	_ =	sdelay $0x4  }
0x61: {  	[tilespmem:$0x8500] =	vst v1;
	v1 =	vld [tilespmem:$0x1FC30];
	_ =	sdelay $0x4  }
0x62: {  	[tilespmem:$0x8580] =	vst v1;
	v1 =	vld [tilespmem:$0x1FC40];
	_ =	sdelay $0x4  }
0x63: {  	[tilespmem:$0x8600] =	vst v1;
	v1 =	vld [tilespmem:$0x1FC50];
	_ =	sdelay $0x4  }
0x64: {  	[tilespmem:$0x8680] =	vst v1;
	v1 =	vld [tilespmem:$0x1FC60];
	_ =	sdelay $0x4  }
0x65: {  	[tilespmem:$0x8700] =	vst v1;
	v1 =	vld [tilespmem:$0x1FC70];
	_ =	sdelay $0x4  }
0x66: {  	[tilespmem:$0x8780] =	vst v1;
	v1 =	vld [tilespmem:$0x1FC80];
	_ =	sdelay $0x4  }
0x67: {  	[tilespmem:$0x8800] =	vst v1;
	v1 =	vld [tilespmem:$0x1FC90];
	_ =	sdelay $0x4  }
0x68: {  	[tilespmem:$0x8880] =	vst v1;
	v1 =	vld [tilespmem:$0x1FCA0];
	_ =	sdelay $0x4  }
0x69: {  	[tilespmem:$0x8900] =	vst v1;
	v1 =	vld [tilespmem:$0x1FCB0];
	_ =	sdelay $0x4  }
0x6a: {  	[tilespmem:$0x8980] =	vst v1;
	v1 =	vld [tilespmem:$0x1FCC0];
	_ =	sdelay $0x4  }
0x6b: {  	[tilespmem:$0x8A00] =	vst v1;
	v1 =	vld [tilespmem:$0x1FCD0];
	_ =	sdelay $0x4  }
0x6c: {  	[tilespmem:$0x8A80] =	vst v1;
	v1 =	vld [tilespmem:$0x1FCE0];
	_ =	sdelay $0x4  }
0x6d: {  	[tilespmem:$0x8B00] =	vst v1;
	v1 =	vld [tilespmem:$0x1FCF0];
	_ =	sdelay $0x4  }
0x6e: {  	[tilespmem:$0x8B80] =	vst v1;
	v1 =	vld [tilespmem:$0x1FD00];
	_ =	sdelay $0x4  }
0x6f: {  	[tilespmem:$0x8C00] =	vst v1;
	v1 =	vld [tilespmem:$0x1FD10];
	_ =	sdelay $0x4  }
0x70: {  	[tilespmem:$0x8C80] =	vst v1;
	v1 =	vld [tilespmem:$0x1FD20];
	_ =	sdelay $0x4  }
0x71: {  	[tilespmem:$0x8D00] =	vst v1;
	v1 =	vld [tilespmem:$0x1FD30];
	_ =	sdelay $0x4  }
0x72: {  	[tilespmem:$0x8D80] =	vst v1;
	v1 =	vld [tilespmem:$0x1FD40];
	_ =	sdelay $0x4  }
0x73: {  	[tilespmem:$0x8E00] =	vst v1;
	v1 =	vld [tilespmem:$0x1FD50];
	_ =	sdelay $0x4  }
0x74: {  	[tilespmem:$0x8E80] =	vst v1;
	v1 =	vld [tilespmem:$0x1FD60];
	_ =	sdelay $0x4  }
0x75: {  	[tilespmem:$0x8F00] =	vst v1;
	v1 =	vld [tilespmem:$0x1FD70];
	_ =	sdelay $0x4  }
0x76: {  	[tilespmem:$0x8F80] =	vst v1;
	v1 =	vld [tilespmem:$0x1FD80];
	_ =	sdelay $0x4  }
0x77: {  	[tilespmem:$0x9000] =	vst v1;
	v1 =	vld [tilespmem:$0x1FD90];
	_ =	sdelay $0x4  }
0x78: {  	[tilespmem:$0x9080] =	vst v1;
	v1 =	vld [tilespmem:$0x1FDA0];
	_ =	sdelay $0x4  }
0x79: {  	[tilespmem:$0x9100] =	vst v1;
	v1 =	vld [tilespmem:$0x1FDB0];
	_ =	sdelay $0x4  }
0x7a: {  	[tilespmem:$0x9180] =	vst v1;
	v1 =	vld [tilespmem:$0x1FDC0];
	_ =	sdelay $0x4  }
0x7b: {  	[tilespmem:$0x9200] =	vst v1;
	v1 =	vld [tilespmem:$0x1FDD0];
	_ =	sdelay $0x4  }
0x7c: {  	[tilespmem:$0x9280] =	vst v1;
	v1 =	vld [tilespmem:$0x1FDE0];
	_ =	sdelay $0x4  }
0x7d: {  	[tilespmem:$0x9300] =	vst v1;
	v1 =	vld [tilespmem:$0x1FDF0];
	_ =	sdelay $0x4  }
0x7e: {  	[tilespmem:$0x9380] =	vst v1;
	v1 =	vld [tilespmem:$0x1FE00];
	_ =	sdelay $0x4  }
0x7f: {  	[tilespmem:$0x9400] =	vst v1;
	v1 =	vld [tilespmem:$0x1FE10];
	_ =	sdelay $0x4  }
0x80: {  	[tilespmem:$0x9480] =	vst v1;
	v1 =	vld [tilespmem:$0x1FE20];
	_ =	sdelay $0x4  }
0x81: {  	[tilespmem:$0x9500] =	vst v1;
	v1 =	vld [tilespmem:$0x1FE30];
	_ =	sdelay $0x4  }
0x82: {  	[tilespmem:$0x9580] =	vst v1;
	v1 =	vld [tilespmem:$0x1FE40];
	_ =	sdelay $0x4  }
0x83: {  	[tilespmem:$0x9600] =	vst v1;
	v1 =	vld [tilespmem:$0x1FE50];
	_ =	sdelay $0x4  }
0x84: {  	[tilespmem:$0x9680] =	vst v1;
	v1 =	vld [tilespmem:$0x1FE60];
	_ =	sdelay $0x4  }
0x85: {  	[tilespmem:$0x9700] =	vst v1;
	v1 =	vld [tilespmem:$0x1FE70];
	_ =	sdelay $0x4  }
0x86: {  	[tilespmem:$0x9780] =	vst v1;
	v1 =	vld [tilespmem:$0x1FE80];
	_ =	sdelay $0x4  }
0x87: {  	[tilespmem:$0x9800] =	vst v1;
	v1 =	vld [tilespmem:$0x1FE90];
	_ =	sdelay $0x4  }
0x88: {  	[tilespmem:$0x9880] =	vst v1;
	v1 =	vld [tilespmem:$0x1FEA0];
	_ =	sdelay $0x4  }
0x89: {  	[tilespmem:$0x9900] =	vst v1;
	v1 =	vld [tilespmem:$0x1FEB0];
	_ =	sdelay $0x4  }
0x8a: {  	[tilespmem:$0x9980] =	vst v1;
	v1 =	vld [tilespmem:$0x1FEC0];
	_ =	sdelay $0x4  }
0x8b: {  	[tilespmem:$0x9A00] =	vst v1;
	v1 =	vld [tilespmem:$0x1FED0];
	_ =	sdelay $0x4  }
0x8c: {  	[tilespmem:$0x9A80] =	vst v1;
	v1 =	vld [tilespmem:$0x1FEE0];
	_ =	sdelay $0x4  }
0x8d: {  	[tilespmem:$0x9B00] =	vst v1;
	v1 =	vld [tilespmem:$0x1FEF0];
	_ =	sdelay $0x4  }
0x8e: {  	[tilespmem:$0x9B80] =	vst v1;
	v1 =	vld [tilespmem:$0x1FF00];
	_ =	sdelay $0x4  }
0x8f: {  	[tilespmem:$0x9C00] =	vst v1;
	v1 =	vld [tilespmem:$0x1FF10];
	_ =	sdelay $0x2  }
0x90: {  	[tilespmem:$0x8080] =	vst v45  }
0x91: {  	[tilespmem:$0xA400] =	vst v6  }
0x92: {  	[tilespmem:$0x9C80] =	vst v1;
	v1 =	vld [tilespmem:$0x1FF20]  }
0x93: {  	[tilespmem:$0xA480] =	vst v7  }
0x94: {  	[tilespmem:$0xA500] =	vst v8  }
0x95: {  	[tilespmem:$0xA580] =	vst v9  }
0x96: {  	[tilespmem:$0xA600] =	vst v10  }
0x97: {  	[tilespmem:$0x9D00] =	vst v1;
	v1 =	vld [tilespmem:$0x1FF30]  }
0x98: {  	[tilespmem:$0xA680] =	vst v11  }
0x99: {  	[tilespmem:$0xA700] =	vst v12  }
0x9a: {  	[tilespmem:$0xA780] =	vst v13  }
0x9b: {  	[tilespmem:$0xA800] =	vst v14  }
0x9c: {  	[tilespmem:$0x9D80] =	vst v1;
	v1 =	vld [tilespmem:$0x1FF40]  }
0x9d: {  	[tilespmem:$0xA880] =	vst v15  }
0x9e: {  	[tilespmem:$0xA900] =	vst v16  }
0x9f: {  	[tilespmem:$0xA980] =	vst v17  }
0xa0: {  	[tilespmem:$0xAA00] =	vst v18  }
0xa1: {  	[tilespmem:$0x9E00] =	vst v1;
	v1 =	vld [tilespmem:$0x1FF50]  }
0xa2: {  	[tilespmem:$0xAA80] =	vst v19  }
0xa3: {  	[tilespmem:$0xAB00] =	vst v20  }
0xa4: {  	[tilespmem:$0xAB80] =	vst v21  }
0xa5: {  	[tilespmem:$0xAC00] =	vst v22  }
0xa6: {  	[tilespmem:$0x9E80] =	vst v1;
	v1 =	vld [tilespmem:$0x1FF60]  }
0xa7: {  	[tilespmem:$0xAC80] =	vst v23  }
0xa8: {  	[tilespmem:$0xAD00] =	vst v24  }
0xa9: {  	[tilespmem:$0xAD80] =	vst v25  }
0xaa: {  	[tilespmem:$0xAE00] =	vst v26  }
0xab: {  	[tilespmem:$0x9F00] =	vst v1;
	v1 =	vld [tilespmem:$0x1FF70]  }
0xac: {  	[tilespmem:$0xAE80] =	vst v27  }
0xad: {  	[tilespmem:$0xAF00] =	vst v28  }
0xae: {  	[tilespmem:$0xAF80] =	vst v29  }
0xaf: {  	[tilespmem:$0xB000] =	vst v30  }
0xb0: {  	[tilespmem:$0x9F80] =	vst v1;
	v1 =	vld [tilespmem:$0x1FF80]  }
0xb1: {  	[tilespmem:$0xB080] =	vst v31  }
0xb2: {  	[tilespmem:$0xB100] =	vst v32  }
0xb3: {  	[tilespmem:$0xB180] =	vst v33  }
0xb4: {  	[tilespmem:$0xB200] =	vst v34  }
0xb5: {  	[tilespmem:$0xA000] =	vst v1;
	v1 =	vld [tilespmem:$0x1FF90]  }
0xb6: {  	[tilespmem:$0xB280] =	vst v35  }
0xb7: {  	[tilespmem:$0xB300] =	vst v36  }
0xb8: {  	[tilespmem:$0xB380] =	vst v37  }
0xb9: {  	[tilespmem:$0xB400] =	vst v38  }
0xba: {  	[tilespmem:$0xA080] =	vst v1;
	v1 =	vld [tilespmem:$0x1FFA0]  }
0xbb: {  	[tilespmem:$0xB480] =	vst v39  }
0xbc: {  	[tilespmem:$0xB500] =	vst v40  }
0xbd: {  	[tilespmem:$0xB580] =	vst v41  }
0xbe: {  	[tilespmem:$0xB600] =	vst v42  }
0xbf: {  	[tilespmem:$0xA100] =	vst v1;
	v1 =	vld [tilespmem:$0x1FFB0]  }
0xc0: {  	[tilespmem:$0xB680] =	vst v43  }
0xc1: {  	[tilespmem:$0xB700] =	vst v44  }
0xc2: {  	[tilespmem:$0xB780] =	vst v46  }
0xc3: {  	[tilespmem:$0xB800] =	vst v47  }
0xc4: {  	[tilespmem:$0xA180] =	vst v1;
	v1 =	vld [tilespmem:$0x1FFC0]  }
0xc5: {  	[tilespmem:$0xB880] =	vst v48  }
0xc6: {  	[tilespmem:$0xB900] =	vst v49  }
0xc7: {  	[tilespmem:$0xB980] =	vst v50  }
0xc8: {  	[tilespmem:$0xBA00] =	vst v51  }
0xc9: {  	[tilespmem:$0xA200] =	vst v1;
	v1 =	vld [tilespmem:$0x1FFD0]  }
0xca: {  	[tilespmem:$0xBA80] =	vst v52  }
0xcb: {  	[tilespmem:$0xBB00] =	vst v53  }
0xcc: {  	[tilespmem:$0xBB80] =	vst v54  }
0xcd: {  	[tilespmem:$0xBC00] =	vst v55  }
0xce: {  	[tilespmem:$0xA280] =	vst v1;
	v1 =	vld [tilespmem:$0x1FFE0]  }
0xcf: {  	[tilespmem:$0xBC80] =	vst v56  }
0xd0: {  	[tilespmem:$0xBD00] =	vst v57  }
0xd1: {  	[tilespmem:$0xBD80] =	vst v58  }
0xd2: {  	[tilespmem:$0xBE00] =	vst v59  }
0xd3: {  	[tilespmem:$0xA300] =	vst v1;
	v1 =	vld [tilespmem:$0x1FFF0]  }
0xd4: {  	[tilespmem:$0xBE80] =	vst v60  }
0xd5: {  	[tilespmem:$0xBF00] =	vst v61  }
0xd6: {  	[tilespmem:$0xBF80] =	vst v62  }
0xd7: {  	[tilespmem:$0xC000] =	vst v63  }
0xd8: {  	[tilespmem:$0xA380] =	vst v1  }
0xd9: {  	[tilespmem:s2], [sflag:$0x2] =	stream.linear.gather [hbm4b:s6+s2], $0x80, $0x38;
	[tilespmem:$0xC080] =	vst v63  }
0xda: {  	_ =	swait.ge [sflag:s9], $0x80  }
0xdb: {  	[sflag:s9] =	ssyncset.done $0x0  }
0xdc: {  	[sflag:s9] =	ssyncadd.s32 $0xFFFFFF80  }
0xdd: {  	v1 =	vld [tilespmem:$0x0];
	_ =	sdelay $0x4  }
0xde: {  	v2 =	vshll.u32 v1, $0x1  }
0xdf: {  	v1 =	vand.u32 $0x7, v1;
	v2 =	vand.u32 $0xFFFFFFF0, v2  }
0xe0: {  	v3 =	vshrl.u32 v0, $0x3;
	v1 =	vor.u32 v1, v2;
	v2 =	vand.u32 $0x7, v0  }
0xe1: {  	v3 =	vmul.u32 $0x8, v3;
	v4 =	vperm.xlane v1, v2  }
0xe2: {  	v5 =	vor.u32 $0x8, v0  }
0xe3: {  	v1 =	vperm.xlane v1, v5;
	v4 =	vadd.s32 v3, v4;
	_ =	sdelay $0x1  }
0xe4: {  	v1 =	vadd.s32 v3, v1;
	_ =	sdelay $0x2  }
0xe5: {  	[hbm4b:s3+s2] =	stream.indirect_vreg.scatter [tilespmem:s8], [sflag:$0x1], $0x80, v4, vm0, $0xb8;
	[tilespmem:$0xC080] =	vst v63  }
0xe6: {  	_ = 	snop  }
0xe7: {  	[hbm4b:s3+s2] =	stream.indirect_vreg.scatter [tilespmem:s10], [sflag:$0x1], $0x80, v1, vm0, $0xb8;
	[tilespmem:$0xC080] =	vst v63  }
0xe8: {  	v1 =	vld [tilespmem:$0x10];
	_ =	sdelay $0x4  }
0xe9: {  	v4 =	vshll.u32 v1, $0x1  }
0xea: {  	v1 =	vand.u32 $0x7, v1;
	v4 =	vand.u32 $0xFFFFFFF0, v4  }
0xeb: {  	v1 =	vor.u32 v1, v4  }
0xec: {  	v4 =	vperm.xlane v1, v2;
	_ =	sdelay $0x1  }
0xed: {  	v1 =	vperm.xlane v1, v5;
	v4 =	vadd.s32 v3, v4;
	_ =	sdelay $0x1  }
0xee: {  	v1 =	vadd.s32 v3, v1;
	_ =	sdelay $0x2  }
0xef: {  	[hbm4b:s3+s2] =	stream.indirect_vreg.scatter [tilespmem:s11], [sflag:$0x1], $0x80, v4, vm0, $0xb8;
	[tilespmem:$0xC080] =	vst v63  }
0xf0: {  	_ = 	snop  }
0xf1: {  	[hbm4b:s3+s2] =	stream.indirect_vreg.scatter [tilespmem:s12], [sflag:$0x1], $0x80, v1, vm0, $0xb8;
	[tilespmem:$0xC080] =	vst v63  }
0xf2: {  	v1 =	vld [tilespmem:$0x20];
	_ =	sdelay $0x4  }
0xf3: {  	v4 =	vshll.u32 v1, $0x1  }
0xf4: {  	v1 =	vand.u32 $0x7, v1;
	v4 =	vand.u32 $0xFFFFFFF0, v4  }
0xf5: {  	v1 =	vor.u32 v1, v4  }
0xf6: {  	v4 =	vperm.xlane v1, v2;
	_ =	sdelay $0x1  }
0xf7: {  	v1 =	vperm.xlane v1, v5;
	v4 =	vadd.s32 v3, v4;
	_ =	sdelay $0x1  }
0xf8: {  	v1 =	vadd.s32 v3, v1;
	_ =	sdelay $0x2  }
0xf9: {  	[hbm4b:s3+s2] =	stream.indirect_vreg.scatter [tilespmem:s13], [sflag:$0x1], $0x80, v4, vm0, $0xb8;
	[tilespmem:$0xC080] =	vst v63  }
0xfa: {  	_ = 	snop  }
0xfb: {  	[hbm4b:s3+s2] =	stream.indirect_vreg.scatter [tilespmem:s14], [sflag:$0x1], $0x80, v1, vm0, $0xb8;
	[tilespmem:$0xC080] =	vst v63  }
0xfc: {  	v1 =	vld [tilespmem:$0x30];
	_ =	sdelay $0x4  }
0xfd: {  	v4 =	vshll.u32 v1, $0x1  }
0xfe: {  	v1 =	vand.u32 $0x7, v1;
	v4 =	vand.u32 $0xFFFFFFF0, v4  }
0xff: {  	v1 =	vor.u32 v1, v4  }
0x100: {  	v4 =	vperm.xlane v1, v2;
	_ =	sdelay $0x1  }
0x101: {  	v1 =	vperm.xlane v1, v5;
	v4 =	vadd.s32 v3, v4;
	_ =	sdelay $0x1  }
0x102: {  	v1 =	vadd.s32 v3, v1;
	_ =	sdelay $0x2  }
0x103: {  	[hbm4b:s3+s2] =	stream.indirect_vreg.scatter [tilespmem:s15], [sflag:$0x1], $0x80, v4, vm0, $0xb8;
	[tilespmem:$0xC080] =	vst v63  }
0x104: {  	_ = 	snop  }
0x105: {  	[hbm4b:s3+s2] =	stream.indirect_vreg.scatter [tilespmem:s16], [sflag:$0x1], $0x80, v1, vm0, $0xb8;
	[tilespmem:$0xC080] =	vst v63  }
0x106: {  	v1 =	vld [tilespmem:$0x40];
	_ =	sdelay $0x4  }
0x107: {  	v4 =	vshll.u32 v1, $0x1  }
0x108: {  	v1 =	vand.u32 $0x7, v1;
	v4 =	vand.u32 $0xFFFFFFF0, v4  }
0x109: {  	v1 =	vor.u32 v1, v4  }
0x10a: {  	v4 =	vperm.xlane v1, v2;
	_ =	sdelay $0x1  }
0x10b: {  	v1 =	vperm.xlane v1, v5;
	v4 =	vadd.s32 v3, v4;
	_ =	sdelay $0x1  }
0x10c: {  	v1 =	vadd.s32 v3, v1;
	_ =	sdelay $0x2  }
0x10d: {  	[hbm4b:s3+s2] =	stream.indirect_vreg.scatter [tilespmem:s17], [sflag:$0x1], $0x80, v4, vm0, $0xb8;
	[tilespmem:$0xC080] =	vst v63  }
0x10e: {  	_ = 	snop  }
0x10f: {  	[hbm4b:s3+s2] =	stream.indirect_vreg.scatter [tilespmem:s18], [sflag:$0x1], $0x80, v1, vm0, $0xb8;
	[tilespmem:$0xC080] =	vst v63  }
0x110: {  	v1 =	vld [tilespmem:$0x50];
	_ =	sdelay $0x4  }
0x111: {  	v4 =	vshll.u32 v1, $0x1  }
0x112: {  	v1 =	vand.u32 $0x7, v1;
	v4 =	vand.u32 $0xFFFFFFF0, v4  }
0x113: {  	v1 =	vor.u32 v1, v4  }
0x114: {  	v4 =	vperm.xlane v1, v2;
	_ =	sdelay $0x1  }
0x115: {  	v1 =	vperm.xlane v1, v5;
	v4 =	vadd.s32 v3, v4;
	_ =	sdelay $0x1  }
0x116: {  	v1 =	vadd.s32 v3, v1;
	_ =	sdelay $0x2  }
0x117: {  	[hbm4b:s3+s2] =	stream.indirect_vreg.scatter [tilespmem:s19], [sflag:$0x1], $0x80, v4, vm0, $0xb8;
	[tilespmem:$0xC080] =	vst v63  }
0x118: {  	_ = 	snop  }
0x119: {  	[hbm4b:s3+s2] =	stream.indirect_vreg.scatter [tilespmem:s20], [sflag:$0x1], $0x80, v1, vm0, $0xb8;
	[tilespmem:$0xC080] =	vst v63  }
0x11a: {  	v1 =	vld [tilespmem:$0x60];
	_ =	sdelay $0x4  }
0x11b: {  	v4 =	vshll.u32 v1, $0x1  }
0x11c: {  	v1 =	vand.u32 $0x7, v1;
	v4 =	vand.u32 $0xFFFFFFF0, v4  }
0x11d: {  	v1 =	vor.u32 v1, v4  }
0x11e: {  	v4 =	vperm.xlane v1, v2;
	_ =	sdelay $0x1  }
0x11f: {  	v1 =	vperm.xlane v1, v5;
	v4 =	vadd.s32 v3, v4;
	_ =	sdelay $0x1  }
0x120: {  	v1 =	vadd.s32 v3, v1;
	_ =	sdelay $0x2  }
0x121: {  	[hbm4b:s3+s2] =	stream.indirect_vreg.scatter [tilespmem:s21], [sflag:$0x1], $0x80, v4, vm0, $0xb8;
	[tilespmem:$0xC080] =	vst v63  }
0x122: {  	_ = 	snop  }
0x123: {  	[hbm4b:s3+s2] =	stream.indirect_vreg.scatter [tilespmem:s22], [sflag:$0x1], $0x80, v1, vm0, $0xb8;
	[tilespmem:$0xC080] =	vst v63  }
0x124: {  	v1 =	vld [tilespmem:$0x70];
	_ =	sdelay $0x4  }
0x125: {  	v4 =	vshll.u32 v1, $0x1  }
0x126: {  	v1 =	vand.u32 $0x7, v1;
	v4 =	vand.u32 $0xFFFFFFF0, v4  }
0x127: {  	v1 =	vor.u32 v1, v4  }
0x128: {  	v2 =	vperm.xlane v1, v2;
	_ =	sdelay $0x1  }
0x129: {  	v1 =	vperm.xlane v1, v5;
	v2 =	vadd.s32 v3, v2;
	_ =	sdelay $0x1  }
0x12a: {  	v1 =	vadd.s32 v3, v1;
	_ =	sdelay $0x2  }
0x12b: {  	[hbm4b:s3+s2] =	stream.indirect_vreg.scatter [tilespmem:s23], [sflag:$0x1], $0x80, v2, vm0, $0xb8;
	[tilespmem:$0xC080] =	vst v63  }
0x12c: {  	_ = 	snop  }
0x12d: {  	[hbm4b:s3+s2] =	stream.indirect_vreg.scatter [tilespmem:s24], [sflag:$0x1], $0x80, v1, vm0, $0xb8;
	[tilespmem:$0xC080] =	vst v63  }
0x12e: {  	_ = 	snop  }
0x12f: {  	[hbm4b:s4+s8] =	stream.indirect.scatter [tilespmem:s25], [sflag:$0x1], $0x80, s2, s8, $0xb8;
	[tilespmem:$0xC080] =	vst v63  }
0x130: {  	p0 =	sne.s32 s7, $0x1;
	_ =	swait.ge [sflag:s26], $0x8000  }
.Ltmp0:
0x131: {  	[sflag:s26] =	ssyncset.done $0x0;
	(pc) =	sbr.rel @p0 .LBB2_1-.Ltmp0, $4  }
0x132: {  	[sflag:s26] =	ssyncadd.s32 $0xFFFF8000  }
0x133: {  	_ =	swait.ge [sflag:s26], $0x4000  }
0x134: {  	[sflag:s26] =	ssyncset.done $0x0  }
0x135: {  	s7 =	sadd.s32 $0xFFFFFFFF, s7;
	[sflag:s26] =	ssyncadd.s32 $0xFFFFC000  }
0x136: {  	_ =	sfence.sel $0x180000  }
0x137: {  	[bflag:$0x0] =	sbarrier.arrive $0xFFFF  }
0x138: {  	_ =	strace $0x90000047  }
0x139: {  	s0 =	stileid.u32;
	[bflag:$0x2] =	sbarrier.arrive $0xFFFF  }
0x13a: {  	p0 =	sne.s32 s0, $0x0;
	s0 =	rddreg [dreg:$0x3]  }
0x13b: {  	s0 =	sadd.s32 @!p0 $0x100000, s0  }
0x13c: {  	[sflag:s0] =	ssyncadd.tile.s32 @!p0 $0x1;
	_ =	shalt  }
.Lfunc_end2:
_tile_overlayer_lowered:
.L_overlay_start_2:
0x13d: {  	(tag) =	ssettag $0x2  }
0x13e: {  	s0 =	rddreg [dreg:$0x0];
	s2 =	stileid.u32  }
0x13f: {  	s1 =	rddreg [dreg:$0x1];
	p0 =	sne.s32 s2, $0x0  }
0x140: {  	s3 =	rddreg [dreg:$0x2];
	[bflag:$0x3] =	sbarrier.arrive $0xFFFF;
	s2 =	simm.s32 @!p0 $0x1C02  }
0x141: {  	[timem:s3], [sflag:s2] =	dma.local @!p0 [hbm:s0], s1  }
0x142: {  	s0 =	simm.s32 @!p0 $0x2  }
0x143: {  	_ =	swait.ge @!p0 [sflag:s0], s1  }
0x144: {  	s1 =	ssub.s32 @!p0 $0x0, s1;
	[sflag:s0] =	ssyncset.done @!p0 $0x0  }
0x145: {  	[sflag:s0] =	ssyncadd.s32 @!p0 s1  }
0x146: {  	[bflag:$0x3] =	sbarrier.arrive $0xFFFF  }
0x147: {  	_ =	shalt  }

</sc_bundles>
